<compile_context>
chip_gen: v7x
topology: tpu7x:2x2x1
jax: 0.10.2.dev20260603
libtpu: 0.0.44.dev20260713+nightly
codegen_flags: <defaults>
</compile_context>

<pallas_src>
import jax
import jax.numpy as jnp
import numpy as np
from jax.experimental import pallas as pl

_THETA = 10.0
_EPS = 1e-3
_MAX_ITER = 20


def _ew(fn, n_out, *arrs):
    n = arrs[0].shape[0]

    def body(*refs):
        ins = [r[0, :] for r in refs[:len(arrs)]]
        outs = fn(*ins)
        for r, o in zip(refs[len(arrs):], outs):
            r[0, :] = o

    out = pl.pallas_call(
        body,
        in_specs=[pl.BlockSpec((1, n), lambda: (0, 0))] * len(arrs),
        out_specs=[pl.BlockSpec((1, n), lambda: (0, 0))] * n_out,
        out_shape=[jax.ShapeDtypeStruct((1, n), jnp.float32)] * n_out,
    )(*[a.reshape(1, -1) for a in arrs])
    return [o.reshape(-1) for o in out]


_EPS32 = float(np.finfo(np.float32).eps)


def _e_init(c, u):
    def fn(c, u):
        theta_u = _THETA * u
        x_pu0 = jax.nn.sigmoid(-c * theta_u)
        return theta_u, x_pu0, u * x_pu0

    return _ew(fn, 3, c, u)


def _e_prox(y1, c, theta_u, u):
    def fn(y1, c, theta_u, u):
        negl = -(c - y1) * theta_u
        xl = jax.nn.sigmoid(negl)
        return negl, xl, u * xl

    return _ew(fn, 3, y1, c, theta_u, u)


def _e_grad(y2, b, eta, zeta, tau_c, alpha_c):
    def fn(y2, b, eta, zeta, tau_c, alpha_c):
        grad = y2 - b
        zeta_n = zeta - alpha_c * grad
        eta_n = eta + tau_c * (zeta_n - eta)
        return zeta_n, eta_n, y2 * y2

    return _ew(fn, 3, y2, b, eta, zeta, tau_c, alpha_c)


def _e_gap(c, t, theta_u, negl):
    def fn(c, t, theta_u, negl):
        nege = -(c - t) * theta_u
        return ((jnp.logaddexp(0.0, nege) - jnp.logaddexp(0.0, negl))
                / _THETA,)

    return _ew(fn, 1, c, t, theta_u, negl)


def _e_accept(s1, btb, m, s2, last_m, beta, alpha):
    def fn(s1, btb, m, s2, last_m, beta, alpha):
        lhs = (s1 - btb) * 0.5 / m + s2
        cond = lhs <= _EPS32
        last = last_m == 1.0
        m_n = jnp.maximum(
            jnp.where(cond, jnp.where(last, m * 0.5, m), m * 2.0), _EPS32)
        beta_n = jnp.where(cond, beta + alpha, beta)
        alpha2 = 0.5 / m_n + jnp.sqrt((0.25 / m_n + beta_n) / m_n)
        tau2 = alpha2 / (beta_n + alpha2)
        return (jnp.where(cond, 1.0, 0.0), m_n, beta_n, alpha2, tau2)

    return _ew(fn, 5, s1, btb, m, s2, last_m, beta, alpha)


def _e_blend(cc_m, cv_m, eta_n, zeta_n, eta, zeta, x_pu, xl, tau_v, tau2_c,
             u):
    def fn(cc_m, cv_m, eta_n, zeta_n, eta, zeta, x_pu, xl, tau_v, tau2_c, u):
        cc = cc_m == 1.0
        cv = cv_m == 1.0
        eta2 = jnp.where(cc, eta_n, eta)
        zeta2 = jnp.where(cc, zeta_n, zeta)
        x2 = jnp.where(cv, x_pu + tau_v * (xl - x_pu), x_pu)
        lam2 = eta2 + tau2_c * (zeta2 - eta2)
        return eta2, zeta2, x2, x2 * u, lam2

    return _ew(fn, 5, cc_m, cv_m, eta_n, zeta_n, eta, zeta, x_pu, xl, tau_v,
               tau2_c, u)


def _e_sq(y4, b):
    def fn(y4, b):
        return ((y4 - b) ** 2,)

    return _ew(fn, 1, y4, b)


def kernel(A, b, c, u, n_c, n_v):
    n_b = n_c.shape[0]
    n = b.shape[0]
    n_c_index = jnp.repeat(jnp.arange(n_b), n_c, total_repeat_length=n)
    n_v_index = jnp.repeat(jnp.arange(n_b), n_v, total_repeat_length=n)

    def seg(vals, ids):
        return jax.ops.segment_sum(vals, ids, num_segments=n_b)

    theta_u, x_pu0, xf0 = _e_init(c, u)
    (btb_sq,) = _ew(lambda b: (b ** 2,), 1, b)
    btb = seg(btb_sq, n_c_index)
    zeros_n = jnp.zeros_like(b)
    m0 = jnp.full((n_b,), _THETA, jnp.float32)
    beta0 = jnp.zeros((n_b,), jnp.float32)
    y4_0 = A @ xf0
    (d2_0,) = _e_sq(y4_0, b)
    pinf0 = jnp.sqrt(seg(d2_0, n_c_index))
    alpha1 = 0.5 / m0 + jnp.sqrt((0.25 / m0 + beta0) / m0)
    tau1 = alpha1 / (beta0 + alpha1)
    state = (m0, beta0, zeros_n, zeros_n, x_pu0,
             jnp.zeros((n_b,), jnp.float32), pinf0, jnp.int32(0),
             zeros_n, alpha1, tau1)

    def cond_fn(s):
        pinf, it = s[6], s[7]
        return (it == 0) | ((it < _MAX_ITER) & ~jnp.all(pinf <= _EPS))

    def body_fn(s):
        m, beta, eta, zeta, x_pu, last_m, _, it, y1, alpha, tau = s
        negl, xl, v = _e_prox(y1, c, theta_u, u)
        tau_c = tau[n_c_index]
        alpha_c = alpha[n_c_index]
        y2 = A @ v
        zeta_n, eta_n, sq = _e_grad(y2, b, eta, zeta, tau_c, alpha_c)
        t = A.T @ eta_n
        (dl,) = _e_gap(c, t, theta_u, negl)
        s1 = seg(sq, n_c_index)
        s2 = seg(dl, n_v_index)
        cond_m, m_n, beta_n, alpha2, tau2 = _e_accept(
            s1, btb, m, s2, last_m, beta, alpha)
        cc_m = cond_m[n_c_index]
        cv_m = cond_m[n_v_index]
        eta2, zeta2, x_pu2, xf, lam2 = _e_blend(
            cc_m, cv_m, eta_n, zeta_n, eta, zeta, x_pu, xl,
            tau[n_v_index], tau2[n_c_index], u)
        y4 = A @ xf
        y1_n = A.T @ lam2
        (d2,) = _e_sq(y4, b)
        pinf_n = jnp.sqrt(seg(d2, n_c_index))
        return (m_n, beta_n, eta2, zeta2, x_pu2, cond_m, pinf_n, it + 1,
                y1_n, alpha2, tau2)

    s = jax.lax.while_loop(cond_fn, body_fn, state)
    (x_final,) = _ew(lambda x, u: (x * u,), 1, s[4], u)
    return (x_final, s[2])

# --- scband reference (transcript-rebuilt; emitter-appended) ---
"""Pipeline reference for scband-sparse-block-diag-apdagdlayer-18047452578727 (READ-ONLY COPY).

The authoritative reference and input builder live on the scoring server;
editing this copy changes nothing except your own understanding.
"""

import jax, jax.numpy as jnp
import numpy as np

THETA = 10.0
EPS = 1e-3
MAX_ITER = 20
N_B = 128
N = int(np.arange(N_B).sum())  # 8128


def setup_inputs(seed: int = 0) -> dict:
    key = jax.random.key(seed)
    k1, k2, k3, k4 = jax.random.split(key, 4)
    A = jax.random.normal(k1, (N, N), dtype=jnp.float32)
    b = jax.random.normal(k2, (N,), dtype=jnp.float32)
    c = jax.random.normal(k3, (N,), dtype=jnp.float32)
    u = jax.random.uniform(k4, (N,), dtype=jnp.float32)
    n_c = jnp.arange(N_B, dtype=jnp.int32)
    n_v = jnp.arange(N_B, dtype=jnp.int32)
    return {"A": A, "b": b, "c": c, "u": u, "n_c": n_c, "n_v": n_v}


def _seg(vals, ids, n_b):
    return jax.ops.segment_sum(vals, ids, num_segments=n_b)


def reference(A, b, c, u, n_c, n_v):
    n_b = n_c.shape[0]
    n_c_index = jnp.repeat(jnp.arange(n_b), n_c, total_repeat_length=b.shape[0])
    n_v_index = jnp.repeat(jnp.arange(n_b), n_v, total_repeat_length=c.shape[0])
    dtype_eps = float(np.finfo(np.float32).eps)
    theta_u = THETA * u
    btb = _seg(b ** 2, n_c_index, n_b)
    M = jnp.full((n_b,), THETA, dtype=jnp.float32)
    beta_old = jnp.zeros((n_b,), jnp.float32)
    eta_old = jnp.zeros_like(b)
    zeta_old = jnp.zeros_like(b)
    neg_e = -(c - A.T @ eta_old) * theta_u
    x_final_pu = jax.nn.sigmoid(neg_e)
    x_final = u * x_final_pu
    primal_inf = jnp.sqrt(_seg((A @ x_final - b) ** 2, n_c_index, n_b))
    last_condition = jnp.zeros((n_b,), bool)
    total_it = jnp.int32(0)

    def loop_cond(state):
        _, _, _, _, _, primal_inf, _, total_it = state
        return (total_it == 0) | (
            (total_it < MAX_ITER) & ~jnp.all(primal_inf <= EPS))

    def loop_body(state):
        M, beta_old, eta_old, zeta_old, x_final_pu, primal_inf, last_condition, total_it = state
        alpha_new = 0.5 / M + jnp.sqrt((0.25 / M + beta_old) / M)
        beta_new = beta_old + alpha_new
        tau = alpha_new / beta_new
        tau_c = tau[n_c_index]
        lam = eta_old + tau_c * (zeta_old - eta_old)
        neg_l = -(c - A.T @ lam) * theta_u
        x_l_pu = jax.nn.sigmoid(neg_l)
        A_x_l = A @ (u * x_l_pu)
        grad_phi = A_x_l - b
        alpha_c = alpha_new[n_c_index]
        zeta_new = zeta_old - alpha_c * grad_phi
        eta_new = eta_old + tau_c * (zeta_new - eta_old)
        neg_e = -(c - A.T @ eta_new) * theta_u
        cond = (_seg(A_x_l ** 2, n_c_index, n_b) - btb) * 0.5 / M + _seg(
            (jnp.logaddexp(0.0, neg_e) - jnp.logaddexp(0.0, neg_l)) / THETA, n_v_index, n_b) <= dtype_eps
        M = jnp.maximum(jnp.where(cond, jnp.where(last_condition, M * 0.5, M), M * 2.0), dtype_eps)
        last_condition = cond
        beta_old = jnp.where(cond, beta_new, beta_old)
        cc = cond[n_c_index]
        eta_old = jnp.where(cc, eta_new, eta_old)
        zeta_old = jnp.where(cc, zeta_new, zeta_old)
        cv = cond[n_v_index]
        x_final_pu = jnp.where(cv, x_final_pu + tau[n_v_index] * (x_l_pu - x_final_pu), x_final_pu)
        x_final = x_final_pu * u
        primal_inf = jnp.sqrt(_seg((A @ x_final - b) ** 2, n_c_index, n_b))
        total_it = total_it + 1
        return (M, beta_old, eta_old, zeta_old, x_final_pu, primal_inf, last_condition, total_it)

    state = (M, beta_old, eta_old, zeta_old, x_final_pu, primal_inf, last_condition, total_it)
    state = jax.lax.while_loop(loop_cond, loop_body, state)
    M, beta_old, eta_old, zeta_old, x_final_pu, primal_inf, last_condition, total_it = state
    x_final = x_final_pu * u
    return (x_final, eta_old)

if __name__ == "__main__":
    import jax
    _d = setup_inputs()
    print(jax.jit(kernel)(*tuple(_d.values())))

</pallas_src>

<mosaic_0001>
module attributes {stable_mosaic.version = 14 : i64} {
  func.func @body(%arg0: memref<1x8128xf32, #tpu.memory_space<vmem>>, %arg1: memref<1x8128xf32, #tpu.memory_space<vmem>>, %arg2: memref<1x8128xf32, #tpu.memory_space<vmem>>, %arg3: memref<1x8128xf32, #tpu.memory_space<vmem>>, %arg4: memref<1x8128xf32, #tpu.memory_space<vmem>>) attributes {dimension_semantics = [], scalar_prefetch = 0 : i64, scratch_operands = 0 : i64, tpu.core_type = #tpu.core_type<tc>} {
    %get3A = arith.constant 0 : index
    %get3A_0 = arith.constant 0 : index
    %get3A_1 = vector.load %arg0[%get3A, %get3A_0] : memref<1x8128xf32, #tpu.memory_space<vmem>>, vector<1x8128xf32>
    %get3A_2 = vector.shape_cast %get3A_1 : vector<1x8128xf32> to vector<8128xf32>
    %get3A_3 = arith.constant 0 : index
    %get3A_4 = arith.constant 0 : index
    %get3A_5 = vector.load %arg1[%get3A_3, %get3A_4] : memref<1x8128xf32, #tpu.memory_space<vmem>>, vector<1x8128xf32>
    %get3A_6 = vector.shape_cast %get3A_5 : vector<1x8128xf32> to vector<8128xf32>
    %mul3A = arith.constant 1.000000e+01 : f32
    %mul3A_7 = vector.broadcast %mul3A : f32 to vector<8128xf32>
    %mul3A_8 = arith.mulf %mul3A_7, %get3A_6 : vector<8128xf32>
    %neg3A = arith.constant 0.000000e+00 : f32
    %neg3A_9 = vector.broadcast %neg3A : f32 to vector<8128xf32>
    %neg3A_10 = arith.subf %neg3A_9, %get3A_2 : vector<8128xf32>
    %mul3A_11 = arith.mulf %neg3A_10, %mul3A_8 : vector<8128xf32>
    %logistic3A = arith.negf %mul3A_11 : vector<8128xf32>
    %logistic3A_12 = math.exp %logistic3A : vector<8128xf32>
    %logistic3A_13 = arith.constant 1.000000e+00 : f32
    %logistic3A_14 = vector.broadcast %logistic3A_13 : f32 to vector<8128xf32>
    %logistic3A_15 = arith.addf %logistic3A_14, %logistic3A_12 : vector<8128xf32>
    %logistic3A_16 = arith.divf %logistic3A_14, %logistic3A_15 : vector<8128xf32>
    %mul3A_17 = arith.mulf %get3A_6, %logistic3A_16 : vector<8128xf32>
    %swap3A = arith.constant 0 : index
    %swap3A_18 = arith.constant 0 : index
    %swap3A_19 = vector.load %arg2[%swap3A, %swap3A_18] : memref<1x8128xf32, #tpu.memory_space<vmem>>, vector<1x8128xf32>
    %swap3A_20 = vector.shape_cast %swap3A_19 : vector<1x8128xf32> to vector<8128xf32>
    %swap3A_21 = vector.shape_cast %mul3A_8 : vector<8128xf32> to vector<1x8128xf32>
    tpu.vector_store %arg2[%swap3A, %swap3A_18], %swap3A_21 {strides = array<i32>} : memref<1x8128xf32, #tpu.memory_space<vmem>>, vector<1x8128xf32>,
    %swap3A_22 = arith.constant 0 : index
    %swap3A_23 = arith.constant 0 : index
    %swap3A_24 = vector.load %arg3[%swap3A_22, %swap3A_23] : memref<1x8128xf32, #tpu.memory_space<vmem>>, vector<1x8128xf32>
    %swap3A_25 = vector.shape_cast %swap3A_24 : vector<1x8128xf32> to vector<8128xf32>
    %swap3A_26 = vector.shape_cast %logistic3A_16 : vector<8128xf32> to vector<1x8128xf32>
    tpu.vector_store %arg3[%swap3A_22, %swap3A_23], %swap3A_26 {strides = array<i32>} : memref<1x8128xf32, #tpu.memory_space<vmem>>, vector<1x8128xf32>,
    %swap3A_27 = arith.constant 0 : index
    %swap3A_28 = arith.constant 0 : index
    %swap3A_29 = vector.load %arg4[%swap3A_27, %swap3A_28] : memref<1x8128xf32, #tpu.memory_space<vmem>>, vector<1x8128xf32>
    %swap3A_30 = vector.shape_cast %swap3A_29 : vector<1x8128xf32> to vector<8128xf32>
    %swap3A_31 = vector.shape_cast %mul3A_17 : vector<8128xf32> to vector<1x8128xf32>
    tpu.vector_store %arg4[%swap3A_27, %swap3A_28], %swap3A_31 {strides = array<i32>} : memref<1x8128xf32, #tpu.memory_space<vmem>>, vector<1x8128xf32>,
    return
  }
}

module attributes {stable_mosaic.version = 14 : i64} {
  func.func @body(%arg0: memref<1x8128xf32, #tpu.memory_space<vmem>>, %arg1: memref<1x8128xf32, #tpu.memory_space<vmem>>) attributes {dimension_semantics = [], scalar_prefetch = 0 : i64, scratch_operands = 0 : i64, tpu.core_type = #tpu.core_type<tc>} {
    %get3A = arith.constant 0 : index
    %get3A_0 = arith.constant 0 : index
    %get3A_1 = vector.load %arg0[%get3A, %get3A_0] : memref<1x8128xf32, #tpu.memory_space<vmem>>, vector<1x8128xf32>
    %get3A_2 = vector.shape_cast %get3A_1 : vector<1x8128xf32> to vector<8128xf32>
    %integer_pow3A = arith.mulf %get3A_2, %get3A_2 : vector<8128xf32>
    %swap3A = arith.constant 0 : index
    %swap3A_3 = arith.constant 0 : index
    %swap3A_4 = vector.load %arg1[%swap3A, %swap3A_3] : memref<1x8128xf32, #tpu.memory_space<vmem>>, vector<1x8128xf32>
    %swap3A_5 = vector.shape_cast %swap3A_4 : vector<1x8128xf32> to vector<8128xf32>
    %swap3A_6 = vector.shape_cast %integer_pow3A : vector<8128xf32> to vector<1x8128xf32>
    tpu.vector_store %arg1[%swap3A, %swap3A_3], %swap3A_6 {strides = array<i32>} : memref<1x8128xf32, #tpu.memory_space<vmem>>, vector<1x8128xf32>,
    return
  }
}

module attributes {stable_mosaic.version = 14 : i64} {
  func.func @body(%arg0: memref<1x8128xf32, #tpu.memory_space<vmem>>, %arg1: memref<1x8128xf32, #tpu.memory_space<vmem>>, %arg2: memref<1x8128xf32, #tpu.memory_space<vmem>>) attributes {dimension_semantics = [], scalar_prefetch = 0 : i64, scratch_operands = 0 : i64, tpu.core_type = #tpu.core_type<tc>} {
    %get3A = arith.constant 0 : index
    %get3A_0 = arith.constant 0 : index
    %get3A_1 = vector.load %arg0[%get3A, %get3A_0] : memref<1x8128xf32, #tpu.memory_space<vmem>>, vector<1x8128xf32>
    %get3A_2 = vector.shape_cast %get3A_1 : vector<1x8128xf32> to vector<8128xf32>
    %get3A_3 = arith.constant 0 : index
    %get3A_4 = arith.constant 0 : index
    %get3A_5 = vector.load %arg1[%get3A_3, %get3A_4] : memref<1x8128xf32, #tpu.memory_space<vmem>>, vector<1x8128xf32>
    %get3A_6 = vector.shape_cast %get3A_5 : vector<1x8128xf32> to vector<8128xf32>
    %sub3A = arith.subf %get3A_2, %get3A_6 : vector<8128xf32>
    %integer_pow3A = arith.mulf %sub3A, %sub3A : vector<8128xf32>
    %swap3A = arith.constant 0 : index
    %swap3A_7 = arith.constant 0 : index
    %swap3A_8 = vector.load %arg2[%swap3A, %swap3A_7] : memref<1x8128xf32, #tpu.memory_space<vmem>>, vector<1x8128xf32>
    %swap3A_9 = vector.shape_cast %swap3A_8 : vector<1x8128xf32> to vector<8128xf32>
    %swap3A_10 = vector.shape_cast %integer_pow3A : vector<8128xf32> to vector<1x8128xf32>
    tpu.vector_store %arg2[%swap3A, %swap3A_7], %swap3A_10 {strides = array<i32>} : memref<1x8128xf32, #tpu.memory_space<vmem>>, vector<1x8128xf32>,
    return
  }
}

module attributes {stable_mosaic.version = 14 : i64} {
  func.func @body(%arg0: memref<1x8128xf32, #tpu.memory_space<vmem>>, %arg1: memref<1x8128xf32, #tpu.memory_space<vmem>>, %arg2: memref<1x8128xf32, #tpu.memory_space<vmem>>, %arg3: memref<1x8128xf32, #tpu.memory_space<vmem>>, %arg4: memref<1x8128xf32, #tpu.memory_space<vmem>>, %arg5: memref<1x8128xf32, #tpu.memory_space<vmem>>, %arg6: memref<1x8128xf32, #tpu.memory_space<vmem>>) attributes {dimension_semantics = [], scalar_prefetch = 0 : i64, scratch_operands = 0 : i64, tpu.core_type = #tpu.core_type<tc>} {
    %get3A = arith.constant 0 : index
    %get3A_0 = arith.constant 0 : index
    %get3A_1 = vector.load %arg0[%get3A, %get3A_0] : memref<1x8128xf32, #tpu.memory_space<vmem>>, vector<1x8128xf32>
    %get3A_2 = vector.shape_cast %get3A_1 : vector<1x8128xf32> to vector<8128xf32>
    %get3A_3 = arith.constant 0 : index
    %get3A_4 = arith.constant 0 : index
    %get3A_5 = vector.load %arg1[%get3A_3, %get3A_4] : memref<1x8128xf32, #tpu.memory_space<vmem>>, vector<1x8128xf32>
    %get3A_6 = vector.shape_cast %get3A_5 : vector<1x8128xf32> to vector<8128xf32>
    %get3A_7 = arith.constant 0 : index
    %get3A_8 = arith.constant 0 : index
    %get3A_9 = vector.load %arg2[%get3A_7, %get3A_8] : memref<1x8128xf32, #tpu.memory_space<vmem>>, vector<1x8128xf32>
    %get3A_10 = vector.shape_cast %get3A_9 : vector<1x8128xf32> to vector<8128xf32>
    %get3A_11 = arith.constant 0 : index
    %get3A_12 = arith.constant 0 : index
    %get3A_13 = vector.load %arg3[%get3A_11, %get3A_12] : memref<1x8128xf32, #tpu.memory_space<vmem>>, vector<1x8128xf32>
    %get3A_14 = vector.shape_cast %get3A_13 : vector<1x8128xf32> to vector<8128xf32>
    %sub3A = arith.subf %get3A_6, %get3A_2 : vector<8128xf32>
    %neg3A = arith.constant 0.000000e+00 : f32
    %neg3A_15 = vector.broadcast %neg3A : f32 to vector<8128xf32>
    %neg3A_16 = arith.subf %neg3A_15, %sub3A : vector<8128xf32>
    %mul3A = arith.mulf %neg3A_16, %get3A_10 : vector<8128xf32>
    %logistic3A = arith.negf %mul3A : vector<8128xf32>
    %logistic3A_17 = math.exp %logistic3A : vector<8128xf32>
    %logistic3A_18 = arith.constant 1.000000e+00 : f32
    %logistic3A_19 = vector.broadcast %logistic3A_18 : f32 to vector<8128xf32>
    %logistic3A_20 = arith.addf %logistic3A_19, %logistic3A_17 : vector<8128xf32>
    %logistic3A_21 = arith.divf %logistic3A_19, %logistic3A_20 : vector<8128xf32>
    %mul3A_22 = arith.mulf %get3A_14, %logistic3A_21 : vector<8128xf32>
    %swap3A = arith.constant 0 : index
    %swap3A_23 = arith.constant 0 : index
    %swap3A_24 = vector.load %arg4[%swap3A, %swap3A_23] : memref<1x8128xf32, #tpu.memory_space<vmem>>, vector<1x8128xf32>
    %swap3A_25 = vector.shape_cast %swap3A_24 : vector<1x8128xf32> to vector<8128xf32>
    %swap3A_26 = vector.shape_cast %mul3A : vector<8128xf32> to vector<1x8128xf32>
    tpu.vector_store %arg4[%swap3A, %swap3A_23], %swap3A_26 {strides = array<i32>} : memref<1x8128xf32, #tpu.memory_space<vmem>>, vector<1x8128xf32>,
    %swap3A_27 = arith.constant 0 : index
    %swap3A_28 = arith.constant 0 : index
    %swap3A_29 = vector.load %arg5[%swap3A_27, %swap3A_28] : memref<1x8128xf32, #tpu.memory_space<vmem>>, vector<1x8128xf32>
    %swap3A_30 = vector.shape_cast %swap3A_29 : vector<1x8128xf32> to vector<8128xf32>
    %swap3A_31 = vector.shape_cast %logistic3A_21 : vector<8128xf32> to vector<1x8128xf32>
    tpu.vector_store %arg5[%swap3A_27, %swap3A_28], %swap3A_31 {strides = array<i32>} : memref<1x8128xf32, #tpu.memory_space<vmem>>, vector<1x8128xf32>,
    %swap3A_32 = arith.constant 0 : index
    %swap3A_33 = arith.constant 0 : index
    %swap3A_34 = vector.load %arg6[%swap3A_32, %swap3A_33] : memref<1x8128xf32, #tpu.memory_space<vmem>>, vector<1x8128xf32>
    %swap3A_35 = vector.shape_cast %swap3A_34 : vector<1x8128xf32> to vector<8128xf32>
    %swap3A_36 = vector.shape_cast %mul3A_22 : vector<8128xf32> to vector<1x8128xf32>
    tpu.vector_store %arg6[%swap3A_32, %swap3A_33], %swap3A_36 {strides = array<i32>} : memref<1x8128xf32, #tpu.memory_space<vmem>>, vector<1x8128xf32>,
    return
  }
}

module attributes {stable_mosaic.version = 14 : i64} {
  func.func @body(%arg0: memref<1x8128xf32, #tpu.memory_space<vmem>>, %arg1: memref<1x8128xf32, #tpu.memory_space<vmem>>, %arg2: memref<1x8128xf32, #tpu.memory_space<vmem>>, %arg3: memref<1x8128xf32, #tpu.memory_space<vmem>>, %arg4: memref<1x8128xf32, #tpu.memory_space<vmem>>, %arg5: memref<1x8128xf32, #tpu.memory_space<vmem>>, %arg6: memref<1x8128xf32, #tpu.memory_space<vmem>>, %arg7: memref<1x8128xf32, #tpu.memory_space<vmem>>, %arg8: memref<1x8128xf32, #tpu.memory_space<vmem>>) attributes {dimension_semantics = [], scalar_prefetch = 0 : i64, scratch_operands = 0 : i64, tpu.core_type = #tpu.core_type<tc>} {
    %get3A = arith.constant 0 : index
    %get3A_0 = arith.constant 0 : index
    %get3A_1 = vector.load %arg0[%get3A, %get3A_0] : memref<1x8128xf32, #tpu.memory_space<vmem>>, vector<1x8128xf32>
    %get3A_2 = vector.shape_cast %get3A_1 : vector<1x8128xf32> to vector<8128xf32>
    %get3A_3 = arith.constant 0 : index
    %get3A_4 = arith.constant 0 : index
    %get3A_5 = vector.load %arg1[%get3A_3, %get3A_4] : memref<1x8128xf32, #tpu.memory_space<vmem>>, vector<1x8128xf32>
    %get3A_6 = vector.shape_cast %get3A_5 : vector<1x8128xf32> to vector<8128xf32>
    %get3A_7 = arith.constant 0 : index
    %get3A_8 = arith.constant 0 : index
    %get3A_9 = vector.load %arg2[%get3A_7, %get3A_8] : memref<1x8128xf32, #tpu.memory_space<vmem>>, vector<1x8128xf32>
    %get3A_10 = vector.shape_cast %get3A_9 : vector<1x8128xf32> to vector<8128xf32>
    %get3A_11 = arith.constant 0 : index
    %get3A_12 = arith.constant 0 : index
    %get3A_13 = vector.load %arg3[%get3A_11, %get3A_12] : memref<1x8128xf32, #tpu.memory_space<vmem>>, vector<1x8128xf32>
    %get3A_14 = vector.shape_cast %get3A_13 : vector<1x8128xf32> to vector<8128xf32>
    %get3A_15 = arith.constant 0 : index
    %get3A_16 = arith.constant 0 : index
    %get3A_17 = vector.load %arg4[%get3A_15, %get3A_16] : memref<1x8128xf32, #tpu.memory_space<vmem>>, vector<1x8128xf32>
    %get3A_18 = vector.shape_cast %get3A_17 : vector<1x8128xf32> to vector<8128xf32>
    %get3A_19 = arith.constant 0 : index
    %get3A_20 = arith.constant 0 : index
    %get3A_21 = vector.load %arg5[%get3A_19, %get3A_20] : memref<1x8128xf32, #tpu.memory_space<vmem>>, vector<1x8128xf32>
    %get3A_22 = vector.shape_cast %get3A_21 : vector<1x8128xf32> to vector<8128xf32>
    %sub3A = arith.subf %get3A_2, %get3A_6 : vector<8128xf32>
    %mul3A = arith.mulf %get3A_22, %sub3A : vector<8128xf32>
    %sub3A_23 = arith.subf %get3A_14, %mul3A : vector<8128xf32>
    %sub3A_24 = arith.subf %sub3A_23, %get3A_10 : vector<8128xf32>
    %mul3A_25 = arith.mulf %get3A_18, %sub3A_24 : vector<8128xf32>
    %add3A = arith.addf %get3A_10, %mul3A_25 : vector<8128xf32>
    %mul3A_26 = arith.mulf %get3A_2, %get3A_2 : vector<8128xf32>
    %swap3A = arith.constant 0 : index
    %swap3A_27 = arith.constant 0 : index
    %swap3A_28 = vector.load %arg6[%swap3A, %swap3A_27] : memref<1x8128xf32, #tpu.memory_space<vmem>>, vector<1x8128xf32>
    %swap3A_29 = vector.shape_cast %swap3A_28 : vector<1x8128xf32> to vector<8128xf32>
    %swap3A_30 = vector.shape_cast %sub3A_23 : vector<8128xf32> to vector<1x8128xf32>
    tpu.vector_store %arg6[%swap3A, %swap3A_27], %swap3A_30 {strides = array<i32>} : memref<1x8128xf32, #tpu.memory_space<vmem>>, vector<1x8128xf32>,
    %swap3A_31 = arith.constant 0 : index
    %swap3A_32 = arith.constant 0 : index
    %swap3A_33 = vector.load %arg7[%swap3A_31, %swap3A_32] : memref<1x8128xf32, #tpu.memory_space<vmem>>, vector<1x8128xf32>
    %swap3A_34 = vector.shape_cast %swap3A_33 : vector<1x8128xf32> to vector<8128xf32>
    %swap3A_35 = vector.shape_cast %add3A : vector<8128xf32> to vector<1x8128xf32>
    tpu.vector_store %arg7[%swap3A_31, %swap3A_32], %swap3A_35 {strides = array<i32>} : memref<1x8128xf32, #tpu.memory_space<vmem>>, vector<1x8128xf32>,
    %swap3A_36 = arith.constant 0 : index
    %swap3A_37 = arith.constant 0 : index
    %swap3A_38 = vector.load %arg8[%swap3A_36, %swap3A_37] : memref<1x8128xf32, #tpu.memory_space<vmem>>, vector<1x8128xf32>
    %swap3A_39 = vector.shape_cast %swap3A_38 : vector<1x8128xf32> to vector<8128xf32>
    %swap3A_40 = vector.shape_cast %mul3A_26 : vector<8128xf32> to vector<1x8128xf32>
    tpu.vector_store %arg8[%swap3A_36, %swap3A_37], %swap3A_40 {strides = array<i32>} : memref<1x8128xf32, #tpu.memory_space<vmem>>, vector<1x8128xf32>,
    return
  }
}

module attributes {stable_mosaic.version = 14 : i64} {
  func.func @body(%arg0: memref<1x8128xf32, #tpu.memory_space<vmem>>, %arg1: memref<1x8128xf32, #tpu.memory_space<vmem>>, %arg2: memref<1x8128xf32, #tpu.memory_space<vmem>>, %arg3: memref<1x8128xf32, #tpu.memory_space<vmem>>, %arg4: memref<1x8128xf32, #tpu.memory_space<vmem>>) attributes {dimension_semantics = [], scalar_prefetch = 0 : i64, scratch_operands = 0 : i64, tpu.core_type = #tpu.core_type<tc>} {
    %get3A = arith.constant 0 : index
    %get3A_0 = arith.constant 0 : index
    %get3A_1 = vector.load %arg0[%get3A, %get3A_0] : memref<1x8128xf32, #tpu.memory_space<vmem>>, vector<1x8128xf32>
    %get3A_2 = vector.shape_cast %get3A_1 : vector<1x8128xf32> to vector<8128xf32>
    %get3A_3 = arith.constant 0 : index
    %get3A_4 = arith.constant 0 : index
    %get3A_5 = vector.load %arg1[%get3A_3, %get3A_4] : memref<1x8128xf32, #tpu.memory_space<vmem>>, vector<1x8128xf32>
    %get3A_6 = vector.shape_cast %get3A_5 : vector<1x8128xf32> to vector<8128xf32>
    %get3A_7 = arith.constant 0 : index
    %get3A_8 = arith.constant 0 : index
    %get3A_9 = vector.load %arg2[%get3A_7, %get3A_8] : memref<1x8128xf32, #tpu.memory_space<vmem>>, vector<1x8128xf32>
    %get3A_10 = vector.shape_cast %get3A_9 : vector<1x8128xf32> to vector<8128xf32>
    %get3A_11 = arith.constant 0 : index
    %get3A_12 = arith.constant 0 : index
    %get3A_13 = vector.load %arg3[%get3A_11, %get3A_12] : memref<1x8128xf32, #tpu.memory_space<vmem>>, vector<1x8128xf32>
    %get3A_14 = vector.shape_cast %get3A_13 : vector<1x8128xf32> to vector<8128xf32>
    %sub3A = arith.subf %get3A_2, %get3A_6 : vector<8128xf32>
    %neg3A = arith.constant 0.000000e+00 : f32
    %neg3A_15 = vector.broadcast %neg3A : f32 to vector<8128xf32>
    %neg3A_16 = arith.subf %neg3A_15, %sub3A : vector<8128xf32>
    %mul3A = arith.mulf %neg3A_16, %get3A_10 : vector<8128xf32>
    %custom_jvp_call3A = arith.constant 0.000000e+00 : f32
    %max3A = vector.broadcast %custom_jvp_call3A : f32 to vector<8128xf32>
    %max3A_17 = arith.maximumf %max3A, %mul3A : vector<8128xf32>
    %sub3A_18 = vector.broadcast %custom_jvp_call3A : f32 to vector<8128xf32>
    %sub3A_19 = arith.subf %sub3A_18, %mul3A : vector<8128xf32>
    %ne3A = arith.cmpf one, %sub3A_19, %sub3A_19 : vector<8128xf32>
    %add3A = vector.broadcast %custom_jvp_call3A : f32 to vector<8128xf32>
    %add3A_20 = arith.addf %add3A, %mul3A : vector<8128xf32>
    %abs3A = math.absf %sub3A_19 : vector<8128xf32>
    %neg3A_21 = arith.constant 0.000000e+00 : f32
    %neg3A_22 = vector.broadcast %neg3A_21 : f32 to vector<8128xf32>
    %neg3A_23 = arith.subf %neg3A_22, %abs3A : vector<8128xf32>
    %exp3A = math.exp %neg3A_23 : vector<8128xf32>
    %log1p3A = math.log1p %exp3A : vector<8128xf32>
    %add3A_24 = arith.addf %max3A_17, %log1p3A : vector<8128xf32>
    %select_n3A = arith.select %ne3A, %add3A_20, %add3A_24 : vector<8128xi1>, vector<8128xf32>
    %custom_jvp_call3A_25 = arith.constant 0.000000e+00 : f32
    %max3A_26 = vector.broadcast %custom_jvp_call3A_25 : f32 to vector<8128xf32>
    %max3A_27 = arith.maximumf %max3A_26, %get3A_14 : vector<8128xf32>
    %sub3A_28 = vector.broadcast %custom_jvp_call3A_25 : f32 to vector<8128xf32>
    %sub3A_29 = arith.subf %sub3A_28, %get3A_14 : vector<8128xf32>
    %ne3A_30 = arith.cmpf one, %sub3A_29, %sub3A_29 : vector<8128xf32>
    %add3A_31 = vector.broadcast %custom_jvp_call3A_25 : f32 to vector<8128xf32>
    %add3A_32 = arith.addf %add3A_31, %get3A_14 : vector<8128xf32>
    %abs3A_33 = math.absf %sub3A_29 : vector<8128xf32>
    %neg3A_34 = arith.constant 0.000000e+00 : f32
    %neg3A_35 = vector.broadcast %neg3A_34 : f32 to vector<8128xf32>
    %neg3A_36 = arith.subf %neg3A_35, %abs3A_33 : vector<8128xf32>
    %exp3A_37 = math.exp %neg3A_36 : vector<8128xf32>
    %log1p3A_38 = math.log1p %exp3A_37 : vector<8128xf32>
    %add3A_39 = arith.addf %max3A_27, %log1p3A_38 : vector<8128xf32>
    %select_n3A_40 = arith.select %ne3A_30, %add3A_32, %add3A_39 : vector<8128xi1>, vector<8128xf32>
    %sub3A_41 = arith.subf %select_n3A, %select_n3A_40 : vector<8128xf32>
    %div3A = arith.constant 1.000000e+01 : f32
    %div3A_42 = vector.broadcast %div3A : f32 to vector<8128xf32>
    %div3A_43 = arith.divf %sub3A_41, %div3A_42 : vector<8128xf32>
    %swap3A = arith.constant 0 : index
    %swap3A_44 = arith.constant 0 : index
    %swap3A_45 = vector.load %arg4[%swap3A, %swap3A_44] : memref<1x8128xf32, #tpu.memory_space<vmem>>, vector<1x8128xf32>
    %swap3A_46 = vector.shape_cast %swap3A_45 : vector<1x8128xf32> to vector<8128xf32>
    %swap3A_47 = vector.shape_cast %div3A_43 : vector<8128xf32> to vector<1x8128xf32>
    tpu.vector_store %arg4[%swap3A, %swap3A_44], %swap3A_47 {strides = array<i32>} : memref<1x8128xf32, #tpu.memory_space<vmem>>, vector<1x8128xf32>,
    return
  }
}

module attributes {stable_mosaic.version = 14 : i64} {
  func.func @body(%arg0: memref<1x128xf32, #tpu.memory_space<vmem>>, %arg1: memref<1x128xf32, #tpu.memory_space<vmem>>, %arg2: memref<1x128xf32, #tpu.memory_space<vmem>>, %arg3: memref<1x128xf32, #tpu.memory_space<vmem>>, %arg4: memref<1x128xf32, #tpu.memory_space<vmem>>, %arg5: memref<1x128xf32, #tpu.memory_space<vmem>>, %arg6: memref<1x128xf32, #tpu.memory_space<vmem>>, %arg7: memref<1x128xf32, #tpu.memory_space<vmem>>, %arg8: memref<1x128xf32, #tpu.memory_space<vmem>>, %arg9: memref<1x128xf32, #tpu.memory_space<vmem>>, %arg10: memref<1x128xf32, #tpu.memory_space<vmem>>, %arg11: memref<1x128xf32, #tpu.memory_space<vmem>>) attributes {dimension_semantics = [], scalar_prefetch = 0 : i64, scratch_operands = 0 : i64, tpu.core_type = #tpu.core_type<tc>} {
    %get3A = arith.constant 0 : index
    %get3A_0 = arith.constant 0 : index
    %get3A_1 = vector.load %arg0[%get3A, %get3A_0] : memref<1x128xf32, #tpu.memory_space<vmem>>, vector<1x128xf32>
    %get3A_2 = vector.shape_cast %get3A_1 : vector<1x128xf32> to vector<128xf32>
    %get3A_3 = arith.constant 0 : index
    %get3A_4 = arith.constant 0 : index
    %get3A_5 = vector.load %arg1[%get3A_3, %get3A_4] : memref<1x128xf32, #tpu.memory_space<vmem>>, vector<1x128xf32>
    %get3A_6 = vector.shape_cast %get3A_5 : vector<1x128xf32> to vector<128xf32>
    %get3A_7 = arith.constant 0 : index
    %get3A_8 = arith.constant 0 : index
    %get3A_9 = vector.load %arg2[%get3A_7, %get3A_8] : memref<1x128xf32, #tpu.memory_space<vmem>>, vector<1x128xf32>
    %get3A_10 = vector.shape_cast %get3A_9 : vector<1x128xf32> to vector<128xf32>
    %get3A_11 = arith.constant 0 : index
    %get3A_12 = arith.constant 0 : index
    %get3A_13 = vector.load %arg3[%get3A_11, %get3A_12] : memref<1x128xf32, #tpu.memory_space<vmem>>, vector<1x128xf32>
    %get3A_14 = vector.shape_cast %get3A_13 : vector<1x128xf32> to vector<128xf32>
    %get3A_15 = arith.constant 0 : index
    %get3A_16 = arith.constant 0 : index
    %get3A_17 = vector.load %arg4[%get3A_15, %get3A_16] : memref<1x128xf32, #tpu.memory_space<vmem>>, vector<1x128xf32>
    %get3A_18 = vector.shape_cast %get3A_17 : vector<1x128xf32> to vector<128xf32>
    %get3A_19 = arith.constant 0 : index
    %get3A_20 = arith.constant 0 : index
    %get3A_21 = vector.load %arg5[%get3A_19, %get3A_20] : memref<1x128xf32, #tpu.memory_space<vmem>>, vector<1x128xf32>
    %get3A_22 = vector.shape_cast %get3A_21 : vector<1x128xf32> to vector<128xf32>
    %get3A_23 = arith.constant 0 : index
    %get3A_24 = arith.constant 0 : index
    %get3A_25 = vector.load %arg6[%get3A_23, %get3A_24] : memref<1x128xf32, #tpu.memory_space<vmem>>, vector<1x128xf32>
    %get3A_26 = vector.shape_cast %get3A_25 : vector<1x128xf32> to vector<128xf32>
    %sub3A = arith.subf %get3A_2, %get3A_6 : vector<128xf32>
    %mul3A = arith.constant 5.000000e-01 : f32
    %mul3A_27 = vector.broadcast %mul3A : f32 to vector<128xf32>
    %mul3A_28 = arith.mulf %sub3A, %mul3A_27 : vector<128xf32>
    %div3A = arith.divf %mul3A_28, %get3A_10 : vector<128xf32>
    %add3A = arith.addf %div3A, %get3A_14 : vector<128xf32>
    %le3A = arith.constant 1.1920929E-7 : f32
    %le3A_29 = vector.broadcast %le3A : f32 to vector<128xf32>
    %le3A_30 = arith.cmpf ole, %add3A, %le3A_29 : vector<128xf32>
    %eq3A = arith.constant 1.000000e+00 : f32
    %eq3A_31 = vector.broadcast %eq3A : f32 to vector<128xf32>
    %eq3A_32 = arith.cmpf oeq, %get3A_18, %eq3A_31 : vector<128xf32>
    %mul3A_33 = arith.constant 5.000000e-01 : f32
    %mul3A_34 = vector.broadcast %mul3A_33 : f32 to vector<128xf32>
    %mul3A_35 = arith.mulf %get3A_10, %mul3A_34 : vector<128xf32>
    %select_n3A = arith.select %eq3A_32, %mul3A_35, %get3A_10 : vector<128xi1>, vector<128xf32>
    %mul3A_36 = arith.constant 2.000000e+00 : f32
    %mul3A_37 = vector.broadcast %mul3A_36 : f32 to vector<128xf32>
    %mul3A_38 = arith.mulf %get3A_10, %mul3A_37 : vector<128xf32>
    %select_n3A_39 = arith.select %le3A_30, %select_n3A, %mul3A_38 : vector<128xi1>, vector<128xf32>
    %max3A = arith.constant 1.1920929E-7 : f32
    %max3A_40 = vector.broadcast %max3A : f32 to vector<128xf32>
    %max3A_41 = arith.maximumf %select_n3A_39, %max3A_40 : vector<128xf32>
    %add3A_42 = arith.addf %get3A_22, %get3A_26 : vector<128xf32>
    %select_n3A_43 = arith.select %le3A_30, %add3A_42, %get3A_22 : vector<128xi1>, vector<128xf32>
    %div3A_44 = arith.constant 5.000000e-01 : f32
    %div3A_45 = vector.broadcast %div3A_44 : f32 to vector<128xf32>
    %div3A_46 = arith.divf %div3A_45, %max3A_41 : vector<128xf32>
    %div3A_47 = arith.constant 2.500000e-01 : f32
    %div3A_48 = vector.broadcast %div3A_47 : f32 to vector<128xf32>
    %div3A_49 = arith.divf %div3A_48, %max3A_41 : vector<128xf32>
    %add3A_50 = arith.addf %div3A_49, %select_n3A_43 : vector<128xf32>
    %div3A_51 = arith.divf %add3A_50, %max3A_41 : vector<128xf32>
    %sqrt3A = math.sqrt %div3A_51 : vector<128xf32>
    %add3A_52 = arith.addf %div3A_46, %sqrt3A : vector<128xf32>
    %add3A_53 = arith.addf %select_n3A_43, %add3A_52 : vector<128xf32>
    %div3A_54 = arith.divf %add3A_52, %add3A_53 : vector<128xf32>
    %jit3A = arith.constant 1.000000e+00 : f32
    %jit3A_55 = arith.constant 0.000000e+00 : f32
    %broadcast_in_dim3A = vector.broadcast %jit3A : f32 to vector<128xf32>
    %broadcast_in_dim3A_56 = vector.broadcast %jit3A_55 : f32 to vector<128xf32>
    %select_n3A_57 = arith.select %le3A_30, %broadcast_in_dim3A, %broadcast_in_dim3A_56 : vector<128xi1>, vector<128xf32>
    %swap3A = arith.constant 0 : index
    %swap3A_58 = arith.constant 0 : index
    %swap3A_59 = vector.load %arg7[%swap3A, %swap3A_58] : memref<1x128xf32, #tpu.memory_space<vmem>>, vector<1x128xf32>
    %swap3A_60 = vector.shape_cast %swap3A_59 : vector<1x128xf32> to vector<128xf32>
    %swap3A_61 = vector.shape_cast %select_n3A_57 : vector<128xf32> to vector<1x128xf32>
    tpu.vector_store %arg7[%swap3A, %swap3A_58], %swap3A_61 {strides = array<i32>} : memref<1x128xf32, #tpu.memory_space<vmem>>, vector<1x128xf32>,
    %swap3A_62 = arith.constant 0 : index
    %swap3A_63 = arith.constant 0 : index
    %swap3A_64 = vector.load %arg8[%swap3A_62, %swap3A_63] : memref<1x128xf32, #tpu.memory_space<vmem>>, vector<1x128xf32>
    %swap3A_65 = vector.shape_cast %swap3A_64 : vector<1x128xf32> to vector<128xf32>
    %swap3A_66 = vector.shape_cast %max3A_41 : vector<128xf32> to vector<1x128xf32>
    tpu.vector_store %arg8[%swap3A_62, %swap3A_63], %swap3A_66 {strides = array<i32>} : memref<1x128xf32, #tpu.memory_space<vmem>>, vector<1x128xf32>,
    %swap3A_67 = arith.constant 0 : index
    %swap3A_68 = arith.constant 0 : index
    %swap3A_69 = vector.load %arg9[%swap3A_67, %swap3A_68] : memref<1x128xf32, #tpu.memory_space<vmem>>, vector<1x128xf32>
    %swap3A_70 = vector.shape_cast %swap3A_69 : vector<1x128xf32> to vector<128xf32>
    %swap3A_71 = vector.shape_cast %select_n3A_43 : vector<128xf32> to vector<1x128xf32>
    tpu.vector_store %arg9[%swap3A_67, %swap3A_68], %swap3A_71 {strides = array<i32>} : memref<1x128xf32, #tpu.memory_space<vmem>>, vector<1x128xf32>,
    %swap3A_72 = arith.constant 0 : index
    %swap3A_73 = arith.constant 0 : index
    %swap3A_74 = vector.load %arg10[%swap3A_72, %swap3A_73] : memref<1x128xf32, #tpu.memory_space<vmem>>, vector<1x128xf32>
    %swap3A_75 = vector.shape_cast %swap3A_74 : vector<1x128xf32> to vector<128xf32>
    %swap3A_76 = vector.shape_cast %add3A_52 : vector<128xf32> to vector<1x128xf32>
    tpu.vector_store %arg10[%swap3A_72, %swap3A_73], %swap3A_76 {strides = array<i32>} : memref<1x128xf32, #tpu.memory_space<vmem>>, vector<1x128xf32>,
    %swap3A_77 = arith.constant 0 : index
    %swap3A_78 = arith.constant 0 : index
    %swap3A_79 = vector.load %arg11[%swap3A_77, %swap3A_78] : memref<1x128xf32, #tpu.memory_space<vmem>>, vector<1x128xf32>
    %swap3A_80 = vector.shape_cast %swap3A_79 : vector<1x128xf32> to vector<128xf32>
    %swap3A_81 = vector.shape_cast %div3A_54 : vector<128xf32> to vector<1x128xf32>
    tpu.vector_store %arg11[%swap3A_77, %swap3A_78], %swap3A_81 {strides = array<i32>} : memref<1x128xf32, #tpu.memory_space<vmem>>, vector<1x128xf32>,
    return
  }
}

module attributes {stable_mosaic.version = 14 : i64} {
  func.func @body(%arg0: memref<1x8128xf32, #tpu.memory_space<vmem>>, %arg1: memref<1x8128xf32, #tpu.memory_space<vmem>>, %arg2: memref<1x8128xf32, #tpu.memory_space<vmem>>, %arg3: memref<1x8128xf32, #tpu.memory_space<vmem>>, %arg4: memref<1x8128xf32, #tpu.memory_space<vmem>>, %arg5: memref<1x8128xf32, #tpu.memory_space<vmem>>, %arg6: memref<1x8128xf32, #tpu.memory_space<vmem>>, %arg7: memref<1x8128xf32, #tpu.memory_space<vmem>>, %arg8: memref<1x8128xf32, #tpu.memory_space<vmem>>, %arg9: memref<1x8128xf32, #tpu.memory_space<vmem>>, %arg10: memref<1x8128xf32, #tpu.memory_space<vmem>>, %arg11: memref<1x8128xf32, #tpu.memory_space<vmem>>, %arg12: memref<1x8128xf32, #tpu.memory_space<vmem>>, %arg13: memref<1x8128xf32, #tpu.memory_space<vmem>>, %arg14: memref<1x8128xf32, #tpu.memory_space<vmem>>, %arg15: memref<1x8128xf32, #tpu.memory_space<vmem>>) attributes {dimension_semantics = [], scalar_prefetch = 0 : i64, scratch_operands = 0 : i64, tpu.core_type = #tpu.core_type<tc>} {
    %get3A = arith.constant 0 : index
    %get3A_0 = arith.constant 0 : index
    %get3A_1 = vector.load %arg0[%get3A, %get3A_0] : memref<1x8128xf32, #tpu.memory_space<vmem>>, vector<1x8128xf32>
    %get3A_2 = vector.shape_cast %get3A_1 : vector<1x8128xf32> to vector<8128xf32>
    %get3A_3 = arith.constant 0 : index
    %get3A_4 = arith.constant 0 : index
    %get3A_5 = vector.load %arg1[%get3A_3, %get3A_4] : memref<1x8128xf32, #tpu.memory_space<vmem>>, vector<1x8128xf32>
    %get3A_6 = vector.shape_cast %get3A_5 : vector<1x8128xf32> to vector<8128xf32>
    %get3A_7 = arith.constant 0 : index
    %get3A_8 = arith.constant 0 : index
    %get3A_9 = vector.load %arg2[%get3A_7, %get3A_8] : memref<1x8128xf32, #tpu.memory_space<vmem>>, vector<1x8128xf32>
    %get3A_10 = vector.shape_cast %get3A_9 : vector<1x8128xf32> to vector<8128xf32>
    %get3A_11 = arith.constant 0 : index
    %get3A_12 = arith.constant 0 : index
    %get3A_13 = vector.load %arg3[%get3A_11, %get3A_12] : memref<1x8128xf32, #tpu.memory_space<vmem>>, vector<1x8128xf32>
    %get3A_14 = vector.shape_cast %get3A_13 : vector<1x8128xf32> to vector<8128xf32>
    %get3A_15 = arith.constant 0 : index
    %get3A_16 = arith.constant 0 : index
    %get3A_17 = vector.load %arg4[%get3A_15, %get3A_16] : memref<1x8128xf32, #tpu.memory_space<vmem>>, vector<1x8128xf32>
    %get3A_18 = vector.shape_cast %get3A_17 : vector<1x8128xf32> to vector<8128xf32>
    %get3A_19 = arith.constant 0 : index
    %get3A_20 = arith.constant 0 : index
    %get3A_21 = vector.load %arg5[%get3A_19, %get3A_20] : memref<1x8128xf32, #tpu.memory_space<vmem>>, vector<1x8128xf32>
    %get3A_22 = vector.shape_cast %get3A_21 : vector<1x8128xf32> to vector<8128xf32>
    %get3A_23 = arith.constant 0 : index
    %get3A_24 = arith.constant 0 : index
    %get3A_25 = vector.load %arg6[%get3A_23, %get3A_24] : memref<1x8128xf32, #tpu.memory_space<vmem>>, vector<1x8128xf32>
    %get3A_26 = vector.shape_cast %get3A_25 : vector<1x8128xf32> to vector<8128xf32>
    %get3A_27 = arith.constant 0 : index
    %get3A_28 = arith.constant 0 : index
    %get3A_29 = vector.load %arg7[%get3A_27, %get3A_28] : memref<1x8128xf32, #tpu.memory_space<vmem>>, vector<1x8128xf32>
    %get3A_30 = vector.shape_cast %get3A_29 : vector<1x8128xf32> to vector<8128xf32>
    %get3A_31 = arith.constant 0 : index
    %get3A_32 = arith.constant 0 : index
    %get3A_33 = vector.load %arg8[%get3A_31, %get3A_32] : memref<1x8128xf32, #tpu.memory_space<vmem>>, vector<1x8128xf32>
    %get3A_34 = vector.shape_cast %get3A_33 : vector<1x8128xf32> to vector<8128xf32>
    %get3A_35 = arith.constant 0 : index
    %get3A_36 = arith.constant 0 : index
    %get3A_37 = vector.load %arg9[%get3A_35, %get3A_36] : memref<1x8128xf32, #tpu.memory_space<vmem>>, vector<1x8128xf32>
    %get3A_38 = vector.shape_cast %get3A_37 : vector<1x8128xf32> to vector<8128xf32>
    %get3A_39 = arith.constant 0 : index
    %get3A_40 = arith.constant 0 : index
    %get3A_41 = vector.load %arg10[%get3A_39, %get3A_40] : memref<1x8128xf32, #tpu.memory_space<vmem>>, vector<1x8128xf32>
    %get3A_42 = vector.shape_cast %get3A_41 : vector<1x8128xf32> to vector<8128xf32>
    %eq3A = arith.constant 1.000000e+00 : f32
    %eq3A_43 = vector.broadcast %eq3A : f32 to vector<8128xf32>
    %eq3A_44 = arith.cmpf oeq, %get3A_2, %eq3A_43 : vector<8128xf32>
    %eq3A_45 = arith.constant 1.000000e+00 : f32
    %eq3A_46 = vector.broadcast %eq3A_45 : f32 to vector<8128xf32>
    %eq3A_47 = arith.cmpf oeq, %get3A_6, %eq3A_46 : vector<8128xf32>
    %select_n3A = arith.select %eq3A_44, %get3A_10, %get3A_18 : vector<8128xi1>, vector<8128xf32>
    %select_n3A_48 = arith.select %eq3A_44, %get3A_14, %get3A_22 : vector<8128xi1>, vector<8128xf32>
    %sub3A = arith.subf %get3A_30, %get3A_26 : vector<8128xf32>
    %mul3A = arith.mulf %get3A_34, %sub3A : vector<8128xf32>
    %add3A = arith.addf %get3A_26, %mul3A : vector<8128xf32>
    %select_n3A_49 = arith.select %eq3A_47, %add3A, %get3A_26 : vector<8128xi1>, vector<8128xf32>
    %sub3A_50 = arith.subf %select_n3A_48, %select_n3A : vector<8128xf32>
    %mul3A_51 = arith.mulf %get3A_38, %sub3A_50 : vector<8128xf32>
    %add3A_52 = arith.addf %select_n3A, %mul3A_51 : vector<8128xf32>
    %mul3A_53 = arith.mulf %select_n3A_49, %get3A_42 : vector<8128xf32>
    %swap3A = arith.constant 0 : index
    %swap3A_54 = arith.constant 0 : index
    %swap3A_55 = vector.load %arg11[%swap3A, %swap3A_54] : memref<1x8128xf32, #tpu.memory_space<vmem>>, vector<1x8128xf32>
    %swap3A_56 = vector.shape_cast %swap3A_55 : vector<1x8128xf32> to vector<8128xf32>
    %swap3A_57 = vector.shape_cast %select_n3A : vector<8128xf32> to vector<1x8128xf32>
    tpu.vector_store %arg11[%swap3A, %swap3A_54], %swap3A_57 {strides = array<i32>} : memref<1x8128xf32, #tpu.memory_space<vmem>>, vector<1x8128xf32>,
    %swap3A_58 = arith.constant 0 : index
    %swap3A_59 = arith.constant 0 : index
    %swap3A_60 = vector.load %arg12[%swap3A_58, %swap3A_59] : memref<1x8128xf32, #tpu.memory_space<vmem>>, vector<1x8128xf32>
    %swap3A_61 = vector.shape_cast %swap3A_60 : vector<1x8128xf32> to vector<8128xf32>
    %swap3A_62 = vector.shape_cast %select_n3A_48 : vector<8128xf32> to vector<1x8128xf32>
    tpu.vector_store %arg12[%swap3A_58, %swap3A_59], %swap3A_62 {strides = array<i32>} : memref<1x8128xf32, #tpu.memory_space<vmem>>, vector<1x8128xf32>,
    %swap3A_63 = arith.constant 0 : index
    %swap3A_64 = arith.constant 0 : index
    %swap3A_65 = vector.load %arg13[%swap3A_63, %swap3A_64] : memref<1x8128xf32, #tpu.memory_space<vmem>>, vector<1x8128xf32>
    %swap3A_66 = vector.shape_cast %swap3A_65 : vector<1x8128xf32> to vector<8128xf32>
    %swap3A_67 = vector.shape_cast %select_n3A_49 : vector<8128xf32> to vector<1x8128xf32>
    tpu.vector_store %arg13[%swap3A_63, %swap3A_64], %swap3A_67 {strides = array<i32>} : memref<1x8128xf32, #tpu.memory_space<vmem>>, vector<1x8128xf32>,
    %swap3A_68 = arith.constant 0 : index
    %swap3A_69 = arith.constant 0 : index
    %swap3A_70 = vector.load %arg14[%swap3A_68, %swap3A_69] : memref<1x8128xf32, #tpu.memory_space<vmem>>, vector<1x8128xf32>
    %swap3A_71 = vector.shape_cast %swap3A_70 : vector<1x8128xf32> to vector<8128xf32>
    %swap3A_72 = vector.shape_cast %mul3A_53 : vector<8128xf32> to vector<1x8128xf32>
    tpu.vector_store %arg14[%swap3A_68, %swap3A_69], %swap3A_72 {strides = array<i32>} : memref<1x8128xf32, #tpu.memory_space<vmem>>, vector<1x8128xf32>,
    %swap3A_73 = arith.constant 0 : index
    %swap3A_74 = arith.constant 0 : index
    %swap3A_75 = vector.load %arg15[%swap3A_73, %swap3A_74] : memref<1x8128xf32, #tpu.memory_space<vmem>>, vector<1x8128xf32>
    %swap3A_76 = vector.shape_cast %swap3A_75 : vector<1x8128xf32> to vector<8128xf32>
    %swap3A_77 = vector.shape_cast %add3A_52 : vector<8128xf32> to vector<1x8128xf32>
    tpu.vector_store %arg15[%swap3A_73, %swap3A_74], %swap3A_77 {strides = array<i32>} : memref<1x8128xf32, #tpu.memory_space<vmem>>, vector<1x8128xf32>,
    return
  }
}

module attributes {stable_mosaic.version = 14 : i64} {
  func.func @body(%arg0: memref<1x8128xf32, #tpu.memory_space<vmem>>, %arg1: memref<1x8128xf32, #tpu.memory_space<vmem>>, %arg2: memref<1x8128xf32, #tpu.memory_space<vmem>>) attributes {dimension_semantics = [], scalar_prefetch = 0 : i64, scratch_operands = 0 : i64, tpu.core_type = #tpu.core_type<tc>} {
    %get3A = arith.constant 0 : index
    %get3A_0 = arith.constant 0 : index
    %get3A_1 = vector.load %arg0[%get3A, %get3A_0] : memref<1x8128xf32, #tpu.memory_space<vmem>>, vector<1x8128xf32>
    %get3A_2 = vector.shape_cast %get3A_1 : vector<1x8128xf32> to vector<8128xf32>
    %get3A_3 = arith.constant 0 : index
    %get3A_4 = arith.constant 0 : index
    %get3A_5 = vector.load %arg1[%get3A_3, %get3A_4] : memref<1x8128xf32, #tpu.memory_space<vmem>>, vector<1x8128xf32>
    %get3A_6 = vector.shape_cast %get3A_5 : vector<1x8128xf32> to vector<8128xf32>
    %sub3A = arith.subf %get3A_2, %get3A_6 : vector<8128xf32>
    %integer_pow3A = arith.mulf %sub3A, %sub3A : vector<8128xf32>
    %swap3A = arith.constant 0 : index
    %swap3A_7 = arith.constant 0 : index
    %swap3A_8 = vector.load %arg2[%swap3A, %swap3A_7] : memref<1x8128xf32, #tpu.memory_space<vmem>>, vector<1x8128xf32>
    %swap3A_9 = vector.shape_cast %swap3A_8 : vector<1x8128xf32> to vector<8128xf32>
    %swap3A_10 = vector.shape_cast %integer_pow3A : vector<8128xf32> to vector<1x8128xf32>
    tpu.vector_store %arg2[%swap3A, %swap3A_7], %swap3A_10 {strides = array<i32>} : memref<1x8128xf32, #tpu.memory_space<vmem>>, vector<1x8128xf32>,
    return
  }
}

module attributes {stable_mosaic.version = 14 : i64} {
  func.func @body(%arg0: memref<1x8128xf32, #tpu.memory_space<vmem>>, %arg1: memref<1x8128xf32, #tpu.memory_space<vmem>>, %arg2: memref<1x8128xf32, #tpu.memory_space<vmem>>) attributes {dimension_semantics = [], scalar_prefetch = 0 : i64, scratch_operands = 0 : i64, tpu.core_type = #tpu.core_type<tc>} {
    %get3A = arith.constant 0 : index
    %get3A_0 = arith.constant 0 : index
    %get3A_1 = vector.load %arg0[%get3A, %get3A_0] : memref<1x8128xf32, #tpu.memory_space<vmem>>, vector<1x8128xf32>
    %get3A_2 = vector.shape_cast %get3A_1 : vector<1x8128xf32> to vector<8128xf32>
    %get3A_3 = arith.constant 0 : index
    %get3A_4 = arith.constant 0 : index
    %get3A_5 = vector.load %arg1[%get3A_3, %get3A_4] : memref<1x8128xf32, #tpu.memory_space<vmem>>, vector<1x8128xf32>
    %get3A_6 = vector.shape_cast %get3A_5 : vector<1x8128xf32> to vector<8128xf32>
    %mul3A = arith.mulf %get3A_2, %get3A_6 : vector<8128xf32>
    %swap3A = arith.constant 0 : index
    %swap3A_7 = arith.constant 0 : index
    %swap3A_8 = vector.load %arg2[%swap3A, %swap3A_7] : memref<1x8128xf32, #tpu.memory_space<vmem>>, vector<1x8128xf32>
    %swap3A_9 = vector.shape_cast %swap3A_8 : vector<1x8128xf32> to vector<8128xf32>
    %swap3A_10 = vector.shape_cast %mul3A : vector<8128xf32> to vector<1x8128xf32>
    tpu.vector_store %arg2[%swap3A, %swap3A_7], %swap3A_10 {strides = array<i32>} : memref<1x8128xf32, #tpu.memory_space<vmem>>, vector<1x8128xf32>,
    return
  }
}

</mosaic_0001>

<sc_bundles>
// kernel: scatter_offload_async_start.10
scs
__scs_entry_jumppad:
0x0: {  	(pc) =	sbr.rel $0x88, $3  }
0x1: {  	(tag) =	ssettag $0x0;
	lr =	simm.s32 $0x1  }
0x2: {  	[smem:$0x3F9B] =	sst lr;
	_ =	strace $0xD0000000  }
0x3: {  	_ = 	snop  }
0x4: {  	_ = 	snop  }
0x5: {  	_ = 	snop  }
0x6: {  	_ = 	snop  }
0x7: {  	_ = 	snop  }
__scs_overlays_trampoline_lowered:
0x8: {  	[smem:$0x3FAA] =	sst s0  }
0x9: {  	[smem:$0x3FAB] =	sst s1  }
0xa: {  	[smem:$0x3FAC] =	sst s2  }
0xb: {  	[smem:$0x3FAD] =	sst s3  }
0xc: {  	[smem:$0x3FAE] =	sst s4  }
0xd: {  	[smem:$0x3FAF] =	sst s5  }
0xe: {  	[smem:$0x3FB0] =	sst s6  }
0xf: {  	[smem:$0x3FB1] =	sst s7  }
0x10: {  	[smem:$0x3FB2] =	sst s8  }
0x11: {  	[smem:$0x3FB3] =	sst s9;
	s0 =	simm.s32 @!p0 $0x0  }
0x12: {  	s1 =	sld [smem:$0x3F99];
	s0 =	simm.s32 @p0 $0x1  }
0x13: {  	[smem:$0x3FB4] =	sst s0;
	s0 =	simm.s32 @!p1 $0x0  }
0x14: {  	s2 =	sld [smem:$0x3F98];
	s0 =	simm.s32 @p1 $0x1  }
0x15: {  	[smem:$0x3FB5] =	sst s0;
	s0 =	simm.s32 @!p2 $0x0  }
0x16: {  	s3 =	sld [smem:$0x3FDB];
	s0 =	simm.s32 @p2 $0x1  }
0x17: {  	s4 =	simm.s32 $0x1BF5;
	[smem:$0x3FB7] =	sst s0  }
0x18: {  	s0 =	sld [smem:$0x3F9A];
	_ =	swait.ge [sflag:s4], $0x0  }
0x19: {  	s7 =	sld [smem:$0x3F9B]  }
0x1a: {  	s8 =	sadd.s32 $0xFFFFE003, lr  }
0x1b: {  	s9 =	sadd.s32 $0xFFFFFEF7, lr;
	s5 =	simm.s32 $0xFFFFFFFF;
	p2 =	slt.u32 s8, $0xFFFFF086  }
0x1c: {  	p1 =	slt.u32 s9, $0xF7A;
	s5 =	simm.s32 @!p2 $0x0  }
0x1d: {  	s5 =	simm.s32 @p1 $0x1;
	p0 =	seq.s32 s7, s2  }
0x1e: {  	s7 =	smul.u32 @!p0 $0xF7A, s2;
	p2 =	seq.s32 @!p0 s5, $0x0  }
0x1f: {  	s9 =	smul.u32 $0xF7A, s1;
	s8 =	simm.s32 @!p0 $0x1BF5;
	p2 =	por !p2, p0  }
0x20: {  	[sflag:s8] =	ssyncset.s32 @!p0 $0xFFFFF086;
	s6 =	sadd.s32 @!p0 s3, s7;
	s7 =	simm.s32 @!p0 $0x108  }
0x21: {  	s3 =	sadd.s32 s3, s9;
	s6 =	sadd.s32 @!p0 $0x88, s6;
	s7 =	simm.s32 @p2 $0x1082  }
0x22: {  	[simem:s7], [sflag:s8] =	dma.local @!p0 [hbm:s6], $0xF7A  }
0x23: {  	s9 =	sor.u32 $0xD0000000, s2;
	s6 =	simm.s32 $0x108;
	_ =	swait.ge @!p0 [sflag:s8], $0x0  }
0x24: {  	s3 =	sadd.s32 $0x88, s3;
	s6 =	simm.s32 @!p1 $0x1082;
	[sflag:s4] =	ssyncset.s32 $0xFFFFF086  }
0x25: {  	[simem:s6], [sflag:s4] =	dma.local [hbm:s3], $0xF7A  }
0x26: {  	[smem:$0x3F9B] =	sst s1;
	(tag) =	ssettag s2;
	_ =	strace s9  }
0x27: {  	s1 =	sld [smem:$0x3FAB]  }
0x28: {  	s2 =	sld [smem:$0x3FAC]  }
0x29: {  	s4 =	sld [smem:$0x3FAE]  }
0x2a: {  	p0 =	seq.s32 s5, $0x0;
	s5 =	sld [smem:$0x3FAF]  }
0x2b: {  	s6 =	sld [smem:$0x3FB0]  }
0x2c: {  	s7 =	sld [smem:$0x3FB1]  }
0x2d: {  	s3 =	simm.s32 $0x108;
	s8 =	sld [smem:$0x3FB2]  }
0x2e: {  	s3 =	simm.s32 @!p0 $0x1082;
	s9 =	sld [smem:$0x3FB3]  }
0x2f: {  	lr =	sadd.s32 s0, s3;
	s0 =	sld [smem:$0x3FAA]  }
0x30: {  	s3 =	sld [smem:$0x3FAD]  }
0x31: {  	[smem:$0x3FB6] =	sst s10  }
0x32: {  	s10 =	sld [smem:$0x3FB4];
	_ =	sdelay $0x3  }
0x33: {  	p0 =	seq.s32 s10, $0x1;
	s10 =	sld [smem:$0x3FB6];
	_ =	sdelay $0x3  }
0x34: {  	[smem:$0x3FB6] =	sst s10  }
0x35: {  	s10 =	sld [smem:$0x3FB5];
	_ =	sdelay $0x3  }
0x36: {  	p1 =	seq.s32 s10, $0x1;
	s10 =	sld [smem:$0x3FB6];
	_ =	sdelay $0x3  }
0x37: {  	[smem:$0x3FB6] =	sst s10  }
0x38: {  	s10 =	sld [smem:$0x3FB7]  }
0x39: {  	_ = 	snop;
	(pc) =	sbr.ind lr, $3  }
0x3a: {  	_ = 	snop  }
0x3b: {  	_ = 	snop  }
0x3c: {  	p2 =	seq.s32 s10, $0x1;
	s10 =	sld [smem:$0x3FB6]  }
0x3d: {  	_ =	shalt  }
0x3e: {  	_ =	shalt  }
0x3f: {  	_ =	shalt  }
0x40: {  	_ =	shalt  }
0x41: {  	_ =	shalt  }
0x42: {  	_ =	shalt  }
0x43: {  	_ =	shalt  }
0x44: {  	_ =	shalt  }
0x45: {  	_ =	shalt  }
0x46: {  	_ =	shalt  }
0x47: {  	_ =	shalt  }
0x48: {  	_ =	shalt  }
0x49: {  	_ =	shalt  }
0x4a: {  	_ =	shalt  }
0x4b: {  	_ =	shalt  }
0x4c: {  	_ =	shalt  }
0x4d: {  	_ =	shalt  }
0x4e: {  	_ =	shalt  }
0x4f: {  	_ =	shalt  }
0x50: {  	_ =	shalt  }
0x51: {  	_ =	shalt  }
0x52: {  	_ =	shalt  }
0x53: {  	_ =	shalt  }
0x54: {  	_ =	shalt  }
0x55: {  	_ =	shalt  }
0x56: {  	_ =	shalt  }
0x57: {  	_ =	shalt  }
0x58: {  	_ =	shalt  }
0x59: {  	_ =	shalt  }
0x5a: {  	_ =	shalt  }
0x5b: {  	_ =	shalt  }
0x5c: {  	_ =	shalt  }
0x5d: {  	_ =	shalt  }
0x5e: {  	_ =	shalt  }
0x5f: {  	_ =	shalt  }
0x60: {  	_ =	shalt  }
0x61: {  	_ =	shalt  }
0x62: {  	_ =	shalt  }
0x63: {  	_ =	shalt  }
0x64: {  	_ =	shalt  }
0x65: {  	_ =	shalt  }
0x66: {  	_ =	shalt  }
0x67: {  	_ =	shalt  }
0x68: {  	_ =	shalt  }
0x69: {  	_ =	shalt  }
0x6a: {  	_ =	shalt  }
0x6b: {  	_ =	shalt  }
0x6c: {  	_ =	shalt  }
0x6d: {  	_ =	shalt  }
0x6e: {  	_ =	shalt  }
0x6f: {  	_ =	shalt  }
0x70: {  	_ =	shalt  }
0x71: {  	_ =	shalt  }
0x72: {  	_ =	shalt  }
0x73: {  	_ =	shalt  }
0x74: {  	_ =	shalt  }
0x75: {  	_ =	shalt  }
0x76: {  	_ =	shalt  }
0x77: {  	_ =	shalt  }
0x78: {  	_ =	shalt  }
0x79: {  	_ =	shalt  }
0x7a: {  	_ =	shalt  }
0x7b: {  	_ =	shalt  }
0x7c: {  	_ =	shalt  }
0x7d: {  	_ =	shalt  }
0x7e: {  	_ =	shalt  }
0x7f: {  	_ =	shalt  }
0x80: {  	_ =	shalt  }
0x81: {  	_ =	shalt  }
0x82: {  	_ =	shalt  }
0x83: {  	_ =	shalt  }
0x84: {  	_ =	shalt  }
0x85: {  	_ =	shalt  }
0x86: {  	_ =	shalt  }
0x87: {  	_ =	shalt  }
.Lfunc_end0:
.L_simem_size_0:
called_computation_lowered:
.L_overlay_start_0:
0x88: {  	s0 =	sld [smem:$0x3FD9]  }
0x89: {  	s1 =	sld [smem:$0x3FFE];
	_ =	sdelay $0x3  }
0x8a: {  	s0 =	sadd.s32 s1, s0  }
0x8b: {  	[smem:$0x3FC2] =	sst s0  }
0x8c: {  	_ = 	snop  }
0x8d: {  	s0 =	sld [smem:$0x3FD0];
	_ =	sdelay $0x2  }
0x8e: {  	s2 =	simm.s32 $0xD;
	s12 =	simm.s32 $0x10  }
0x8f: {  	[smem:s12], [sflag:s2] =	dma.local [hbm:s0], $0x1  }
0x90: {  	_ =	swait.eq [sflag:s2], $0x1  }
0x91: {  	[sflag:s2] =	ssyncset.done $0x0  }
0x92: {  	s13 =	sld [smem:$0x10];
	[sflag:s2] =	ssyncadd.s32 $0xFFFFFFFF  }
0x93: {  	s14 =	sld [smem:$0x11];
	(tm) =	ssettm $0x1  }
0x94: {  	s15 =	sld [smem:$0x3FFB];
	_ =	sdelay $0x3  }
0x95: {  	_ =	strace s15  }
0x96: {  	s0 =	sld [smem:$0x3FFC];
	_ =	sdelay $0x3  }
0x97: {  	_ =	strace s0  }
0x98: {  	s0 =	sld [smem:$0x3FFD];
	_ =	sdelay $0x3  }
0x99: {  	_ =	strace s0  }
0x9a: {  	_ =	strace $0x8FFFFFFF  }
0x9b: {  	s16 =	sld [smem:$0x3FDB];
	_ =	sdelay $0x1  }
0x9c: {  	s3 =	simm.s32 $_scs_section_size  }
0x9d: {  	s4 =	simm.s32 $_size__tile_overlayer_lowered;
	s5 =	simm.s32 $_tile_overlayer_lowered  }
0x9e: {  	s6 =	simm.s32 $0x1BFF;
	s17 =	sshll.u32 s5, $0x1;
	s3 =	sadd.s32 s3, s16  }
0x9f: {  	s18 =	simm.s32 $0x0;
	s4 =	sshll.u32 s4, $0x1;
	s5 =	sadd.s32 s17, s3  }
0xa0: {  	[timem:s18], [sflag:s6] =	dma.local [hbm:s5], s4  }
0xa1: {  	_ =	swait.ge [sflag:s6], s4  }
0xa2: {  	s4 =	ssub.s32 $0x0, s4;
	[sflag:s6] =	ssyncset.done $0x0  }
0xa3: {  	[sflag:s6] =	ssyncadd.s32 s4;
	_ =	sdelay $0x1  }
0xa4: {  	s19 =	simm.s32 $0x1B8B  }
0xa5: {  	_ =	swait.ge [sflag:s19], $0x1  }
0xa6: {  	[sflag:s19] =	ssyncset.done $0x0  }
0xa7: {  	s21 =	simm.s32 $0x1B8E;
	s20 =	sld [smem:$0x3FFE];
	[sflag:s19] =	ssyncadd.s32 $0xFFFFFFFF  }
0xa8: {  	s22 =	simm.s32 $execute0_lowered;
	[smem:$0x3FD2] =	sst s21  }
0xa9: {  	s5 =	sshll.u32 s22, $0x1;
	_ =	strace $0x80000061;
	[dreg:$0x1] =	wrdreg $0xFFFFFFFF  }
0xaa: {  	s23 =	simm.s32 $_size_execute0_lowered;
	s5 =	sadd.s32 s3, s5;
	[dreg:$0x0] =	wrdreg $0x0  }
0xab: {  	s6 =	sshll.u32 s23, $0x1;
	[dreg:$0x2] =	wrdreg s5  }
0xac: {  	[dreg:$0x3] =	wrdreg s6  }
0xad: {  	[dreg:$0x4] =	wrdreg $0xC0  }
0xae: {  	s24 =	simm.s32 $execute1_lowered;
	_ =	task [dreg:s18], $0x5FFFF  }
0xaf: {  	s5 =	sshll.u32 s24, $0x1;
	[dreg:$0x1] =	wrdreg $0xFFFFFFFF  }
0xb0: {  	s3 =	sadd.s32 s3, s5;
	[dreg:$0x0] =	wrdreg $0x60  }
0xb1: {  	[dreg:$0x2] =	wrdreg s3  }
0xb2: {  	[dreg:$0x3] =	wrdreg s20  }
0xb3: {  	[dreg:$0x4] =	wrdreg $0x9  }
0xb4: {  	_ =	task.clear_ibuf [dreg:s18], $0x5FFFF;
	_ =	strace $0x90000061  }
0xb5: {  	s25 =	simm.s32 $0x9;
	_ =	strace $0x80000063  }
0xb6: {  	_ =	swait.ge [sflag:s25], $0x1  }
0xb7: {  	[sflag:s25] =	ssyncadd.s32 $0xFFFFFFFF  }
0xb8: {  	_ =	strace $0x90000063  }
0xb9: {  	_ =	strace $0x80000064;
	[dreg:$0x1] =	wrdreg $0xFFFFFFFF  }
0xba: {  	[dreg:$0x0] =	wrdreg $0x2030  }
0xbb: {  	[dreg:$0x2] =	wrdreg s20  }
0xbc: {  	[dreg:$0x3] =	wrdreg s13  }
0xbd: {  	[dreg:$0x4] =	wrdreg s14  }
0xbe: {  	[dreg:$0x5] =	wrdreg $0xA  }
0xbf: {  	_ =	task.clear_ibuf [dreg:s18], $0x6FFFF;
	_ =	strace $0x90000064  }
0xc0: {  	s26 =	simm.s32 $0xA;
	_ =	strace $0x80000066  }
0xc1: {  	_ =	swait.ge [sflag:s26], $0x1  }
0xc2: {  	[sflag:s26] =	ssyncadd.s32 $0xFFFFFFFF  }
0xc3: {  	_ =	strace $0x90000066  }
0xc4: {  	_ =	sfence  }
0xc5: {  	s28 =	sld [smem:$0x0];
	_ =	sdelay $0x1  }
0xc6: {  	s29 =	srdreg.scid  }
0xc7: {  	s30 =	sshll.u32 s29, $0xD;
	s31 =	sshrl.u32 s29, $0x2  }
0xc8: {  	s2 =	sand.u32 $0x1, s29;
	s3 =	sand.u32 $0x4000, s30;
	s1 =	sadd.s32 s31, s28  }
0xc9: {  	s2 =	sor.u32 s3, s2;
	s1 =	sshll.u32 s1, $0x11  }
0xca: {  	s1 =	sor.u32 s1, s2  }
0xcb: {  	s1 =	sadd.s32 $0x8F2B, s1  }
0xcc: {  	[sflag:s1] =	ssyncadd.remote.s32 $0x1  }
0xcd: {  	_ =	sfence.sel $0xFFFF  }
0xce: {  	[dreg:$0x0] =	wrdreg $0xFFFFFFFF;
	(pc) =	sbr.abs _section_cstart, $3  }
0xcf: {  	[dreg:$0x1] =	wrdreg $0xFFFFFFFF  }
0xd0: {  	_ =	task.clear_ibuf [dreg:s18], $0x2FFFF;
	_ =	strace $0x9FFFFFFF  }
0xd1: {  	(tm) =	ssettm $0x7FFFFFFF  }
tec
execute0_lowered:
.L_overlay_start_1:
0x0: {  	(tag) =	ssettag $0x1  }
0x1: {  	s3 =	rddreg [dreg:$0x0]  }
0x2: {  	s4 =	rddreg [dreg:$0x1]  }
0x3: {  	s0 =	rddreg [dreg:$0x2]  }
0x4: {  	s2 =	stileid.u32;
	[bflag:$0x3] =	sbarrier.arrive $0xFFFF;
	s1 =	simm.s32 $_size_execute1_lowered  }
0x5: {  	p0 =	sne.s32 s2, $0x0;
	s1 =	sshll.u32 s1, $0x1;
	s29 =	sshll.u32 s2, $0x3  }
0x6: {  	s5 =	simm.s32 @!p0 $0x1C3F;
	s6 =	simm.s32 @!p0 $0x4060;
	s7 =	ssub.s32 $0x80, s29  }
0x7: {  	[timem:s6], [sflag:s5] =	dma.local @!p0 [hbm:s3], s1  }
0x8: {  	s31 =	sand.u32 $0x78, s7  }
0x9: {  	s8 =	simm.s32 $0x1;
	p1 =	sne.s32 s31, $0x0  }
0xa: {  	s7 =	sshrl.u32 s7, $0x7;
	s8 =	simm.s32 @!p1 $0x0  }
0xb: {  	s7 =	sadd.s32 s8, s7  }
0xc: {  	s8 =	sadd.s32 $0x1, s7  }
0xd: {  	s14 =	simm.s32 $0x0;
	p3 =	sne.s32 s8, $0x0  }
.Ltmp0:
0xe: {  	s9 =	simm.s32 $0x1;
	s13 =	simm.s32 $0xFFFFFFFF;
	(pc) =	sbr.rel @!p3 .LBB2_1-.Ltmp0, $4  }
0xf: {  	p2 =	por $0x0, $0x0;
	s30 =	sadd.s32 s2, s4;
	s5 =	sadd.s32 $0x3FD200, s4  }
0x10: {  	s3 =	simm.s32 $0x1;
	s4 =	simm.s32 $0x2;
	_ =	strace $0x80000062  }
0x11: {  	s6 =	sadd.s32 $0x3FCE00, s30;
	[sflag:s3] =	ssyncpa.u1 $0x0;
	p1 =	sle.u32 s7, $0x0  }
0x12: {  	[sflag:s4] =	ssyncpa.u1 $0x0;
	s15 =	sxor.u32 @!p1 $0xFFFFFFFF, s14;
	s11 =	simm.s32 @!p1 $0x0  }
0x13: {  	p2 =	sle.u32 s7, $0xFFFFFFFF  }
0x14: {  	s10 =	sand.u32 @!p1 $0x8, s15;
	s12 =	simm.s32 @!p2 $0x1  }
0x15: {  	[tilespmem:s10], [sflag:$0x1] =	stream.linear.gather @!p1 [hbm4b:s6+s11], $0x8, $0x38;
	[tilespmem:$0x20] =	vst v63  }
0x16: {  	_ =	swait.ge @!p2 [sflag:s12], $0x8  }
0x17: {  	[sflag:s12] =	ssyncset.done @!p2 $0x0  }
0x18: {  	s10 =	sand.u32 @!p2 $0x8, s14;
	[sflag:s12] =	ssyncadd.s32 @!p2 $0xFFFFFFF8  }
0x19: {  	v0 =	vld.msk @!p2 [tilespmem:s10+$0x0], $0xff;
	_ =	sdelay $0x2  }
0x1a: {  	p4 =	sne.s32 s8, $0x1;
	p3 =	por $0x1, $0x1;
	s14 =	simm.s32 $0x2  }
.Ltmp1:
0x1b: {  	s13 =	simm.s32 @!p2 $0x0;
	s11 =	sor.u32 @!p2 $0x10, s10;
	(pc) =	sbr.rel @!p4 .LBB2_3-.Ltmp1, $4  }
0x1c: {  	p1 =	sle.u32 s7, $0x1;
	s12 =	sadd.s32 @!p2 s5, s2;
	s10 =	simm.s32 $0x8;
	[tilespmem:s11+$0x0] =	vst.msk @!p2 $0xff, v0  }
0x1d: {  	[hbm4b:s12+s13] =	stream.linear.scatter @!p2 [tilespmem:s11], [sflag:$0x2], $0x8, $0x38;
	[tilespmem:$0x20] =	vst v63  }
0x1e: {  	s15 =	sxor.u32 @!p1 $0xFFFFFFFF, s10;
	s13 =	simm.s32 $0x0;
	s12 =	simm.s32 @!p3 $0x2  }
0x1f: {  	s11 =	simm.s32 @!p1 $0x0;
	p2 =	por $0x1, $0x1;
	_ =	swait.ge @!p3 [sflag:s12], $0x8  }
.LBB2_4:
0x20: {  	s15 =	sand.u32 @!p1 $0x8, s15;
	p4 =	sge.u32 s13, s7  }
0x21: {  	[sflag:s12] =	ssyncset.done @!p3 $0x0;
	s13 =	smov.u32 s9;
	s9 =	smov.u32 s14  }
0x22: {  	s16 =	sadd.s32 $0x1, s14;
	s17 =	simm.s32 @!p4 $0x1;
	[sflag:s12] =	ssyncadd.s32 @!p3 $0xFFFFFFF8  }
0x23: {  	[tilespmem:s15], [sflag:$0x1] =	stream.linear.gather @!p1 [hbm4b:s6+s11], $0x8, $0x38;
	[tilespmem:$0x20] =	vst v63  }
0x24: {  	p5 =	sne.s32 s14, s8;
	_ =	swait.ge @!p4 [sflag:s17], $0x8  }
0x25: {  	s11 =	sand.u32 @!p4 $0x8, s10;
	[sflag:s17] =	ssyncset.done @!p4 $0x0  }
0x26: {  	[sflag:s17] =	ssyncadd.s32 @!p4 $0xFFFFFFF8  }
0x27: {  	v0 =	vld.msk @!p4 [tilespmem:s11+$0x0], $0xff;
	_ =	sdelay $0x2  }
0x28: {  	s14 =	sadd.s32 @!p4 s5, s2;
	s10 =	sadd.s32 $0x8, s10;
	s11 =	sor.u32 @!p4 $0x10, s11  }
.Ltmp2:
0x29: {  	p3 =	slt.u32 s13, $0x2;
	s15 =	simm.s32 @!p4 $0x0;
	(pc) =	sbr.rel @p5 .LBB2_4-.Ltmp2, $4  }
0x2a: {  	s13 =	sadd.s32 $0xFFFFFFFF, s9;
	p1 =	sge.u32 s9, s7;
	s12 =	simm.s32 @!p3 $0x2;
	[tilespmem:s11+$0x0] =	vst.msk @!p4 $0xff, v0  }
0x2b: {  	[hbm4b:s14+s15] =	stream.linear.scatter @!p4 [tilespmem:s11], [sflag:$0x2], $0x8, $0x38;
	[tilespmem:$0x20] =	vst v63  }
0x2c: {  	s15 =	sxor.u32 @!p1 $0xFFFFFFFF, s10  }
0x2d: {  	s11 =	simm.s32 @!p1 $0x0;
	s14 =	smov.u32 s16;
	_ =	swait.ge @!p3 [sflag:s12], $0x8  }
0x2e: {  	s14 =	smov.u32 s9  }
.LBB2_6:
0x2f: {  	p3 =	por p3, !p2  }
0x30: {  	p2 =	sge.u32 s13, s7;
	[sflag:s12] =	ssyncset.done @!p3 $0x0  }
0x31: {  	s7 =	sand.u32 @!p1 $0x8, s15;
	s8 =	simm.s32 @!p2 $0x1;
	[sflag:s12] =	ssyncadd.s32 @!p3 $0xFFFFFFF8  }
0x32: {  	[tilespmem:s7], [sflag:$0x1] =	stream.linear.gather @!p1 [hbm4b:s6+s11], $0x8, $0x38;
	[tilespmem:$0x20] =	vst v63  }
0x33: {  	_ =	swait.ge @!p2 [sflag:s8], $0x8  }
0x34: {  	[sflag:s8] =	ssyncset.done @!p2 $0x0  }
0x35: {  	s6 =	sand.u32 @!p2 $0x8, s10;
	[sflag:s8] =	ssyncadd.s32 @!p2 $0xFFFFFFF8  }
0x36: {  	v0 =	vld.msk @!p2 [tilespmem:s6+$0x0], $0xff;
	_ =	sdelay $0x3  }
0x37: {  	p1 =	slt.u32 s14, $0x2;
	s6 =	sor.u32 @!p2 $0x10, s6  }
0x38: {  	s2 =	sadd.s32 @!p2 s5, s2;
	s5 =	simm.s32 @!p2 $0x0;
	s7 =	simm.s32 @!p1 $0x2;
	[tilespmem:s6+$0x0] =	vst.msk @!p2 $0xff, v0  }
0x39: {  	[hbm4b:s2+s5] =	stream.linear.scatter @!p2 [tilespmem:s6], [sflag:$0x2], $0x8, $0x38;
	[tilespmem:$0x20] =	vst v63  }
0x3a: {  	_ =	swait.ge @!p1 [sflag:s7], $0x8  }
0x3b: {  	[sflag:s7] =	ssyncset.done @!p1 $0x0  }
0x3c: {  	[sflag:s7] =	ssyncadd.s32 @!p1 $0xFFFFFFF8  }
0x3d: {  	_ =	sfence.sel $0x180000  }
0x3e: {  	[bflag:$0x0] =	sbarrier.arrive $0xFFFF  }
0x3f: {  	[sflag:s3] =	ssyncpa.u1 $0x1  }
0x40: {  	[sflag:s4] =	ssyncpa.u1 $0x1  }
0x41: {  	_ =	strace $0x90000062  }
0x42: {  	s0 =	sadd.s32 @!p0 $0x100000, s0;
	[bflag:$0x2] =	sbarrier.arrive $0xFFFF  }
0x43: {  	[sflag:s0] =	ssyncadd.tile.s32 @!p0 $0x1;
	s0 =	simm.s32 @!p0 $0x3F  }
0x44: {  	_ =	swait.ge @!p0 [sflag:s0], s1  }
0x45: {  	s1 =	ssub.s32 @!p0 $0x0, s1;
	[sflag:s0] =	ssyncset.done @!p0 $0x0  }
0x46: {  	[sflag:s0] =	ssyncadd.s32 @!p0 s1  }
0x47: {  	[bflag:$0x3] =	sbarrier.arrive $0xFFFF  }
0x48: {  	_ =	shalt  }
.LBB2_1:
.Ltmp3:
0x49: {  	(pc) =	sbr.rel .LBB2_6-.Ltmp3, $2  }
0x4a: {  	_ =	sdelay $0x2  }
0x4b: {  	s10 =	simm.s32 $0x0  }
.LBB2_3:
.Ltmp4:
0x4c: {  	(pc) =	sbr.rel .LBB2_6-.Ltmp4, $2  }
0x4d: {  	_ =	sdelay $0x2  }
0x4e: {  	s14 =	simm.s32 $0x1  }
.Lfunc_end2:
execute1_lowered:
.L_overlay_start_2:
0x4f: {  	(tag) =	ssettag $0x2  }
0x50: {  	s0 =	rddreg [dreg:$0x0]  }
0x51: {  	s3 =	rddreg [dreg:$0x1];
	_ =	strace $0x80000065;
	s1 =	simm.s32 $0x1  }
0x52: {  	v1 =	vimm.s32 $0xFFFFFFFF;
	[sflag:s1] =	ssyncpa.u1 $0x0  }
0x53: {  	[tilespmem:$0x10] =	vst v1  }
0x54: {  	v0 =	vimm.f32 $0.0e+00;
	[tilespmem:$0x20] =	vst v1  }
0x55: {  	s4 =	stileid.u32;
	s30 =	simm.s32 $0x2;
	[tilespmem:$0x30] =	vst v0  }
0x56: {  	s7 =	simm.s32 $0x7;
	s8 =	simm.s32 $0x8;
	s31 =	simm.s32 $0x9;
	[tilespmem:$0x40] =	vst v0  }
0x57: {  	s17 =	simm.s32 $0x100;
	s18 =	simm.s32 $0xFFFFFFFE;
	s19 =	simm.s32 $0xFFFFFFC0;
	[tilespmem:$0x50] =	vst v0  }
0x58: {  	s20 =	simm.s32 $0xFFFFFFFF;
	s21 =	simm.s32 $0x0;
	s22 =	simm.s32 $0xF;
	[tilespmem:$0x60] =	vst v1  }
0x59: {  	s24 =	simm.s32 $0x0;
	p0 =	seq.s32 s4, $0xF;
	s1 =	simm.s32 $0x1C0;
	[tilespmem:$0x70] =	vst v1  }
0x5a: {  	s25 =	simm.s32 $0x0;
	s5 =	sshll.u32 s4, $0x9;
	[tilespmem:$0x80] =	vst v1;
	s1 =	simm.s32 @!p0 $0x200  }
0x5b: {  	s11 =	sshll.u32 s4, $0x1;
	s13 =	sshllo.u32 s4, $0x1;
	v1 =	vimm.s32 $0x0;
	[tilespmem:$0xB0] =	vst v0;
	s1 =	sadd.s32 s5, s1  }
0x5c: {  	s12 =	sor.u32 $0x81, s11;
	s14 =	sor.u32 $0x80, s11;
	[tilespmem:$0x90] =	vst v1;
	s6 =	smin.u32 s1, $0x1FC0  }
.Ltmp5:
0x5d: {  	[tilespmem:$0xA0] =	vst v1;
	[sflag:s30] =	ssyncpa.u1 $0x0;
	s2 =	ssub.s32 s6, s5;
	(pc) =	sbr.rel .LBB3_1-.Ltmp5, $4  }
0x5e: {  	s26 =	smov.u32 s5;
	[sflag:s7] =	ssyncpa.u1 $0x0;
	p0 =	sgt.s32 s2, $0x0  }
0x5f: {  	s1 =	sadd.s32 $0x3FD200, s0;
	[sflag:s8] =	ssyncpa.u1 $0x0;
	s2 =	simm.s32 @!p0 $0x0  }
0x60: {  	vm0 =	vmmov $0xffff;
	v2 =	vlaneseq.u32;
	s0 =	simm.s32 $0x0;
	[sflag:s31] =	ssyncpa.u1 $0x0;
	s9 =	sshrl.u32 s2, $0x6  }
0x61: {  	vm1 =	vmxor vm1, vm1;
	vm2 =	vmmov $0x1;
	vm3 =	vcmask $0x3F3C;
	s10 =	sadd.s32 $0x2, s9;
	s15 =	sadd.s32 $0x3, s9;
	s16 =	sadd.s32 $0x1, s9  }
.LBB3_5:
0x62: {  	p0 =	slt.u32 s25, $0x3  }
0x63: {  	s0 =	simm.s32 @!p0 $0x2  }
0x64: {  	_ =	swait.ge @!p0 [sflag:s0], $0x40  }
0x65: {  	[sflag:s0] =	ssyncset.done @!p0 $0x0  }
0x66: {  	[sflag:s0] =	ssyncadd.s32 @!p0 $0xFFFFFFC0;
	s0 =	simm.s32 @!p0 $0x9  }
0x67: {  	_ =	swait.ge @!p0 [sflag:s0], $0x10  }
0x68: {  	s25 =	sadd.s32 $0x1, s25;
	[sflag:s0] =	ssyncset.done @!p0 $0x0  }
0x69: {  	[sflag:s0] =	ssyncadd.s32 @!p0 $0xFFFFFFF0;
	p0 =	sne.s32 s15, s25  }
.Ltmp6:
0x6a: {  	_ = 	snop;
	(pc) =	sbr.rel @!p0 .LBB3_6-.Ltmp6, $4  }
0x6b: {  	s2 =	sadd.s32 $0x40, s26;
	s4 =	smov.u32 s5  }
0x6c: {  	s17 =	sadd.s32 $0x40, s17;
	s18 =	sadd.s32 $0x1, s18;
	p1 =	slt.s32 s2, s6  }
0x6d: {  	s19 =	sadd.s32 $0x40, s19;
	s20 =	sadd.s32 $0x1, s20;
	s4 =	smov.u32 @p1 s2  }
0x6e: {  	s24 =	sadd.s32 $0x10, s24;
	s0 =	smov.u32 s26;
	s26 =	smov.u32 s4  }
.LBB3_1:
0x6f: {  	s2 =	smulhi.u32 $0xAAAAAAAB, s25;
	_ =	sdelay $0x1  }
0x70: {  	s2 =	sshrl.u32 s2, $0x1  }
0x71: {  	s2 =	smul.u32 $0xFFFFFD00, s2  }
0x72: {  	p0 =	sge.u32 s25, s9  }
0x73: {  	s31 =	sadd.s32 $0xFFFFFFFF, s25;
	s28 =	sshrl.u32 @!p0 s26, $0x3;
	s2 =	sshra.s32 @!p0 s2, $0x2  }
0x74: {  	s29 =	sand.u32 @!p0 $0x7, s26;
	s28 =	sadd.s32 @!p0 s3, s28;
	s2 =	sadd.s32 @!p0 s2, s17  }
0x75: {  	[tilespmem:s2], [sflag:$0x7] =	stream.linear.gather @!p0 [hbm4b:s28+s29], $0x40, $0x38;
	[tilespmem:$0x360] =	vst v63  }
0x76: {  	p0 =	sge.u32 s31, s9  }
.Ltmp7:
0x77: {  	_ = 	snop;
	(pc) =	sbr.rel @p0 .LBB3_3-.Ltmp7, $1  }
0x78: {  	_ =	sdelay $0x3  }
0x79: {  	s2 =	smulhi.u32 $0xAAAAAAAB, s20;
	_ =	sdelay $0x1  }
0x7a: {  	s2 =	sshrl.u32 s2, $0x1  }
0x7b: {  	s2 =	smul.u32 $0xFFFFFD00, s2;
	_ =	sdelay $0x1  }
0x7c: {  	_ =	swait.ge [sflag:s7], $0x40;
	s2 =	sshra.s32 s2, $0x2  }
0x7d: {  	[sflag:s7] =	ssyncset.done $0x0;
	s2 =	sadd.s32 s2, s17  }
0x7e: {  	[sflag:s7] =	ssyncadd.s32 $0xFFFFFFC0;
	(ifvalue) =	ssetifvalue $0xFFFFFFFF;
	v3 =	vld.msk [tilespmem:s2+$0xFFFFFFC0 ss:$0x1], $0xffff;
	_ =	sdelay $0x2  }
0x7f: {  	p0 =	sne.s32 s25, $0x1  }
0x80: {  	v4 =	vimm.s32 @!p0 $0x0  }
0x81: {  	v4 =	vperm.xlane @!p0 v3, v4  }
0x82: {  	vm4 =	vlt.u32 v3, $0x80  }
0x83: {  	s28 =	sand.u32 $0x10, s24;
	v3 =	vnsel vm4, $0xFFFFFFFE, v3;
	vm4 =	vlt.u32 @!p0 v4, $0x80  }
0x84: {  	[tilespmem:s28+$0x60] =	vst v3;
	v3 =	vnsel @!p0 vm4, $0xFFFFFFFE, v4  }
0x85: {  	[tilespmem:$0x80] =	vst @!p0 v3  }
0x86: {  	v3 =	vld.msk [tilespmem:s2+$0xFFFFFFF0 ss:$0x1], $0xffff;
	_ =	sdelay $0x4  }
0x87: {  	(xrf1) =	vunique.msk.u32 $0xffff, v3;
	_ =	sdelay $0xd  }
0x88: {  	v59, _, _ =	vpop (xrf1)  }
0x89: {  	vm4 =	vlt.u32 v3, $0x80;
	vm5 =	veq.s32 v59, v2  }
0x8a: {  	vm5 =	vmand vm4, vm5  }
0x8b: {  	v60 =	vnsel vm5, $0xFFFFFFFF, v3;
	_ =	sdelay $0x2  }
0x8c: {  	s28 =	sand.u32 $0x40, s19  }
0x8d: {  	s29 =	sadd.s32 $0x1F0, s28;
	(ifvalue) =	ssetifvalue $0xFFFFFFFF  }
0x8e: {  	v4 =	vnsel vm4, $0xFFFFFFFE, v60;
	[tilespmem:s29], [sflag:$0x8] =	stream.indirect_vreg.gather [hbm4b:s1+s21], $0x1, v60, vm0, $0x4038;
	[tilespmem:$0x360] =	vst v63  }
0x8f: {  	[tilespmem:s2+$0xFFFFFFF0] =	vst v4  }
0x90: {  	v4 =	vld.msk [tilespmem:s2+$0xFFFFFFE0 ss:$0x1], $0xffff;
	_ =	sdelay $0x4  }
0x91: {  	(xrf1) =	vunique.msk.u32 $0xffff, v4;
	_ =	sdelay $0xc  }
0x92: {  	v3 =	vperm.xlane v3, v1  }
0x93: {  	v5, _, _ =	vpop (xrf1)  }
0x94: {  	vm5 =	vne.s32 v4, v3;
	vm4 =	veq.s32 v5, v2  }
0x95: {  	vm6 =	vlt.u32 v4, $0x80;
	vm4 =	vmand vm5, vm4  }
0x96: {  	vm4 =	vmand vm6, vm4  }
0x97: {  	v3 =	vnsel vm4, $0xFFFFFFFF, v4;
	_ =	sdelay $0x3  }
0x98: {  	s30 =	sadd.s32 $0x1E0, s28;
	(ifvalue) =	ssetifvalue $0xFFFFFFFF  }
0x99: {  	[tilespmem:s30], [sflag:$0x8] =	stream.indirect_vreg.gather [hbm4b:s1+s21], $0x1, v3, vm0, $0x4038;
	v3 =	vnsel vm6, $0xFFFFFFFE, v3;
	[tilespmem:$0x360] =	vst v63  }
0x9a: {  	[tilespmem:s2+$0xFFFFFFE0] =	vst v3  }
0x9b: {  	v3 =	vld.msk [tilespmem:s2+$0xFFFFFFD0 ss:$0x1], $0xffff;
	_ =	sdelay $0x4  }
0x9c: {  	(xrf1) =	vunique.msk.u32 $0xffff, v3;
	_ =	sdelay $0xc  }
0x9d: {  	v4 =	vperm.xlane v4, v1  }
0x9e: {  	v61, _, _ =	vpop (xrf1)  }
0x9f: {  	vm5 =	vne.s32 v3, v4;
	vm4 =	veq.s32 v61, v2  }
0xa0: {  	vm14 =	vlt.u32 v3, $0x80;
	vm4 =	vmand vm5, vm4  }
0xa1: {  	vm4 =	vmand vm14, vm4  }
0xa2: {  	v62 =	vnsel vm4, $0xFFFFFFFF, v3;
	_ =	sdelay $0x3  }
0xa3: {  	s31 =	sadd.s32 $0x1D0, s28;
	(ifvalue) =	ssetifvalue $0xFFFFFFFF  }
0xa4: {  	v4 =	vnsel vm14, $0xFFFFFFFE, v62;
	[tilespmem:s31], [sflag:$0x8] =	stream.indirect_vreg.gather [hbm4b:s1+s21], $0x1, v62, vm0, $0x4038;
	[tilespmem:$0x360] =	vst v63  }
0xa5: {  	s4 =	sadd.s32 $0xFFFFFFC0, s2;
	[tilespmem:s2+$0xFFFFFFD0] =	vst v4  }
0xa6: {  	v4 =	vld.msk [tilespmem:s4+$0x0 ss:$0x1], $0xffff;
	_ =	sdelay $0x4  }
0xa7: {  	(xrf1) =	vunique.msk.u32 $0xffff, v4;
	_ =	sdelay $0xc  }
0xa8: {  	v3 =	vperm.xlane v3, v1  }
0xa9: {  	v63, _, _ =	vpop (xrf1)  }
0xaa: {  	vm5 =	vne.s32 v4, v3;
	vm4 =	veq.s32 v63, v2  }
0xab: {  	vm15 =	vlt.u32 v4, $0x80;
	vm4 =	vmand vm5, vm4  }
0xac: {  	vm4 =	vmand vm15, vm4  }
0xad: {  	v3 =	vnsel vm4, $0xFFFFFFFF, v4;
	_ =	sdelay $0x2  }
0xae: {  	s0 =	sshrl.u32 s0, $0x3  }
0xaf: {  	s23 =	sadd.s32 $0x1C0, s28;
	(ifvalue) =	ssetifvalue $0xFFFFFFFF;
	s30 =	rddreg [dreg:$0x2]  }
0xb0: {  	[tilespmem:s23], [sflag:$0x8] =	stream.indirect_vreg.gather [hbm4b:s1+s21], $0x1, v3, vm0, $0x4038;
	v3 =	vnsel vm15, $0xFFFFFFFE, v3;
	[tilespmem:$0x360] =	vst v63  }
0xb1: {  	s31 =	sadd.s32 $0x240, s28;
	s0 =	sadd.s32 s30, s0;
	[tilespmem:s2+$0xFFFFFFC0] =	vst v3  }
0xb2: {  	[tilespmem:s31], [sflag:$0x8] =	stream.linear.gather [hbm:s0], $0x40, $0x38;
	[tilespmem:$0x360] =	vst v63  }
.LBB3_3:
0xb3: {  	p0 =	slt.u32 s25, $0x2  }
0xb4: {  	p1 =	sge.u32 @!p0 s25, s10  }
0xb5: {  	p0 =	por p0, p1  }
.Ltmp8:
0xb6: {  	_ = 	snop;
	(pc) =	sbr.rel @p0 .LBB3_5-.Ltmp8, $1  }
0xb7: {  	_ =	sdelay $0x3  }
0xb8: {  	s0 =	smulhi.u32 $0xAAAAAAAB, s18;
	_ =	sdelay $0x1  }
0xb9: {  	s0 =	sshrl.u32 s0, $0x1  }
0xba: {  	s0 =	smul.u32 $0x300, s0;
	_ =	sdelay $0x1  }
0xbb: {  	p0 =	sne.s32 s16, s25;
	s2 =	ssub.s32 $0xFFFFFE00, s0  }
0xbc: {  	_ =	swait.ge [sflag:s8], $0x80;
	s0 =	sshra.s32 @!p0 s2, $0x2  }
0xbd: {  	[sflag:s8] =	ssyncset.done $0x0;
	s0 =	sadd.s32 @!p0 s0, s17  }
0xbe: {  	s28 =	simm.s32 @!p0 $0x1;
	[sflag:s8] =	ssyncadd.s32 $0xFFFFFF80;
	s0 =	sadd.s32 @!p0 $0x3F, s0  }
0xbf: {  	[spmem:s12] =	stream.linear.scatter @!p0 [tilespmem:s0], [sflag:$0x1], $0x1, $0x38;
	[tilespmem:$0x360] =	vst v63  }
0xc0: {  	_ =	swait.ge @!p0 [sflag:s28], $0x1  }
0xc1: {  	[sflag:s28] =	ssyncset.done @!p0 $0x0  }
0xc2: {  	s29 =	sand.u32 $0x10, s24;
	[sflag:s28] =	ssyncadd.s32 @!p0 $0xFFFFFFFF  }
0xc3: {  	s4 =	sxor.u32 $0x10, s29;
	v3 =	vld [tilespmem:s29+$0x10]  }
0xc4: {  	v4 =	vld [tilespmem:s4+$0x60]  }
0xc5: {  	v5 =	vld [tilespmem:$0x80];
	_ =	sdelay $0x2  }
0xc6: {  	(v2sf) =	vpush v3, $0x0  }
0xc7: {  	(v2sf) =	vpush v4, $0x0  }
0xc8: {  	(v2sf) =	vpush v5, $0x0;
	_ =	sdelay $0xc  }
0xc9: {  	s23 =	spop (v2sf)  }
0xca: {  	s30 =	spop (v2sf)  }
0xcb: {  	s31 =	spop (v2sf)  }
0xcc: {  	p1 =	seq.s32 s23, s30;
	p2 =	seq.s32 s31, s23  }
0xcd: {  	p2 =	por p1, p2  }
0xce: {  	v3 =	vpsel p2, $0xFFFFFFFF, v3  }
0xcf: {  	s30 =	sxor.u32 $0xFFFFFFFF, s19;
	[tilespmem:s29+$0x10] =	vst.msk $0x1, v3  }
0xd0: {  	s0 =	sand.u32 $0x40, s30;
	v3 =	vld [tilespmem:$0x30]  }
0xd1: {  	v49 =	vld [tilespmem:s0+$0x240]  }
0xd2: {  	v6 =	vld [tilespmem:s29+$0x40];
	_ =	sdelay $0x3  }
0xd3: {  	vm4 =	vmmov vm1;
	v4 =	vadd.f32 v49, v3  }
0xd4: {  	vm5 =	vmmov vm2;
	vm4 =	vmmov @p1 vm2;
	s23 =	sshrl.u32 s0, $0x2;
	v3 =	vadd.f32 v6, v3  }
0xd5: {  	vm5 =	vmmov @p2 vm1;
	s30 =	sor.u32 $0x340, s23;
	[tilespmem:s0+$0x240] =	vst.msk vm4, v4  }
0xd6: {  	[tilespmem:s30+$0x0] =	vst.msk vm5, v3  }
0xd7: {  	v3 =	vld [tilespmem:s0+$0x1F0];
	_ =	sdelay $0x4  }
0xd8: {  	v3 =	vshift.insert v3, v0, s22  }
0xd9: {  	s23 =	sor.u32 $0x40, s4  }
0xda: {  	s2 =	sshra.s32 s2, $0x2;
	[tilespmem:s23+$0x0] =	vst.msk $0x1, v3  }
0xdb: {  	s2 =	sadd.s32 s2, s17;
	[tilespmem:s0+$0x1FF] =	vst.msk $0x1, v0  }
0xdc: {  	v3 =	vld [tilespmem:s2+$0x30];
	_ =	sdelay $0x4  }
0xdd: {  	v3 =	vshift.insert v3, v1, s22;
	_ =	sdelay $0x1  }
0xde: {  	[tilespmem:s4+$0x10] =	vst.msk $0x1, v3  }
0xdf: {  	v4 =	vld [tilespmem:s0+$0x240]  }
0xe0: {  	v50 =	vld [tilespmem:s2+$0x0];
	_ =	sdelay $0x3  }
0xe1: {  	v4 =	vadd.f32 $0.0e+00, v4  }
0xe2: {  	vm5 =	vne.s32 v50, $0xFFFFFFFF  }
0xe3: {  	(xrf2) =	vadd.seg.scan.f32 vm5, v4;
	_ =	sdelay $0x3  }
0xe4: {  	v51 =	vperm.xlane v3, v1  }
0xe5: {  	v7 =	vld [tilespmem:s0+$0x1C0]  }
0xe6: {  	vm4 =	veq.s32 v50, v5;
	vm6 =	veq.s32 v50, v51  }
0xe7: {  	vm7 =	vgt.u32 v50, $0xFFFFFFFD;
	vm6 =	vmor vm6, vm4  }
0xe8: {  	vm6 =	vmor vm6, vm7  }
0xe9: {  	v6 =	vsel vm6, $0xFFFFFFFF, v50  }
0xea: {  	v7 =	vsel vm4, $0x0, v7;
	v8, _, _ =	vpop (xrf2)  }
0xeb: {  	v7 =	vadd.f32 v8, v7  }
0xec: {  	v9 =	vld [tilespmem:$0xA0]  }
0xed: {  	s23 =	sadd.s32 $0x2C0, s0;
	v10 =	vld [tilespmem:$0x90];
	[tilespmem:s0+$0x2C0] =	vst v7;
	(ifvalue) =	ssetifvalue $0xFFFFFFFF  }
0xee: {  	[hbm4b:s1+s21] =	stream.indirect_vreg.scatter [tilespmem:s23], [sflag:$0x2], $0x1, v6, vm0, $0x4038;
	[tilespmem:$0x360] =	vst v63  }
0xef: {  	v6 =	vld [tilespmem:s0+$0x250]  }
0xf0: {  	vm5 =	vmand vm5, vm3;
	v52 =	vld [tilespmem:s2+$0x10]  }
0xf1: {  	v11 =	vsel vm5, $0x0, v8  }
0xf2: {  	v11 =	vshift.insert v11, v0, s22;
	_ =	sdelay $0x1  }
0xf3: {  	v6 =	vadd.f32 v6, v11  }
0xf4: {  	vm12 =	vne.s32 v52, $0xFFFFFFFF  }
0xf5: {  	(xrf2) =	vadd.seg.scan.f32 vm12, v6;
	_ =	sdelay $0x4  }
0xf6: {  	v53 =	vld [tilespmem:s0+$0x1D0]  }
0xf7: {  	vm5 =	veq.s32 v52, v5;
	vm13 =	veq.s32 v52, v51  }
0xf8: {  	vm8 =	vgt.u32 v52, $0xFFFFFFFD;
	vm7 =	vmor vm13, vm5  }
0xf9: {  	vm7 =	vmor vm7, vm8  }
0xfa: {  	v7 =	vsel vm7, $0xFFFFFFFF, v52  }
0xfb: {  	v6 =	vsel vm5, $0x0, v53;
	v54, _, _ =	vpop (xrf2)  }
0xfc: {  	v6 =	vadd.f32 v54, v6;
	_ =	sdelay $0x1  }
0xfd: {  	s23 =	sadd.s32 $0x2D0, s0;
	[tilespmem:s0+$0x2D0] =	vst v6;
	(ifvalue) =	ssetifvalue $0xFFFFFFFF  }
0xfe: {  	[hbm4b:s1+s21] =	stream.indirect_vreg.scatter [tilespmem:s23], [sflag:$0x2], $0x1, v7, vm0, $0x4038;
	[tilespmem:$0x360] =	vst v63  }
0xff: {  	v55 =	vld [tilespmem:s0+$0x260]  }
0x100: {  	vm6 =	vmand vm12, vm3;
	v7 =	vld [tilespmem:s2+$0x20]  }
0x101: {  	v12 =	vsel vm6, $0x0, v54  }
0x102: {  	v12 =	vshift.insert v12, v0, s22;
	_ =	sdelay $0x1  }
0x103: {  	v6 =	vadd.f32 v55, v12  }
0x104: {  	vm14 =	vne.s32 v7, $0xFFFFFFFF  }
0x105: {  	(xrf2) =	vadd.seg.scan.f32 vm14, v6;
	_ =	sdelay $0x4  }
0x106: {  	v56 =	vld [tilespmem:s0+$0x1E0]  }
0x107: {  	vm6 =	veq.s32 v7, v5;
	vm15 =	veq.s32 v7, v51  }
0x108: {  	vm9 =	vgt.u32 v7, $0xFFFFFFFD;
	vm8 =	vmor vm15, vm6  }
0x109: {  	vm8 =	vmor vm8, vm9  }
0x10a: {  	v7 =	vsel vm8, $0xFFFFFFFF, v7  }
0x10b: {  	v6 =	vsel vm6, $0x0, v56;
	v57, _, _ =	vpop (xrf2)  }
0x10c: {  	v6 =	vadd.f32 v57, v6;
	_ =	sdelay $0x1  }
0x10d: {  	s23 =	sadd.s32 $0x2E0, s0;
	[tilespmem:s0+$0x2E0] =	vst v6;
	(ifvalue) =	ssetifvalue $0xFFFFFFFF  }
0x10e: {  	[hbm4b:s1+s21] =	stream.indirect_vreg.scatter [tilespmem:s23], [sflag:$0x2], $0x1, v7, vm0, $0x4038;
	[tilespmem:$0x360] =	vst v63  }
0x10f: {  	v58 =	vld [tilespmem:s0+$0x270]  }
0x110: {  	vm7 =	vmand vm14, vm3;
	v7 =	vld [tilespmem:s2+$0x30]  }
0x111: {  	v13 =	vsel vm7, $0x0, v57  }
0x112: {  	v13 =	vshift.insert v13, v0, s22;
	_ =	sdelay $0x1  }
0x113: {  	v6 =	vadd.f32 v58, v13  }
0x114: {  	vm11 =	vne.s32 v7, $0xFFFFFFFF  }
0x115: {  	(xrf2) =	vadd.seg.scan.f32 vm11, v6;
	_ =	sdelay $0x4  }
0x116: {  	v59 =	vld [tilespmem:s0+$0x1F0]  }
0x117: {  	vm12 =	veq.s32 v7, v5;
	vm13 =	veq.s32 v7, v51  }
0x118: {  	vm14 =	vgt.u32 v7, $0xFFFFFFFD;
	vm8 =	vmor vm13, vm12  }
0x119: {  	vm8 =	vmor vm8, vm14  }
0x11a: {  	v60 =	vsel vm8, $0xFFFFFFFF, v7  }
0x11b: {  	v6 =	vsel vm12, $0x0, v59;
	v61, _, _ =	vpop (xrf2)  }
0x11c: {  	v6 =	vadd.f32 v61, v6;
	_ =	sdelay $0x1  }
0x11d: {  	s4 =	sadd.s32 $0x2F0, s0;
	[tilespmem:s0+$0x2F0] =	vst v6;
	(ifvalue) =	ssetifvalue $0xFFFFFFFF  }
0x11e: {  	[hbm4b:s1+s21] =	stream.indirect_vreg.scatter [tilespmem:s4], [sflag:$0x2], $0x1, v60, vm0, $0x4038;
	[tilespmem:$0x360] =	vst v63  }
0x11f: {  	v4 =	vld [tilespmem:s0+$0x2F0];
	_ =	sdelay $0x2  }
0x120: {  	vm15 =	veq.s32 v9, $0x1  }
0x121: {  	v62 =	vsel vm4, v8, v10;
	vm4 =	vmor vm15, vm4  }
0x122: {  	vm4 =	vmor vm4, vm5;
	v6 =	vsel vm5, v54, v62;
	v4 =	vshift.insert v4, v0, s22  }
0x123: {  	vm4 =	vmor vm4, vm6;
	s23 =	simm.s32 $0x30;
	v6 =	vsel vm6, v57, v6  }
0x124: {  	vm4 =	vmor vm4, vm12;
	v5 =	vsel vm12, v61, v6;
	[tilespmem:s23+$0x0] =	vst.msk $0x1, v4  }
0x125: {  	v63 =	vsel vm4, $0x1, v1;
	[tilespmem:$0x90] =	vst v5  }
0x126: {  	s0 =	sadd.s32 @!p0 $0x2FF, s0;
	[tilespmem:$0xA0] =	vst v63  }
0x127: {  	[spmem:s13] =	stream.linear.scatter @!p0 [tilespmem:s0], [sflag:$0x1], $0x1, $0x38;
	[tilespmem:$0x360] =	vst v63  }
0x128: {  	v4 =	vmctz.xlane @!p0 vm4;
	_ =	swait.ge @!p0 [sflag:s28], $0x1  }
0x129: {  	(v2sf) =	vpush @!p0 v3, $0x0  }
0x12a: {  	(v2sf) =	vpush @!p0 v4, $0x0;
	_ =	sdelay $0xd  }
0x12b: {  	s0 =	spop @!p0 (v2sf)  }
0x12c: {  	s2 =	spop @!p0 (v2sf)  }
0x12d: {  	p1 =	sne.s32 @!p0 s31, s0;
	p2 =	slt.s32 @!p0 s2, $0xF  }
0x12e: {  	[sflag:s28] =	ssyncset.done @!p0 $0x0;
	p1 =	por p1, p0;
	p2 =	por !p2, p0  }
0x12f: {  	[sflag:s28] =	ssyncadd.s32 @!p0 $0xFFFFFFFF;
	v3 =	vimm.s32 @!p1 $0xFFFFFFFF;
	s2 =	simm.s32 @p2 $0xF  }
0x130: {  	[tilespmem:$0x80] =	vst @!p1 v3;
	s0 =	sadd.s32 @!p0 $0x90, s2  }
0x131: {  	[spmem:s11] =	stream.linear.scatter @!p0 [tilespmem:s0], [sflag:$0x1], $0x1, $0x38;
	[tilespmem:$0x360] =	vst v63  }
0x132: {  	_ =	swait.ge @!p0 [sflag:s28], $0x1  }
0x133: {  	[sflag:s28] =	ssyncset.done @!p0 $0x0  }
0x134: {  	s0 =	simm.s32 @!p0 $0x80;
	[sflag:s28] =	ssyncadd.s32 @!p0 $0xFFFFFFFF  }
0x135: {  	[spmem:s14] =	stream.linear.scatter @!p0 [tilespmem:s0], [sflag:$0x1], $0x1, $0x38;
	[tilespmem:$0x360] =	vst v63  }
0x136: {  	_ =	swait.ge @!p0 [sflag:s28], $0x1  }
0x137: {  	[sflag:s28] =	ssyncset.done @!p0 $0x0  }
0x138: {  	[sflag:s28] =	ssyncadd.s32 @!p0 $0xFFFFFFFF;
	(ifvalue) =	ssetifvalue $0xFFFFFFFF;
	v3 =	vld [tilespmem:s29+$0x10];
	_ =	sdelay $0x3  }
.Ltmp9:
0x139: {  	_ = 	snop;
	(pc) =	sbr.rel .LBB3_5-.Ltmp9, $3  }
0x13a: {  	_ =	sdelay $0x1  }
0x13b: {  	(ifvalue) =	ssetifvalue $0xFFFFFFFF  }
0x13c: {  	[hbm4b:s1+s21] =	stream.indirect_vreg.scatter [tilespmem:s30], [sflag:$0x9], $0x1, v3, vm0, $0x4038;
	[tilespmem:$0x360] =	vst v63  }
.LBB3_6:
0x13d: {  	_ =	sfence.sel $0x180000  }
0x13e: {  	s0 =	simm.s32 $0x7;
	[bflag:$0x0] =	sbarrier.arrive $0xFFFF  }
0x13f: {  	s26 =	simm.s32 $0x8;
	[sflag:s0] =	ssyncpa.u1 $0x1  }
0x140: {  	s28 =	simm.s32 $0x9;
	[sflag:s26] =	ssyncpa.u1 $0x1  }
0x141: {  	[sflag:s28] =	ssyncpa.u1 $0x1  }
0x142: {  	_ =	sfence.stream.spmem  }
0x143: {  	s29 =	simm.s32 $0x3;
	[bflag:$0x0] =	sbarrier.arrive $0xFFFF  }
0x144: {  	s30 =	simm.s32 $0x4;
	[sflag:s29] =	ssyncpa.u1 $0x1  }
0x145: {  	s31 =	simm.s32 $0x3C;
	s2 =	stileid.u32;
	[sflag:s30] =	ssyncpa.u1 $0x1  }
0x146: {  	p0 =	sne.s32 s2, $0x0;
	[sflag:s31] =	ssyncpa.u1 $0x1  }
0x147: {  	s0 =	simm.s32 @p0 $0x1;
	_ =	sfence @p0  }
0x148: {  	[sflag:s0] =	ssyncpa.u1 @p0 $0x1;
	s0 =	simm.s32 @p0 $0x2  }
0x149: {  	[sflag:s0] =	ssyncpa.u1 @p0 $0x1  }
0x14a: {  	_ =	strace @p0 $0x90000065  }
0x14b: {  	[bflag:$0x2] =	sbarrier.arrive @p0 $0xFFFF  }
0x14c: {  	_ =	shalt @p0  }
.LBB3_7:
0x14d: {  	_ =	sfence.stream.spmem;
	s3 =	simm.s32 $0x5  }
0x14e: {  	s0 =	simm.s32 $0x80;
	s2 =	simm.s32 $0xC0;
	[sflag:s3] =	ssyncpa.u1 $0x0  }
0x14f: {  	[tilespmem:s2], [sflag:$0x5] =	stream.linear.gather [spmem:s0], $0x20, $0x38;
	[tilespmem:$0x360] =	vst v63  }
0x150: {  	s0 =	simm.s32 $0x0;
	s2 =	simm.s32 $0xE0  }
0x151: {  	[tilespmem:s2], [sflag:$0x5] =	stream.linear.gather [spmem:s0], $0x20, $0x38;
	[tilespmem:$0x360] =	vst v63  }
.Ltmp10:
0x152: {  	_ = 	snop;
	(pc) =	sbr.rel .LBB3_8-.Ltmp10, $4  }
0x153: {  	_ =	swait.ge [sflag:s3], $0x40  }
0x154: {  	[sflag:s3] =	ssyncset.done $0x0  }
0x155: {  	s31 =	simm.s32 $0x6;
	[sflag:s3] =	ssyncadd.s32 $0xFFFFFFC0  }
0x156: {  	s3 =	simm.s32 $0x0;
	[sflag:s31] =	ssyncpa.u1 $0x0  }
.LBB3_13:
0x157: {  	p0 =	sgt.u32 s4, $0x7F  }
0x158: {  	s5 =	sshrl.u32 @!p0 s4, $0x3  }
0x159: {  	s4 =	sand.u32 @!p0 $0x7, s4;
	s6 =	simm.s32 @!p0 $0xB0;
	s5 =	sadd.s32 @!p0 s1, s5  }
0x15a: {  	[tilespmem:s6], [sflag:$0x6] =	stream.linear.gather @!p0 [hbm4b:s5+s4], $0x1, $0x38;
	[tilespmem:$0x360] =	vst v63  }
0x15b: {  	s4 =	simm.s32 @!p0 $0x6  }
0x15c: {  	_ =	swait.ge @!p0 [sflag:s4], $0x1  }
0x15d: {  	[sflag:s4] =	ssyncset.done @!p0 $0x0  }
0x15e: {  	[sflag:s4] =	ssyncadd.s32 @!p0 $0xFFFFFFFF  }
0x15f: {  	v2 =	vmov @!p0 s3;
	v1 =	vld.msk @!p0 [tilespmem:$0xB0], $0x1;
	_ =	sdelay $0x3  }
0x160: {  	s4 =	simm.s32 @!p0 $0xE0  }
0x161: {  	[tilespmem:v2+s4+$0x0], v1 =	vst.idx.ret.add.f32.msk @!p0 $0x1, v1  }
0x162: {  	[tilespmem:s0+$0xC0] =	vst.msk $0x1, v0  }
0x163: {  	v0 =	vld.msk [tilespmem:s3+$0xE0], $0x1;
	_ =	sdelay $0x4  }
0x164: {  	[tilespmem:s0+$0xE0] =	vst.msk $0x1, v0;
	s0 =	sadd.s32 $0x1, s0  }
.LBB3_15:
0x165: {  	s3 =	sadd.s32 $0x1, s3  }
0x166: {  	p0 =	sne.s32 s3, $0x20  }
.Ltmp11:
0x167: {  	_ = 	snop;
	(pc) =	sbr.rel @!p0 .LBB3_16-.Ltmp11, $1  }
0x168: {  	_ =	sdelay $0x3  }
.LBB3_8:
0x169: {  	v0 =	vld.msk [tilespmem:s3+$0xC0], $0x1;
	_ =	sdelay $0x4  }
0x16a: {  	(v2sf) =	vpush v0, $0x0;
	_ =	sdelay $0xe  }
0x16b: {  	s4 =	spop (v2sf)  }
0x16c: {  	p0 =	seq.s32 s4, $0xFFFFFFFF  }
.Ltmp12:
0x16d: {  	_ = 	snop;
	(pc) =	sbr.rel @p0 .LBB3_15-.Ltmp12, $1  }
0x16e: {  	_ =	sdelay $0x3  }
0x16f: {  	p0 =	slt.s32 s0, $0x1  }
.Ltmp13:
0x170: {  	_ = 	snop;
	(pc) =	sbr.rel @p0 .LBB3_13-.Ltmp13, $1  }
0x171: {  	_ =	sdelay $0x3  }
0x172: {  	s5 =	simm.s32 $0xC0;
	p0 =	por $0x0, $0x0  }
0x173: {  	v1 =	vld.msk @!p0 [tilespmem:s5+$0x0], $0x1;
	_ =	sdelay $0x4  }
0x174: {  	(v2sf) =	vpush @!p0 v1, $0x0;
	_ =	sdelay $0xd  }
0x175: {  	p2 =	sne.s32 s0, $0x1  }
.Ltmp14:
0x176: {  	s6 =	spop @!p0 (v2sf);
	(pc) =	sbr.rel @!p2 .LBB3_12-.Ltmp14, $4  }
0x177: {  	p1 =	seq.s32 @!p0 s4, s6  }
0x178: {  	s6 =	simm.s32 $0x0;
	p1 =	por !p1, p0  }
0x179: {  	s8 =	simm.s32 $0xFFFFFFFF;
	s6 =	simm.s32 @p1 $0xFFFFFFFF  }
0x17a: {  	s7 =	simm.s32 $0x1;
	s6 =	smov.u32 @p0 s8  }
.LBB3_11:
0x17b: {  	s8 =	smov.u32 s6;
	p0 =	sne.s32 s6, $0xFFFFFFFF  }
0x17c: {  	s5 =	sadd.s32 $0x1, s5;
	s6 =	smov.u32 s7;
	s7 =	sadd.s32 $0x1, s7  }
0x17d: {  	p1 =	sne.s32 s0, s7;
	v1 =	vld.msk @!p0 [tilespmem:s5+$0x0], $0x1;
	_ =	sdelay $0x4  }
0x17e: {  	(v2sf) =	vpush @!p0 v1, $0x0;
	_ =	sdelay $0xe  }
.Ltmp15:
0x17f: {  	s9 =	spop @!p0 (v2sf);
	(pc) =	sbr.rel @p1 .LBB3_11-.Ltmp15, $4  }
0x180: {  	p2 =	seq.s32 @!p0 s4, s9  }
0x181: {  	p2 =	por !p2, p0  }
0x182: {  	s6 =	simm.s32 @p2 $0xFFFFFFFF  }
0x183: {  	s6 =	smov.u32 @p0 s8  }
.LBB3_12:
0x184: {  	p0 =	sne.s32 s6, $0xFFFFFFFF  }
.Ltmp16:
0x185: {  	_ = 	snop;
	(pc) =	sbr.rel @!p0 .LBB3_13-.Ltmp16, $1  }
0x186: {  	_ =	sdelay $0x3  }
0x187: {  	v0 =	vld.msk [tilespmem:s3+$0xE0], $0x1;
	v1 =	vmov s6  }
.Ltmp17:
0x188: {  	_ = 	snop;
	(pc) =	sbr.rel .LBB3_15-.Ltmp17, $2  }
0x189: {  	_ =	sdelay $0x2  }
0x18a: {  	[tilespmem:v1+s2+$0x0], v0 =	vst.idx.ret.add.f32.msk $0x1, v0  }
.LBB3_16:
0x18b: {  	p0 =	slt.s32 s0, $0x1  }
.Ltmp18:
0x18c: {  	_ = 	snop;
	(pc) =	sbr.rel @p0 .LBB3_20-.Ltmp18, $3  }
0x18d: {  	_ =	sdelay $0x1  }
0x18e: {  	s2 =	simm.s32 $0x6  }
0x18f: {  	[sflag:s2] =	ssyncpa.u1 $0x1;
	s2 =	simm.s32 $0x0  }
0x190: {  	s3 =	simm.s32 $0xC0  }
0x191: {  	v0 =	vld.msk [tilespmem:s3+$0x0], $0x1;
	_ =	sdelay $0x4  }
0x192: {  	(v2sf) =	vpush v0, $0x0;
	_ =	sdelay $0xe  }
0x193: {  	s0 =	sadd.s32 $0xFFFFFFFF, s0;
	s4 =	spop (v2sf)  }
0x194: {  	p1 =	sne.s32 s0, $0x0;
	p0 =	sgt.u32 s4, $0x7F  }
.Ltmp19:
0x195: {  	s5 =	sshrl.u32 @!p0 s4, $0x3;
	(pc) =	sbr.rel @!p1 .LBB3_19-.Ltmp19, $4  }
0x196: {  	s3 =	simm.s32 $0xE0;
	s4 =	sand.u32 @!p0 $0x7, s4;
	s5 =	sadd.s32 @!p0 s1, s5  }
0x197: {  	[hbm4b:s5+s4] =	stream.linear.scatter @!p0 [tilespmem:s3], [sflag:$0x5], $0x1, $0x38;
	[tilespmem:$0x360] =	vst v63  }
0x198: {  	s5 =	simm.s32 $0x0  }
0x199: {  	s4 =	simm.s32 $0xC1;
	s5 =	simm.s32 @!p0 $0x4  }
.LBB3_18:
0x19a: {  	v0 =	vld.msk [tilespmem:s4+$0x0], $0x1;
	s0 =	sadd.s32 $0xFFFFFFFF, s0;
	s2 =	sadd.s32 s2, s5  }
0x19b: {  	p0 =	sne.s32 s0, $0x0;
	_ =	sdelay $0x3  }
0x19c: {  	(v2sf) =	vpush v0, $0x0;
	_ =	sdelay $0xe  }
.Ltmp20:
0x19d: {  	s6 =	spop (v2sf);
	(pc) =	sbr.rel @p0 .LBB3_18-.Ltmp20, $4  }
0x19e: {  	s5 =	simm.s32 $0x0;
	p1 =	sgt.u32 s6, $0x7F  }
0x19f: {  	s3 =	sadd.s32 $0x1, s3;
	s5 =	simm.s32 @!p1 $0x4;
	s7 =	sshrl.u32 @!p1 s6, $0x3  }
0x1a0: {  	s4 =	sadd.s32 $0x1, s4;
	s6 =	sand.u32 @!p1 $0x7, s6;
	s7 =	sadd.s32 @!p1 s1, s7  }
0x1a1: {  	[hbm4b:s7+s6] =	stream.linear.scatter @!p1 [tilespmem:s3], [sflag:$0x5], $0x1, $0x38;
	[tilespmem:$0x360] =	vst v63  }
.LBB3_19:
0x1a2: {  	s0 =	sadd.s32 s2, s5  }
0x1a3: {  	s2 =	sshrl.u32 s0, $0x2  }
.LBB3_20:
0x1a4: {  	s0 =	simm.s32 $0x5  }
0x1a5: {  	_ =	swait.ge [sflag:s0], s2  }
0x1a6: {  	s1 =	ssub.s32 $0x0, s2;
	[sflag:s0] =	ssyncset.done $0x0  }
0x1a7: {  	[sflag:s0] =	ssyncadd.s32 s1  }
0x1a8: {  	[sflag:s0] =	ssyncpa.u1 $0x1  }
0x1a9: {  	s29 =	simm.s32 $0x1;
	_ =	sfence  }
0x1aa: {  	s30 =	simm.s32 $0x2;
	[sflag:s29] =	ssyncpa.u1 $0x1  }
0x1ab: {  	[sflag:s30] =	ssyncpa.u1 $0x1  }
0x1ac: {  	_ =	strace $0x90000065  }
0x1ad: {  	[bflag:$0x2] =	sbarrier.arrive $0xFFFF  }
0x1ae: {  	s31 =	rddreg [dreg:$0x3]  }
0x1af: {  	s0 =	sadd.s32 $0x100000, s31  }
0x1b0: {  	[sflag:s0] =	ssyncadd.tile.s32 $0x1;
	_ =	shalt  }
.Lfunc_end3:
_tile_overlayer_lowered:
.L_overlay_start_3:
0x1b1: {  	(tag) =	ssettag $0x3  }
0x1b2: {  	s0 =	rddreg [dreg:$0x0];
	s2 =	stileid.u32  }
0x1b3: {  	s1 =	rddreg [dreg:$0x1];
	p0 =	sne.s32 s2, $0x0  }
0x1b4: {  	s3 =	rddreg [dreg:$0x2];
	[bflag:$0x3] =	sbarrier.arrive $0xFFFF;
	s2 =	simm.s32 @!p0 $0x1C01  }
0x1b5: {  	[timem:s3], [sflag:s2] =	dma.local @!p0 [hbm:s0], s1  }
0x1b6: {  	s0 =	simm.s32 @!p0 $0x1  }
0x1b7: {  	_ =	swait.ge @!p0 [sflag:s0], s1  }
0x1b8: {  	s1 =	ssub.s32 @!p0 $0x0, s1;
	[sflag:s0] =	ssyncset.done @!p0 $0x0  }
0x1b9: {  	[sflag:s0] =	ssyncadd.s32 @!p0 s1  }
0x1ba: {  	[bflag:$0x3] =	sbarrier.arrive $0xFFFF  }
0x1bb: {  	_ =	shalt  }

// kernel: scatter_offload_async_start.11
scs
__scs_entry_jumppad:
0x0: {  	(pc) =	sbr.rel $0x88, $3  }
0x1: {  	(tag) =	ssettag $0x0;
	lr =	simm.s32 $0x1  }
0x2: {  	[smem:$0x3F9B] =	sst lr;
	_ =	strace $0xD0000000  }
0x3: {  	_ = 	snop  }
0x4: {  	_ = 	snop  }
0x5: {  	_ = 	snop  }
0x6: {  	_ = 	snop  }
0x7: {  	_ = 	snop  }
__scs_overlays_trampoline_lowered:
0x8: {  	[smem:$0x3FAA] =	sst s0  }
0x9: {  	[smem:$0x3FAB] =	sst s1  }
0xa: {  	[smem:$0x3FAC] =	sst s2  }
0xb: {  	[smem:$0x3FAD] =	sst s3  }
0xc: {  	[smem:$0x3FAE] =	sst s4  }
0xd: {  	[smem:$0x3FAF] =	sst s5  }
0xe: {  	[smem:$0x3FB0] =	sst s6  }
0xf: {  	[smem:$0x3FB1] =	sst s7  }
0x10: {  	[smem:$0x3FB2] =	sst s8  }
0x11: {  	[smem:$0x3FB3] =	sst s9;
	s0 =	simm.s32 @!p0 $0x0  }
0x12: {  	s1 =	sld [smem:$0x3F99];
	s0 =	simm.s32 @p0 $0x1  }
0x13: {  	[smem:$0x3FB4] =	sst s0;
	s0 =	simm.s32 @!p1 $0x0  }
0x14: {  	s2 =	sld [smem:$0x3F98];
	s0 =	simm.s32 @p1 $0x1  }
0x15: {  	[smem:$0x3FB5] =	sst s0;
	s0 =	simm.s32 @!p2 $0x0  }
0x16: {  	s3 =	sld [smem:$0x3FDB];
	s0 =	simm.s32 @p2 $0x1  }
0x17: {  	s4 =	simm.s32 $0x1BF5;
	[smem:$0x3FB7] =	sst s0  }
0x18: {  	s0 =	sld [smem:$0x3F9A];
	_ =	swait.ge [sflag:s4], $0x0  }
0x19: {  	s7 =	sld [smem:$0x3F9B]  }
0x1a: {  	s8 =	sadd.s32 $0xFFFFE003, lr  }
0x1b: {  	s9 =	sadd.s32 $0xFFFFFEF7, lr;
	s5 =	simm.s32 $0xFFFFFFFF;
	p2 =	slt.u32 s8, $0xFFFFF086  }
0x1c: {  	p1 =	slt.u32 s9, $0xF7A;
	s5 =	simm.s32 @!p2 $0x0  }
0x1d: {  	s5 =	simm.s32 @p1 $0x1;
	p0 =	seq.s32 s7, s2  }
0x1e: {  	s7 =	smul.u32 @!p0 $0xF7A, s2;
	p2 =	seq.s32 @!p0 s5, $0x0  }
0x1f: {  	s9 =	smul.u32 $0xF7A, s1;
	s8 =	simm.s32 @!p0 $0x1BF5;
	p2 =	por !p2, p0  }
0x20: {  	[sflag:s8] =	ssyncset.s32 @!p0 $0xFFFFF086;
	s6 =	sadd.s32 @!p0 s3, s7;
	s7 =	simm.s32 @!p0 $0x108  }
0x21: {  	s3 =	sadd.s32 s3, s9;
	s6 =	sadd.s32 @!p0 $0x88, s6;
	s7 =	simm.s32 @p2 $0x1082  }
0x22: {  	[simem:s7], [sflag:s8] =	dma.local @!p0 [hbm:s6], $0xF7A  }
0x23: {  	s9 =	sor.u32 $0xD0000000, s2;
	s6 =	simm.s32 $0x108;
	_ =	swait.ge @!p0 [sflag:s8], $0x0  }
0x24: {  	s3 =	sadd.s32 $0x88, s3;
	s6 =	simm.s32 @!p1 $0x1082;
	[sflag:s4] =	ssyncset.s32 $0xFFFFF086  }
0x25: {  	[simem:s6], [sflag:s4] =	dma.local [hbm:s3], $0xF7A  }
0x26: {  	[smem:$0x3F9B] =	sst s1;
	(tag) =	ssettag s2;
	_ =	strace s9  }
0x27: {  	s1 =	sld [smem:$0x3FAB]  }
0x28: {  	s2 =	sld [smem:$0x3FAC]  }
0x29: {  	s4 =	sld [smem:$0x3FAE]  }
0x2a: {  	p0 =	seq.s32 s5, $0x0;
	s5 =	sld [smem:$0x3FAF]  }
0x2b: {  	s6 =	sld [smem:$0x3FB0]  }
0x2c: {  	s7 =	sld [smem:$0x3FB1]  }
0x2d: {  	s3 =	simm.s32 $0x108;
	s8 =	sld [smem:$0x3FB2]  }
0x2e: {  	s3 =	simm.s32 @!p0 $0x1082;
	s9 =	sld [smem:$0x3FB3]  }
0x2f: {  	lr =	sadd.s32 s0, s3;
	s0 =	sld [smem:$0x3FAA]  }
0x30: {  	s3 =	sld [smem:$0x3FAD]  }
0x31: {  	[smem:$0x3FB6] =	sst s10  }
0x32: {  	s10 =	sld [smem:$0x3FB4];
	_ =	sdelay $0x3  }
0x33: {  	p0 =	seq.s32 s10, $0x1;
	s10 =	sld [smem:$0x3FB6];
	_ =	sdelay $0x3  }
0x34: {  	[smem:$0x3FB6] =	sst s10  }
0x35: {  	s10 =	sld [smem:$0x3FB5];
	_ =	sdelay $0x3  }
0x36: {  	p1 =	seq.s32 s10, $0x1;
	s10 =	sld [smem:$0x3FB6];
	_ =	sdelay $0x3  }
0x37: {  	[smem:$0x3FB6] =	sst s10  }
0x38: {  	s10 =	sld [smem:$0x3FB7]  }
0x39: {  	_ = 	snop;
	(pc) =	sbr.ind lr, $3  }
0x3a: {  	_ = 	snop  }
0x3b: {  	_ = 	snop  }
0x3c: {  	p2 =	seq.s32 s10, $0x1;
	s10 =	sld [smem:$0x3FB6]  }
0x3d: {  	_ =	shalt  }
0x3e: {  	_ =	shalt  }
0x3f: {  	_ =	shalt  }
0x40: {  	_ =	shalt  }
0x41: {  	_ =	shalt  }
0x42: {  	_ =	shalt  }
0x43: {  	_ =	shalt  }
0x44: {  	_ =	shalt  }
0x45: {  	_ =	shalt  }
0x46: {  	_ =	shalt  }
0x47: {  	_ =	shalt  }
0x48: {  	_ =	shalt  }
0x49: {  	_ =	shalt  }
0x4a: {  	_ =	shalt  }
0x4b: {  	_ =	shalt  }
0x4c: {  	_ =	shalt  }
0x4d: {  	_ =	shalt  }
0x4e: {  	_ =	shalt  }
0x4f: {  	_ =	shalt  }
0x50: {  	_ =	shalt  }
0x51: {  	_ =	shalt  }
0x52: {  	_ =	shalt  }
0x53: {  	_ =	shalt  }
0x54: {  	_ =	shalt  }
0x55: {  	_ =	shalt  }
0x56: {  	_ =	shalt  }
0x57: {  	_ =	shalt  }
0x58: {  	_ =	shalt  }
0x59: {  	_ =	shalt  }
0x5a: {  	_ =	shalt  }
0x5b: {  	_ =	shalt  }
0x5c: {  	_ =	shalt  }
0x5d: {  	_ =	shalt  }
0x5e: {  	_ =	shalt  }
0x5f: {  	_ =	shalt  }
0x60: {  	_ =	shalt  }
0x61: {  	_ =	shalt  }
0x62: {  	_ =	shalt  }
0x63: {  	_ =	shalt  }
0x64: {  	_ =	shalt  }
0x65: {  	_ =	shalt  }
0x66: {  	_ =	shalt  }
0x67: {  	_ =	shalt  }
0x68: {  	_ =	shalt  }
0x69: {  	_ =	shalt  }
0x6a: {  	_ =	shalt  }
0x6b: {  	_ =	shalt  }
0x6c: {  	_ =	shalt  }
0x6d: {  	_ =	shalt  }
0x6e: {  	_ =	shalt  }
0x6f: {  	_ =	shalt  }
0x70: {  	_ =	shalt  }
0x71: {  	_ =	shalt  }
0x72: {  	_ =	shalt  }
0x73: {  	_ =	shalt  }
0x74: {  	_ =	shalt  }
0x75: {  	_ =	shalt  }
0x76: {  	_ =	shalt  }
0x77: {  	_ =	shalt  }
0x78: {  	_ =	shalt  }
0x79: {  	_ =	shalt  }
0x7a: {  	_ =	shalt  }
0x7b: {  	_ =	shalt  }
0x7c: {  	_ =	shalt  }
0x7d: {  	_ =	shalt  }
0x7e: {  	_ =	shalt  }
0x7f: {  	_ =	shalt  }
0x80: {  	_ =	shalt  }
0x81: {  	_ =	shalt  }
0x82: {  	_ =	shalt  }
0x83: {  	_ =	shalt  }
0x84: {  	_ =	shalt  }
0x85: {  	_ =	shalt  }
0x86: {  	_ =	shalt  }
0x87: {  	_ =	shalt  }
.Lfunc_end0:
.L_simem_size_0:
called_computation.1_lowered:
.L_overlay_start_0:
0x88: {  	s0 =	sld [smem:$0x3FD9]  }
0x89: {  	s1 =	sld [smem:$0x3FFE];
	_ =	sdelay $0x3  }
0x8a: {  	s0 =	sadd.s32 s1, s0  }
0x8b: {  	[smem:$0x3FC2] =	sst s0  }
0x8c: {  	_ = 	snop  }
0x8d: {  	(tm) =	ssettm $0x1  }
0x8e: {  	s14 =	sld [smem:$0x3FFB];
	_ =	sdelay $0x3  }
0x8f: {  	_ =	strace s14  }
0x90: {  	s0 =	sld [smem:$0x3FFC];
	_ =	sdelay $0x3  }
0x91: {  	_ =	strace s0  }
0x92: {  	s0 =	sld [smem:$0x3FFD];
	_ =	sdelay $0x3  }
0x93: {  	_ =	strace s0  }
0x94: {  	_ =	strace $0x8FFFFFFF  }
0x95: {  	s15 =	sld [smem:$0x3FDB];
	_ =	sdelay $0x1  }
0x96: {  	s16 =	simm.s32 $_scs_section_size  }
0x97: {  	s2 =	simm.s32 $_size__tile_overlayer_lowered;
	s3 =	simm.s32 $_tile_overlayer_lowered  }
0x98: {  	s4 =	simm.s32 $0x1BFF;
	s17 =	sshll.u32 s3, $0x1;
	s1 =	sadd.s32 s16, s15  }
0x99: {  	s18 =	simm.s32 $0x0;
	s2 =	sshll.u32 s2, $0x1;
	s3 =	sadd.s32 s17, s1  }
0x9a: {  	[timem:s18], [sflag:s4] =	dma.local [hbm:s3], s2  }
0x9b: {  	_ =	swait.ge [sflag:s4], s2  }
0x9c: {  	s2 =	ssub.s32 $0x0, s2;
	[sflag:s4] =	ssyncset.done $0x0  }
0x9d: {  	[sflag:s4] =	ssyncadd.s32 s2;
	_ =	sdelay $0x1  }
0x9e: {  	s19 =	simm.s32 $0x1B8B  }
0x9f: {  	_ =	swait.ge [sflag:s19], $0x1  }
0xa0: {  	[sflag:s19] =	ssyncset.done $0x0  }
0xa1: {  	s21 =	simm.s32 $0x1B8E;
	s20 =	sld [smem:$0x3FFE];
	[sflag:s19] =	ssyncadd.s32 $0xFFFFFFFF  }
0xa2: {  	s22 =	simm.s32 $execute0_lowered;
	[smem:$0x3FD2] =	sst s21  }
0xa3: {  	s3 =	sshll.u32 s22, $0x1;
	_ =	strace $0x8000005B;
	[dreg:$0x1] =	wrdreg $0xFFFFFFFF  }
0xa4: {  	s23 =	simm.s32 $_size_execute0_lowered;
	s3 =	sadd.s32 s1, s3;
	[dreg:$0x0] =	wrdreg $0x0  }
0xa5: {  	s4 =	sshll.u32 s23, $0x1;
	[dreg:$0x2] =	wrdreg s3  }
0xa6: {  	[dreg:$0x3] =	wrdreg s4  }
0xa7: {  	[dreg:$0x4] =	wrdreg $0xC0  }
0xa8: {  	s24 =	simm.s32 $execute1_lowered;
	_ =	task [dreg:s18], $0x5FFFF  }
0xa9: {  	s3 =	sshll.u32 s24, $0x1;
	[dreg:$0x1] =	wrdreg $0xFFFFFFFF  }
0xaa: {  	s1 =	sadd.s32 s1, s3;
	[dreg:$0x0] =	wrdreg $0x60  }
0xab: {  	[dreg:$0x2] =	wrdreg s1  }
0xac: {  	[dreg:$0x3] =	wrdreg s20  }
0xad: {  	[dreg:$0x4] =	wrdreg $0xB  }
0xae: {  	_ =	task.clear_ibuf [dreg:s18], $0x5FFFF;
	_ =	strace $0x9000005B  }
0xaf: {  	s25 =	simm.s32 $0xB;
	_ =	strace $0x8000005D  }
0xb0: {  	_ =	swait.ge [sflag:s25], $0x1  }
0xb1: {  	[sflag:s25] =	ssyncadd.s32 $0xFFFFFFFF  }
0xb2: {  	_ =	strace $0x9000005D  }
0xb3: {  	_ =	strace $0x8000005E;
	[dreg:$0x1] =	wrdreg $0xFFFFFFFF  }
0xb4: {  	[dreg:$0x0] =	wrdreg $0x2030  }
0xb5: {  	[dreg:$0x2] =	wrdreg s20  }
0xb6: {  	[dreg:$0x3] =	wrdreg $0xC  }
0xb7: {  	_ =	task.clear_ibuf [dreg:s18], $0x4FFFF;
	_ =	strace $0x9000005E  }
0xb8: {  	s26 =	simm.s32 $0xC;
	_ =	strace $0x80000060  }
0xb9: {  	_ =	swait.ge [sflag:s26], $0x1  }
0xba: {  	[sflag:s26] =	ssyncadd.s32 $0xFFFFFFFF  }
0xbb: {  	_ =	strace $0x90000060  }
0xbc: {  	_ =	sfence  }
0xbd: {  	s28 =	sld [smem:$0x0];
	_ =	sdelay $0x1  }
0xbe: {  	s29 =	srdreg.scid  }
0xbf: {  	s30 =	sshll.u32 s29, $0xD;
	s31 =	sshrl.u32 s29, $0x2  }
0xc0: {  	s2 =	sand.u32 $0x1, s29;
	s3 =	sand.u32 $0x4000, s30;
	s1 =	sadd.s32 s31, s28  }
0xc1: {  	s2 =	sor.u32 s3, s2;
	s1 =	sshll.u32 s1, $0x11  }
0xc2: {  	s1 =	sor.u32 s1, s2  }
0xc3: {  	s1 =	sadd.s32 $0x8F2B, s1  }
0xc4: {  	[sflag:s1] =	ssyncadd.remote.s32 $0x1  }
0xc5: {  	_ =	sfence.sel $0xFFFF  }
0xc6: {  	[dreg:$0x0] =	wrdreg $0xFFFFFFFF;
	(pc) =	sbr.abs _section_cstart, $3  }
0xc7: {  	[dreg:$0x1] =	wrdreg $0xFFFFFFFF  }
0xc8: {  	_ =	task.clear_ibuf [dreg:s18], $0x2FFFF;
	_ =	strace $0x9FFFFFFF  }
0xc9: {  	(tm) =	ssettm $0x7FFFFFFF  }
tec
execute0_lowered:
.L_overlay_start_1:
0x0: {  	(tag) =	ssettag $0x1  }
0x1: {  	s3 =	rddreg [dreg:$0x0]  }
0x2: {  	s4 =	rddreg [dreg:$0x1]  }
0x3: {  	s0 =	rddreg [dreg:$0x2]  }
0x4: {  	s2 =	stileid.u32;
	[bflag:$0x3] =	sbarrier.arrive $0xFFFF;
	s1 =	simm.s32 $_size_execute1_lowered  }
0x5: {  	p0 =	sne.s32 s2, $0x0;
	s1 =	sshll.u32 s1, $0x1;
	s29 =	sshll.u32 s2, $0x3  }
0x6: {  	s5 =	simm.s32 @!p0 $0x1C3F;
	s6 =	simm.s32 @!p0 $0x4060;
	s7 =	ssub.s32 $0x80, s29  }
0x7: {  	[timem:s6], [sflag:s5] =	dma.local @!p0 [hbm:s3], s1  }
0x8: {  	s31 =	sand.u32 $0x78, s7  }
0x9: {  	s8 =	simm.s32 $0x1;
	p1 =	sne.s32 s31, $0x0  }
0xa: {  	s7 =	sshrl.u32 s7, $0x7;
	s8 =	simm.s32 @!p1 $0x0  }
0xb: {  	s7 =	sadd.s32 s8, s7  }
0xc: {  	s8 =	sadd.s32 $0x1, s7  }
0xd: {  	s14 =	simm.s32 $0x0;
	p3 =	sne.s32 s8, $0x0  }
.Ltmp0:
0xe: {  	s9 =	simm.s32 $0x1;
	s13 =	simm.s32 $0xFFFFFFFF;
	(pc) =	sbr.rel @!p3 .LBB2_1-.Ltmp0, $4  }
0xf: {  	p2 =	por $0x0, $0x0;
	s30 =	sadd.s32 s2, s4;
	s5 =	sadd.s32 $0x3FD000, s4  }
0x10: {  	s3 =	simm.s32 $0x1;
	s4 =	simm.s32 $0x2;
	_ =	strace $0x8000005C  }
0x11: {  	s6 =	sadd.s32 $0x3FCE00, s30;
	[sflag:s3] =	ssyncpa.u1 $0x0;
	p1 =	sle.u32 s7, $0x0  }
0x12: {  	[sflag:s4] =	ssyncpa.u1 $0x0;
	s15 =	sxor.u32 @!p1 $0xFFFFFFFF, s14;
	s11 =	simm.s32 @!p1 $0x0  }
0x13: {  	p2 =	sle.u32 s7, $0xFFFFFFFF  }
0x14: {  	s10 =	sand.u32 @!p1 $0x8, s15;
	s12 =	simm.s32 @!p2 $0x1  }
0x15: {  	[tilespmem:s10], [sflag:$0x1] =	stream.linear.gather @!p1 [hbm4b:s6+s11], $0x8, $0x38;
	[tilespmem:$0x20] =	vst v63  }
0x16: {  	_ =	swait.ge @!p2 [sflag:s12], $0x8  }
0x17: {  	[sflag:s12] =	ssyncset.done @!p2 $0x0  }
0x18: {  	s10 =	sand.u32 @!p2 $0x8, s14;
	[sflag:s12] =	ssyncadd.s32 @!p2 $0xFFFFFFF8  }
0x19: {  	v0 =	vld.msk @!p2 [tilespmem:s10+$0x0], $0xff;
	_ =	sdelay $0x2  }
0x1a: {  	p4 =	sne.s32 s8, $0x1;
	p3 =	por $0x1, $0x1;
	s14 =	simm.s32 $0x2  }
.Ltmp1:
0x1b: {  	s13 =	simm.s32 @!p2 $0x0;
	s11 =	sor.u32 @!p2 $0x10, s10;
	(pc) =	sbr.rel @!p4 .LBB2_3-.Ltmp1, $4  }
0x1c: {  	p1 =	sle.u32 s7, $0x1;
	s12 =	sadd.s32 @!p2 s5, s2;
	s10 =	simm.s32 $0x8;
	[tilespmem:s11+$0x0] =	vst.msk @!p2 $0xff, v0  }
0x1d: {  	[hbm4b:s12+s13] =	stream.linear.scatter @!p2 [tilespmem:s11], [sflag:$0x2], $0x8, $0x38;
	[tilespmem:$0x20] =	vst v63  }
0x1e: {  	s15 =	sxor.u32 @!p1 $0xFFFFFFFF, s10;
	s13 =	simm.s32 $0x0;
	s12 =	simm.s32 @!p3 $0x2  }
0x1f: {  	s11 =	simm.s32 @!p1 $0x0;
	p2 =	por $0x1, $0x1;
	_ =	swait.ge @!p3 [sflag:s12], $0x8  }
.LBB2_4:
0x20: {  	s15 =	sand.u32 @!p1 $0x8, s15;
	p4 =	sge.u32 s13, s7  }
0x21: {  	[sflag:s12] =	ssyncset.done @!p3 $0x0;
	s13 =	smov.u32 s9;
	s9 =	smov.u32 s14  }
0x22: {  	s16 =	sadd.s32 $0x1, s14;
	s17 =	simm.s32 @!p4 $0x1;
	[sflag:s12] =	ssyncadd.s32 @!p3 $0xFFFFFFF8  }
0x23: {  	[tilespmem:s15], [sflag:$0x1] =	stream.linear.gather @!p1 [hbm4b:s6+s11], $0x8, $0x38;
	[tilespmem:$0x20] =	vst v63  }
0x24: {  	p5 =	sne.s32 s14, s8;
	_ =	swait.ge @!p4 [sflag:s17], $0x8  }
0x25: {  	s11 =	sand.u32 @!p4 $0x8, s10;
	[sflag:s17] =	ssyncset.done @!p4 $0x0  }
0x26: {  	[sflag:s17] =	ssyncadd.s32 @!p4 $0xFFFFFFF8  }
0x27: {  	v0 =	vld.msk @!p4 [tilespmem:s11+$0x0], $0xff;
	_ =	sdelay $0x2  }
0x28: {  	s14 =	sadd.s32 @!p4 s5, s2;
	s10 =	sadd.s32 $0x8, s10;
	s11 =	sor.u32 @!p4 $0x10, s11  }
.Ltmp2:
0x29: {  	p3 =	slt.u32 s13, $0x2;
	s15 =	simm.s32 @!p4 $0x0;
	(pc) =	sbr.rel @p5 .LBB2_4-.Ltmp2, $4  }
0x2a: {  	s13 =	sadd.s32 $0xFFFFFFFF, s9;
	p1 =	sge.u32 s9, s7;
	s12 =	simm.s32 @!p3 $0x2;
	[tilespmem:s11+$0x0] =	vst.msk @!p4 $0xff, v0  }
0x2b: {  	[hbm4b:s14+s15] =	stream.linear.scatter @!p4 [tilespmem:s11], [sflag:$0x2], $0x8, $0x38;
	[tilespmem:$0x20] =	vst v63  }
0x2c: {  	s15 =	sxor.u32 @!p1 $0xFFFFFFFF, s10  }
0x2d: {  	s11 =	simm.s32 @!p1 $0x0;
	s14 =	smov.u32 s16;
	_ =	swait.ge @!p3 [sflag:s12], $0x8  }
0x2e: {  	s14 =	smov.u32 s9  }
.LBB2_6:
0x2f: {  	p3 =	por p3, !p2  }
0x30: {  	p2 =	sge.u32 s13, s7;
	[sflag:s12] =	ssyncset.done @!p3 $0x0  }
0x31: {  	s7 =	sand.u32 @!p1 $0x8, s15;
	s8 =	simm.s32 @!p2 $0x1;
	[sflag:s12] =	ssyncadd.s32 @!p3 $0xFFFFFFF8  }
0x32: {  	[tilespmem:s7], [sflag:$0x1] =	stream.linear.gather @!p1 [hbm4b:s6+s11], $0x8, $0x38;
	[tilespmem:$0x20] =	vst v63  }
0x33: {  	_ =	swait.ge @!p2 [sflag:s8], $0x8  }
0x34: {  	[sflag:s8] =	ssyncset.done @!p2 $0x0  }
0x35: {  	s6 =	sand.u32 @!p2 $0x8, s10;
	[sflag:s8] =	ssyncadd.s32 @!p2 $0xFFFFFFF8  }
0x36: {  	v0 =	vld.msk @!p2 [tilespmem:s6+$0x0], $0xff;
	_ =	sdelay $0x3  }
0x37: {  	p1 =	slt.u32 s14, $0x2;
	s6 =	sor.u32 @!p2 $0x10, s6  }
0x38: {  	s2 =	sadd.s32 @!p2 s5, s2;
	s5 =	simm.s32 @!p2 $0x0;
	s7 =	simm.s32 @!p1 $0x2;
	[tilespmem:s6+$0x0] =	vst.msk @!p2 $0xff, v0  }
0x39: {  	[hbm4b:s2+s5] =	stream.linear.scatter @!p2 [tilespmem:s6], [sflag:$0x2], $0x8, $0x38;
	[tilespmem:$0x20] =	vst v63  }
0x3a: {  	_ =	swait.ge @!p1 [sflag:s7], $0x8  }
0x3b: {  	[sflag:s7] =	ssyncset.done @!p1 $0x0  }
0x3c: {  	[sflag:s7] =	ssyncadd.s32 @!p1 $0xFFFFFFF8  }
0x3d: {  	_ =	sfence.sel $0x180000  }
0x3e: {  	[bflag:$0x0] =	sbarrier.arrive $0xFFFF  }
0x3f: {  	[sflag:s3] =	ssyncpa.u1 $0x1  }
0x40: {  	[sflag:s4] =	ssyncpa.u1 $0x1  }
0x41: {  	_ =	strace $0x9000005C  }
0x42: {  	s0 =	sadd.s32 @!p0 $0x100000, s0;
	[bflag:$0x2] =	sbarrier.arrive $0xFFFF  }
0x43: {  	[sflag:s0] =	ssyncadd.tile.s32 @!p0 $0x1;
	s0 =	simm.s32 @!p0 $0x3F  }
0x44: {  	_ =	swait.ge @!p0 [sflag:s0], s1  }
0x45: {  	s1 =	ssub.s32 @!p0 $0x0, s1;
	[sflag:s0] =	ssyncset.done @!p0 $0x0  }
0x46: {  	[sflag:s0] =	ssyncadd.s32 @!p0 s1  }
0x47: {  	[bflag:$0x3] =	sbarrier.arrive $0xFFFF  }
0x48: {  	_ =	shalt  }
.LBB2_1:
.Ltmp3:
0x49: {  	(pc) =	sbr.rel .LBB2_6-.Ltmp3, $2  }
0x4a: {  	_ =	sdelay $0x2  }
0x4b: {  	s10 =	simm.s32 $0x0  }
.LBB2_3:
.Ltmp4:
0x4c: {  	(pc) =	sbr.rel .LBB2_6-.Ltmp4, $2  }
0x4d: {  	_ =	sdelay $0x2  }
0x4e: {  	s14 =	simm.s32 $0x1  }
.Lfunc_end2:
execute1_lowered:
.L_overlay_start_2:
0x4f: {  	(tag) =	ssettag $0x2  }
0x50: {  	s0 =	rddreg [dreg:$0x0];
	_ =	strace $0x8000005F;
	s1 =	simm.s32 $0x1  }
0x51: {  	v1 =	vimm.s32 $0xFFFFFFFF;
	[sflag:s1] =	ssyncpa.u1 $0x0  }
0x52: {  	[tilespmem:$0x10] =	vst v1  }
0x53: {  	v0 =	vimm.f32 $0.0e+00;
	s6 =	stileid.u32;
	s30 =	simm.s32 $0x2;
	[tilespmem:$0x20] =	vst v1  }
0x54: {  	s7 =	simm.s32 $0x7;
	s8 =	simm.s32 $0x8;
	s31 =	simm.s32 $0x9;
	[tilespmem:$0x30] =	vst v0  }
0x55: {  	s17 =	simm.s32 $0x100;
	s18 =	simm.s32 $0xFFFFFFFE;
	s19 =	simm.s32 $0xFFFFFFC0;
	[tilespmem:$0x40] =	vst v0  }
0x56: {  	s20 =	simm.s32 $0xFFFFFFFF;
	s21 =	simm.s32 $0x0;
	s22 =	simm.s32 $0xF;
	[tilespmem:$0x50] =	vst v0  }
0x57: {  	s24 =	simm.s32 $0x0;
	s25 =	simm.s32 $0x0;
	p0 =	seq.s32 s6, $0xF;
	[tilespmem:$0x60] =	vst v1  }
0x58: {  	s1 =	simm.s32 $0x1C0;
	s3 =	sshll.u32 s6, $0x9;
	s4 =	sadd.s32 $0x3FC600, s0;
	[tilespmem:$0x70] =	vst v1  }
0x59: {  	s11 =	sshll.u32 s6, $0x1;
	s13 =	sshllo.u32 s6, $0x1;
	[tilespmem:$0x80] =	vst v1;
	s1 =	simm.s32 @!p0 $0x200  }
0x5a: {  	v1 =	vimm.s32 $0x0;
	[tilespmem:$0xB0] =	vst v0;
	s12 =	sor.u32 $0x81, s11;
	s14 =	sor.u32 $0x80, s11;
	s2 =	sadd.s32 s3, s1  }
0x5b: {  	s26 =	smov.u32 s3;
	[tilespmem:$0x90] =	vst v1;
	s1 =	sadd.s32 $0x3FD000, s0;
	s5 =	smin.u32 s2, $0x1FC0  }
.Ltmp5:
0x5c: {  	[tilespmem:$0xA0] =	vst v1;
	[sflag:s30] =	ssyncpa.u1 $0x0;
	s2 =	ssub.s32 s5, s3;
	(pc) =	sbr.rel .LBB3_1-.Ltmp5, $4  }
0x5d: {  	s0 =	sadd.s32 $0x3FCA00, s0;
	[sflag:s7] =	ssyncpa.u1 $0x0;
	p0 =	sgt.s32 s2, $0x0  }
0x5e: {  	[dreg:$0x2] =	wrdreg s0;
	[sflag:s8] =	ssyncpa.u1 $0x0;
	s2 =	simm.s32 @!p0 $0x0  }
0x5f: {  	vm0 =	vmmov $0xffff;
	v2 =	vlaneseq.u32;
	s0 =	simm.s32 $0x0;
	[sflag:s31] =	ssyncpa.u1 $0x0;
	s9 =	sshrl.u32 s2, $0x6  }
0x60: {  	vm1 =	vmxor vm1, vm1;
	vm2 =	vmmov $0x1;
	vm3 =	vcmask $0x3F3C;
	s10 =	sadd.s32 $0x2, s9;
	s15 =	sadd.s32 $0x3, s9;
	s16 =	sadd.s32 $0x1, s9  }
.LBB3_5:
0x61: {  	p0 =	slt.u32 s25, $0x3  }
0x62: {  	s0 =	simm.s32 @!p0 $0x2  }
0x63: {  	_ =	swait.ge @!p0 [sflag:s0], $0x40  }
0x64: {  	[sflag:s0] =	ssyncset.done @!p0 $0x0  }
0x65: {  	[sflag:s0] =	ssyncadd.s32 @!p0 $0xFFFFFFC0;
	s0 =	simm.s32 @!p0 $0x9  }
0x66: {  	_ =	swait.ge @!p0 [sflag:s0], $0x10  }
0x67: {  	s25 =	sadd.s32 $0x1, s25;
	[sflag:s0] =	ssyncset.done @!p0 $0x0  }
0x68: {  	[sflag:s0] =	ssyncadd.s32 @!p0 $0xFFFFFFF0;
	p0 =	sne.s32 s15, s25  }
.Ltmp6:
0x69: {  	_ = 	snop;
	(pc) =	sbr.rel @!p0 .LBB3_6-.Ltmp6, $4  }
0x6a: {  	s2 =	sadd.s32 $0x40, s26;
	s6 =	smov.u32 s3  }
0x6b: {  	s17 =	sadd.s32 $0x40, s17;
	s18 =	sadd.s32 $0x1, s18;
	p1 =	slt.s32 s2, s5  }
0x6c: {  	s19 =	sadd.s32 $0x40, s19;
	s20 =	sadd.s32 $0x1, s20;
	s6 =	smov.u32 @p1 s2  }
0x6d: {  	s24 =	sadd.s32 $0x10, s24;
	s0 =	smov.u32 s26;
	s26 =	smov.u32 s6  }
.LBB3_1:
0x6e: {  	s2 =	smulhi.u32 $0xAAAAAAAB, s25;
	_ =	sdelay $0x1  }
0x6f: {  	s2 =	sshrl.u32 s2, $0x1  }
0x70: {  	s2 =	smul.u32 $0xFFFFFD00, s2  }
0x71: {  	p0 =	sge.u32 s25, s9  }
0x72: {  	s31 =	sadd.s32 $0xFFFFFFFF, s25;
	s28 =	sshrl.u32 @!p0 s26, $0x3;
	s2 =	sshra.s32 @!p0 s2, $0x2  }
0x73: {  	s29 =	sand.u32 @!p0 $0x7, s26;
	s28 =	sadd.s32 @!p0 s4, s28;
	s2 =	sadd.s32 @!p0 s2, s17  }
0x74: {  	[tilespmem:s2], [sflag:$0x7] =	stream.linear.gather @!p0 [hbm4b:s28+s29], $0x40, $0x38;
	[tilespmem:$0x360] =	vst v63  }
0x75: {  	p0 =	sge.u32 s31, s9  }
.Ltmp7:
0x76: {  	_ = 	snop;
	(pc) =	sbr.rel @p0 .LBB3_3-.Ltmp7, $1  }
0x77: {  	_ =	sdelay $0x3  }
0x78: {  	s2 =	smulhi.u32 $0xAAAAAAAB, s20;
	_ =	sdelay $0x1  }
0x79: {  	s2 =	sshrl.u32 s2, $0x1  }
0x7a: {  	s2 =	smul.u32 $0xFFFFFD00, s2;
	_ =	sdelay $0x1  }
0x7b: {  	_ =	swait.ge [sflag:s7], $0x40;
	s2 =	sshra.s32 s2, $0x2  }
0x7c: {  	[sflag:s7] =	ssyncset.done $0x0;
	s2 =	sadd.s32 s2, s17  }
0x7d: {  	[sflag:s7] =	ssyncadd.s32 $0xFFFFFFC0;
	(ifvalue) =	ssetifvalue $0xFFFFFFFF;
	v3 =	vld.msk [tilespmem:s2+$0xFFFFFFC0 ss:$0x1], $0xffff;
	_ =	sdelay $0x2  }
0x7e: {  	p0 =	sne.s32 s25, $0x1  }
0x7f: {  	v4 =	vimm.s32 @!p0 $0x0  }
0x80: {  	v4 =	vperm.xlane @!p0 v3, v4  }
0x81: {  	vm4 =	vlt.u32 v3, $0x80  }
0x82: {  	s28 =	sand.u32 $0x10, s24;
	v3 =	vnsel vm4, $0xFFFFFFFE, v3;
	vm4 =	vlt.u32 @!p0 v4, $0x80  }
0x83: {  	[tilespmem:s28+$0x60] =	vst v3;
	v3 =	vnsel @!p0 vm4, $0xFFFFFFFE, v4  }
0x84: {  	[tilespmem:$0x80] =	vst @!p0 v3  }
0x85: {  	v3 =	vld.msk [tilespmem:s2+$0xFFFFFFF0 ss:$0x1], $0xffff;
	_ =	sdelay $0x4  }
0x86: {  	(xrf1) =	vunique.msk.u32 $0xffff, v3;
	_ =	sdelay $0xd  }
0x87: {  	v59, _, _ =	vpop (xrf1)  }
0x88: {  	vm4 =	vlt.u32 v3, $0x80;
	vm5 =	veq.s32 v59, v2  }
0x89: {  	vm5 =	vmand vm4, vm5  }
0x8a: {  	v60 =	vnsel vm5, $0xFFFFFFFF, v3;
	_ =	sdelay $0x2  }
0x8b: {  	s28 =	sand.u32 $0x40, s19  }
0x8c: {  	s29 =	sadd.s32 $0x1F0, s28;
	(ifvalue) =	ssetifvalue $0xFFFFFFFF  }
0x8d: {  	v4 =	vnsel vm4, $0xFFFFFFFE, v60;
	[tilespmem:s29], [sflag:$0x8] =	stream.indirect_vreg.gather [hbm4b:s1+s21], $0x1, v60, vm0, $0x4038;
	[tilespmem:$0x360] =	vst v63  }
0x8e: {  	[tilespmem:s2+$0xFFFFFFF0] =	vst v4  }
0x8f: {  	v4 =	vld.msk [tilespmem:s2+$0xFFFFFFE0 ss:$0x1], $0xffff;
	_ =	sdelay $0x4  }
0x90: {  	(xrf1) =	vunique.msk.u32 $0xffff, v4;
	_ =	sdelay $0xc  }
0x91: {  	v3 =	vperm.xlane v3, v1  }
0x92: {  	v5, _, _ =	vpop (xrf1)  }
0x93: {  	vm5 =	vne.s32 v4, v3;
	vm4 =	veq.s32 v5, v2  }
0x94: {  	vm6 =	vlt.u32 v4, $0x80;
	vm4 =	vmand vm5, vm4  }
0x95: {  	vm4 =	vmand vm6, vm4  }
0x96: {  	v3 =	vnsel vm4, $0xFFFFFFFF, v4;
	_ =	sdelay $0x3  }
0x97: {  	s30 =	sadd.s32 $0x1E0, s28;
	(ifvalue) =	ssetifvalue $0xFFFFFFFF  }
0x98: {  	[tilespmem:s30], [sflag:$0x8] =	stream.indirect_vreg.gather [hbm4b:s1+s21], $0x1, v3, vm0, $0x4038;
	v3 =	vnsel vm6, $0xFFFFFFFE, v3;
	[tilespmem:$0x360] =	vst v63  }
0x99: {  	[tilespmem:s2+$0xFFFFFFE0] =	vst v3  }
0x9a: {  	v3 =	vld.msk [tilespmem:s2+$0xFFFFFFD0 ss:$0x1], $0xffff;
	_ =	sdelay $0x4  }
0x9b: {  	(xrf1) =	vunique.msk.u32 $0xffff, v3;
	_ =	sdelay $0xc  }
0x9c: {  	v4 =	vperm.xlane v4, v1  }
0x9d: {  	v61, _, _ =	vpop (xrf1)  }
0x9e: {  	vm5 =	vne.s32 v3, v4;
	vm4 =	veq.s32 v61, v2  }
0x9f: {  	vm14 =	vlt.u32 v3, $0x80;
	vm4 =	vmand vm5, vm4  }
0xa0: {  	vm4 =	vmand vm14, vm4  }
0xa1: {  	v62 =	vnsel vm4, $0xFFFFFFFF, v3;
	_ =	sdelay $0x3  }
0xa2: {  	s31 =	sadd.s32 $0x1D0, s28;
	(ifvalue) =	ssetifvalue $0xFFFFFFFF  }
0xa3: {  	v4 =	vnsel vm14, $0xFFFFFFFE, v62;
	[tilespmem:s31], [sflag:$0x8] =	stream.indirect_vreg.gather [hbm4b:s1+s21], $0x1, v62, vm0, $0x4038;
	[tilespmem:$0x360] =	vst v63  }
0xa4: {  	s6 =	sadd.s32 $0xFFFFFFC0, s2;
	[tilespmem:s2+$0xFFFFFFD0] =	vst v4  }
0xa5: {  	v4 =	vld.msk [tilespmem:s6+$0x0 ss:$0x1], $0xffff;
	_ =	sdelay $0x4  }
0xa6: {  	(xrf1) =	vunique.msk.u32 $0xffff, v4;
	_ =	sdelay $0xc  }
0xa7: {  	v3 =	vperm.xlane v3, v1  }
0xa8: {  	v63, _, _ =	vpop (xrf1)  }
0xa9: {  	vm5 =	vne.s32 v4, v3;
	vm4 =	veq.s32 v63, v2  }
0xaa: {  	vm15 =	vlt.u32 v4, $0x80;
	vm4 =	vmand vm5, vm4  }
0xab: {  	vm4 =	vmand vm15, vm4  }
0xac: {  	v3 =	vnsel vm4, $0xFFFFFFFF, v4;
	_ =	sdelay $0x2  }
0xad: {  	s0 =	sshrl.u32 s0, $0x3  }
0xae: {  	s23 =	sadd.s32 $0x1C0, s28;
	(ifvalue) =	ssetifvalue $0xFFFFFFFF;
	s30 =	rddreg [dreg:$0x2]  }
0xaf: {  	[tilespmem:s23], [sflag:$0x8] =	stream.indirect_vreg.gather [hbm4b:s1+s21], $0x1, v3, vm0, $0x4038;
	v3 =	vnsel vm15, $0xFFFFFFFE, v3;
	[tilespmem:$0x360] =	vst v63  }
0xb0: {  	s31 =	sadd.s32 $0x240, s28;
	s0 =	sadd.s32 s30, s0;
	[tilespmem:s2+$0xFFFFFFC0] =	vst v3  }
0xb1: {  	[tilespmem:s31], [sflag:$0x8] =	stream.linear.gather [hbm:s0], $0x40, $0x38;
	[tilespmem:$0x360] =	vst v63  }
.LBB3_3:
0xb2: {  	p0 =	slt.u32 s25, $0x2  }
0xb3: {  	p1 =	sge.u32 @!p0 s25, s10  }
0xb4: {  	p0 =	por p0, p1  }
.Ltmp8:
0xb5: {  	_ = 	snop;
	(pc) =	sbr.rel @p0 .LBB3_5-.Ltmp8, $1  }
0xb6: {  	_ =	sdelay $0x3  }
0xb7: {  	s0 =	smulhi.u32 $0xAAAAAAAB, s18;
	_ =	sdelay $0x1  }
0xb8: {  	s0 =	sshrl.u32 s0, $0x1  }
0xb9: {  	s0 =	smul.u32 $0x300, s0;
	_ =	sdelay $0x1  }
0xba: {  	p0 =	sne.s32 s16, s25;
	s2 =	ssub.s32 $0xFFFFFE00, s0  }
0xbb: {  	_ =	swait.ge [sflag:s8], $0x80;
	s0 =	sshra.s32 @!p0 s2, $0x2  }
0xbc: {  	[sflag:s8] =	ssyncset.done $0x0;
	s0 =	sadd.s32 @!p0 s0, s17  }
0xbd: {  	s28 =	simm.s32 @!p0 $0x1;
	[sflag:s8] =	ssyncadd.s32 $0xFFFFFF80;
	s0 =	sadd.s32 @!p0 $0x3F, s0  }
0xbe: {  	[spmem:s12] =	stream.linear.scatter @!p0 [tilespmem:s0], [sflag:$0x1], $0x1, $0x38;
	[tilespmem:$0x360] =	vst v63  }
0xbf: {  	_ =	swait.ge @!p0 [sflag:s28], $0x1  }
0xc0: {  	[sflag:s28] =	ssyncset.done @!p0 $0x0  }
0xc1: {  	s29 =	sand.u32 $0x10, s24;
	[sflag:s28] =	ssyncadd.s32 @!p0 $0xFFFFFFFF  }
0xc2: {  	s23 =	sxor.u32 $0x10, s29;
	v3 =	vld [tilespmem:s29+$0x10]  }
0xc3: {  	v4 =	vld [tilespmem:s23+$0x60]  }
0xc4: {  	v5 =	vld [tilespmem:$0x80];
	_ =	sdelay $0x2  }
0xc5: {  	(v2sf) =	vpush v3, $0x0  }
0xc6: {  	(v2sf) =	vpush v4, $0x0  }
0xc7: {  	(v2sf) =	vpush v5, $0x0;
	_ =	sdelay $0xc  }
0xc8: {  	s6 =	spop (v2sf)  }
0xc9: {  	s30 =	spop (v2sf)  }
0xca: {  	s31 =	spop (v2sf)  }
0xcb: {  	p1 =	seq.s32 s6, s30;
	p2 =	seq.s32 s31, s6  }
0xcc: {  	p2 =	por p1, p2  }
0xcd: {  	v3 =	vpsel p2, $0xFFFFFFFF, v3  }
0xce: {  	s30 =	sxor.u32 $0xFFFFFFFF, s19;
	[tilespmem:s29+$0x10] =	vst.msk $0x1, v3  }
0xcf: {  	s0 =	sand.u32 $0x40, s30;
	v3 =	vld [tilespmem:$0x30]  }
0xd0: {  	v49 =	vld [tilespmem:s0+$0x240]  }
0xd1: {  	v6 =	vld [tilespmem:s29+$0x40];
	_ =	sdelay $0x3  }
0xd2: {  	vm4 =	vmmov vm1;
	v4 =	vadd.f32 v49, v3  }
0xd3: {  	vm5 =	vmmov vm2;
	vm4 =	vmmov @p1 vm2;
	s6 =	sshrl.u32 s0, $0x2;
	v3 =	vadd.f32 v6, v3  }
0xd4: {  	vm5 =	vmmov @p2 vm1;
	s30 =	sor.u32 $0x340, s6;
	[tilespmem:s0+$0x240] =	vst.msk vm4, v4  }
0xd5: {  	[tilespmem:s30+$0x0] =	vst.msk vm5, v3  }
0xd6: {  	v3 =	vld [tilespmem:s0+$0x1F0];
	_ =	sdelay $0x4  }
0xd7: {  	v3 =	vshift.insert v3, v0, s22  }
0xd8: {  	s6 =	sor.u32 $0x40, s23  }
0xd9: {  	s2 =	sshra.s32 s2, $0x2;
	[tilespmem:s6+$0x0] =	vst.msk $0x1, v3  }
0xda: {  	s2 =	sadd.s32 s2, s17;
	[tilespmem:s0+$0x1FF] =	vst.msk $0x1, v0  }
0xdb: {  	v3 =	vld [tilespmem:s2+$0x30];
	_ =	sdelay $0x4  }
0xdc: {  	v3 =	vshift.insert v3, v1, s22;
	_ =	sdelay $0x1  }
0xdd: {  	[tilespmem:s23+$0x10] =	vst.msk $0x1, v3  }
0xde: {  	v4 =	vld [tilespmem:s0+$0x240]  }
0xdf: {  	v50 =	vld [tilespmem:s2+$0x0];
	_ =	sdelay $0x3  }
0xe0: {  	v4 =	vadd.f32 $0.0e+00, v4  }
0xe1: {  	vm5 =	vne.s32 v50, $0xFFFFFFFF  }
0xe2: {  	(xrf2) =	vadd.seg.scan.f32 vm5, v4;
	_ =	sdelay $0x3  }
0xe3: {  	v51 =	vperm.xlane v3, v1  }
0xe4: {  	v7 =	vld [tilespmem:s0+$0x1C0]  }
0xe5: {  	vm4 =	veq.s32 v50, v5;
	vm6 =	veq.s32 v50, v51  }
0xe6: {  	vm7 =	vgt.u32 v50, $0xFFFFFFFD;
	vm6 =	vmor vm6, vm4  }
0xe7: {  	vm6 =	vmor vm6, vm7  }
0xe8: {  	v6 =	vsel vm6, $0xFFFFFFFF, v50  }
0xe9: {  	v7 =	vsel vm4, $0x0, v7;
	v8, _, _ =	vpop (xrf2)  }
0xea: {  	v7 =	vadd.f32 v8, v7  }
0xeb: {  	v9 =	vld [tilespmem:$0xA0]  }
0xec: {  	s23 =	sadd.s32 $0x2C0, s0;
	v10 =	vld [tilespmem:$0x90];
	[tilespmem:s0+$0x2C0] =	vst v7;
	(ifvalue) =	ssetifvalue $0xFFFFFFFF  }
0xed: {  	[hbm4b:s1+s21] =	stream.indirect_vreg.scatter [tilespmem:s23], [sflag:$0x2], $0x1, v6, vm0, $0x4038;
	[tilespmem:$0x360] =	vst v63  }
0xee: {  	v6 =	vld [tilespmem:s0+$0x250]  }
0xef: {  	vm5 =	vmand vm5, vm3;
	v52 =	vld [tilespmem:s2+$0x10]  }
0xf0: {  	v11 =	vsel vm5, $0x0, v8  }
0xf1: {  	v11 =	vshift.insert v11, v0, s22;
	_ =	sdelay $0x1  }
0xf2: {  	v6 =	vadd.f32 v6, v11  }
0xf3: {  	vm12 =	vne.s32 v52, $0xFFFFFFFF  }
0xf4: {  	(xrf2) =	vadd.seg.scan.f32 vm12, v6;
	_ =	sdelay $0x4  }
0xf5: {  	v53 =	vld [tilespmem:s0+$0x1D0]  }
0xf6: {  	vm5 =	veq.s32 v52, v5;
	vm13 =	veq.s32 v52, v51  }
0xf7: {  	vm8 =	vgt.u32 v52, $0xFFFFFFFD;
	vm7 =	vmor vm13, vm5  }
0xf8: {  	vm7 =	vmor vm7, vm8  }
0xf9: {  	v7 =	vsel vm7, $0xFFFFFFFF, v52  }
0xfa: {  	v6 =	vsel vm5, $0x0, v53;
	v54, _, _ =	vpop (xrf2)  }
0xfb: {  	v6 =	vadd.f32 v54, v6;
	_ =	sdelay $0x1  }
0xfc: {  	s23 =	sadd.s32 $0x2D0, s0;
	[tilespmem:s0+$0x2D0] =	vst v6;
	(ifvalue) =	ssetifvalue $0xFFFFFFFF  }
0xfd: {  	[hbm4b:s1+s21] =	stream.indirect_vreg.scatter [tilespmem:s23], [sflag:$0x2], $0x1, v7, vm0, $0x4038;
	[tilespmem:$0x360] =	vst v63  }
0xfe: {  	v55 =	vld [tilespmem:s0+$0x260]  }
0xff: {  	vm6 =	vmand vm12, vm3;
	v7 =	vld [tilespmem:s2+$0x20]  }
0x100: {  	v12 =	vsel vm6, $0x0, v54  }
0x101: {  	v12 =	vshift.insert v12, v0, s22;
	_ =	sdelay $0x1  }
0x102: {  	v6 =	vadd.f32 v55, v12  }
0x103: {  	vm14 =	vne.s32 v7, $0xFFFFFFFF  }
0x104: {  	(xrf2) =	vadd.seg.scan.f32 vm14, v6;
	_ =	sdelay $0x4  }
0x105: {  	v56 =	vld [tilespmem:s0+$0x1E0]  }
0x106: {  	vm6 =	veq.s32 v7, v5;
	vm15 =	veq.s32 v7, v51  }
0x107: {  	vm9 =	vgt.u32 v7, $0xFFFFFFFD;
	vm8 =	vmor vm15, vm6  }
0x108: {  	vm8 =	vmor vm8, vm9  }
0x109: {  	v7 =	vsel vm8, $0xFFFFFFFF, v7  }
0x10a: {  	v6 =	vsel vm6, $0x0, v56;
	v57, _, _ =	vpop (xrf2)  }
0x10b: {  	v6 =	vadd.f32 v57, v6;
	_ =	sdelay $0x1  }
0x10c: {  	s23 =	sadd.s32 $0x2E0, s0;
	[tilespmem:s0+$0x2E0] =	vst v6;
	(ifvalue) =	ssetifvalue $0xFFFFFFFF  }
0x10d: {  	[hbm4b:s1+s21] =	stream.indirect_vreg.scatter [tilespmem:s23], [sflag:$0x2], $0x1, v7, vm0, $0x4038;
	[tilespmem:$0x360] =	vst v63  }
0x10e: {  	v58 =	vld [tilespmem:s0+$0x270]  }
0x10f: {  	vm7 =	vmand vm14, vm3;
	v7 =	vld [tilespmem:s2+$0x30]  }
0x110: {  	v13 =	vsel vm7, $0x0, v57  }
0x111: {  	v13 =	vshift.insert v13, v0, s22;
	_ =	sdelay $0x1  }
0x112: {  	v6 =	vadd.f32 v58, v13  }
0x113: {  	vm11 =	vne.s32 v7, $0xFFFFFFFF  }
0x114: {  	(xrf2) =	vadd.seg.scan.f32 vm11, v6;
	_ =	sdelay $0x4  }
0x115: {  	v59 =	vld [tilespmem:s0+$0x1F0]  }
0x116: {  	vm12 =	veq.s32 v7, v5;
	vm13 =	veq.s32 v7, v51  }
0x117: {  	vm14 =	vgt.u32 v7, $0xFFFFFFFD;
	vm8 =	vmor vm13, vm12  }
0x118: {  	vm8 =	vmor vm8, vm14  }
0x119: {  	v60 =	vsel vm8, $0xFFFFFFFF, v7  }
0x11a: {  	v6 =	vsel vm12, $0x0, v59;
	v61, _, _ =	vpop (xrf2)  }
0x11b: {  	v6 =	vadd.f32 v61, v6;
	_ =	sdelay $0x1  }
0x11c: {  	s6 =	sadd.s32 $0x2F0, s0;
	[tilespmem:s0+$0x2F0] =	vst v6;
	(ifvalue) =	ssetifvalue $0xFFFFFFFF  }
0x11d: {  	[hbm4b:s1+s21] =	stream.indirect_vreg.scatter [tilespmem:s6], [sflag:$0x2], $0x1, v60, vm0, $0x4038;
	[tilespmem:$0x360] =	vst v63  }
0x11e: {  	v4 =	vld [tilespmem:s0+$0x2F0];
	_ =	sdelay $0x2  }
0x11f: {  	vm15 =	veq.s32 v9, $0x1  }
0x120: {  	v62 =	vsel vm4, v8, v10;
	vm4 =	vmor vm15, vm4  }
0x121: {  	vm4 =	vmor vm4, vm5;
	v6 =	vsel vm5, v54, v62;
	v4 =	vshift.insert v4, v0, s22  }
0x122: {  	vm4 =	vmor vm4, vm6;
	s23 =	simm.s32 $0x30;
	v6 =	vsel vm6, v57, v6  }
0x123: {  	vm4 =	vmor vm4, vm12;
	v5 =	vsel vm12, v61, v6;
	[tilespmem:s23+$0x0] =	vst.msk $0x1, v4  }
0x124: {  	v63 =	vsel vm4, $0x1, v1;
	[tilespmem:$0x90] =	vst v5  }
0x125: {  	s0 =	sadd.s32 @!p0 $0x2FF, s0;
	[tilespmem:$0xA0] =	vst v63  }
0x126: {  	[spmem:s13] =	stream.linear.scatter @!p0 [tilespmem:s0], [sflag:$0x1], $0x1, $0x38;
	[tilespmem:$0x360] =	vst v63  }
0x127: {  	v4 =	vmctz.xlane @!p0 vm4;
	_ =	swait.ge @!p0 [sflag:s28], $0x1  }
0x128: {  	(v2sf) =	vpush @!p0 v3, $0x0  }
0x129: {  	(v2sf) =	vpush @!p0 v4, $0x0;
	_ =	sdelay $0xd  }
0x12a: {  	s0 =	spop @!p0 (v2sf)  }
0x12b: {  	s2 =	spop @!p0 (v2sf)  }
0x12c: {  	p1 =	sne.s32 @!p0 s31, s0;
	p2 =	slt.s32 @!p0 s2, $0xF  }
0x12d: {  	[sflag:s28] =	ssyncset.done @!p0 $0x0;
	p1 =	por p1, p0;
	p2 =	por !p2, p0  }
0x12e: {  	[sflag:s28] =	ssyncadd.s32 @!p0 $0xFFFFFFFF;
	v3 =	vimm.s32 @!p1 $0xFFFFFFFF;
	s2 =	simm.s32 @p2 $0xF  }
0x12f: {  	[tilespmem:$0x80] =	vst @!p1 v3;
	s0 =	sadd.s32 @!p0 $0x90, s2  }
0x130: {  	[spmem:s11] =	stream.linear.scatter @!p0 [tilespmem:s0], [sflag:$0x1], $0x1, $0x38;
	[tilespmem:$0x360] =	vst v63  }
0x131: {  	_ =	swait.ge @!p0 [sflag:s28], $0x1  }
0x132: {  	[sflag:s28] =	ssyncset.done @!p0 $0x0  }
0x133: {  	s0 =	simm.s32 @!p0 $0x80;
	[sflag:s28] =	ssyncadd.s32 @!p0 $0xFFFFFFFF  }
0x134: {  	[spmem:s14] =	stream.linear.scatter @!p0 [tilespmem:s0], [sflag:$0x1], $0x1, $0x38;
	[tilespmem:$0x360] =	vst v63  }
0x135: {  	_ =	swait.ge @!p0 [sflag:s28], $0x1  }
0x136: {  	[sflag:s28] =	ssyncset.done @!p0 $0x0  }
0x137: {  	[sflag:s28] =	ssyncadd.s32 @!p0 $0xFFFFFFFF;
	(ifvalue) =	ssetifvalue $0xFFFFFFFF;
	v3 =	vld [tilespmem:s29+$0x10];
	_ =	sdelay $0x3  }
.Ltmp9:
0x138: {  	_ = 	snop;
	(pc) =	sbr.rel .LBB3_5-.Ltmp9, $3  }
0x139: {  	_ =	sdelay $0x1  }
0x13a: {  	(ifvalue) =	ssetifvalue $0xFFFFFFFF  }
0x13b: {  	[hbm4b:s1+s21] =	stream.indirect_vreg.scatter [tilespmem:s30], [sflag:$0x9], $0x1, v3, vm0, $0x4038;
	[tilespmem:$0x360] =	vst v63  }
.LBB3_6:
0x13c: {  	_ =	sfence.sel $0x180000  }
0x13d: {  	s0 =	simm.s32 $0x7;
	[bflag:$0x0] =	sbarrier.arrive $0xFFFF  }
0x13e: {  	s26 =	simm.s32 $0x8;
	[sflag:s0] =	ssyncpa.u1 $0x1  }
0x13f: {  	s28 =	simm.s32 $0x9;
	[sflag:s26] =	ssyncpa.u1 $0x1  }
0x140: {  	[sflag:s28] =	ssyncpa.u1 $0x1  }
0x141: {  	_ =	sfence.stream.spmem  }
0x142: {  	s29 =	simm.s32 $0x3;
	[bflag:$0x0] =	sbarrier.arrive $0xFFFF  }
0x143: {  	s30 =	simm.s32 $0x4;
	[sflag:s29] =	ssyncpa.u1 $0x1  }
0x144: {  	s31 =	simm.s32 $0x3C;
	s2 =	stileid.u32;
	[sflag:s30] =	ssyncpa.u1 $0x1  }
0x145: {  	p0 =	sne.s32 s2, $0x0;
	[sflag:s31] =	ssyncpa.u1 $0x1  }
0x146: {  	s0 =	simm.s32 @p0 $0x1;
	_ =	sfence @p0  }
0x147: {  	[sflag:s0] =	ssyncpa.u1 @p0 $0x1;
	s0 =	simm.s32 @p0 $0x2  }
0x148: {  	[sflag:s0] =	ssyncpa.u1 @p0 $0x1  }
0x149: {  	_ =	strace @p0 $0x9000005F  }
0x14a: {  	[bflag:$0x2] =	sbarrier.arrive @p0 $0xFFFF  }
0x14b: {  	_ =	shalt @p0  }
.LBB3_7:
0x14c: {  	_ =	sfence.stream.spmem;
	s3 =	simm.s32 $0x5  }
0x14d: {  	s0 =	simm.s32 $0x80;
	s2 =	simm.s32 $0xC0;
	[sflag:s3] =	ssyncpa.u1 $0x0  }
0x14e: {  	[tilespmem:s2], [sflag:$0x5] =	stream.linear.gather [spmem:s0], $0x20, $0x38;
	[tilespmem:$0x360] =	vst v63  }
0x14f: {  	s0 =	simm.s32 $0x0;
	s2 =	simm.s32 $0xE0  }
0x150: {  	[tilespmem:s2], [sflag:$0x5] =	stream.linear.gather [spmem:s0], $0x20, $0x38;
	[tilespmem:$0x360] =	vst v63  }
.Ltmp10:
0x151: {  	_ = 	snop;
	(pc) =	sbr.rel .LBB3_8-.Ltmp10, $4  }
0x152: {  	_ =	swait.ge [sflag:s3], $0x40  }
0x153: {  	[sflag:s3] =	ssyncset.done $0x0  }
0x154: {  	s31 =	simm.s32 $0x6;
	[sflag:s3] =	ssyncadd.s32 $0xFFFFFFC0  }
0x155: {  	s3 =	simm.s32 $0x0;
	[sflag:s31] =	ssyncpa.u1 $0x0  }
.LBB3_13:
0x156: {  	p0 =	sgt.u32 s4, $0x7F  }
0x157: {  	s5 =	sshrl.u32 @!p0 s4, $0x3  }
0x158: {  	s4 =	sand.u32 @!p0 $0x7, s4;
	s6 =	simm.s32 @!p0 $0xB0;
	s5 =	sadd.s32 @!p0 s1, s5  }
0x159: {  	[tilespmem:s6], [sflag:$0x6] =	stream.linear.gather @!p0 [hbm4b:s5+s4], $0x1, $0x38;
	[tilespmem:$0x360] =	vst v63  }
0x15a: {  	s4 =	simm.s32 @!p0 $0x6  }
0x15b: {  	_ =	swait.ge @!p0 [sflag:s4], $0x1  }
0x15c: {  	[sflag:s4] =	ssyncset.done @!p0 $0x0  }
0x15d: {  	[sflag:s4] =	ssyncadd.s32 @!p0 $0xFFFFFFFF  }
0x15e: {  	v2 =	vmov @!p0 s3;
	v1 =	vld.msk @!p0 [tilespmem:$0xB0], $0x1;
	_ =	sdelay $0x3  }
0x15f: {  	s4 =	simm.s32 @!p0 $0xE0  }
0x160: {  	[tilespmem:v2+s4+$0x0], v1 =	vst.idx.ret.add.f32.msk @!p0 $0x1, v1  }
0x161: {  	[tilespmem:s0+$0xC0] =	vst.msk $0x1, v0  }
0x162: {  	v0 =	vld.msk [tilespmem:s3+$0xE0], $0x1;
	_ =	sdelay $0x4  }
0x163: {  	[tilespmem:s0+$0xE0] =	vst.msk $0x1, v0;
	s0 =	sadd.s32 $0x1, s0  }
.LBB3_15:
0x164: {  	s3 =	sadd.s32 $0x1, s3  }
0x165: {  	p0 =	sne.s32 s3, $0x20  }
.Ltmp11:
0x166: {  	_ = 	snop;
	(pc) =	sbr.rel @!p0 .LBB3_16-.Ltmp11, $1  }
0x167: {  	_ =	sdelay $0x3  }
.LBB3_8:
0x168: {  	v0 =	vld.msk [tilespmem:s3+$0xC0], $0x1;
	_ =	sdelay $0x4  }
0x169: {  	(v2sf) =	vpush v0, $0x0;
	_ =	sdelay $0xe  }
0x16a: {  	s4 =	spop (v2sf)  }
0x16b: {  	p0 =	seq.s32 s4, $0xFFFFFFFF  }
.Ltmp12:
0x16c: {  	_ = 	snop;
	(pc) =	sbr.rel @p0 .LBB3_15-.Ltmp12, $1  }
0x16d: {  	_ =	sdelay $0x3  }
0x16e: {  	p0 =	slt.s32 s0, $0x1  }
.Ltmp13:
0x16f: {  	_ = 	snop;
	(pc) =	sbr.rel @p0 .LBB3_13-.Ltmp13, $1  }
0x170: {  	_ =	sdelay $0x3  }
0x171: {  	s5 =	simm.s32 $0xC0;
	p0 =	por $0x0, $0x0  }
0x172: {  	v1 =	vld.msk @!p0 [tilespmem:s5+$0x0], $0x1;
	_ =	sdelay $0x4  }
0x173: {  	(v2sf) =	vpush @!p0 v1, $0x0;
	_ =	sdelay $0xd  }
0x174: {  	p2 =	sne.s32 s0, $0x1  }
.Ltmp14:
0x175: {  	s6 =	spop @!p0 (v2sf);
	(pc) =	sbr.rel @!p2 .LBB3_12-.Ltmp14, $4  }
0x176: {  	p1 =	seq.s32 @!p0 s4, s6  }
0x177: {  	s6 =	simm.s32 $0x0;
	p1 =	por !p1, p0  }
0x178: {  	s8 =	simm.s32 $0xFFFFFFFF;
	s6 =	simm.s32 @p1 $0xFFFFFFFF  }
0x179: {  	s7 =	simm.s32 $0x1;
	s6 =	smov.u32 @p0 s8  }
.LBB3_11:
0x17a: {  	s8 =	smov.u32 s6;
	p0 =	sne.s32 s6, $0xFFFFFFFF  }
0x17b: {  	s5 =	sadd.s32 $0x1, s5;
	s6 =	smov.u32 s7;
	s7 =	sadd.s32 $0x1, s7  }
0x17c: {  	p1 =	sne.s32 s0, s7;
	v1 =	vld.msk @!p0 [tilespmem:s5+$0x0], $0x1;
	_ =	sdelay $0x4  }
0x17d: {  	(v2sf) =	vpush @!p0 v1, $0x0;
	_ =	sdelay $0xe  }
.Ltmp15:
0x17e: {  	s9 =	spop @!p0 (v2sf);
	(pc) =	sbr.rel @p1 .LBB3_11-.Ltmp15, $4  }
0x17f: {  	p2 =	seq.s32 @!p0 s4, s9  }
0x180: {  	p2 =	por !p2, p0  }
0x181: {  	s6 =	simm.s32 @p2 $0xFFFFFFFF  }
0x182: {  	s6 =	smov.u32 @p0 s8  }
.LBB3_12:
0x183: {  	p0 =	sne.s32 s6, $0xFFFFFFFF  }
.Ltmp16:
0x184: {  	_ = 	snop;
	(pc) =	sbr.rel @!p0 .LBB3_13-.Ltmp16, $1  }
0x185: {  	_ =	sdelay $0x3  }
0x186: {  	v0 =	vld.msk [tilespmem:s3+$0xE0], $0x1;
	v1 =	vmov s6  }
.Ltmp17:
0x187: {  	_ = 	snop;
	(pc) =	sbr.rel .LBB3_15-.Ltmp17, $2  }
0x188: {  	_ =	sdelay $0x2  }
0x189: {  	[tilespmem:v1+s2+$0x0], v0 =	vst.idx.ret.add.f32.msk $0x1, v0  }
.LBB3_16:
0x18a: {  	p0 =	slt.s32 s0, $0x1  }
.Ltmp18:
0x18b: {  	_ = 	snop;
	(pc) =	sbr.rel @p0 .LBB3_20-.Ltmp18, $3  }
0x18c: {  	_ =	sdelay $0x1  }
0x18d: {  	s2 =	simm.s32 $0x6  }
0x18e: {  	[sflag:s2] =	ssyncpa.u1 $0x1;
	s2 =	simm.s32 $0x0  }
0x18f: {  	s3 =	simm.s32 $0xC0  }
0x190: {  	v0 =	vld.msk [tilespmem:s3+$0x0], $0x1;
	_ =	sdelay $0x4  }
0x191: {  	(v2sf) =	vpush v0, $0x0;
	_ =	sdelay $0xe  }
0x192: {  	s0 =	sadd.s32 $0xFFFFFFFF, s0;
	s4 =	spop (v2sf)  }
0x193: {  	p1 =	sne.s32 s0, $0x0;
	p0 =	sgt.u32 s4, $0x7F  }
.Ltmp19:
0x194: {  	s5 =	sshrl.u32 @!p0 s4, $0x3;
	(pc) =	sbr.rel @!p1 .LBB3_19-.Ltmp19, $4  }
0x195: {  	s3 =	simm.s32 $0xE0;
	s4 =	sand.u32 @!p0 $0x7, s4;
	s5 =	sadd.s32 @!p0 s1, s5  }
0x196: {  	[hbm4b:s5+s4] =	stream.linear.scatter @!p0 [tilespmem:s3], [sflag:$0x5], $0x1, $0x38;
	[tilespmem:$0x360] =	vst v63  }
0x197: {  	s5 =	simm.s32 $0x0  }
0x198: {  	s4 =	simm.s32 $0xC1;
	s5 =	simm.s32 @!p0 $0x4  }
.LBB3_18:
0x199: {  	v0 =	vld.msk [tilespmem:s4+$0x0], $0x1;
	s0 =	sadd.s32 $0xFFFFFFFF, s0;
	s2 =	sadd.s32 s2, s5  }
0x19a: {  	p0 =	sne.s32 s0, $0x0;
	_ =	sdelay $0x3  }
0x19b: {  	(v2sf) =	vpush v0, $0x0;
	_ =	sdelay $0xe  }
.Ltmp20:
0x19c: {  	s6 =	spop (v2sf);
	(pc) =	sbr.rel @p0 .LBB3_18-.Ltmp20, $4  }
0x19d: {  	s5 =	simm.s32 $0x0;
	p1 =	sgt.u32 s6, $0x7F  }
0x19e: {  	s3 =	sadd.s32 $0x1, s3;
	s5 =	simm.s32 @!p1 $0x4;
	s7 =	sshrl.u32 @!p1 s6, $0x3  }
0x19f: {  	s4 =	sadd.s32 $0x1, s4;
	s6 =	sand.u32 @!p1 $0x7, s6;
	s7 =	sadd.s32 @!p1 s1, s7  }
0x1a0: {  	[hbm4b:s7+s6] =	stream.linear.scatter @!p1 [tilespmem:s3], [sflag:$0x5], $0x1, $0x38;
	[tilespmem:$0x360] =	vst v63  }
.LBB3_19:
0x1a1: {  	s0 =	sadd.s32 s2, s5  }
0x1a2: {  	s2 =	sshrl.u32 s0, $0x2  }
.LBB3_20:
0x1a3: {  	s0 =	simm.s32 $0x5  }
0x1a4: {  	_ =	swait.ge [sflag:s0], s2  }
0x1a5: {  	s1 =	ssub.s32 $0x0, s2;
	[sflag:s0] =	ssyncset.done $0x0  }
0x1a6: {  	[sflag:s0] =	ssyncadd.s32 s1  }
0x1a7: {  	[sflag:s0] =	ssyncpa.u1 $0x1  }
0x1a8: {  	s29 =	simm.s32 $0x1;
	_ =	sfence  }
0x1a9: {  	s30 =	simm.s32 $0x2;
	[sflag:s29] =	ssyncpa.u1 $0x1  }
0x1aa: {  	[sflag:s30] =	ssyncpa.u1 $0x1  }
0x1ab: {  	_ =	strace $0x9000005F  }
0x1ac: {  	[bflag:$0x2] =	sbarrier.arrive $0xFFFF  }
0x1ad: {  	s31 =	rddreg [dreg:$0x1]  }
0x1ae: {  	s0 =	sadd.s32 $0x100000, s31  }
0x1af: {  	[sflag:s0] =	ssyncadd.tile.s32 $0x1;
	_ =	shalt  }
.Lfunc_end3:
_tile_overlayer_lowered:
.L_overlay_start_3:
0x1b0: {  	(tag) =	ssettag $0x3  }
0x1b1: {  	s0 =	rddreg [dreg:$0x0];
	s2 =	stileid.u32  }
0x1b2: {  	s1 =	rddreg [dreg:$0x1];
	p0 =	sne.s32 s2, $0x0  }
0x1b3: {  	s3 =	rddreg [dreg:$0x2];
	[bflag:$0x3] =	sbarrier.arrive $0xFFFF;
	s2 =	simm.s32 @!p0 $0x1C01  }
0x1b4: {  	[timem:s3], [sflag:s2] =	dma.local @!p0 [hbm:s0], s1  }
0x1b5: {  	s0 =	simm.s32 @!p0 $0x1  }
0x1b6: {  	_ =	swait.ge @!p0 [sflag:s0], s1  }
0x1b7: {  	s1 =	ssub.s32 @!p0 $0x0, s1;
	[sflag:s0] =	ssyncset.done @!p0 $0x0  }
0x1b8: {  	[sflag:s0] =	ssyncadd.s32 @!p0 s1  }
0x1b9: {  	[bflag:$0x3] =	sbarrier.arrive $0xFFFF  }
0x1ba: {  	_ =	shalt  }

// kernel: scatter_offload_async_start.12
scs
__scs_entry_jumppad:
0x0: {  	(pc) =	sbr.rel $0x88, $3  }
0x1: {  	(tag) =	ssettag $0x0;
	lr =	simm.s32 $0x1  }
0x2: {  	[smem:$0x3F9B] =	sst lr;
	_ =	strace $0xD0000000  }
0x3: {  	_ = 	snop  }
0x4: {  	_ = 	snop  }
0x5: {  	_ = 	snop  }
0x6: {  	_ = 	snop  }
0x7: {  	_ = 	snop  }
__scs_overlays_trampoline_lowered:
0x8: {  	[smem:$0x3FAA] =	sst s0  }
0x9: {  	[smem:$0x3FAB] =	sst s1  }
0xa: {  	[smem:$0x3FAC] =	sst s2  }
0xb: {  	[smem:$0x3FAD] =	sst s3  }
0xc: {  	[smem:$0x3FAE] =	sst s4  }
0xd: {  	[smem:$0x3FAF] =	sst s5  }
0xe: {  	[smem:$0x3FB0] =	sst s6  }
0xf: {  	[smem:$0x3FB1] =	sst s7  }
0x10: {  	[smem:$0x3FB2] =	sst s8  }
0x11: {  	[smem:$0x3FB3] =	sst s9;
	s0 =	simm.s32 @!p0 $0x0  }
0x12: {  	s1 =	sld [smem:$0x3F99];
	s0 =	simm.s32 @p0 $0x1  }
0x13: {  	[smem:$0x3FB4] =	sst s0;
	s0 =	simm.s32 @!p1 $0x0  }
0x14: {  	s2 =	sld [smem:$0x3F98];
	s0 =	simm.s32 @p1 $0x1  }
0x15: {  	[smem:$0x3FB5] =	sst s0;
	s0 =	simm.s32 @!p2 $0x0  }
0x16: {  	s3 =	sld [smem:$0x3FDB];
	s0 =	simm.s32 @p2 $0x1  }
0x17: {  	s4 =	simm.s32 $0x1BF5;
	[smem:$0x3FB7] =	sst s0  }
0x18: {  	s0 =	sld [smem:$0x3F9A];
	_ =	swait.ge [sflag:s4], $0x0  }
0x19: {  	s7 =	sld [smem:$0x3F9B]  }
0x1a: {  	s8 =	sadd.s32 $0xFFFFE003, lr  }
0x1b: {  	s9 =	sadd.s32 $0xFFFFFEF7, lr;
	s5 =	simm.s32 $0xFFFFFFFF;
	p2 =	slt.u32 s8, $0xFFFFF086  }
0x1c: {  	p1 =	slt.u32 s9, $0xF7A;
	s5 =	simm.s32 @!p2 $0x0  }
0x1d: {  	s5 =	simm.s32 @p1 $0x1;
	p0 =	seq.s32 s7, s2  }
0x1e: {  	s7 =	smul.u32 @!p0 $0xF7A, s2;
	p2 =	seq.s32 @!p0 s5, $0x0  }
0x1f: {  	s9 =	smul.u32 $0xF7A, s1;
	s8 =	simm.s32 @!p0 $0x1BF5;
	p2 =	por !p2, p0  }
0x20: {  	[sflag:s8] =	ssyncset.s32 @!p0 $0xFFFFF086;
	s6 =	sadd.s32 @!p0 s3, s7;
	s7 =	simm.s32 @!p0 $0x108  }
0x21: {  	s3 =	sadd.s32 s3, s9;
	s6 =	sadd.s32 @!p0 $0x88, s6;
	s7 =	simm.s32 @p2 $0x1082  }
0x22: {  	[simem:s7], [sflag:s8] =	dma.local @!p0 [hbm:s6], $0xF7A  }
0x23: {  	s9 =	sor.u32 $0xD0000000, s2;
	s6 =	simm.s32 $0x108;
	_ =	swait.ge @!p0 [sflag:s8], $0x0  }
0x24: {  	s3 =	sadd.s32 $0x88, s3;
	s6 =	simm.s32 @!p1 $0x1082;
	[sflag:s4] =	ssyncset.s32 $0xFFFFF086  }
0x25: {  	[simem:s6], [sflag:s4] =	dma.local [hbm:s3], $0xF7A  }
0x26: {  	[smem:$0x3F9B] =	sst s1;
	(tag) =	ssettag s2;
	_ =	strace s9  }
0x27: {  	s1 =	sld [smem:$0x3FAB]  }
0x28: {  	s2 =	sld [smem:$0x3FAC]  }
0x29: {  	s4 =	sld [smem:$0x3FAE]  }
0x2a: {  	p0 =	seq.s32 s5, $0x0;
	s5 =	sld [smem:$0x3FAF]  }
0x2b: {  	s6 =	sld [smem:$0x3FB0]  }
0x2c: {  	s7 =	sld [smem:$0x3FB1]  }
0x2d: {  	s3 =	simm.s32 $0x108;
	s8 =	sld [smem:$0x3FB2]  }
0x2e: {  	s3 =	simm.s32 @!p0 $0x1082;
	s9 =	sld [smem:$0x3FB3]  }
0x2f: {  	lr =	sadd.s32 s0, s3;
	s0 =	sld [smem:$0x3FAA]  }
0x30: {  	s3 =	sld [smem:$0x3FAD]  }
0x31: {  	[smem:$0x3FB6] =	sst s10  }
0x32: {  	s10 =	sld [smem:$0x3FB4];
	_ =	sdelay $0x3  }
0x33: {  	p0 =	seq.s32 s10, $0x1;
	s10 =	sld [smem:$0x3FB6];
	_ =	sdelay $0x3  }
0x34: {  	[smem:$0x3FB6] =	sst s10  }
0x35: {  	s10 =	sld [smem:$0x3FB5];
	_ =	sdelay $0x3  }
0x36: {  	p1 =	seq.s32 s10, $0x1;
	s10 =	sld [smem:$0x3FB6];
	_ =	sdelay $0x3  }
0x37: {  	[smem:$0x3FB6] =	sst s10  }
0x38: {  	s10 =	sld [smem:$0x3FB7]  }
0x39: {  	_ = 	snop;
	(pc) =	sbr.ind lr, $3  }
0x3a: {  	_ = 	snop  }
0x3b: {  	_ = 	snop  }
0x3c: {  	p2 =	seq.s32 s10, $0x1;
	s10 =	sld [smem:$0x3FB6]  }
0x3d: {  	_ =	shalt  }
0x3e: {  	_ =	shalt  }
0x3f: {  	_ =	shalt  }
0x40: {  	_ =	shalt  }
0x41: {  	_ =	shalt  }
0x42: {  	_ =	shalt  }
0x43: {  	_ =	shalt  }
0x44: {  	_ =	shalt  }
0x45: {  	_ =	shalt  }
0x46: {  	_ =	shalt  }
0x47: {  	_ =	shalt  }
0x48: {  	_ =	shalt  }
0x49: {  	_ =	shalt  }
0x4a: {  	_ =	shalt  }
0x4b: {  	_ =	shalt  }
0x4c: {  	_ =	shalt  }
0x4d: {  	_ =	shalt  }
0x4e: {  	_ =	shalt  }
0x4f: {  	_ =	shalt  }
0x50: {  	_ =	shalt  }
0x51: {  	_ =	shalt  }
0x52: {  	_ =	shalt  }
0x53: {  	_ =	shalt  }
0x54: {  	_ =	shalt  }
0x55: {  	_ =	shalt  }
0x56: {  	_ =	shalt  }
0x57: {  	_ =	shalt  }
0x58: {  	_ =	shalt  }
0x59: {  	_ =	shalt  }
0x5a: {  	_ =	shalt  }
0x5b: {  	_ =	shalt  }
0x5c: {  	_ =	shalt  }
0x5d: {  	_ =	shalt  }
0x5e: {  	_ =	shalt  }
0x5f: {  	_ =	shalt  }
0x60: {  	_ =	shalt  }
0x61: {  	_ =	shalt  }
0x62: {  	_ =	shalt  }
0x63: {  	_ =	shalt  }
0x64: {  	_ =	shalt  }
0x65: {  	_ =	shalt  }
0x66: {  	_ =	shalt  }
0x67: {  	_ =	shalt  }
0x68: {  	_ =	shalt  }
0x69: {  	_ =	shalt  }
0x6a: {  	_ =	shalt  }
0x6b: {  	_ =	shalt  }
0x6c: {  	_ =	shalt  }
0x6d: {  	_ =	shalt  }
0x6e: {  	_ =	shalt  }
0x6f: {  	_ =	shalt  }
0x70: {  	_ =	shalt  }
0x71: {  	_ =	shalt  }
0x72: {  	_ =	shalt  }
0x73: {  	_ =	shalt  }
0x74: {  	_ =	shalt  }
0x75: {  	_ =	shalt  }
0x76: {  	_ =	shalt  }
0x77: {  	_ =	shalt  }
0x78: {  	_ =	shalt  }
0x79: {  	_ =	shalt  }
0x7a: {  	_ =	shalt  }
0x7b: {  	_ =	shalt  }
0x7c: {  	_ =	shalt  }
0x7d: {  	_ =	shalt  }
0x7e: {  	_ =	shalt  }
0x7f: {  	_ =	shalt  }
0x80: {  	_ =	shalt  }
0x81: {  	_ =	shalt  }
0x82: {  	_ =	shalt  }
0x83: {  	_ =	shalt  }
0x84: {  	_ =	shalt  }
0x85: {  	_ =	shalt  }
0x86: {  	_ =	shalt  }
0x87: {  	_ =	shalt  }
.Lfunc_end0:
.L_simem_size_0:
called_computation.2_lowered:
.L_overlay_start_0:
0x88: {  	s0 =	sld [smem:$0x3FD9]  }
0x89: {  	s1 =	sld [smem:$0x3FFE];
	_ =	sdelay $0x3  }
0x8a: {  	s0 =	sadd.s32 s1, s0  }
0x8b: {  	[smem:$0x3FC2] =	sst s0  }
0x8c: {  	_ = 	snop  }
0x8d: {  	(tm) =	ssettm $0x1  }
0x8e: {  	s15 =	sld [smem:$0x3FFB];
	_ =	sdelay $0x3  }
0x8f: {  	_ =	strace s15  }
0x90: {  	s0 =	sld [smem:$0x3FFC];
	_ =	sdelay $0x3  }
0x91: {  	_ =	strace s0  }
0x92: {  	s0 =	sld [smem:$0x3FFD];
	_ =	sdelay $0x3  }
0x93: {  	_ =	strace s0  }
0x94: {  	_ =	strace $0x8FFFFFFF  }
0x95: {  	s16 =	sld [smem:$0x3FDB];
	_ =	sdelay $0x1  }
0x96: {  	s17 =	simm.s32 $_scs_section_size  }
0x97: {  	s2 =	simm.s32 $_size__tile_overlayer_lowered;
	s3 =	simm.s32 $_tile_overlayer_lowered  }
0x98: {  	s20 =	simm.s32 $0x1BFF;
	s19 =	sshll.u32 s3, $0x1;
	s0 =	sadd.s32 s17, s16  }
0x99: {  	s4 =	simm.s32 $0x0;
	s18 =	sshll.u32 s2, $0x1;
	s2 =	sadd.s32 s19, s0  }
0x9a: {  	[timem:s4], [sflag:s20] =	dma.local [hbm:s2], s18  }
0x9b: {  	_ =	swait.ge [sflag:s20], s18  }
0x9c: {  	s1 =	ssub.s32 $0x0, s18;
	[sflag:s20] =	ssyncset.done $0x0  }
0x9d: {  	[sflag:s20] =	ssyncadd.s32 s1;
	_ =	sdelay $0x1  }
0x9e: {  	s21 =	simm.s32 $0x1B8B  }
0x9f: {  	_ =	swait.ge [sflag:s21], $0x1  }
0xa0: {  	[sflag:s21] =	ssyncset.done $0x0  }
0xa1: {  	s23 =	simm.s32 $0x1B8E;
	s22 =	sld [smem:$0x3FFE];
	[sflag:s21] =	ssyncadd.s32 $0xFFFFFFFF  }
0xa2: {  	s24 =	simm.s32 $execute0_lowered;
	[smem:$0x3FD2] =	sst s23  }
0xa3: {  	s2 =	sshll.u32 s24, $0x1;
	_ =	strace $0x80000067;
	[dreg:$0x1] =	wrdreg $0xFFFFFFFF  }
0xa4: {  	s25 =	simm.s32 $_size_execute0_lowered;
	s0 =	sadd.s32 s0, s2;
	[dreg:$0x0] =	wrdreg $0x0  }
0xa5: {  	s2 =	sshll.u32 s25, $0x1;
	[dreg:$0x2] =	wrdreg s0  }
0xa6: {  	[dreg:$0x3] =	wrdreg s2  }
0xa7: {  	[dreg:$0x4] =	wrdreg $0xC0  }
0xa8: {  	_ =	task [dreg:s4], $0x5FFFF  }
0xa9: {  	[dreg:$0x1] =	wrdreg $0xFFFFFFFF  }
0xaa: {  	[dreg:$0x0] =	wrdreg $0x60  }
0xab: {  	[dreg:$0x2] =	wrdreg s22  }
0xac: {  	[dreg:$0x3] =	wrdreg $0x9  }
0xad: {  	_ =	task.clear_ibuf [dreg:s4], $0x4FFFF;
	_ =	strace $0x90000067  }
0xae: {  	s26 =	simm.s32 $0x9;
	_ =	strace $0x80000069  }
0xaf: {  	_ =	swait.ge [sflag:s26], $0x1  }
0xb0: {  	[sflag:s26] =	ssyncadd.s32 $0xFFFFFFFF  }
0xb1: {  	_ =	strace $0x90000069  }
0xb2: {  	_ =	sfence  }
0xb3: {  	s28 =	sld [smem:$0x0];
	_ =	sdelay $0x1  }
0xb4: {  	s29 =	srdreg.scid  }
0xb5: {  	s30 =	sshll.u32 s29, $0xD;
	s31 =	sshrl.u32 s29, $0x2  }
0xb6: {  	s1 =	sand.u32 $0x1, s29;
	s2 =	sand.u32 $0x4000, s30;
	s0 =	sadd.s32 s31, s28  }
0xb7: {  	s1 =	sor.u32 s2, s1;
	s0 =	sshll.u32 s0, $0x11  }
0xb8: {  	s0 =	sor.u32 s0, s1  }
0xb9: {  	s0 =	sadd.s32 $0x8F2B, s0  }
0xba: {  	[sflag:s0] =	ssyncadd.remote.s32 $0x1  }
0xbb: {  	_ =	sfence.sel $0xFFFF  }
0xbc: {  	[dreg:$0x0] =	wrdreg $0xFFFFFFFF;
	(pc) =	sbr.abs _section_cstart, $3  }
0xbd: {  	[dreg:$0x1] =	wrdreg $0xFFFFFFFF  }
0xbe: {  	_ =	task.clear_ibuf [dreg:s4], $0x2FFFF;
	_ =	strace $0x9FFFFFFF  }
0xbf: {  	(tm) =	ssettm $0x7FFFFFFF  }
tec
execute0_lowered:
.L_overlay_start_1:
0x0: {  	(tag) =	ssettag $0x1  }
0x1: {  	s0 =	rddreg [dreg:$0x0];
	_ =	strace $0x80000068;
	s1 =	simm.s32 $0x1  }
0x2: {  	v1 =	vimm.s32 $0xFFFFFFFF;
	[sflag:s1] =	ssyncpa.u1 $0x0  }
0x3: {  	[tilespmem:$0x10] =	vst v1  }
0x4: {  	v0 =	vimm.f32 $0.0e+00;
	s6 =	stileid.u32;
	s30 =	simm.s32 $0x2;
	[tilespmem:$0x20] =	vst v1  }
0x5: {  	s7 =	simm.s32 $0x7;
	s8 =	simm.s32 $0x8;
	s31 =	simm.s32 $0x9;
	[tilespmem:$0x30] =	vst v0  }
0x6: {  	s17 =	simm.s32 $0x100;
	s18 =	simm.s32 $0xFFFFFFFE;
	s19 =	simm.s32 $0xFFFFFFC0;
	[tilespmem:$0x40] =	vst v0  }
0x7: {  	s20 =	simm.s32 $0xFFFFFFFF;
	s21 =	simm.s32 $0x0;
	s22 =	simm.s32 $0xF;
	[tilespmem:$0x50] =	vst v0  }
0x8: {  	s24 =	simm.s32 $0x0;
	s25 =	simm.s32 $0x0;
	p0 =	seq.s32 s6, $0xF;
	[tilespmem:$0x60] =	vst v1  }
0x9: {  	s1 =	simm.s32 $0x1C0;
	s3 =	sshll.u32 s6, $0x9;
	s4 =	sadd.s32 $0x3FA000, s0;
	[tilespmem:$0x70] =	vst v1  }
0xa: {  	s11 =	sshll.u32 s6, $0x1;
	s13 =	sshllo.u32 s6, $0x1;
	[tilespmem:$0x80] =	vst v1;
	s1 =	simm.s32 @!p0 $0x200  }
0xb: {  	v1 =	vimm.s32 $0x0;
	[tilespmem:$0xB0] =	vst v0;
	s12 =	sor.u32 $0x81, s11;
	s14 =	sor.u32 $0x80, s11;
	s2 =	sadd.s32 s3, s1  }
0xc: {  	s26 =	smov.u32 s3;
	[tilespmem:$0x90] =	vst v1;
	s1 =	sadd.s32 $0x3FCE00, s0;
	s5 =	smin.u32 s2, $0x1FC0  }
.Ltmp0:
0xd: {  	[tilespmem:$0xA0] =	vst v1;
	[sflag:s30] =	ssyncpa.u1 $0x0;
	s2 =	ssub.s32 s5, s3;
	(pc) =	sbr.rel .LBB2_1-.Ltmp0, $4  }
0xe: {  	s0 =	sadd.s32 $0x3FA400, s0;
	[sflag:s7] =	ssyncpa.u1 $0x0;
	p0 =	sgt.s32 s2, $0x0  }
0xf: {  	[dreg:$0x2] =	wrdreg s0;
	[sflag:s8] =	ssyncpa.u1 $0x0;
	s2 =	simm.s32 @!p0 $0x0  }
0x10: {  	vm0 =	vmmov $0xffff;
	v2 =	vlaneseq.u32;
	s0 =	simm.s32 $0x0;
	[sflag:s31] =	ssyncpa.u1 $0x0;
	s9 =	sshrl.u32 s2, $0x6  }
0x11: {  	vm1 =	vmxor vm1, vm1;
	vm2 =	vmmov $0x1;
	vm3 =	vcmask $0x3F3C;
	s10 =	sadd.s32 $0x2, s9;
	s15 =	sadd.s32 $0x3, s9;
	s16 =	sadd.s32 $0x1, s9  }
.LBB2_5:
0x12: {  	p0 =	slt.u32 s25, $0x3  }
0x13: {  	s0 =	simm.s32 @!p0 $0x2  }
0x14: {  	_ =	swait.ge @!p0 [sflag:s0], $0x40  }
0x15: {  	[sflag:s0] =	ssyncset.done @!p0 $0x0  }
0x16: {  	[sflag:s0] =	ssyncadd.s32 @!p0 $0xFFFFFFC0;
	s0 =	simm.s32 @!p0 $0x9  }
0x17: {  	_ =	swait.ge @!p0 [sflag:s0], $0x10  }
0x18: {  	s25 =	sadd.s32 $0x1, s25;
	[sflag:s0] =	ssyncset.done @!p0 $0x0  }
0x19: {  	[sflag:s0] =	ssyncadd.s32 @!p0 $0xFFFFFFF0;
	p0 =	sne.s32 s15, s25  }
.Ltmp1:
0x1a: {  	_ = 	snop;
	(pc) =	sbr.rel @!p0 .LBB2_6-.Ltmp1, $4  }
0x1b: {  	s2 =	sadd.s32 $0x40, s26;
	s6 =	smov.u32 s3  }
0x1c: {  	s17 =	sadd.s32 $0x40, s17;
	s18 =	sadd.s32 $0x1, s18;
	p1 =	slt.s32 s2, s5  }
0x1d: {  	s19 =	sadd.s32 $0x40, s19;
	s20 =	sadd.s32 $0x1, s20;
	s6 =	smov.u32 @p1 s2  }
0x1e: {  	s24 =	sadd.s32 $0x10, s24;
	s0 =	smov.u32 s26;
	s26 =	smov.u32 s6  }
.LBB2_1:
0x1f: {  	s2 =	smulhi.u32 $0xAAAAAAAB, s25;
	_ =	sdelay $0x1  }
0x20: {  	s2 =	sshrl.u32 s2, $0x1  }
0x21: {  	s2 =	smul.u32 $0xFFFFFD00, s2  }
0x22: {  	p0 =	sge.u32 s25, s9  }
0x23: {  	s31 =	sadd.s32 $0xFFFFFFFF, s25;
	s28 =	sshrl.u32 @!p0 s26, $0x3;
	s2 =	sshra.s32 @!p0 s2, $0x2  }
0x24: {  	s29 =	sand.u32 @!p0 $0x7, s26;
	s28 =	sadd.s32 @!p0 s4, s28;
	s2 =	sadd.s32 @!p0 s2, s17  }
0x25: {  	[tilespmem:s2], [sflag:$0x7] =	stream.linear.gather @!p0 [hbm4b:s28+s29], $0x40, $0x38;
	[tilespmem:$0x360] =	vst v63  }
0x26: {  	p0 =	sge.u32 s31, s9  }
.Ltmp2:
0x27: {  	_ = 	snop;
	(pc) =	sbr.rel @p0 .LBB2_3-.Ltmp2, $1  }
0x28: {  	_ =	sdelay $0x3  }
0x29: {  	s2 =	smulhi.u32 $0xAAAAAAAB, s20;
	_ =	sdelay $0x1  }
0x2a: {  	s2 =	sshrl.u32 s2, $0x1  }
0x2b: {  	s2 =	smul.u32 $0xFFFFFD00, s2;
	_ =	sdelay $0x1  }
0x2c: {  	_ =	swait.ge [sflag:s7], $0x40;
	s2 =	sshra.s32 s2, $0x2  }
0x2d: {  	[sflag:s7] =	ssyncset.done $0x0;
	s2 =	sadd.s32 s2, s17  }
0x2e: {  	[sflag:s7] =	ssyncadd.s32 $0xFFFFFFC0;
	(ifvalue) =	ssetifvalue $0xFFFFFFFF;
	v3 =	vld.msk [tilespmem:s2+$0xFFFFFFC0 ss:$0x1], $0xffff;
	_ =	sdelay $0x2  }
0x2f: {  	p0 =	sne.s32 s25, $0x1  }
0x30: {  	v4 =	vimm.s32 @!p0 $0x0  }
0x31: {  	v4 =	vperm.xlane @!p0 v3, v4  }
0x32: {  	vm4 =	vlt.u32 v3, $0x80  }
0x33: {  	s28 =	sand.u32 $0x10, s24;
	v3 =	vnsel vm4, $0xFFFFFFFE, v3;
	vm4 =	vlt.u32 @!p0 v4, $0x80  }
0x34: {  	[tilespmem:s28+$0x60] =	vst v3;
	v3 =	vnsel @!p0 vm4, $0xFFFFFFFE, v4  }
0x35: {  	[tilespmem:$0x80] =	vst @!p0 v3  }
0x36: {  	v3 =	vld.msk [tilespmem:s2+$0xFFFFFFF0 ss:$0x1], $0xffff;
	_ =	sdelay $0x4  }
0x37: {  	(xrf1) =	vunique.msk.u32 $0xffff, v3;
	_ =	sdelay $0xd  }
0x38: {  	v59, _, _ =	vpop (xrf1)  }
0x39: {  	vm4 =	vlt.u32 v3, $0x80;
	vm5 =	veq.s32 v59, v2  }
0x3a: {  	vm5 =	vmand vm4, vm5  }
0x3b: {  	v60 =	vnsel vm5, $0xFFFFFFFF, v3;
	_ =	sdelay $0x2  }
0x3c: {  	s28 =	sand.u32 $0x40, s19  }
0x3d: {  	s29 =	sadd.s32 $0x1F0, s28;
	(ifvalue) =	ssetifvalue $0xFFFFFFFF  }
0x3e: {  	v4 =	vnsel vm4, $0xFFFFFFFE, v60;
	[tilespmem:s29], [sflag:$0x8] =	stream.indirect_vreg.gather [hbm4b:s1+s21], $0x1, v60, vm0, $0x4038;
	[tilespmem:$0x360] =	vst v63  }
0x3f: {  	[tilespmem:s2+$0xFFFFFFF0] =	vst v4  }
0x40: {  	v4 =	vld.msk [tilespmem:s2+$0xFFFFFFE0 ss:$0x1], $0xffff;
	_ =	sdelay $0x4  }
0x41: {  	(xrf1) =	vunique.msk.u32 $0xffff, v4;
	_ =	sdelay $0xc  }
0x42: {  	v3 =	vperm.xlane v3, v1  }
0x43: {  	v5, _, _ =	vpop (xrf1)  }
0x44: {  	vm5 =	vne.s32 v4, v3;
	vm4 =	veq.s32 v5, v2  }
0x45: {  	vm6 =	vlt.u32 v4, $0x80;
	vm4 =	vmand vm5, vm4  }
0x46: {  	vm4 =	vmand vm6, vm4  }
0x47: {  	v3 =	vnsel vm4, $0xFFFFFFFF, v4;
	_ =	sdelay $0x3  }
0x48: {  	s30 =	sadd.s32 $0x1E0, s28;
	(ifvalue) =	ssetifvalue $0xFFFFFFFF  }
0x49: {  	[tilespmem:s30], [sflag:$0x8] =	stream.indirect_vreg.gather [hbm4b:s1+s21], $0x1, v3, vm0, $0x4038;
	v3 =	vnsel vm6, $0xFFFFFFFE, v3;
	[tilespmem:$0x360] =	vst v63  }
0x4a: {  	[tilespmem:s2+$0xFFFFFFE0] =	vst v3  }
0x4b: {  	v3 =	vld.msk [tilespmem:s2+$0xFFFFFFD0 ss:$0x1], $0xffff;
	_ =	sdelay $0x4  }
0x4c: {  	(xrf1) =	vunique.msk.u32 $0xffff, v3;
	_ =	sdelay $0xc  }
0x4d: {  	v4 =	vperm.xlane v4, v1  }
0x4e: {  	v61, _, _ =	vpop (xrf1)  }
0x4f: {  	vm5 =	vne.s32 v3, v4;
	vm4 =	veq.s32 v61, v2  }
0x50: {  	vm14 =	vlt.u32 v3, $0x80;
	vm4 =	vmand vm5, vm4  }
0x51: {  	vm4 =	vmand vm14, vm4  }
0x52: {  	v62 =	vnsel vm4, $0xFFFFFFFF, v3;
	_ =	sdelay $0x3  }
0x53: {  	s31 =	sadd.s32 $0x1D0, s28;
	(ifvalue) =	ssetifvalue $0xFFFFFFFF  }
0x54: {  	v4 =	vnsel vm14, $0xFFFFFFFE, v62;
	[tilespmem:s31], [sflag:$0x8] =	stream.indirect_vreg.gather [hbm4b:s1+s21], $0x1, v62, vm0, $0x4038;
	[tilespmem:$0x360] =	vst v63  }
0x55: {  	s6 =	sadd.s32 $0xFFFFFFC0, s2;
	[tilespmem:s2+$0xFFFFFFD0] =	vst v4  }
0x56: {  	v4 =	vld.msk [tilespmem:s6+$0x0 ss:$0x1], $0xffff;
	_ =	sdelay $0x4  }
0x57: {  	(xrf1) =	vunique.msk.u32 $0xffff, v4;
	_ =	sdelay $0xc  }
0x58: {  	v3 =	vperm.xlane v3, v1  }
0x59: {  	v63, _, _ =	vpop (xrf1)  }
0x5a: {  	vm5 =	vne.s32 v4, v3;
	vm4 =	veq.s32 v63, v2  }
0x5b: {  	vm15 =	vlt.u32 v4, $0x80;
	vm4 =	vmand vm5, vm4  }
0x5c: {  	vm4 =	vmand vm15, vm4  }
0x5d: {  	v3 =	vnsel vm4, $0xFFFFFFFF, v4;
	_ =	sdelay $0x2  }
0x5e: {  	s0 =	sshrl.u32 s0, $0x3  }
0x5f: {  	s23 =	sadd.s32 $0x1C0, s28;
	(ifvalue) =	ssetifvalue $0xFFFFFFFF;
	s30 =	rddreg [dreg:$0x2]  }
0x60: {  	[tilespmem:s23], [sflag:$0x8] =	stream.indirect_vreg.gather [hbm4b:s1+s21], $0x1, v3, vm0, $0x4038;
	v3 =	vnsel vm15, $0xFFFFFFFE, v3;
	[tilespmem:$0x360] =	vst v63  }
0x61: {  	s31 =	sadd.s32 $0x240, s28;
	s0 =	sadd.s32 s30, s0;
	[tilespmem:s2+$0xFFFFFFC0] =	vst v3  }
0x62: {  	[tilespmem:s31], [sflag:$0x8] =	stream.linear.gather [hbm:s0], $0x40, $0x38;
	[tilespmem:$0x360] =	vst v63  }
.LBB2_3:
0x63: {  	p0 =	slt.u32 s25, $0x2  }
0x64: {  	p1 =	sge.u32 @!p0 s25, s10  }
0x65: {  	p0 =	por p0, p1  }
.Ltmp3:
0x66: {  	_ = 	snop;
	(pc) =	sbr.rel @p0 .LBB2_5-.Ltmp3, $1  }
0x67: {  	_ =	sdelay $0x3  }
0x68: {  	s0 =	smulhi.u32 $0xAAAAAAAB, s18;
	_ =	sdelay $0x1  }
0x69: {  	s0 =	sshrl.u32 s0, $0x1  }
0x6a: {  	s0 =	smul.u32 $0x300, s0;
	_ =	sdelay $0x1  }
0x6b: {  	p0 =	sne.s32 s16, s25;
	s2 =	ssub.s32 $0xFFFFFE00, s0  }
0x6c: {  	_ =	swait.ge [sflag:s8], $0x80;
	s0 =	sshra.s32 @!p0 s2, $0x2  }
0x6d: {  	[sflag:s8] =	ssyncset.done $0x0;
	s0 =	sadd.s32 @!p0 s0, s17  }
0x6e: {  	s28 =	simm.s32 @!p0 $0x1;
	[sflag:s8] =	ssyncadd.s32 $0xFFFFFF80;
	s0 =	sadd.s32 @!p0 $0x3F, s0  }
0x6f: {  	[spmem:s12] =	stream.linear.scatter @!p0 [tilespmem:s0], [sflag:$0x1], $0x1, $0x38;
	[tilespmem:$0x360] =	vst v63  }
0x70: {  	_ =	swait.ge @!p0 [sflag:s28], $0x1  }
0x71: {  	[sflag:s28] =	ssyncset.done @!p0 $0x0  }
0x72: {  	s29 =	sand.u32 $0x10, s24;
	[sflag:s28] =	ssyncadd.s32 @!p0 $0xFFFFFFFF  }
0x73: {  	s23 =	sxor.u32 $0x10, s29;
	v3 =	vld [tilespmem:s29+$0x10]  }
0x74: {  	v4 =	vld [tilespmem:s23+$0x60]  }
0x75: {  	v5 =	vld [tilespmem:$0x80];
	_ =	sdelay $0x2  }
0x76: {  	(v2sf) =	vpush v3, $0x0  }
0x77: {  	(v2sf) =	vpush v4, $0x0  }
0x78: {  	(v2sf) =	vpush v5, $0x0;
	_ =	sdelay $0xc  }
0x79: {  	s6 =	spop (v2sf)  }
0x7a: {  	s30 =	spop (v2sf)  }
0x7b: {  	s31 =	spop (v2sf)  }
0x7c: {  	p1 =	seq.s32 s6, s30;
	p2 =	seq.s32 s31, s6  }
0x7d: {  	p2 =	por p1, p2  }
0x7e: {  	v3 =	vpsel p2, $0xFFFFFFFF, v3  }
0x7f: {  	s30 =	sxor.u32 $0xFFFFFFFF, s19;
	[tilespmem:s29+$0x10] =	vst.msk $0x1, v3  }
0x80: {  	s0 =	sand.u32 $0x40, s30;
	v3 =	vld [tilespmem:$0x30]  }
0x81: {  	v49 =	vld [tilespmem:s0+$0x240]  }
0x82: {  	v6 =	vld [tilespmem:s29+$0x40];
	_ =	sdelay $0x3  }
0x83: {  	vm4 =	vmmov vm1;
	v4 =	vadd.f32 v49, v3  }
0x84: {  	vm5 =	vmmov vm2;
	vm4 =	vmmov @p1 vm2;
	s6 =	sshrl.u32 s0, $0x2;
	v3 =	vadd.f32 v6, v3  }
0x85: {  	vm5 =	vmmov @p2 vm1;
	s30 =	sor.u32 $0x340, s6;
	[tilespmem:s0+$0x240] =	vst.msk vm4, v4  }
0x86: {  	[tilespmem:s30+$0x0] =	vst.msk vm5, v3  }
0x87: {  	v3 =	vld [tilespmem:s0+$0x1F0];
	_ =	sdelay $0x4  }
0x88: {  	v3 =	vshift.insert v3, v0, s22  }
0x89: {  	s6 =	sor.u32 $0x40, s23  }
0x8a: {  	s2 =	sshra.s32 s2, $0x2;
	[tilespmem:s6+$0x0] =	vst.msk $0x1, v3  }
0x8b: {  	s2 =	sadd.s32 s2, s17;
	[tilespmem:s0+$0x1FF] =	vst.msk $0x1, v0  }
0x8c: {  	v3 =	vld [tilespmem:s2+$0x30];
	_ =	sdelay $0x4  }
0x8d: {  	v3 =	vshift.insert v3, v1, s22;
	_ =	sdelay $0x1  }
0x8e: {  	[tilespmem:s23+$0x10] =	vst.msk $0x1, v3  }
0x8f: {  	v4 =	vld [tilespmem:s0+$0x240]  }
0x90: {  	v50 =	vld [tilespmem:s2+$0x0];
	_ =	sdelay $0x3  }
0x91: {  	v4 =	vadd.f32 $0.0e+00, v4  }
0x92: {  	vm5 =	vne.s32 v50, $0xFFFFFFFF  }
0x93: {  	(xrf2) =	vadd.seg.scan.f32 vm5, v4;
	_ =	sdelay $0x3  }
0x94: {  	v51 =	vperm.xlane v3, v1  }
0x95: {  	v7 =	vld [tilespmem:s0+$0x1C0]  }
0x96: {  	vm4 =	veq.s32 v50, v5;
	vm6 =	veq.s32 v50, v51  }
0x97: {  	vm7 =	vgt.u32 v50, $0xFFFFFFFD;
	vm6 =	vmor vm6, vm4  }
0x98: {  	vm6 =	vmor vm6, vm7  }
0x99: {  	v6 =	vsel vm6, $0xFFFFFFFF, v50  }
0x9a: {  	v7 =	vsel vm4, $0x0, v7;
	v8, _, _ =	vpop (xrf2)  }
0x9b: {  	v7 =	vadd.f32 v8, v7  }
0x9c: {  	v9 =	vld [tilespmem:$0xA0]  }
0x9d: {  	s23 =	sadd.s32 $0x2C0, s0;
	v10 =	vld [tilespmem:$0x90];
	[tilespmem:s0+$0x2C0] =	vst v7;
	(ifvalue) =	ssetifvalue $0xFFFFFFFF  }
0x9e: {  	[hbm4b:s1+s21] =	stream.indirect_vreg.scatter [tilespmem:s23], [sflag:$0x2], $0x1, v6, vm0, $0x4038;
	[tilespmem:$0x360] =	vst v63  }
0x9f: {  	v6 =	vld [tilespmem:s0+$0x250]  }
0xa0: {  	vm5 =	vmand vm5, vm3;
	v52 =	vld [tilespmem:s2+$0x10]  }
0xa1: {  	v11 =	vsel vm5, $0x0, v8  }
0xa2: {  	v11 =	vshift.insert v11, v0, s22;
	_ =	sdelay $0x1  }
0xa3: {  	v6 =	vadd.f32 v6, v11  }
0xa4: {  	vm12 =	vne.s32 v52, $0xFFFFFFFF  }
0xa5: {  	(xrf2) =	vadd.seg.scan.f32 vm12, v6;
	_ =	sdelay $0x4  }
0xa6: {  	v53 =	vld [tilespmem:s0+$0x1D0]  }
0xa7: {  	vm5 =	veq.s32 v52, v5;
	vm13 =	veq.s32 v52, v51  }
0xa8: {  	vm8 =	vgt.u32 v52, $0xFFFFFFFD;
	vm7 =	vmor vm13, vm5  }
0xa9: {  	vm7 =	vmor vm7, vm8  }
0xaa: {  	v7 =	vsel vm7, $0xFFFFFFFF, v52  }
0xab: {  	v6 =	vsel vm5, $0x0, v53;
	v54, _, _ =	vpop (xrf2)  }
0xac: {  	v6 =	vadd.f32 v54, v6;
	_ =	sdelay $0x1  }
0xad: {  	s23 =	sadd.s32 $0x2D0, s0;
	[tilespmem:s0+$0x2D0] =	vst v6;
	(ifvalue) =	ssetifvalue $0xFFFFFFFF  }
0xae: {  	[hbm4b:s1+s21] =	stream.indirect_vreg.scatter [tilespmem:s23], [sflag:$0x2], $0x1, v7, vm0, $0x4038;
	[tilespmem:$0x360] =	vst v63  }
0xaf: {  	v55 =	vld [tilespmem:s0+$0x260]  }
0xb0: {  	vm6 =	vmand vm12, vm3;
	v7 =	vld [tilespmem:s2+$0x20]  }
0xb1: {  	v12 =	vsel vm6, $0x0, v54  }
0xb2: {  	v12 =	vshift.insert v12, v0, s22;
	_ =	sdelay $0x1  }
0xb3: {  	v6 =	vadd.f32 v55, v12  }
0xb4: {  	vm14 =	vne.s32 v7, $0xFFFFFFFF  }
0xb5: {  	(xrf2) =	vadd.seg.scan.f32 vm14, v6;
	_ =	sdelay $0x4  }
0xb6: {  	v56 =	vld [tilespmem:s0+$0x1E0]  }
0xb7: {  	vm6 =	veq.s32 v7, v5;
	vm15 =	veq.s32 v7, v51  }
0xb8: {  	vm9 =	vgt.u32 v7, $0xFFFFFFFD;
	vm8 =	vmor vm15, vm6  }
0xb9: {  	vm8 =	vmor vm8, vm9  }
0xba: {  	v7 =	vsel vm8, $0xFFFFFFFF, v7  }
0xbb: {  	v6 =	vsel vm6, $0x0, v56;
	v57, _, _ =	vpop (xrf2)  }
0xbc: {  	v6 =	vadd.f32 v57, v6;
	_ =	sdelay $0x1  }
0xbd: {  	s23 =	sadd.s32 $0x2E0, s0;
	[tilespmem:s0+$0x2E0] =	vst v6;
	(ifvalue) =	ssetifvalue $0xFFFFFFFF  }
0xbe: {  	[hbm4b:s1+s21] =	stream.indirect_vreg.scatter [tilespmem:s23], [sflag:$0x2], $0x1, v7, vm0, $0x4038;
	[tilespmem:$0x360] =	vst v63  }
0xbf: {  	v58 =	vld [tilespmem:s0+$0x270]  }
0xc0: {  	vm7 =	vmand vm14, vm3;
	v7 =	vld [tilespmem:s2+$0x30]  }
0xc1: {  	v13 =	vsel vm7, $0x0, v57  }
0xc2: {  	v13 =	vshift.insert v13, v0, s22;
	_ =	sdelay $0x1  }
0xc3: {  	v6 =	vadd.f32 v58, v13  }
0xc4: {  	vm11 =	vne.s32 v7, $0xFFFFFFFF  }
0xc5: {  	(xrf2) =	vadd.seg.scan.f32 vm11, v6;
	_ =	sdelay $0x4  }
0xc6: {  	v59 =	vld [tilespmem:s0+$0x1F0]  }
0xc7: {  	vm12 =	veq.s32 v7, v5;
	vm13 =	veq.s32 v7, v51  }
0xc8: {  	vm14 =	vgt.u32 v7, $0xFFFFFFFD;
	vm8 =	vmor vm13, vm12  }
0xc9: {  	vm8 =	vmor vm8, vm14  }
0xca: {  	v60 =	vsel vm8, $0xFFFFFFFF, v7  }
0xcb: {  	v6 =	vsel vm12, $0x0, v59;
	v61, _, _ =	vpop (xrf2)  }
0xcc: {  	v6 =	vadd.f32 v61, v6;
	_ =	sdelay $0x1  }
0xcd: {  	s6 =	sadd.s32 $0x2F0, s0;
	[tilespmem:s0+$0x2F0] =	vst v6;
	(ifvalue) =	ssetifvalue $0xFFFFFFFF  }
0xce: {  	[hbm4b:s1+s21] =	stream.indirect_vreg.scatter [tilespmem:s6], [sflag:$0x2], $0x1, v60, vm0, $0x4038;
	[tilespmem:$0x360] =	vst v63  }
0xcf: {  	v4 =	vld [tilespmem:s0+$0x2F0];
	_ =	sdelay $0x2  }
0xd0: {  	vm15 =	veq.s32 v9, $0x1  }
0xd1: {  	v62 =	vsel vm4, v8, v10;
	vm4 =	vmor vm15, vm4  }
0xd2: {  	vm4 =	vmor vm4, vm5;
	v6 =	vsel vm5, v54, v62;
	v4 =	vshift.insert v4, v0, s22  }
0xd3: {  	vm4 =	vmor vm4, vm6;
	s23 =	simm.s32 $0x30;
	v6 =	vsel vm6, v57, v6  }
0xd4: {  	vm4 =	vmor vm4, vm12;
	v5 =	vsel vm12, v61, v6;
	[tilespmem:s23+$0x0] =	vst.msk $0x1, v4  }
0xd5: {  	v63 =	vsel vm4, $0x1, v1;
	[tilespmem:$0x90] =	vst v5  }
0xd6: {  	s0 =	sadd.s32 @!p0 $0x2FF, s0;
	[tilespmem:$0xA0] =	vst v63  }
0xd7: {  	[spmem:s13] =	stream.linear.scatter @!p0 [tilespmem:s0], [sflag:$0x1], $0x1, $0x38;
	[tilespmem:$0x360] =	vst v63  }
0xd8: {  	v4 =	vmctz.xlane @!p0 vm4;
	_ =	swait.ge @!p0 [sflag:s28], $0x1  }
0xd9: {  	(v2sf) =	vpush @!p0 v3, $0x0  }
0xda: {  	(v2sf) =	vpush @!p0 v4, $0x0;
	_ =	sdelay $0xd  }
0xdb: {  	s0 =	spop @!p0 (v2sf)  }
0xdc: {  	s2 =	spop @!p0 (v2sf)  }
0xdd: {  	p1 =	sne.s32 @!p0 s31, s0;
	p2 =	slt.s32 @!p0 s2, $0xF  }
0xde: {  	[sflag:s28] =	ssyncset.done @!p0 $0x0;
	p1 =	por p1, p0;
	p2 =	por !p2, p0  }
0xdf: {  	[sflag:s28] =	ssyncadd.s32 @!p0 $0xFFFFFFFF;
	v3 =	vimm.s32 @!p1 $0xFFFFFFFF;
	s2 =	simm.s32 @p2 $0xF  }
0xe0: {  	[tilespmem:$0x80] =	vst @!p1 v3;
	s0 =	sadd.s32 @!p0 $0x90, s2  }
0xe1: {  	[spmem:s11] =	stream.linear.scatter @!p0 [tilespmem:s0], [sflag:$0x1], $0x1, $0x38;
	[tilespmem:$0x360] =	vst v63  }
0xe2: {  	_ =	swait.ge @!p0 [sflag:s28], $0x1  }
0xe3: {  	[sflag:s28] =	ssyncset.done @!p0 $0x0  }
0xe4: {  	s0 =	simm.s32 @!p0 $0x80;
	[sflag:s28] =	ssyncadd.s32 @!p0 $0xFFFFFFFF  }
0xe5: {  	[spmem:s14] =	stream.linear.scatter @!p0 [tilespmem:s0], [sflag:$0x1], $0x1, $0x38;
	[tilespmem:$0x360] =	vst v63  }
0xe6: {  	_ =	swait.ge @!p0 [sflag:s28], $0x1  }
0xe7: {  	[sflag:s28] =	ssyncset.done @!p0 $0x0  }
0xe8: {  	[sflag:s28] =	ssyncadd.s32 @!p0 $0xFFFFFFFF;
	(ifvalue) =	ssetifvalue $0xFFFFFFFF;
	v3 =	vld [tilespmem:s29+$0x10];
	_ =	sdelay $0x3  }
.Ltmp4:
0xe9: {  	_ = 	snop;
	(pc) =	sbr.rel .LBB2_5-.Ltmp4, $3  }
0xea: {  	_ =	sdelay $0x1  }
0xeb: {  	(ifvalue) =	ssetifvalue $0xFFFFFFFF  }
0xec: {  	[hbm4b:s1+s21] =	stream.indirect_vreg.scatter [tilespmem:s30], [sflag:$0x9], $0x1, v3, vm0, $0x4038;
	[tilespmem:$0x360] =	vst v63  }
.LBB2_6:
0xed: {  	_ =	sfence.sel $0x180000  }
0xee: {  	s0 =	simm.s32 $0x7;
	[bflag:$0x0] =	sbarrier.arrive $0xFFFF  }
0xef: {  	s26 =	simm.s32 $0x8;
	[sflag:s0] =	ssyncpa.u1 $0x1  }
0xf0: {  	s28 =	simm.s32 $0x9;
	[sflag:s26] =	ssyncpa.u1 $0x1  }
0xf1: {  	[sflag:s28] =	ssyncpa.u1 $0x1  }
0xf2: {  	_ =	sfence.stream.spmem  }
0xf3: {  	s29 =	simm.s32 $0x3;
	[bflag:$0x0] =	sbarrier.arrive $0xFFFF  }
0xf4: {  	s30 =	simm.s32 $0x4;
	[sflag:s29] =	ssyncpa.u1 $0x1  }
0xf5: {  	s31 =	simm.s32 $0x3C;
	s2 =	stileid.u32;
	[sflag:s30] =	ssyncpa.u1 $0x1  }
0xf6: {  	p0 =	sne.s32 s2, $0x0;
	[sflag:s31] =	ssyncpa.u1 $0x1  }
0xf7: {  	s0 =	simm.s32 @p0 $0x1;
	_ =	sfence @p0  }
0xf8: {  	[sflag:s0] =	ssyncpa.u1 @p0 $0x1;
	s0 =	simm.s32 @p0 $0x2  }
0xf9: {  	[sflag:s0] =	ssyncpa.u1 @p0 $0x1  }
0xfa: {  	_ =	strace @p0 $0x90000068  }
0xfb: {  	[bflag:$0x2] =	sbarrier.arrive @p0 $0xFFFF  }
0xfc: {  	_ =	shalt @p0  }
.LBB2_7:
0xfd: {  	_ =	sfence.stream.spmem;
	s3 =	simm.s32 $0x5  }
0xfe: {  	s0 =	simm.s32 $0x80;
	s2 =	simm.s32 $0xC0;
	[sflag:s3] =	ssyncpa.u1 $0x0  }
0xff: {  	[tilespmem:s2], [sflag:$0x5] =	stream.linear.gather [spmem:s0], $0x20, $0x38;
	[tilespmem:$0x360] =	vst v63  }
0x100: {  	s0 =	simm.s32 $0x0;
	s2 =	simm.s32 $0xE0  }
0x101: {  	[tilespmem:s2], [sflag:$0x5] =	stream.linear.gather [spmem:s0], $0x20, $0x38;
	[tilespmem:$0x360] =	vst v63  }
.Ltmp5:
0x102: {  	_ = 	snop;
	(pc) =	sbr.rel .LBB2_8-.Ltmp5, $4  }
0x103: {  	_ =	swait.ge [sflag:s3], $0x40  }
0x104: {  	[sflag:s3] =	ssyncset.done $0x0  }
0x105: {  	s31 =	simm.s32 $0x6;
	[sflag:s3] =	ssyncadd.s32 $0xFFFFFFC0  }
0x106: {  	s3 =	simm.s32 $0x0;
	[sflag:s31] =	ssyncpa.u1 $0x0  }
.LBB2_13:
0x107: {  	p0 =	sgt.u32 s4, $0x7F  }
0x108: {  	s5 =	sshrl.u32 @!p0 s4, $0x3  }
0x109: {  	s4 =	sand.u32 @!p0 $0x7, s4;
	s6 =	simm.s32 @!p0 $0xB0;
	s5 =	sadd.s32 @!p0 s1, s5  }
0x10a: {  	[tilespmem:s6], [sflag:$0x6] =	stream.linear.gather @!p0 [hbm4b:s5+s4], $0x1, $0x38;
	[tilespmem:$0x360] =	vst v63  }
0x10b: {  	s4 =	simm.s32 @!p0 $0x6  }
0x10c: {  	_ =	swait.ge @!p0 [sflag:s4], $0x1  }
0x10d: {  	[sflag:s4] =	ssyncset.done @!p0 $0x0  }
0x10e: {  	[sflag:s4] =	ssyncadd.s32 @!p0 $0xFFFFFFFF  }
0x10f: {  	v2 =	vmov @!p0 s3;
	v1 =	vld.msk @!p0 [tilespmem:$0xB0], $0x1;
	_ =	sdelay $0x3  }
0x110: {  	s4 =	simm.s32 @!p0 $0xE0  }
0x111: {  	[tilespmem:v2+s4+$0x0], v1 =	vst.idx.ret.add.f32.msk @!p0 $0x1, v1  }
0x112: {  	[tilespmem:s0+$0xC0] =	vst.msk $0x1, v0  }
0x113: {  	v0 =	vld.msk [tilespmem:s3+$0xE0], $0x1;
	_ =	sdelay $0x4  }
0x114: {  	[tilespmem:s0+$0xE0] =	vst.msk $0x1, v0;
	s0 =	sadd.s32 $0x1, s0  }
.LBB2_15:
0x115: {  	s3 =	sadd.s32 $0x1, s3  }
0x116: {  	p0 =	sne.s32 s3, $0x20  }
.Ltmp6:
0x117: {  	_ = 	snop;
	(pc) =	sbr.rel @!p0 .LBB2_16-.Ltmp6, $1  }
0x118: {  	_ =	sdelay $0x3  }
.LBB2_8:
0x119: {  	v0 =	vld.msk [tilespmem:s3+$0xC0], $0x1;
	_ =	sdelay $0x4  }
0x11a: {  	(v2sf) =	vpush v0, $0x0;
	_ =	sdelay $0xe  }
0x11b: {  	s4 =	spop (v2sf)  }
0x11c: {  	p0 =	seq.s32 s4, $0xFFFFFFFF  }
.Ltmp7:
0x11d: {  	_ = 	snop;
	(pc) =	sbr.rel @p0 .LBB2_15-.Ltmp7, $1  }
0x11e: {  	_ =	sdelay $0x3  }
0x11f: {  	p0 =	slt.s32 s0, $0x1  }
.Ltmp8:
0x120: {  	_ = 	snop;
	(pc) =	sbr.rel @p0 .LBB2_13-.Ltmp8, $1  }
0x121: {  	_ =	sdelay $0x3  }
0x122: {  	s5 =	simm.s32 $0xC0;
	p0 =	por $0x0, $0x0  }
0x123: {  	v1 =	vld.msk @!p0 [tilespmem:s5+$0x0], $0x1;
	_ =	sdelay $0x4  }
0x124: {  	(v2sf) =	vpush @!p0 v1, $0x0;
	_ =	sdelay $0xd  }
0x125: {  	p2 =	sne.s32 s0, $0x1  }
.Ltmp9:
0x126: {  	s6 =	spop @!p0 (v2sf);
	(pc) =	sbr.rel @!p2 .LBB2_12-.Ltmp9, $4  }
0x127: {  	p1 =	seq.s32 @!p0 s4, s6  }
0x128: {  	s6 =	simm.s32 $0x0;
	p1 =	por !p1, p0  }
0x129: {  	s8 =	simm.s32 $0xFFFFFFFF;
	s6 =	simm.s32 @p1 $0xFFFFFFFF  }
0x12a: {  	s7 =	simm.s32 $0x1;
	s6 =	smov.u32 @p0 s8  }
.LBB2_11:
0x12b: {  	s8 =	smov.u32 s6;
	p0 =	sne.s32 s6, $0xFFFFFFFF  }
0x12c: {  	s5 =	sadd.s32 $0x1, s5;
	s6 =	smov.u32 s7;
	s7 =	sadd.s32 $0x1, s7  }
0x12d: {  	p1 =	sne.s32 s0, s7;
	v1 =	vld.msk @!p0 [tilespmem:s5+$0x0], $0x1;
	_ =	sdelay $0x4  }
0x12e: {  	(v2sf) =	vpush @!p0 v1, $0x0;
	_ =	sdelay $0xe  }
.Ltmp10:
0x12f: {  	s9 =	spop @!p0 (v2sf);
	(pc) =	sbr.rel @p1 .LBB2_11-.Ltmp10, $4  }
0x130: {  	p2 =	seq.s32 @!p0 s4, s9  }
0x131: {  	p2 =	por !p2, p0  }
0x132: {  	s6 =	simm.s32 @p2 $0xFFFFFFFF  }
0x133: {  	s6 =	smov.u32 @p0 s8  }
.LBB2_12:
0x134: {  	p0 =	sne.s32 s6, $0xFFFFFFFF  }
.Ltmp11:
0x135: {  	_ = 	snop;
	(pc) =	sbr.rel @!p0 .LBB2_13-.Ltmp11, $1  }
0x136: {  	_ =	sdelay $0x3  }
0x137: {  	v0 =	vld.msk [tilespmem:s3+$0xE0], $0x1;
	v1 =	vmov s6  }
.Ltmp12:
0x138: {  	_ = 	snop;
	(pc) =	sbr.rel .LBB2_15-.Ltmp12, $2  }
0x139: {  	_ =	sdelay $0x2  }
0x13a: {  	[tilespmem:v1+s2+$0x0], v0 =	vst.idx.ret.add.f32.msk $0x1, v0  }
.LBB2_16:
0x13b: {  	p0 =	slt.s32 s0, $0x1  }
.Ltmp13:
0x13c: {  	_ = 	snop;
	(pc) =	sbr.rel @p0 .LBB2_20-.Ltmp13, $3  }
0x13d: {  	_ =	sdelay $0x1  }
0x13e: {  	s2 =	simm.s32 $0x6  }
0x13f: {  	[sflag:s2] =	ssyncpa.u1 $0x1;
	s2 =	simm.s32 $0x0  }
0x140: {  	s3 =	simm.s32 $0xC0  }
0x141: {  	v0 =	vld.msk [tilespmem:s3+$0x0], $0x1;
	_ =	sdelay $0x4  }
0x142: {  	(v2sf) =	vpush v0, $0x0;
	_ =	sdelay $0xe  }
0x143: {  	s0 =	sadd.s32 $0xFFFFFFFF, s0;
	s4 =	spop (v2sf)  }
0x144: {  	p1 =	sne.s32 s0, $0x0;
	p0 =	sgt.u32 s4, $0x7F  }
.Ltmp14:
0x145: {  	s5 =	sshrl.u32 @!p0 s4, $0x3;
	(pc) =	sbr.rel @!p1 .LBB2_19-.Ltmp14, $4  }
0x146: {  	s3 =	simm.s32 $0xE0;
	s4 =	sand.u32 @!p0 $0x7, s4;
	s5 =	sadd.s32 @!p0 s1, s5  }
0x147: {  	[hbm4b:s5+s4] =	stream.linear.scatter @!p0 [tilespmem:s3], [sflag:$0x5], $0x1, $0x38;
	[tilespmem:$0x360] =	vst v63  }
0x148: {  	s5 =	simm.s32 $0x0  }
0x149: {  	s4 =	simm.s32 $0xC1;
	s5 =	simm.s32 @!p0 $0x4  }
.LBB2_18:
0x14a: {  	v0 =	vld.msk [tilespmem:s4+$0x0], $0x1;
	s0 =	sadd.s32 $0xFFFFFFFF, s0;
	s2 =	sadd.s32 s2, s5  }
0x14b: {  	p0 =	sne.s32 s0, $0x0;
	_ =	sdelay $0x3  }
0x14c: {  	(v2sf) =	vpush v0, $0x0;
	_ =	sdelay $0xe  }
.Ltmp15:
0x14d: {  	s6 =	spop (v2sf);
	(pc) =	sbr.rel @p0 .LBB2_18-.Ltmp15, $4  }
0x14e: {  	s5 =	simm.s32 $0x0;
	p1 =	sgt.u32 s6, $0x7F  }
0x14f: {  	s3 =	sadd.s32 $0x1, s3;
	s5 =	simm.s32 @!p1 $0x4;
	s7 =	sshrl.u32 @!p1 s6, $0x3  }
0x150: {  	s4 =	sadd.s32 $0x1, s4;
	s6 =	sand.u32 @!p1 $0x7, s6;
	s7 =	sadd.s32 @!p1 s1, s7  }
0x151: {  	[hbm4b:s7+s6] =	stream.linear.scatter @!p1 [tilespmem:s3], [sflag:$0x5], $0x1, $0x38;
	[tilespmem:$0x360] =	vst v63  }
.LBB2_19:
0x152: {  	s0 =	sadd.s32 s2, s5  }
0x153: {  	s2 =	sshrl.u32 s0, $0x2  }
.LBB2_20:
0x154: {  	s0 =	simm.s32 $0x5  }
0x155: {  	_ =	swait.ge [sflag:s0], s2  }
0x156: {  	s1 =	ssub.s32 $0x0, s2;
	[sflag:s0] =	ssyncset.done $0x0  }
0x157: {  	[sflag:s0] =	ssyncadd.s32 s1  }
0x158: {  	[sflag:s0] =	ssyncpa.u1 $0x1  }
0x159: {  	s29 =	simm.s32 $0x1;
	_ =	sfence  }
0x15a: {  	s30 =	simm.s32 $0x2;
	[sflag:s29] =	ssyncpa.u1 $0x1  }
0x15b: {  	[sflag:s30] =	ssyncpa.u1 $0x1  }
0x15c: {  	_ =	strace $0x90000068  }
0x15d: {  	[bflag:$0x2] =	sbarrier.arrive $0xFFFF  }
0x15e: {  	s31 =	rddreg [dreg:$0x1]  }
0x15f: {  	s0 =	sadd.s32 $0x100000, s31  }
0x160: {  	[sflag:s0] =	ssyncadd.tile.s32 $0x1;
	_ =	shalt  }
.Lfunc_end2:
_tile_overlayer_lowered:
.L_overlay_start_2:
0x161: {  	(tag) =	ssettag $0x2  }
0x162: {  	s0 =	rddreg [dreg:$0x0];
	s2 =	stileid.u32  }
0x163: {  	s1 =	rddreg [dreg:$0x1];
	p0 =	sne.s32 s2, $0x0  }
0x164: {  	s3 =	rddreg [dreg:$0x2];
	[bflag:$0x3] =	sbarrier.arrive $0xFFFF;
	s2 =	simm.s32 @!p0 $0x1C01  }
0x165: {  	[timem:s3], [sflag:s2] =	dma.local @!p0 [hbm:s0], s1  }
0x166: {  	s0 =	simm.s32 @!p0 $0x1  }
0x167: {  	_ =	swait.ge @!p0 [sflag:s0], s1  }
0x168: {  	s1 =	ssub.s32 @!p0 $0x0, s1;
	[sflag:s0] =	ssyncset.done @!p0 $0x0  }
0x169: {  	[sflag:s0] =	ssyncadd.s32 @!p0 s1  }
0x16a: {  	[bflag:$0x3] =	sbarrier.arrive $0xFFFF  }
0x16b: {  	_ =	shalt  }

// kernel: scatter_offload_async_start.3
scs
__scs_entry_jumppad:
0x0: {  	(pc) =	sbr.rel $0x88, $3  }
0x1: {  	(tag) =	ssettag $0x0;
	lr =	simm.s32 $0x1  }
0x2: {  	[smem:$0x3F9B] =	sst lr;
	_ =	strace $0xD0000000  }
0x3: {  	_ = 	snop  }
0x4: {  	_ = 	snop  }
0x5: {  	_ = 	snop  }
0x6: {  	_ = 	snop  }
0x7: {  	_ = 	snop  }
__scs_overlays_trampoline_lowered:
0x8: {  	[smem:$0x3FAA] =	sst s0  }
0x9: {  	[smem:$0x3FAB] =	sst s1  }
0xa: {  	[smem:$0x3FAC] =	sst s2  }
0xb: {  	[smem:$0x3FAD] =	sst s3  }
0xc: {  	[smem:$0x3FAE] =	sst s4  }
0xd: {  	[smem:$0x3FAF] =	sst s5  }
0xe: {  	[smem:$0x3FB0] =	sst s6  }
0xf: {  	[smem:$0x3FB1] =	sst s7  }
0x10: {  	[smem:$0x3FB2] =	sst s8  }
0x11: {  	[smem:$0x3FB3] =	sst s9;
	s0 =	simm.s32 @!p0 $0x0  }
0x12: {  	s1 =	sld [smem:$0x3F99];
	s0 =	simm.s32 @p0 $0x1  }
0x13: {  	[smem:$0x3FB4] =	sst s0;
	s0 =	simm.s32 @!p1 $0x0  }
0x14: {  	s2 =	sld [smem:$0x3F98];
	s0 =	simm.s32 @p1 $0x1  }
0x15: {  	[smem:$0x3FB5] =	sst s0;
	s0 =	simm.s32 @!p2 $0x0  }
0x16: {  	s3 =	sld [smem:$0x3FDB];
	s0 =	simm.s32 @p2 $0x1  }
0x17: {  	s4 =	simm.s32 $0x1BF5;
	[smem:$0x3FB7] =	sst s0  }
0x18: {  	s0 =	sld [smem:$0x3F9A];
	_ =	swait.ge [sflag:s4], $0x0  }
0x19: {  	s7 =	sld [smem:$0x3F9B]  }
0x1a: {  	s8 =	sadd.s32 $0xFFFFE003, lr  }
0x1b: {  	s9 =	sadd.s32 $0xFFFFFEF7, lr;
	s5 =	simm.s32 $0xFFFFFFFF;
	p2 =	slt.u32 s8, $0xFFFFF086  }
0x1c: {  	p1 =	slt.u32 s9, $0xF7A;
	s5 =	simm.s32 @!p2 $0x0  }
0x1d: {  	s5 =	simm.s32 @p1 $0x1;
	p0 =	seq.s32 s7, s2  }
0x1e: {  	s7 =	smul.u32 @!p0 $0xF7A, s2;
	p2 =	seq.s32 @!p0 s5, $0x0  }
0x1f: {  	s9 =	smul.u32 $0xF7A, s1;
	s8 =	simm.s32 @!p0 $0x1BF5;
	p2 =	por !p2, p0  }
0x20: {  	[sflag:s8] =	ssyncset.s32 @!p0 $0xFFFFF086;
	s6 =	sadd.s32 @!p0 s3, s7;
	s7 =	simm.s32 @!p0 $0x108  }
0x21: {  	s3 =	sadd.s32 s3, s9;
	s6 =	sadd.s32 @!p0 $0x88, s6;
	s7 =	simm.s32 @p2 $0x1082  }
0x22: {  	[simem:s7], [sflag:s8] =	dma.local @!p0 [hbm:s6], $0xF7A  }
0x23: {  	s9 =	sor.u32 $0xD0000000, s2;
	s6 =	simm.s32 $0x108;
	_ =	swait.ge @!p0 [sflag:s8], $0x0  }
0x24: {  	s3 =	sadd.s32 $0x88, s3;
	s6 =	simm.s32 @!p1 $0x1082;
	[sflag:s4] =	ssyncset.s32 $0xFFFFF086  }
0x25: {  	[simem:s6], [sflag:s4] =	dma.local [hbm:s3], $0xF7A  }
0x26: {  	[smem:$0x3F9B] =	sst s1;
	(tag) =	ssettag s2;
	_ =	strace s9  }
0x27: {  	s1 =	sld [smem:$0x3FAB]  }
0x28: {  	s2 =	sld [smem:$0x3FAC]  }
0x29: {  	s4 =	sld [smem:$0x3FAE]  }
0x2a: {  	p0 =	seq.s32 s5, $0x0;
	s5 =	sld [smem:$0x3FAF]  }
0x2b: {  	s6 =	sld [smem:$0x3FB0]  }
0x2c: {  	s7 =	sld [smem:$0x3FB1]  }
0x2d: {  	s3 =	simm.s32 $0x108;
	s8 =	sld [smem:$0x3FB2]  }
0x2e: {  	s3 =	simm.s32 @!p0 $0x1082;
	s9 =	sld [smem:$0x3FB3]  }
0x2f: {  	lr =	sadd.s32 s0, s3;
	s0 =	sld [smem:$0x3FAA]  }
0x30: {  	s3 =	sld [smem:$0x3FAD]  }
0x31: {  	[smem:$0x3FB6] =	sst s10  }
0x32: {  	s10 =	sld [smem:$0x3FB4];
	_ =	sdelay $0x3  }
0x33: {  	p0 =	seq.s32 s10, $0x1;
	s10 =	sld [smem:$0x3FB6];
	_ =	sdelay $0x3  }
0x34: {  	[smem:$0x3FB6] =	sst s10  }
0x35: {  	s10 =	sld [smem:$0x3FB5];
	_ =	sdelay $0x3  }
0x36: {  	p1 =	seq.s32 s10, $0x1;
	s10 =	sld [smem:$0x3FB6];
	_ =	sdelay $0x3  }
0x37: {  	[smem:$0x3FB6] =	sst s10  }
0x38: {  	s10 =	sld [smem:$0x3FB7]  }
0x39: {  	_ = 	snop;
	(pc) =	sbr.ind lr, $3  }
0x3a: {  	_ = 	snop  }
0x3b: {  	_ = 	snop  }
0x3c: {  	p2 =	seq.s32 s10, $0x1;
	s10 =	sld [smem:$0x3FB6]  }
0x3d: {  	_ =	shalt  }
0x3e: {  	_ =	shalt  }
0x3f: {  	_ =	shalt  }
0x40: {  	_ =	shalt  }
0x41: {  	_ =	shalt  }
0x42: {  	_ =	shalt  }
0x43: {  	_ =	shalt  }
0x44: {  	_ =	shalt  }
0x45: {  	_ =	shalt  }
0x46: {  	_ =	shalt  }
0x47: {  	_ =	shalt  }
0x48: {  	_ =	shalt  }
0x49: {  	_ =	shalt  }
0x4a: {  	_ =	shalt  }
0x4b: {  	_ =	shalt  }
0x4c: {  	_ =	shalt  }
0x4d: {  	_ =	shalt  }
0x4e: {  	_ =	shalt  }
0x4f: {  	_ =	shalt  }
0x50: {  	_ =	shalt  }
0x51: {  	_ =	shalt  }
0x52: {  	_ =	shalt  }
0x53: {  	_ =	shalt  }
0x54: {  	_ =	shalt  }
0x55: {  	_ =	shalt  }
0x56: {  	_ =	shalt  }
0x57: {  	_ =	shalt  }
0x58: {  	_ =	shalt  }
0x59: {  	_ =	shalt  }
0x5a: {  	_ =	shalt  }
0x5b: {  	_ =	shalt  }
0x5c: {  	_ =	shalt  }
0x5d: {  	_ =	shalt  }
0x5e: {  	_ =	shalt  }
0x5f: {  	_ =	shalt  }
0x60: {  	_ =	shalt  }
0x61: {  	_ =	shalt  }
0x62: {  	_ =	shalt  }
0x63: {  	_ =	shalt  }
0x64: {  	_ =	shalt  }
0x65: {  	_ =	shalt  }
0x66: {  	_ =	shalt  }
0x67: {  	_ =	shalt  }
0x68: {  	_ =	shalt  }
0x69: {  	_ =	shalt  }
0x6a: {  	_ =	shalt  }
0x6b: {  	_ =	shalt  }
0x6c: {  	_ =	shalt  }
0x6d: {  	_ =	shalt  }
0x6e: {  	_ =	shalt  }
0x6f: {  	_ =	shalt  }
0x70: {  	_ =	shalt  }
0x71: {  	_ =	shalt  }
0x72: {  	_ =	shalt  }
0x73: {  	_ =	shalt  }
0x74: {  	_ =	shalt  }
0x75: {  	_ =	shalt  }
0x76: {  	_ =	shalt  }
0x77: {  	_ =	shalt  }
0x78: {  	_ =	shalt  }
0x79: {  	_ =	shalt  }
0x7a: {  	_ =	shalt  }
0x7b: {  	_ =	shalt  }
0x7c: {  	_ =	shalt  }
0x7d: {  	_ =	shalt  }
0x7e: {  	_ =	shalt  }
0x7f: {  	_ =	shalt  }
0x80: {  	_ =	shalt  }
0x81: {  	_ =	shalt  }
0x82: {  	_ =	shalt  }
0x83: {  	_ =	shalt  }
0x84: {  	_ =	shalt  }
0x85: {  	_ =	shalt  }
0x86: {  	_ =	shalt  }
0x87: {  	_ =	shalt  }
.Lfunc_end0:
.L_simem_size_0:
called_computation.3_lowered:
.L_overlay_start_0:
0x88: {  	s0 =	sld [smem:$0x3FD9]  }
0x89: {  	s1 =	sld [smem:$0x3FFE];
	_ =	sdelay $0x3  }
0x8a: {  	s0 =	sadd.s32 s1, s0  }
0x8b: {  	[smem:$0x3FC2] =	sst s0  }
0x8c: {  	_ = 	snop  }
0x8d: {  	s0 =	sld [smem:$0x3FD0];
	_ =	sdelay $0x2  }
0x8e: {  	s13 =	simm.s32 $0xD;
	s2 =	simm.s32 $0x10  }
0x8f: {  	[smem:s2], [sflag:s13] =	dma.local [hbm:s0], $0x1  }
0x90: {  	_ =	swait.eq [sflag:s13], $0x1  }
0x91: {  	[sflag:s13] =	ssyncset.done $0x0  }
0x92: {  	[sflag:s13] =	ssyncadd.s32 $0xFFFFFFFF  }
0x93: {  	s14 =	sld [smem:$0x10];
	(tm) =	ssettm $0x1  }
0x94: {  	s15 =	sld [smem:$0x3FFB];
	_ =	sdelay $0x3  }
0x95: {  	_ =	strace s15  }
0x96: {  	s1 =	sld [smem:$0x3FFC];
	_ =	sdelay $0x3  }
0x97: {  	_ =	strace s1  }
0x98: {  	s1 =	sld [smem:$0x3FFD];
	_ =	sdelay $0x3  }
0x99: {  	_ =	strace s1  }
0x9a: {  	_ =	strace $0x8FFFFFFF  }
0x9b: {  	s16 =	sld [smem:$0x3FDB];
	_ =	sdelay $0x1  }
0x9c: {  	s17 =	simm.s32 $_scs_section_size  }
0x9d: {  	s3 =	simm.s32 $_size__tile_overlayer_lowered;
	s4 =	simm.s32 $_tile_overlayer_lowered  }
0x9e: {  	s20 =	simm.s32 $0x1BFF;
	s19 =	sshll.u32 s4, $0x1;
	s1 =	sadd.s32 s17, s16  }
0x9f: {  	s5 =	simm.s32 $0x0;
	s18 =	sshll.u32 s3, $0x1;
	s3 =	sadd.s32 s19, s1  }
0xa0: {  	[timem:s5], [sflag:s20] =	dma.local [hbm:s3], s18  }
0xa1: {  	_ =	swait.ge [sflag:s20], s18  }
0xa2: {  	s2 =	ssub.s32 $0x0, s18;
	[sflag:s20] =	ssyncset.done $0x0  }
0xa3: {  	[sflag:s20] =	ssyncadd.s32 s2;
	_ =	sdelay $0x1  }
0xa4: {  	s21 =	simm.s32 $0x1B8B  }
0xa5: {  	_ =	swait.ge [sflag:s21], $0x1  }
0xa6: {  	[sflag:s21] =	ssyncset.done $0x0  }
0xa7: {  	s23 =	simm.s32 $0x1B8E;
	s22 =	sld [smem:$0x3FFE];
	[sflag:s21] =	ssyncadd.s32 $0xFFFFFFFF  }
0xa8: {  	s24 =	simm.s32 $execute0_lowered;
	[smem:$0x3FD2] =	sst s23  }
0xa9: {  	s3 =	sshll.u32 s24, $0x1;
	_ =	strace $0x8000004C;
	[dreg:$0x1] =	wrdreg $0xFFFFFFFF  }
0xaa: {  	s25 =	simm.s32 $_size_execute0_lowered;
	s1 =	sadd.s32 s1, s3;
	[dreg:$0x0] =	wrdreg $0x0  }
0xab: {  	s3 =	sshll.u32 s25, $0x1;
	[dreg:$0x2] =	wrdreg s1  }
0xac: {  	[dreg:$0x3] =	wrdreg s3  }
0xad: {  	[dreg:$0x4] =	wrdreg $0xC0  }
0xae: {  	_ =	task [dreg:s5], $0x5FFFF  }
0xaf: {  	[dreg:$0x1] =	wrdreg $0xFFFFFFFF  }
0xb0: {  	[dreg:$0x0] =	wrdreg $0x60  }
0xb1: {  	[dreg:$0x2] =	wrdreg s14  }
0xb2: {  	[dreg:$0x3] =	wrdreg s22  }
0xb3: {  	[dreg:$0x4] =	wrdreg $0x9  }
0xb4: {  	_ =	task.clear_ibuf [dreg:s5], $0x5FFFF;
	_ =	strace $0x9000004C  }
0xb5: {  	s26 =	simm.s32 $0x9;
	_ =	strace $0x8000004E  }
0xb6: {  	_ =	swait.ge [sflag:s26], $0x1  }
0xb7: {  	[sflag:s26] =	ssyncadd.s32 $0xFFFFFFFF  }
0xb8: {  	_ =	strace $0x9000004E  }
0xb9: {  	_ =	sfence  }
0xba: {  	s28 =	sld [smem:$0x0];
	_ =	sdelay $0x1  }
0xbb: {  	s29 =	srdreg.scid  }
0xbc: {  	s30 =	sshll.u32 s29, $0xD;
	s31 =	sshrl.u32 s29, $0x2  }
0xbd: {  	s2 =	sand.u32 $0x4000, s30;
	s1 =	sand.u32 $0x1, s29;
	s0 =	sadd.s32 s31, s28  }
0xbe: {  	s1 =	sor.u32 s2, s1;
	s0 =	sshll.u32 s0, $0x11  }
0xbf: {  	s0 =	sor.u32 s0, s1  }
0xc0: {  	s0 =	sadd.s32 $0x8F2B, s0  }
0xc1: {  	[sflag:s0] =	ssyncadd.remote.s32 $0x1  }
0xc2: {  	_ =	sfence.sel $0xFFFF  }
0xc3: {  	[dreg:$0x0] =	wrdreg $0xFFFFFFFF;
	(pc) =	sbr.abs _section_cstart, $3  }
0xc4: {  	[dreg:$0x1] =	wrdreg $0xFFFFFFFF  }
0xc5: {  	_ =	task.clear_ibuf [dreg:s5], $0x2FFFF;
	_ =	strace $0x9FFFFFFF  }
0xc6: {  	(tm) =	ssettm $0x7FFFFFFF  }
0xc7: {  	_ =	shalt  }
tec
execute0_lowered:
.L_overlay_start_1:
0x0: {  	(tag) =	ssettag $0x1  }
0x1: {  	s1 =	rddreg [dreg:$0x0]  }
0x2: {  	s4 =	rddreg [dreg:$0x1]  }
0x3: {  	s0 =	rddreg [dreg:$0x2];
	s3 =	stileid.u32  }
0x4: {  	_ =	strace $0x8000004D;
	s6 =	simm.s32 $0x3E;
	p0 =	sne.s32 s3, $0x0  }
0x5: {  	[sflag:s6] =	ssyncpa.u1 $0x0;
	s31 =	smin.u32 s3, $0x8;
	p1 =	slt.u32 s3, $0x8  }
0x6: {  	s3 =	simm.s32 $0x10;
	s5 =	simm.s32 @!p0 $0x1C3E;
	s2 =	simm.s32 @!p0 $0x0  }
0x7: {  	[spmem:s2], [sflag:s5] =	dma.local @!p0 [hbm:s1], $0x400  }
0x8: {  	s3 =	simm.s32 @!p1 $0x0;
	s5 =	sshll.u32 s31, $0x4  }
0x9: {  	s3 =	sadd.s32 s3, s5  }
0xa: {  	s9 =	smin.u32 s3, $0x80  }
0xb: {  	s8 =	ssub.s32 s9, s5  }
0xc: {  	p1 =	sgt.s32 s8, $0x0  }
0xd: {  	s7 =	simm.s32 @!p0 $0x3E;
	s8 =	simm.s32 @!p1 $0x0  }
0xe: {  	_ =	swait.ge @!p0 [sflag:s7], $0x400;
	s10 =	sshrl.u32 s8, $0x4  }
0xf: {  	[sflag:s7] =	ssyncset.done @!p0 $0x0;
	s11 =	sadd.s32 $0x1, s10  }
0x10: {  	p3 =	por $0x0, $0x0;
	[sflag:s7] =	ssyncadd.s32 @!p0 $0xFFFFFC00;
	p1 =	sne.s32 s11, $0x1  }
.Ltmp0:
0x11: {  	s3 =	simm.s32 $0x1;
	[bflag:$0x0] =	sbarrier.arrive $0xFFFF;
	(pc) =	sbr.rel @!p1 .LBB2_1-.Ltmp0, $4  }
0x12: {  	s7 =	sadd.s32 $0xE00, s4;
	[sflag:s6] =	ssyncpa.u1 $0x1;
	s6 =	sadd.s32 $0xC00, s4  }
0x13: {  	s4 =	simm.s32 $0x2;
	s8 =	simm.s32 $0x0;
	p2 =	sle.u32 s10, $0x0  }
0x14: {  	[sflag:s3] =	ssyncpa.u1 $0x0;
	(ifvalue) =	ssetifvalue $0x2000;
	s12 =	sxor.u32 @!p2 $0xFFFFFFFF, s8  }
0x15: {  	[sflag:s4] =	ssyncpa.u1 $0x0;
	s15 =	sshrl.u32 @!p2 s5, $0x3;
	s16 =	sand.u32 @!p2 $0x10, s12  }
0x16: {  	s12 =	sadd.s32 @!p2 s7, s15  }
0x17: {  	s13 =	sor.u32 @!p2 $0x200, s16;
	s14 =	sand.u32 @!p2 $0x7, s5;
	p1 =	por $0x1, $0x1  }
0x18: {  	[tilespmem:s13], [sflag:$0x2] =	stream.linear.gather @!p2 [hbm4b:s12+s14], $0x10, $0x38;
	[tilespmem:$0x240] =	vst v63  }
0x19: {  	s15 =	sadd.s32 @!p2 s6, s15;
	s12 =	sor.u32 @!p2 $0x220, s16;
	s13 =	simm.s32 @!p1 $0x2  }
0x1a: {  	[tilespmem:s12], [sflag:$0x2] =	stream.linear.gather @!p2 [hbm4b:s15+s14], $0x10, $0x38;
	[tilespmem:$0x240] =	vst v63  }
0x1b: {  	_ =	swait.ge @!p1 [sflag:s13], $0x20  }
0x1c: {  	s8 =	sand.u32 @!p1 $0x10, s8;
	[sflag:s13] =	ssyncset.done @!p1 $0x0  }
0x1d: {  	s12 =	sor.u32 @!p1 $0x200, s8;
	[sflag:s13] =	ssyncadd.s32 @!p1 $0xFFFFFFE0  }
0x1e: {  	v0 =	vld.msk @!p1 [tilespmem:s12+$0x0 ss:$0x1], $0xffff;
	_ =	sdelay $0x3  }
0x1f: {  	p4 =	sne.s32 s11, $0x2  }
.Ltmp1:
0x20: {  	s18 =	simm.s32 @!p1 $0x0;
	s17 =	simm.s32 @!p1 $0x1;
	v0 =	vmin.u32 @!p1 v0, $0x2000;
	(pc) =	sbr.rel @!p4 .LBB2_3-.Ltmp1, $4  }
0x21: {  	s15 =	sadd.s32 $0x10, s5;
	p2 =	sle.u32 s10, $0x1;
	s14 =	smov.u32 s5  }
0x22: {  	p3 =	slt.s32 s15, s9;
	s13 =	sor.u32 @!p1 $0x220, s8;
	s8 =	simm.s32 $0x10  }
0x23: {  	s14 =	smov.u32 @p3 s15;
	p3 =	por $0x1, $0x1;
	s16 =	sxor.u32 @!p2 $0xFFFFFFFF, s8  }
0x24: {  	vm0 =	vmmov @!p1 $0xffff;
	s15 =	sshrl.u32 @!p2 s14, $0x3;
	s12 =	simm.s32 $0x2;
	s16 =	sand.u32 @!p2 $0x10, s16  }
.LBB2_4:
0x25: {  	[spmem:s18] =	stream.indirect_vreg.scatter.add.s32 @!p1 [tilespmem:s13], [sflag:$0x1], $0x1, v0, vm0, $0x4038;
	[tilespmem:$0x240] =	vst v63  }
0x26: {  	s13 =	sadd.s32 @!p2 s7, s15;
	s18 =	sor.u32 @!p2 $0x200, s16;
	_ =	swait.ge @!p1 [sflag:s17], $0x10  }
0x27: {  	s19 =	smov.u32 s12;
	s12 =	sadd.s32 $0x1, s12;
	[sflag:s17] =	ssyncset.done @!p1 $0x0  }
0x28: {  	s20 =	sand.u32 @!p2 $0x7, s14;
	[sflag:s17] =	ssyncadd.s32 @!p1 $0xFFFFFFF0;
	p1 =	seq.s32 s8, $0x0  }
0x29: {  	[tilespmem:s18], [sflag:$0x2] =	stream.linear.gather @!p2 [hbm4b:s13+s20], $0x10, $0x38;
	[tilespmem:$0x240] =	vst v63  }
0x2a: {  	s16 =	sor.u32 @!p2 $0x220, s16;
	s17 =	simm.s32 @!p1 $0x2;
	s13 =	sand.u32 @!p1 $0x10, s8  }
0x2b: {  	s15 =	sadd.s32 @!p2 s6, s15;
	s18 =	sor.u32 @!p1 $0x200, s13;
	s13 =	sor.u32 @!p1 $0x220, s13  }
0x2c: {  	[tilespmem:s16], [sflag:$0x2] =	stream.linear.gather @!p2 [hbm4b:s15+s20], $0x10, $0x38;
	[tilespmem:$0x240] =	vst v63  }
0x2d: {  	p4 =	sne.s32 s11, s12;
	_ =	swait.ge @!p1 [sflag:s17], $0x20  }
0x2e: {  	[sflag:s17] =	ssyncset.done @!p1 $0x0  }
0x2f: {  	[sflag:s17] =	ssyncadd.s32 @!p1 $0xFFFFFFE0  }
0x30: {  	v0 =	vld.msk @!p1 [tilespmem:s18+$0x0 ss:$0x1], $0xffff;
	_ =	sdelay $0x5  }
.Ltmp2:
0x31: {  	s8 =	sadd.s32 $0x10, s8;
	v0 =	vmin.u32 @!p1 v0, $0x2000;
	(pc) =	sbr.rel @p4 .LBB2_4-.Ltmp2, $4  }
0x32: {  	vm0 =	vmmov @!p1 $0xffff;
	s15 =	sadd.s32 $0x10, s14;
	p2 =	sge.u32 s19, s10;
	s18 =	simm.s32 @!p1 $0x0  }
0x33: {  	s14 =	smov.u32 s5;
	p5 =	slt.s32 s15, s9;
	s17 =	simm.s32 @!p1 $0x1  }
0x34: {  	s16 =	sxor.u32 @!p2 $0xFFFFFFFF, s8;
	s14 =	smov.u32 @p5 s15  }
0x35: {  	s16 =	sand.u32 @!p2 $0x10, s16;
	s15 =	sshrl.u32 @!p2 s14, $0x3  }
0x36: {  	s5 =	smov.u32 s14  }
.LBB2_6:
0x37: {  	_ =	sdelay $0x2  }
0x38: {  	p3 =	por p1, !p3  }
0x39: {  	[spmem:s18] =	stream.indirect_vreg.scatter.add.s32 @!p3 [tilespmem:s13], [sflag:$0x1], $0x1, v0, vm0, $0x4038;
	[tilespmem:$0x240] =	vst v63  }
0x3a: {  	_ =	swait.ge @!p3 [sflag:s17], $0x10  }
0x3b: {  	s7 =	sadd.s32 @!p2 s7, s15;
	s9 =	sor.u32 @!p2 $0x200, s16;
	[sflag:s17] =	ssyncset.done @!p3 $0x0  }
0x3c: {  	s5 =	sand.u32 @!p2 $0x7, s5;
	p1 =	seq.s32 s8, $0x0;
	[sflag:s17] =	ssyncadd.s32 @!p3 $0xFFFFFFF0  }
0x3d: {  	[tilespmem:s9], [sflag:$0x2] =	stream.linear.gather @!p2 [hbm4b:s7+s5], $0x10, $0x38;
	[tilespmem:$0x240] =	vst v63  }
0x3e: {  	s6 =	sadd.s32 @!p2 s6, s15;
	s7 =	sor.u32 @!p2 $0x220, s16;
	s9 =	simm.s32 @!p1 $0x2  }
0x3f: {  	[tilespmem:s7], [sflag:$0x2] =	stream.linear.gather @!p2 [hbm4b:s6+s5], $0x10, $0x38;
	[tilespmem:$0x240] =	vst v63  }
0x40: {  	_ =	swait.ge @!p1 [sflag:s9], $0x20  }
0x41: {  	s5 =	sand.u32 @!p1 $0x10, s8;
	[sflag:s9] =	ssyncset.done @!p1 $0x0  }
0x42: {  	s6 =	sor.u32 @!p1 $0x200, s5;
	[sflag:s9] =	ssyncadd.s32 @!p1 $0xFFFFFFE0  }
0x43: {  	v0 =	vld.msk @!p1 [tilespmem:s6+$0x0 ss:$0x1], $0xffff;
	_ =	sdelay $0x4  }
0x44: {  	v0 =	vmin.u32 @!p1 v0, $0x2000;
	_ =	sdelay $0x3  }
0x45: {  	vm0 =	vmmov @!p1 $0xffff;
	s7 =	simm.s32 @!p1 $0x1;
	s5 =	sor.u32 @!p1 $0x220, s5;
	s6 =	simm.s32 @!p1 $0x0  }
0x46: {  	[spmem:s6] =	stream.indirect_vreg.scatter.add.s32 @!p1 [tilespmem:s5], [sflag:$0x1], $0x1, v0, vm0, $0x4038;
	[tilespmem:$0x240] =	vst v63  }
0x47: {  	_ =	swait.ge @!p1 [sflag:s7], $0x10  }
0x48: {  	[sflag:s7] =	ssyncset.done @!p1 $0x0  }
0x49: {  	[sflag:s7] =	ssyncadd.s32 @!p1 $0xFFFFFFF0  }
0x4a: {  	_ =	sfence.sel $0x180000  }
0x4b: {  	[bflag:$0x0] =	sbarrier.arrive $0xFFFF  }
0x4c: {  	[sflag:s4] =	ssyncpa.u1 $0x1  }
0x4d: {  	[sflag:s3] =	ssyncpa.u1 $0x1  }
0x4e: {  	_ =	sfence.stream.spmem  }
0x4f: {  	s31 =	simm.s32 $0x3D;
	[bflag:$0x0] =	sbarrier.arrive $0xFFFF  }
0x50: {  	s3 =	simm.s32 @p0 $0x3D;
	[sflag:s31] =	ssyncpa.u1 $0x0  }
0x51: {  	[sflag:s3] =	ssyncpa.u1 @p0 $0x1  }
0x52: {  	[bflag:$0x0] =	sbarrier.arrive @p0 $0xFFFF  }
0x53: {  	_ =	strace @p0 $0x9000004D  }
0x54: {  	s3 =	simm.s32 @!p0 $0x1C3D;
	[bflag:$0x2] =	sbarrier.arrive @p0 $0xFFFF  }
0x55: {  	[hbm:s1], [sflag:s3] =	dma.local @!p0 [spmem:s2], $0x400  }
0x56: {  	s1 =	simm.s32 @!p0 $0x3D  }
0x57: {  	_ =	swait.ge @!p0 [sflag:s1], $0x400  }
0x58: {  	[sflag:s1] =	ssyncset.done @!p0 $0x0  }
0x59: {  	[sflag:s1] =	ssyncadd.s32 @!p0 $0xFFFFFC00  }
0x5a: {  	[sflag:s1] =	ssyncpa.u1 @!p0 $0x1  }
0x5b: {  	[bflag:$0x0] =	sbarrier.arrive @!p0 $0xFFFF  }
0x5c: {  	_ =	strace @!p0 $0x9000004D  }
0x5d: {  	s0 =	sadd.s32 @!p0 $0x100000, s0;
	[bflag:$0x2] =	sbarrier.arrive @!p0 $0xFFFF  }
0x5e: {  	[sflag:s0] =	ssyncadd.tile.s32 @!p0 $0x1;
	_ =	shalt  }
.LBB2_1:
.Ltmp3:
0x5f: {  	(pc) =	sbr.rel .LBB2_6-.Ltmp3, $2  }
0x60: {  	_ =	sdelay $0x2  }
0x61: {  	_ = 	snop  }
.LBB2_3:
.Ltmp4:
0x62: {  	(pc) =	sbr.rel .LBB2_6-.Ltmp4, $2  }
0x63: {  	_ =	sdelay $0x2  }
0x64: {  	s5 =	smov.u32 s14  }
.Lfunc_end2:
_tile_overlayer_lowered:
.L_overlay_start_2:
0x65: {  	(tag) =	ssettag $0x2  }
0x66: {  	s0 =	rddreg [dreg:$0x0];
	s2 =	stileid.u32  }
0x67: {  	s1 =	rddreg [dreg:$0x1];
	p0 =	sne.s32 s2, $0x0  }
0x68: {  	s3 =	rddreg [dreg:$0x2];
	[bflag:$0x3] =	sbarrier.arrive $0xFFFF;
	s2 =	simm.s32 @!p0 $0x1C01  }
0x69: {  	[timem:s3], [sflag:s2] =	dma.local @!p0 [hbm:s0], s1  }
0x6a: {  	s0 =	simm.s32 @!p0 $0x1  }
0x6b: {  	_ =	swait.ge @!p0 [sflag:s0], s1  }
0x6c: {  	s1 =	ssub.s32 @!p0 $0x0, s1;
	[sflag:s0] =	ssyncset.done @!p0 $0x0  }
0x6d: {  	[sflag:s0] =	ssyncadd.s32 @!p0 s1  }
0x6e: {  	[bflag:$0x3] =	sbarrier.arrive $0xFFFF  }
0x6f: {  	_ =	shalt  }

// kernel: scatter_offload_async_start.4
scs
__scs_entry_jumppad:
0x0: {  	(pc) =	sbr.rel $0x88, $3  }
0x1: {  	(tag) =	ssettag $0x0;
	lr =	simm.s32 $0x1  }
0x2: {  	[smem:$0x3F9B] =	sst lr;
	_ =	strace $0xD0000000  }
0x3: {  	_ = 	snop  }
0x4: {  	_ = 	snop  }
0x5: {  	_ = 	snop  }
0x6: {  	_ = 	snop  }
0x7: {  	_ = 	snop  }
__scs_overlays_trampoline_lowered:
0x8: {  	[smem:$0x3FAA] =	sst s0  }
0x9: {  	[smem:$0x3FAB] =	sst s1  }
0xa: {  	[smem:$0x3FAC] =	sst s2  }
0xb: {  	[smem:$0x3FAD] =	sst s3  }
0xc: {  	[smem:$0x3FAE] =	sst s4  }
0xd: {  	[smem:$0x3FAF] =	sst s5  }
0xe: {  	[smem:$0x3FB0] =	sst s6  }
0xf: {  	[smem:$0x3FB1] =	sst s7  }
0x10: {  	[smem:$0x3FB2] =	sst s8  }
0x11: {  	[smem:$0x3FB3] =	sst s9;
	s0 =	simm.s32 @!p0 $0x0  }
0x12: {  	s1 =	sld [smem:$0x3F99];
	s0 =	simm.s32 @p0 $0x1  }
0x13: {  	[smem:$0x3FB4] =	sst s0;
	s0 =	simm.s32 @!p1 $0x0  }
0x14: {  	s2 =	sld [smem:$0x3F98];
	s0 =	simm.s32 @p1 $0x1  }
0x15: {  	[smem:$0x3FB5] =	sst s0;
	s0 =	simm.s32 @!p2 $0x0  }
0x16: {  	s3 =	sld [smem:$0x3FDB];
	s0 =	simm.s32 @p2 $0x1  }
0x17: {  	s4 =	simm.s32 $0x1BF5;
	[smem:$0x3FB7] =	sst s0  }
0x18: {  	s0 =	sld [smem:$0x3F9A];
	_ =	swait.ge [sflag:s4], $0x0  }
0x19: {  	s7 =	sld [smem:$0x3F9B]  }
0x1a: {  	s8 =	sadd.s32 $0xFFFFE003, lr  }
0x1b: {  	s9 =	sadd.s32 $0xFFFFFEF7, lr;
	s5 =	simm.s32 $0xFFFFFFFF;
	p2 =	slt.u32 s8, $0xFFFFF086  }
0x1c: {  	p1 =	slt.u32 s9, $0xF7A;
	s5 =	simm.s32 @!p2 $0x0  }
0x1d: {  	s5 =	simm.s32 @p1 $0x1;
	p0 =	seq.s32 s7, s2  }
0x1e: {  	s7 =	smul.u32 @!p0 $0xF7A, s2;
	p2 =	seq.s32 @!p0 s5, $0x0  }
0x1f: {  	s9 =	smul.u32 $0xF7A, s1;
	s8 =	simm.s32 @!p0 $0x1BF5;
	p2 =	por !p2, p0  }
0x20: {  	[sflag:s8] =	ssyncset.s32 @!p0 $0xFFFFF086;
	s6 =	sadd.s32 @!p0 s3, s7;
	s7 =	simm.s32 @!p0 $0x108  }
0x21: {  	s3 =	sadd.s32 s3, s9;
	s6 =	sadd.s32 @!p0 $0x88, s6;
	s7 =	simm.s32 @p2 $0x1082  }
0x22: {  	[simem:s7], [sflag:s8] =	dma.local @!p0 [hbm:s6], $0xF7A  }
0x23: {  	s9 =	sor.u32 $0xD0000000, s2;
	s6 =	simm.s32 $0x108;
	_ =	swait.ge @!p0 [sflag:s8], $0x0  }
0x24: {  	s3 =	sadd.s32 $0x88, s3;
	s6 =	simm.s32 @!p1 $0x1082;
	[sflag:s4] =	ssyncset.s32 $0xFFFFF086  }
0x25: {  	[simem:s6], [sflag:s4] =	dma.local [hbm:s3], $0xF7A  }
0x26: {  	[smem:$0x3F9B] =	sst s1;
	(tag) =	ssettag s2;
	_ =	strace s9  }
0x27: {  	s1 =	sld [smem:$0x3FAB]  }
0x28: {  	s2 =	sld [smem:$0x3FAC]  }
0x29: {  	s4 =	sld [smem:$0x3FAE]  }
0x2a: {  	p0 =	seq.s32 s5, $0x0;
	s5 =	sld [smem:$0x3FAF]  }
0x2b: {  	s6 =	sld [smem:$0x3FB0]  }
0x2c: {  	s7 =	sld [smem:$0x3FB1]  }
0x2d: {  	s3 =	simm.s32 $0x108;
	s8 =	sld [smem:$0x3FB2]  }
0x2e: {  	s3 =	simm.s32 @!p0 $0x1082;
	s9 =	sld [smem:$0x3FB3]  }
0x2f: {  	lr =	sadd.s32 s0, s3;
	s0 =	sld [smem:$0x3FAA]  }
0x30: {  	s3 =	sld [smem:$0x3FAD]  }
0x31: {  	[smem:$0x3FB6] =	sst s10  }
0x32: {  	s10 =	sld [smem:$0x3FB4];
	_ =	sdelay $0x3  }
0x33: {  	p0 =	seq.s32 s10, $0x1;
	s10 =	sld [smem:$0x3FB6];
	_ =	sdelay $0x3  }
0x34: {  	[smem:$0x3FB6] =	sst s10  }
0x35: {  	s10 =	sld [smem:$0x3FB5];
	_ =	sdelay $0x3  }
0x36: {  	p1 =	seq.s32 s10, $0x1;
	s10 =	sld [smem:$0x3FB6];
	_ =	sdelay $0x3  }
0x37: {  	[smem:$0x3FB6] =	sst s10  }
0x38: {  	s10 =	sld [smem:$0x3FB7]  }
0x39: {  	_ = 	snop;
	(pc) =	sbr.ind lr, $3  }
0x3a: {  	_ = 	snop  }
0x3b: {  	_ = 	snop  }
0x3c: {  	p2 =	seq.s32 s10, $0x1;
	s10 =	sld [smem:$0x3FB6]  }
0x3d: {  	_ =	shalt  }
0x3e: {  	_ =	shalt  }
0x3f: {  	_ =	shalt  }
0x40: {  	_ =	shalt  }
0x41: {  	_ =	shalt  }
0x42: {  	_ =	shalt  }
0x43: {  	_ =	shalt  }
0x44: {  	_ =	shalt  }
0x45: {  	_ =	shalt  }
0x46: {  	_ =	shalt  }
0x47: {  	_ =	shalt  }
0x48: {  	_ =	shalt  }
0x49: {  	_ =	shalt  }
0x4a: {  	_ =	shalt  }
0x4b: {  	_ =	shalt  }
0x4c: {  	_ =	shalt  }
0x4d: {  	_ =	shalt  }
0x4e: {  	_ =	shalt  }
0x4f: {  	_ =	shalt  }
0x50: {  	_ =	shalt  }
0x51: {  	_ =	shalt  }
0x52: {  	_ =	shalt  }
0x53: {  	_ =	shalt  }
0x54: {  	_ =	shalt  }
0x55: {  	_ =	shalt  }
0x56: {  	_ =	shalt  }
0x57: {  	_ =	shalt  }
0x58: {  	_ =	shalt  }
0x59: {  	_ =	shalt  }
0x5a: {  	_ =	shalt  }
0x5b: {  	_ =	shalt  }
0x5c: {  	_ =	shalt  }
0x5d: {  	_ =	shalt  }
0x5e: {  	_ =	shalt  }
0x5f: {  	_ =	shalt  }
0x60: {  	_ =	shalt  }
0x61: {  	_ =	shalt  }
0x62: {  	_ =	shalt  }
0x63: {  	_ =	shalt  }
0x64: {  	_ =	shalt  }
0x65: {  	_ =	shalt  }
0x66: {  	_ =	shalt  }
0x67: {  	_ =	shalt  }
0x68: {  	_ =	shalt  }
0x69: {  	_ =	shalt  }
0x6a: {  	_ =	shalt  }
0x6b: {  	_ =	shalt  }
0x6c: {  	_ =	shalt  }
0x6d: {  	_ =	shalt  }
0x6e: {  	_ =	shalt  }
0x6f: {  	_ =	shalt  }
0x70: {  	_ =	shalt  }
0x71: {  	_ =	shalt  }
0x72: {  	_ =	shalt  }
0x73: {  	_ =	shalt  }
0x74: {  	_ =	shalt  }
0x75: {  	_ =	shalt  }
0x76: {  	_ =	shalt  }
0x77: {  	_ =	shalt  }
0x78: {  	_ =	shalt  }
0x79: {  	_ =	shalt  }
0x7a: {  	_ =	shalt  }
0x7b: {  	_ =	shalt  }
0x7c: {  	_ =	shalt  }
0x7d: {  	_ =	shalt  }
0x7e: {  	_ =	shalt  }
0x7f: {  	_ =	shalt  }
0x80: {  	_ =	shalt  }
0x81: {  	_ =	shalt  }
0x82: {  	_ =	shalt  }
0x83: {  	_ =	shalt  }
0x84: {  	_ =	shalt  }
0x85: {  	_ =	shalt  }
0x86: {  	_ =	shalt  }
0x87: {  	_ =	shalt  }
.Lfunc_end0:
.L_simem_size_0:
called_computation.4_lowered:
.L_overlay_start_0:
0x88: {  	s0 =	sld [smem:$0x3FD9]  }
0x89: {  	s1 =	sld [smem:$0x3FFE];
	_ =	sdelay $0x3  }
0x8a: {  	s0 =	sadd.s32 s1, s0  }
0x8b: {  	[smem:$0x3FC2] =	sst s0  }
0x8c: {  	_ = 	snop  }
0x8d: {  	s0 =	sld [smem:$0x3FD0];
	_ =	sdelay $0x2  }
0x8e: {  	s12 =	simm.s32 $0xD;
	s2 =	simm.s32 $0x10  }
0x8f: {  	[smem:s2], [sflag:s12] =	dma.local [hbm:s0], $0x1  }
0x90: {  	_ =	swait.eq [sflag:s12], $0x1  }
0x91: {  	[sflag:s12] =	ssyncset.done $0x0  }
0x92: {  	s13 =	sld [smem:$0x10];
	[sflag:s12] =	ssyncadd.s32 $0xFFFFFFFF  }
0x93: {  	s14 =	sld [smem:$0x11];
	(tm) =	ssettm $0x1  }
0x94: {  	s15 =	sld [smem:$0x3FFB];
	_ =	sdelay $0x3  }
0x95: {  	_ =	strace s15  }
0x96: {  	s0 =	sld [smem:$0x3FFC];
	_ =	sdelay $0x3  }
0x97: {  	_ =	strace s0  }
0x98: {  	s0 =	sld [smem:$0x3FFD];
	_ =	sdelay $0x3  }
0x99: {  	_ =	strace s0  }
0x9a: {  	_ =	strace $0x8FFFFFFF  }
0x9b: {  	s16 =	sld [smem:$0x3FDB];
	_ =	sdelay $0x1  }
0x9c: {  	s3 =	simm.s32 $_scs_section_size  }
0x9d: {  	s4 =	simm.s32 $_size__tile_overlayer_lowered;
	s5 =	simm.s32 $_tile_overlayer_lowered  }
0x9e: {  	s6 =	simm.s32 $0x1BFF;
	s17 =	sshll.u32 s5, $0x1;
	s3 =	sadd.s32 s3, s16  }
0x9f: {  	s18 =	simm.s32 $0x0;
	s4 =	sshll.u32 s4, $0x1;
	s5 =	sadd.s32 s17, s3  }
0xa0: {  	[timem:s18], [sflag:s6] =	dma.local [hbm:s5], s4  }
0xa1: {  	_ =	swait.ge [sflag:s6], s4  }
0xa2: {  	s4 =	ssub.s32 $0x0, s4;
	[sflag:s6] =	ssyncset.done $0x0  }
0xa3: {  	[sflag:s6] =	ssyncadd.s32 s4;
	_ =	sdelay $0x1  }
0xa4: {  	s19 =	simm.s32 $0x1B8B  }
0xa5: {  	_ =	swait.ge [sflag:s19], $0x1  }
0xa6: {  	[sflag:s19] =	ssyncset.done $0x0  }
0xa7: {  	s21 =	simm.s32 $0x1B8E;
	s20 =	sld [smem:$0x3FFE];
	[sflag:s19] =	ssyncadd.s32 $0xFFFFFFFF  }
0xa8: {  	s22 =	simm.s32 $execute0_lowered;
	[smem:$0x3FD2] =	sst s21  }
0xa9: {  	s5 =	sshll.u32 s22, $0x1;
	_ =	strace $0x80000046;
	[dreg:$0x1] =	wrdreg $0xFFFFFFFF  }
0xaa: {  	s23 =	simm.s32 $_size_execute0_lowered;
	s5 =	sadd.s32 s3, s5;
	[dreg:$0x0] =	wrdreg $0x0  }
0xab: {  	s6 =	sshll.u32 s23, $0x1;
	[dreg:$0x2] =	wrdreg s5  }
0xac: {  	[dreg:$0x3] =	wrdreg s6  }
0xad: {  	[dreg:$0x4] =	wrdreg $0xC0  }
0xae: {  	s24 =	simm.s32 $execute1_lowered;
	_ =	task [dreg:s18], $0x5FFFF  }
0xaf: {  	s5 =	sshll.u32 s24, $0x1;
	[dreg:$0x1] =	wrdreg $0xFFFFFFFF  }
0xb0: {  	s3 =	sadd.s32 s3, s5;
	[dreg:$0x0] =	wrdreg $0x60  }
0xb1: {  	[dreg:$0x2] =	wrdreg s3  }
0xb2: {  	[dreg:$0x3] =	wrdreg s13  }
0xb3: {  	[dreg:$0x4] =	wrdreg s14  }
0xb4: {  	[dreg:$0x5] =	wrdreg $0x9  }
0xb5: {  	_ =	task.clear_ibuf [dreg:s18], $0x6FFFF;
	_ =	strace $0x90000046  }
0xb6: {  	s25 =	simm.s32 $0x9;
	_ =	strace $0x80000048  }
0xb7: {  	_ =	swait.ge [sflag:s25], $0x1  }
0xb8: {  	[sflag:s25] =	ssyncadd.s32 $0xFFFFFFFF  }
0xb9: {  	_ =	strace $0x90000048  }
0xba: {  	_ =	strace $0x80000049;
	[dreg:$0x1] =	wrdreg $0xFFFFFFFF  }
0xbb: {  	[dreg:$0x0] =	wrdreg $0x2030  }
0xbc: {  	[dreg:$0x2] =	wrdreg s14  }
0xbd: {  	[dreg:$0x3] =	wrdreg s20  }
0xbe: {  	[dreg:$0x4] =	wrdreg $0xA  }
0xbf: {  	_ =	task.clear_ibuf [dreg:s18], $0x5FFFF;
	_ =	strace $0x90000049  }
0xc0: {  	s26 =	simm.s32 $0xA;
	_ =	strace $0x8000004B  }
0xc1: {  	_ =	swait.ge [sflag:s26], $0x1  }
0xc2: {  	[sflag:s26] =	ssyncadd.s32 $0xFFFFFFFF  }
0xc3: {  	_ =	strace $0x9000004B  }
0xc4: {  	_ =	sfence  }
0xc5: {  	s28 =	sld [smem:$0x0];
	_ =	sdelay $0x1  }
0xc6: {  	s29 =	srdreg.scid  }
0xc7: {  	s30 =	sshll.u32 s29, $0xD;
	s31 =	sshrl.u32 s29, $0x2  }
0xc8: {  	s2 =	sand.u32 $0x1, s29;
	s3 =	sand.u32 $0x4000, s30;
	s1 =	sadd.s32 s31, s28  }
0xc9: {  	s2 =	sor.u32 s3, s2;
	s1 =	sshll.u32 s1, $0x11  }
0xca: {  	s1 =	sor.u32 s1, s2  }
0xcb: {  	s1 =	sadd.s32 $0x8F2B, s1  }
0xcc: {  	[sflag:s1] =	ssyncadd.remote.s32 $0x1  }
0xcd: {  	_ =	sfence.sel $0xFFFF  }
0xce: {  	[dreg:$0x0] =	wrdreg $0xFFFFFFFF;
	(pc) =	sbr.abs _section_cstart, $3  }
0xcf: {  	[dreg:$0x1] =	wrdreg $0xFFFFFFFF  }
0xd0: {  	_ =	task.clear_ibuf [dreg:s18], $0x2FFFF;
	_ =	strace $0x9FFFFFFF  }
0xd1: {  	(tm) =	ssettm $0x7FFFFFFF  }
tec
execute0_lowered:
.L_overlay_start_1:
0x0: {  	(tag) =	ssettag $0x1  }
0x1: {  	s3 =	rddreg [dreg:$0x0]  }
0x2: {  	s5 =	rddreg [dreg:$0x1]  }
0x3: {  	s2 =	rddreg [dreg:$0x2]  }
0x4: {  	s0 =	rddreg [dreg:$0x3];
	s4 =	stileid.u32;
	[bflag:$0x3] =	sbarrier.arrive $0xFFFF  }
0x5: {  	s1 =	simm.s32 $_size_execute1_lowered;
	s31 =	simm.s32 $0x2;
	s8 =	simm.s32 $0x600  }
0x6: {  	s10 =	simm.s32 $0x0;
	p0 =	sne.s32 s4, $0x0;
	s1 =	sshll.u32 s1, $0x1  }
.Ltmp0:
0x7: {  	s6 =	simm.s32 @!p0 $0x1C3F;
	s7 =	simm.s32 @!p0 $0x4060;
	(pc) =	sbr.rel .LBB2_1-.Ltmp0, $4  }
0x8: {  	[timem:s7], [sflag:s6] =	dma.local @!p0 [hbm:s3], s1  }
0x9: {  	s4 =	sshll.u32 s4, $0x6;
	s3 =	simm.s32 $0x1;
	_ =	strace $0x80000047  }
0xa: {  	s9 =	simm.s32 $0x0;
	s5 =	sadd.s32 s4, s5;
	[sflag:s3] =	ssyncpa.u1 $0x0  }
0xb: {  	s6 =	simm.s32 $0x0;
	s7 =	simm.s32 $0x200;
	[sflag:s31] =	ssyncpa.u1 $0x0  }
.LBB2_5:
0xc: {  	p1 =	seq.s32 s9, $0x2  }
.Ltmp1:
0xd: {  	_ = 	snop;
	(pc) =	sbr.rel @p1 .LBB2_7-.Ltmp1, $1  }
0xe: {  	_ =	sdelay $0x3  }
.LBB2_6:
0xf: {  	s9 =	sadd.s32 $0x1, s9;
	s10 =	smov.u32 s4  }
.LBB2_1:
0x10: {  	p1 =	sne.s32 s9, $0x0  }
.Ltmp2:
0x11: {  	_ = 	snop;
	(pc) =	sbr.rel @!p1 .LBB2_2-.Ltmp2, $1  }
0x12: {  	_ =	sdelay $0x3  }
0x13: {  	s11 =	sand.u32 $0x1, s9  }
0x14: {  	p1 =	seq.s32 s11, $0x0  }
.Ltmp3:
0x15: {  	_ = 	snop;
	(pc) =	sbr.rel @p1 .LBB2_5-.Ltmp3, $1  }
0x16: {  	_ =	sdelay $0x3  }
0x17: {  	_ =	swait.ge [sflag:s3], $0x200  }
0x18: {  	[sflag:s3] =	ssyncset.done $0x0  }
0x19: {  	[sflag:s3] =	ssyncadd.s32 $0xFFFFFE00  }
0x1a: {  	v0 =	vld [tilespmem:$0x200]  }
0x1b: {  	v1 =	vld [tilespmem:$0x210]  }
0x1c: {  	v2 =	vld [tilespmem:$0x220]  }
0x1d: {  	v3 =	vld [tilespmem:$0x230]  }
0x1e: {  	v4 =	vld [tilespmem:$0x240]  }
0x1f: {  	v37 =	vld [tilespmem:$0x250];
	[tilespmem:$0x600] =	vst v0  }
0x20: {  	v38 =	vld [tilespmem:$0x260];
	[tilespmem:$0x610] =	vst v1  }
0x21: {  	v39 =	vld [tilespmem:$0x270];
	[tilespmem:$0x620] =	vst v2  }
0x22: {  	v40 =	vld [tilespmem:$0x280];
	[tilespmem:$0x630] =	vst v3  }
0x23: {  	v41 =	vld [tilespmem:$0x290];
	[tilespmem:$0x640] =	vst v4  }
0x24: {  	v42 =	vld [tilespmem:$0x2A0];
	[tilespmem:$0x650] =	vst v37  }
0x25: {  	v43 =	vld [tilespmem:$0x2B0];
	[tilespmem:$0x660] =	vst v38  }
0x26: {  	v44 =	vld [tilespmem:$0x2C0];
	[tilespmem:$0x670] =	vst v39  }
0x27: {  	v45 =	vld [tilespmem:$0x2D0];
	[tilespmem:$0x680] =	vst v40  }
0x28: {  	v46 =	vld [tilespmem:$0x2E0];
	[tilespmem:$0x690] =	vst v41  }
0x29: {  	v47 =	vld [tilespmem:$0x2F0];
	[tilespmem:$0x6A0] =	vst v42  }
0x2a: {  	v48 =	vld [tilespmem:$0x300];
	[tilespmem:$0x6B0] =	vst v43  }
0x2b: {  	v49 =	vld [tilespmem:$0x310];
	[tilespmem:$0x6C0] =	vst v44  }
0x2c: {  	v50 =	vld [tilespmem:$0x320];
	[tilespmem:$0x6D0] =	vst v45  }
0x2d: {  	v51 =	vld [tilespmem:$0x330];
	[tilespmem:$0x6E0] =	vst v46  }
0x2e: {  	v52 =	vld [tilespmem:$0x340];
	[tilespmem:$0x6F0] =	vst v47  }
0x2f: {  	v53 =	vld [tilespmem:$0x350];
	[tilespmem:$0x700] =	vst v48  }
0x30: {  	v54 =	vld [tilespmem:$0x360];
	[tilespmem:$0x710] =	vst v49  }
0x31: {  	v55 =	vld [tilespmem:$0x370];
	[tilespmem:$0x720] =	vst v50  }
0x32: {  	v56 =	vld [tilespmem:$0x380];
	[tilespmem:$0x730] =	vst v51  }
0x33: {  	v57 =	vld [tilespmem:$0x390];
	[tilespmem:$0x740] =	vst v52  }
0x34: {  	v58 =	vld [tilespmem:$0x3A0];
	[tilespmem:$0x750] =	vst v53  }
0x35: {  	v59 =	vld [tilespmem:$0x3B0];
	[tilespmem:$0x760] =	vst v54  }
0x36: {  	v60 =	vld [tilespmem:$0x3C0];
	[tilespmem:$0x770] =	vst v55  }
0x37: {  	v61 =	vld [tilespmem:$0x3D0];
	[tilespmem:$0x780] =	vst v56  }
0x38: {  	v62 =	vld [tilespmem:$0x3E0];
	[tilespmem:$0x790] =	vst v57  }
0x39: {  	v63 =	vld [tilespmem:$0x3F0];
	[tilespmem:$0x7A0] =	vst v58  }
0x3a: {  	[tilespmem:$0x7B0] =	vst v59  }
.Ltmp4:
0x3b: {  	[tilespmem:$0x7C0] =	vst v60;
	(pc) =	sbr.rel .LBB2_5-.Ltmp4, $4  }
0x3c: {  	[tilespmem:$0x7D0] =	vst v61  }
0x3d: {  	[tilespmem:$0x7E0] =	vst v62  }
0x3e: {  	s10 =	sadd.s32 s2, s10;
	[tilespmem:$0x7F0] =	vst v63  }
0x3f: {  	[hbm4b:s10+s6] =	stream.linear.scatter [tilespmem:s8], [sflag:$0x2], $0x200, $0x38;
	[tilespmem:$0x800] =	vst v63  }
.LBB2_2:
.Ltmp5:
0x40: {  	(pc) =	sbr.rel .LBB2_6-.Ltmp5, $2  }
0x41: {  	_ =	sdelay $0x2  }
0x42: {  	[tilespmem:s7], [sflag:$0x1] =	stream.linear.gather [hbm4b:s5+s6], $0x200, $0x38;
	[tilespmem:$0x800] =	vst v63  }
.LBB2_7:
0x43: {  	s2 =	simm.s32 $0x2  }
0x44: {  	_ =	swait.ge [sflag:s2], $0x200  }
0x45: {  	[sflag:s2] =	ssyncset.done $0x0  }
0x46: {  	[sflag:s2] =	ssyncadd.s32 $0xFFFFFE00  }
0x47: {  	_ =	sfence.sel $0x180000  }
0x48: {  	s3 =	simm.s32 $0x1;
	[bflag:$0x0] =	sbarrier.arrive $0xFFFF  }
0x49: {  	[sflag:s3] =	ssyncpa.u1 $0x1  }
0x4a: {  	[sflag:s2] =	ssyncpa.u1 $0x1  }
0x4b: {  	_ =	strace $0x90000047  }
0x4c: {  	s0 =	sadd.s32 @!p0 $0x100000, s0;
	[bflag:$0x2] =	sbarrier.arrive $0xFFFF  }
0x4d: {  	[sflag:s0] =	ssyncadd.tile.s32 @!p0 $0x1;
	s0 =	simm.s32 @!p0 $0x3F  }
0x4e: {  	_ =	swait.ge @!p0 [sflag:s0], s1  }
0x4f: {  	s1 =	ssub.s32 @!p0 $0x0, s1;
	[sflag:s0] =	ssyncset.done @!p0 $0x0  }
0x50: {  	[sflag:s0] =	ssyncadd.s32 @!p0 s1  }
0x51: {  	[bflag:$0x3] =	sbarrier.arrive $0xFFFF  }
0x52: {  	_ =	shalt  }
.Lfunc_end2:
execute1_lowered:
.L_overlay_start_2:
0x53: {  	(tag) =	ssettag $0x2  }
0x54: {  	s1 =	rddreg [dreg:$0x0]  }
0x55: {  	s4 =	rddreg [dreg:$0x1]  }
0x56: {  	s0 =	rddreg [dreg:$0x2];
	s3 =	stileid.u32  }
0x57: {  	_ =	strace $0x8000004A;
	s6 =	simm.s32 $0x3E;
	p0 =	sne.s32 s3, $0x0  }
0x58: {  	[sflag:s6] =	ssyncpa.u1 $0x0;
	s31 =	smin.u32 s3, $0x8;
	p1 =	slt.u32 s3, $0x8  }
0x59: {  	s3 =	simm.s32 $0x10;
	s5 =	simm.s32 @!p0 $0x1C3E;
	s2 =	simm.s32 @!p0 $0x0  }
0x5a: {  	[spmem:s2], [sflag:s5] =	dma.local @!p0 [hbm:s1], $0x400  }
0x5b: {  	s3 =	simm.s32 @!p1 $0x0;
	s5 =	sshll.u32 s31, $0x4  }
0x5c: {  	s3 =	sadd.s32 s3, s5  }
0x5d: {  	s9 =	smin.u32 s3, $0x80  }
0x5e: {  	s8 =	ssub.s32 s9, s5  }
0x5f: {  	p1 =	sgt.s32 s8, $0x0  }
0x60: {  	s7 =	simm.s32 @!p0 $0x3E;
	s8 =	simm.s32 @!p1 $0x0  }
0x61: {  	_ =	swait.ge @!p0 [sflag:s7], $0x400;
	s10 =	sshrl.u32 s8, $0x4  }
0x62: {  	[sflag:s7] =	ssyncset.done @!p0 $0x0;
	s11 =	sadd.s32 $0x1, s10  }
0x63: {  	p3 =	por $0x0, $0x0;
	[sflag:s7] =	ssyncadd.s32 @!p0 $0xFFFFFC00;
	p1 =	sne.s32 s11, $0x1  }
.Ltmp6:
0x64: {  	s3 =	simm.s32 $0x1;
	[bflag:$0x0] =	sbarrier.arrive $0xFFFF;
	(pc) =	sbr.rel @!p1 .LBB3_1-.Ltmp6, $4  }
0x65: {  	s7 =	sadd.s32 $0x200, s4;
	[sflag:s6] =	ssyncpa.u1 $0x1;
	s6 =	sadd.s32 $0xC00, s4  }
0x66: {  	s4 =	simm.s32 $0x2;
	s8 =	simm.s32 $0x0;
	p2 =	sle.u32 s10, $0x0  }
0x67: {  	[sflag:s3] =	ssyncpa.u1 $0x0;
	(ifvalue) =	ssetifvalue $0x2000;
	s12 =	sxor.u32 @!p2 $0xFFFFFFFF, s8  }
0x68: {  	[sflag:s4] =	ssyncpa.u1 $0x0;
	s15 =	sshrl.u32 @!p2 s5, $0x3;
	s16 =	sand.u32 @!p2 $0x10, s12  }
0x69: {  	s12 =	sadd.s32 @!p2 s7, s15  }
0x6a: {  	s13 =	sor.u32 @!p2 $0x200, s16;
	s14 =	sand.u32 @!p2 $0x7, s5;
	p1 =	por $0x1, $0x1  }
0x6b: {  	[tilespmem:s13], [sflag:$0x2] =	stream.linear.gather @!p2 [hbm4b:s12+s14], $0x10, $0x38;
	[tilespmem:$0x240] =	vst v63  }
0x6c: {  	s15 =	sadd.s32 @!p2 s6, s15;
	s12 =	sor.u32 @!p2 $0x220, s16;
	s13 =	simm.s32 @!p1 $0x2  }
0x6d: {  	[tilespmem:s12], [sflag:$0x2] =	stream.linear.gather @!p2 [hbm4b:s15+s14], $0x10, $0x38;
	[tilespmem:$0x240] =	vst v63  }
0x6e: {  	_ =	swait.ge @!p1 [sflag:s13], $0x20  }
0x6f: {  	s8 =	sand.u32 @!p1 $0x10, s8;
	[sflag:s13] =	ssyncset.done @!p1 $0x0  }
0x70: {  	s12 =	sor.u32 @!p1 $0x200, s8;
	[sflag:s13] =	ssyncadd.s32 @!p1 $0xFFFFFFE0  }
0x71: {  	v0 =	vld.msk @!p1 [tilespmem:s12+$0x0 ss:$0x1], $0xffff;
	_ =	sdelay $0x3  }
0x72: {  	p4 =	sne.s32 s11, $0x2  }
.Ltmp7:
0x73: {  	s18 =	simm.s32 @!p1 $0x0;
	s17 =	simm.s32 @!p1 $0x1;
	v0 =	vmin.u32 @!p1 v0, $0x2000;
	(pc) =	sbr.rel @!p4 .LBB3_3-.Ltmp7, $4  }
0x74: {  	s15 =	sadd.s32 $0x10, s5;
	p2 =	sle.u32 s10, $0x1;
	s14 =	smov.u32 s5  }
0x75: {  	p3 =	slt.s32 s15, s9;
	s13 =	sor.u32 @!p1 $0x220, s8;
	s8 =	simm.s32 $0x10  }
0x76: {  	s14 =	smov.u32 @p3 s15;
	p3 =	por $0x1, $0x1;
	s16 =	sxor.u32 @!p2 $0xFFFFFFFF, s8  }
0x77: {  	vm0 =	vmmov @!p1 $0xffff;
	s15 =	sshrl.u32 @!p2 s14, $0x3;
	s12 =	simm.s32 $0x2;
	s16 =	sand.u32 @!p2 $0x10, s16  }
.LBB3_4:
0x78: {  	[spmem:s18] =	stream.indirect_vreg.scatter.add.s32 @!p1 [tilespmem:s13], [sflag:$0x1], $0x1, v0, vm0, $0x4038;
	[tilespmem:$0x240] =	vst v63  }
0x79: {  	s13 =	sadd.s32 @!p2 s7, s15;
	s18 =	sor.u32 @!p2 $0x200, s16;
	_ =	swait.ge @!p1 [sflag:s17], $0x10  }
0x7a: {  	s19 =	smov.u32 s12;
	s12 =	sadd.s32 $0x1, s12;
	[sflag:s17] =	ssyncset.done @!p1 $0x0  }
0x7b: {  	s20 =	sand.u32 @!p2 $0x7, s14;
	[sflag:s17] =	ssyncadd.s32 @!p1 $0xFFFFFFF0;
	p1 =	seq.s32 s8, $0x0  }
0x7c: {  	[tilespmem:s18], [sflag:$0x2] =	stream.linear.gather @!p2 [hbm4b:s13+s20], $0x10, $0x38;
	[tilespmem:$0x240] =	vst v63  }
0x7d: {  	s16 =	sor.u32 @!p2 $0x220, s16;
	s17 =	simm.s32 @!p1 $0x2;
	s13 =	sand.u32 @!p1 $0x10, s8  }
0x7e: {  	s15 =	sadd.s32 @!p2 s6, s15;
	s18 =	sor.u32 @!p1 $0x200, s13;
	s13 =	sor.u32 @!p1 $0x220, s13  }
0x7f: {  	[tilespmem:s16], [sflag:$0x2] =	stream.linear.gather @!p2 [hbm4b:s15+s20], $0x10, $0x38;
	[tilespmem:$0x240] =	vst v63  }
0x80: {  	p4 =	sne.s32 s11, s12;
	_ =	swait.ge @!p1 [sflag:s17], $0x20  }
0x81: {  	[sflag:s17] =	ssyncset.done @!p1 $0x0  }
0x82: {  	[sflag:s17] =	ssyncadd.s32 @!p1 $0xFFFFFFE0  }
0x83: {  	v0 =	vld.msk @!p1 [tilespmem:s18+$0x0 ss:$0x1], $0xffff;
	_ =	sdelay $0x5  }
.Ltmp8:
0x84: {  	s8 =	sadd.s32 $0x10, s8;
	v0 =	vmin.u32 @!p1 v0, $0x2000;
	(pc) =	sbr.rel @p4 .LBB3_4-.Ltmp8, $4  }
0x85: {  	vm0 =	vmmov @!p1 $0xffff;
	s15 =	sadd.s32 $0x10, s14;
	p2 =	sge.u32 s19, s10;
	s18 =	simm.s32 @!p1 $0x0  }
0x86: {  	s14 =	smov.u32 s5;
	p5 =	slt.s32 s15, s9;
	s17 =	simm.s32 @!p1 $0x1  }
0x87: {  	s16 =	sxor.u32 @!p2 $0xFFFFFFFF, s8;
	s14 =	smov.u32 @p5 s15  }
0x88: {  	s16 =	sand.u32 @!p2 $0x10, s16;
	s15 =	sshrl.u32 @!p2 s14, $0x3  }
0x89: {  	s5 =	smov.u32 s14  }
.LBB3_6:
0x8a: {  	_ =	sdelay $0x2  }
0x8b: {  	p3 =	por p1, !p3  }
0x8c: {  	[spmem:s18] =	stream.indirect_vreg.scatter.add.s32 @!p3 [tilespmem:s13], [sflag:$0x1], $0x1, v0, vm0, $0x4038;
	[tilespmem:$0x240] =	vst v63  }
0x8d: {  	_ =	swait.ge @!p3 [sflag:s17], $0x10  }
0x8e: {  	s7 =	sadd.s32 @!p2 s7, s15;
	s9 =	sor.u32 @!p2 $0x200, s16;
	[sflag:s17] =	ssyncset.done @!p3 $0x0  }
0x8f: {  	s5 =	sand.u32 @!p2 $0x7, s5;
	p1 =	seq.s32 s8, $0x0;
	[sflag:s17] =	ssyncadd.s32 @!p3 $0xFFFFFFF0  }
0x90: {  	[tilespmem:s9], [sflag:$0x2] =	stream.linear.gather @!p2 [hbm4b:s7+s5], $0x10, $0x38;
	[tilespmem:$0x240] =	vst v63  }
0x91: {  	s6 =	sadd.s32 @!p2 s6, s15;
	s7 =	sor.u32 @!p2 $0x220, s16;
	s9 =	simm.s32 @!p1 $0x2  }
0x92: {  	[tilespmem:s7], [sflag:$0x2] =	stream.linear.gather @!p2 [hbm4b:s6+s5], $0x10, $0x38;
	[tilespmem:$0x240] =	vst v63  }
0x93: {  	_ =	swait.ge @!p1 [sflag:s9], $0x20  }
0x94: {  	s5 =	sand.u32 @!p1 $0x10, s8;
	[sflag:s9] =	ssyncset.done @!p1 $0x0  }
0x95: {  	s6 =	sor.u32 @!p1 $0x200, s5;
	[sflag:s9] =	ssyncadd.s32 @!p1 $0xFFFFFFE0  }
0x96: {  	v0 =	vld.msk @!p1 [tilespmem:s6+$0x0 ss:$0x1], $0xffff;
	_ =	sdelay $0x4  }
0x97: {  	v0 =	vmin.u32 @!p1 v0, $0x2000;
	_ =	sdelay $0x3  }
0x98: {  	vm0 =	vmmov @!p1 $0xffff;
	s7 =	simm.s32 @!p1 $0x1;
	s5 =	sor.u32 @!p1 $0x220, s5;
	s6 =	simm.s32 @!p1 $0x0  }
0x99: {  	[spmem:s6] =	stream.indirect_vreg.scatter.add.s32 @!p1 [tilespmem:s5], [sflag:$0x1], $0x1, v0, vm0, $0x4038;
	[tilespmem:$0x240] =	vst v63  }
0x9a: {  	_ =	swait.ge @!p1 [sflag:s7], $0x10  }
0x9b: {  	[sflag:s7] =	ssyncset.done @!p1 $0x0  }
0x9c: {  	[sflag:s7] =	ssyncadd.s32 @!p1 $0xFFFFFFF0  }
0x9d: {  	_ =	sfence.sel $0x180000  }
0x9e: {  	[bflag:$0x0] =	sbarrier.arrive $0xFFFF  }
0x9f: {  	[sflag:s4] =	ssyncpa.u1 $0x1  }
0xa0: {  	[sflag:s3] =	ssyncpa.u1 $0x1  }
0xa1: {  	_ =	sfence.stream.spmem  }
0xa2: {  	s31 =	simm.s32 $0x3D;
	[bflag:$0x0] =	sbarrier.arrive $0xFFFF  }
0xa3: {  	s3 =	simm.s32 @p0 $0x3D;
	[sflag:s31] =	ssyncpa.u1 $0x0  }
0xa4: {  	[sflag:s3] =	ssyncpa.u1 @p0 $0x1  }
0xa5: {  	[bflag:$0x0] =	sbarrier.arrive @p0 $0xFFFF  }
0xa6: {  	_ =	strace @p0 $0x9000004A  }
0xa7: {  	s3 =	simm.s32 @!p0 $0x1C3D;
	[bflag:$0x2] =	sbarrier.arrive @p0 $0xFFFF  }
0xa8: {  	[hbm:s1], [sflag:s3] =	dma.local @!p0 [spmem:s2], $0x400  }
0xa9: {  	s1 =	simm.s32 @!p0 $0x3D  }
0xaa: {  	_ =	swait.ge @!p0 [sflag:s1], $0x400  }
0xab: {  	[sflag:s1] =	ssyncset.done @!p0 $0x0  }
0xac: {  	[sflag:s1] =	ssyncadd.s32 @!p0 $0xFFFFFC00  }
0xad: {  	[sflag:s1] =	ssyncpa.u1 @!p0 $0x1  }
0xae: {  	[bflag:$0x0] =	sbarrier.arrive @!p0 $0xFFFF  }
0xaf: {  	_ =	strace @!p0 $0x9000004A  }
0xb0: {  	s0 =	sadd.s32 @!p0 $0x100000, s0;
	[bflag:$0x2] =	sbarrier.arrive @!p0 $0xFFFF  }
0xb1: {  	[sflag:s0] =	ssyncadd.tile.s32 @!p0 $0x1;
	_ =	shalt  }
.LBB3_1:
.Ltmp9:
0xb2: {  	(pc) =	sbr.rel .LBB3_6-.Ltmp9, $2  }
0xb3: {  	_ =	sdelay $0x2  }
0xb4: {  	_ = 	snop  }
.LBB3_3:
.Ltmp10:
0xb5: {  	(pc) =	sbr.rel .LBB3_6-.Ltmp10, $2  }
0xb6: {  	_ =	sdelay $0x2  }
0xb7: {  	s5 =	smov.u32 s14  }
.Lfunc_end3:
_tile_overlayer_lowered:
.L_overlay_start_3:
0xb8: {  	(tag) =	ssettag $0x3  }
0xb9: {  	s0 =	rddreg [dreg:$0x0];
	s2 =	stileid.u32  }
0xba: {  	s1 =	rddreg [dreg:$0x1];
	p0 =	sne.s32 s2, $0x0  }
0xbb: {  	s3 =	rddreg [dreg:$0x2];
	[bflag:$0x3] =	sbarrier.arrive $0xFFFF;
	s2 =	simm.s32 @!p0 $0x1C01  }
0xbc: {  	[timem:s3], [sflag:s2] =	dma.local @!p0 [hbm:s0], s1  }
0xbd: {  	s0 =	simm.s32 @!p0 $0x1  }
0xbe: {  	_ =	swait.ge @!p0 [sflag:s0], s1  }
0xbf: {  	s1 =	ssub.s32 @!p0 $0x0, s1;
	[sflag:s0] =	ssyncset.done @!p0 $0x0  }
0xc0: {  	[sflag:s0] =	ssyncadd.s32 @!p0 s1  }
0xc1: {  	[bflag:$0x3] =	sbarrier.arrive $0xFFFF  }
0xc2: {  	_ =	shalt  }

// kernel: scatter_offload_async_start.5
scs
__scs_entry_jumppad:
0x0: {  	(pc) =	sbr.rel $0x88, $3  }
0x1: {  	(tag) =	ssettag $0x0;
	lr =	simm.s32 $0x1  }
0x2: {  	[smem:$0x3F9B] =	sst lr;
	_ =	strace $0xD0000000  }
0x3: {  	_ = 	snop  }
0x4: {  	_ = 	snop  }
0x5: {  	_ = 	snop  }
0x6: {  	_ = 	snop  }
0x7: {  	_ = 	snop  }
__scs_overlays_trampoline_lowered:
0x8: {  	[smem:$0x3FAA] =	sst s0  }
0x9: {  	[smem:$0x3FAB] =	sst s1  }
0xa: {  	[smem:$0x3FAC] =	sst s2  }
0xb: {  	[smem:$0x3FAD] =	sst s3  }
0xc: {  	[smem:$0x3FAE] =	sst s4  }
0xd: {  	[smem:$0x3FAF] =	sst s5  }
0xe: {  	[smem:$0x3FB0] =	sst s6  }
0xf: {  	[smem:$0x3FB1] =	sst s7  }
0x10: {  	[smem:$0x3FB2] =	sst s8  }
0x11: {  	[smem:$0x3FB3] =	sst s9;
	s0 =	simm.s32 @!p0 $0x0  }
0x12: {  	s1 =	sld [smem:$0x3F99];
	s0 =	simm.s32 @p0 $0x1  }
0x13: {  	[smem:$0x3FB4] =	sst s0;
	s0 =	simm.s32 @!p1 $0x0  }
0x14: {  	s2 =	sld [smem:$0x3F98];
	s0 =	simm.s32 @p1 $0x1  }
0x15: {  	[smem:$0x3FB5] =	sst s0;
	s0 =	simm.s32 @!p2 $0x0  }
0x16: {  	s3 =	sld [smem:$0x3FDB];
	s0 =	simm.s32 @p2 $0x1  }
0x17: {  	s4 =	simm.s32 $0x1BF5;
	[smem:$0x3FB7] =	sst s0  }
0x18: {  	s0 =	sld [smem:$0x3F9A];
	_ =	swait.ge [sflag:s4], $0x0  }
0x19: {  	s7 =	sld [smem:$0x3F9B]  }
0x1a: {  	s8 =	sadd.s32 $0xFFFFE003, lr  }
0x1b: {  	s9 =	sadd.s32 $0xFFFFFEF7, lr;
	s5 =	simm.s32 $0xFFFFFFFF;
	p2 =	slt.u32 s8, $0xFFFFF086  }
0x1c: {  	p1 =	slt.u32 s9, $0xF7A;
	s5 =	simm.s32 @!p2 $0x0  }
0x1d: {  	s5 =	simm.s32 @p1 $0x1;
	p0 =	seq.s32 s7, s2  }
0x1e: {  	s7 =	smul.u32 @!p0 $0xF7A, s2;
	p2 =	seq.s32 @!p0 s5, $0x0  }
0x1f: {  	s9 =	smul.u32 $0xF7A, s1;
	s8 =	simm.s32 @!p0 $0x1BF5;
	p2 =	por !p2, p0  }
0x20: {  	[sflag:s8] =	ssyncset.s32 @!p0 $0xFFFFF086;
	s6 =	sadd.s32 @!p0 s3, s7;
	s7 =	simm.s32 @!p0 $0x108  }
0x21: {  	s3 =	sadd.s32 s3, s9;
	s6 =	sadd.s32 @!p0 $0x88, s6;
	s7 =	simm.s32 @p2 $0x1082  }
0x22: {  	[simem:s7], [sflag:s8] =	dma.local @!p0 [hbm:s6], $0xF7A  }
0x23: {  	s9 =	sor.u32 $0xD0000000, s2;
	s6 =	simm.s32 $0x108;
	_ =	swait.ge @!p0 [sflag:s8], $0x0  }
0x24: {  	s3 =	sadd.s32 $0x88, s3;
	s6 =	simm.s32 @!p1 $0x1082;
	[sflag:s4] =	ssyncset.s32 $0xFFFFF086  }
0x25: {  	[simem:s6], [sflag:s4] =	dma.local [hbm:s3], $0xF7A  }
0x26: {  	[smem:$0x3F9B] =	sst s1;
	(tag) =	ssettag s2;
	_ =	strace s9  }
0x27: {  	s1 =	sld [smem:$0x3FAB]  }
0x28: {  	s2 =	sld [smem:$0x3FAC]  }
0x29: {  	s4 =	sld [smem:$0x3FAE]  }
0x2a: {  	p0 =	seq.s32 s5, $0x0;
	s5 =	sld [smem:$0x3FAF]  }
0x2b: {  	s6 =	sld [smem:$0x3FB0]  }
0x2c: {  	s7 =	sld [smem:$0x3FB1]  }
0x2d: {  	s3 =	simm.s32 $0x108;
	s8 =	sld [smem:$0x3FB2]  }
0x2e: {  	s3 =	simm.s32 @!p0 $0x1082;
	s9 =	sld [smem:$0x3FB3]  }
0x2f: {  	lr =	sadd.s32 s0, s3;
	s0 =	sld [smem:$0x3FAA]  }
0x30: {  	s3 =	sld [smem:$0x3FAD]  }
0x31: {  	[smem:$0x3FB6] =	sst s10  }
0x32: {  	s10 =	sld [smem:$0x3FB4];
	_ =	sdelay $0x3  }
0x33: {  	p0 =	seq.s32 s10, $0x1;
	s10 =	sld [smem:$0x3FB6];
	_ =	sdelay $0x3  }
0x34: {  	[smem:$0x3FB6] =	sst s10  }
0x35: {  	s10 =	sld [smem:$0x3FB5];
	_ =	sdelay $0x3  }
0x36: {  	p1 =	seq.s32 s10, $0x1;
	s10 =	sld [smem:$0x3FB6];
	_ =	sdelay $0x3  }
0x37: {  	[smem:$0x3FB6] =	sst s10  }
0x38: {  	s10 =	sld [smem:$0x3FB7]  }
0x39: {  	_ = 	snop;
	(pc) =	sbr.ind lr, $3  }
0x3a: {  	_ = 	snop  }
0x3b: {  	_ = 	snop  }
0x3c: {  	p2 =	seq.s32 s10, $0x1;
	s10 =	sld [smem:$0x3FB6]  }
0x3d: {  	_ =	shalt  }
0x3e: {  	_ =	shalt  }
0x3f: {  	_ =	shalt  }
0x40: {  	_ =	shalt  }
0x41: {  	_ =	shalt  }
0x42: {  	_ =	shalt  }
0x43: {  	_ =	shalt  }
0x44: {  	_ =	shalt  }
0x45: {  	_ =	shalt  }
0x46: {  	_ =	shalt  }
0x47: {  	_ =	shalt  }
0x48: {  	_ =	shalt  }
0x49: {  	_ =	shalt  }
0x4a: {  	_ =	shalt  }
0x4b: {  	_ =	shalt  }
0x4c: {  	_ =	shalt  }
0x4d: {  	_ =	shalt  }
0x4e: {  	_ =	shalt  }
0x4f: {  	_ =	shalt  }
0x50: {  	_ =	shalt  }
0x51: {  	_ =	shalt  }
0x52: {  	_ =	shalt  }
0x53: {  	_ =	shalt  }
0x54: {  	_ =	shalt  }
0x55: {  	_ =	shalt  }
0x56: {  	_ =	shalt  }
0x57: {  	_ =	shalt  }
0x58: {  	_ =	shalt  }
0x59: {  	_ =	shalt  }
0x5a: {  	_ =	shalt  }
0x5b: {  	_ =	shalt  }
0x5c: {  	_ =	shalt  }
0x5d: {  	_ =	shalt  }
0x5e: {  	_ =	shalt  }
0x5f: {  	_ =	shalt  }
0x60: {  	_ =	shalt  }
0x61: {  	_ =	shalt  }
0x62: {  	_ =	shalt  }
0x63: {  	_ =	shalt  }
0x64: {  	_ =	shalt  }
0x65: {  	_ =	shalt  }
0x66: {  	_ =	shalt  }
0x67: {  	_ =	shalt  }
0x68: {  	_ =	shalt  }
0x69: {  	_ =	shalt  }
0x6a: {  	_ =	shalt  }
0x6b: {  	_ =	shalt  }
0x6c: {  	_ =	shalt  }
0x6d: {  	_ =	shalt  }
0x6e: {  	_ =	shalt  }
0x6f: {  	_ =	shalt  }
0x70: {  	_ =	shalt  }
0x71: {  	_ =	shalt  }
0x72: {  	_ =	shalt  }
0x73: {  	_ =	shalt  }
0x74: {  	_ =	shalt  }
0x75: {  	_ =	shalt  }
0x76: {  	_ =	shalt  }
0x77: {  	_ =	shalt  }
0x78: {  	_ =	shalt  }
0x79: {  	_ =	shalt  }
0x7a: {  	_ =	shalt  }
0x7b: {  	_ =	shalt  }
0x7c: {  	_ =	shalt  }
0x7d: {  	_ =	shalt  }
0x7e: {  	_ =	shalt  }
0x7f: {  	_ =	shalt  }
0x80: {  	_ =	shalt  }
0x81: {  	_ =	shalt  }
0x82: {  	_ =	shalt  }
0x83: {  	_ =	shalt  }
0x84: {  	_ =	shalt  }
0x85: {  	_ =	shalt  }
0x86: {  	_ =	shalt  }
0x87: {  	_ =	shalt  }
.Lfunc_end0:
.L_simem_size_0:
called_computation.5_lowered:
.L_overlay_start_0:
0x88: {  	s0 =	sld [smem:$0x3FD9]  }
0x89: {  	s1 =	sld [smem:$0x3FFE];
	_ =	sdelay $0x3  }
0x8a: {  	s0 =	sadd.s32 s1, s0  }
0x8b: {  	[smem:$0x3FC2] =	sst s0  }
0x8c: {  	_ = 	snop  }
0x8d: {  	(tm) =	ssettm $0x1  }
0x8e: {  	s14 =	sld [smem:$0x3FFB];
	_ =	sdelay $0x3  }
0x8f: {  	_ =	strace s14  }
0x90: {  	s0 =	sld [smem:$0x3FFC];
	_ =	sdelay $0x3  }
0x91: {  	_ =	strace s0  }
0x92: {  	s0 =	sld [smem:$0x3FFD];
	_ =	sdelay $0x3  }
0x93: {  	_ =	strace s0  }
0x94: {  	_ =	strace $0x8FFFFFFF  }
0x95: {  	s15 =	sld [smem:$0x3FDB];
	_ =	sdelay $0x1  }
0x96: {  	s16 =	simm.s32 $_scs_section_size  }
0x97: {  	s2 =	simm.s32 $_size__tile_overlayer_lowered;
	s3 =	simm.s32 $_tile_overlayer_lowered  }
0x98: {  	s4 =	simm.s32 $0x1BFF;
	s17 =	sshll.u32 s3, $0x1;
	s1 =	sadd.s32 s16, s15  }
0x99: {  	s18 =	simm.s32 $0x0;
	s2 =	sshll.u32 s2, $0x1;
	s3 =	sadd.s32 s17, s1  }
0x9a: {  	[timem:s18], [sflag:s4] =	dma.local [hbm:s3], s2  }
0x9b: {  	_ =	swait.ge [sflag:s4], s2  }
0x9c: {  	s2 =	ssub.s32 $0x0, s2;
	[sflag:s4] =	ssyncset.done $0x0  }
0x9d: {  	[sflag:s4] =	ssyncadd.s32 s2;
	_ =	sdelay $0x1  }
0x9e: {  	s19 =	simm.s32 $0x1B8B  }
0x9f: {  	_ =	swait.ge [sflag:s19], $0x1  }
0xa0: {  	[sflag:s19] =	ssyncset.done $0x0  }
0xa1: {  	s21 =	simm.s32 $0x1B8E;
	s20 =	sld [smem:$0x3FFE];
	[sflag:s19] =	ssyncadd.s32 $0xFFFFFFFF  }
0xa2: {  	s22 =	simm.s32 $execute0_lowered;
	[smem:$0x3FD2] =	sst s21  }
0xa3: {  	s3 =	sshll.u32 s22, $0x1;
	_ =	strace $0x80000055;
	[dreg:$0x1] =	wrdreg $0xFFFFFFFF  }
0xa4: {  	s23 =	simm.s32 $_size_execute0_lowered;
	s3 =	sadd.s32 s1, s3;
	[dreg:$0x0] =	wrdreg $0x0  }
0xa5: {  	s4 =	sshll.u32 s23, $0x1;
	[dreg:$0x2] =	wrdreg s3  }
0xa6: {  	[dreg:$0x3] =	wrdreg s4  }
0xa7: {  	[dreg:$0x4] =	wrdreg $0xC0  }
0xa8: {  	s24 =	simm.s32 $execute1_lowered;
	_ =	task [dreg:s18], $0x5FFFF  }
0xa9: {  	s3 =	sshll.u32 s24, $0x1;
	[dreg:$0x1] =	wrdreg $0xFFFFFFFF  }
0xaa: {  	s1 =	sadd.s32 s1, s3;
	[dreg:$0x0] =	wrdreg $0x60  }
0xab: {  	[dreg:$0x2] =	wrdreg s1  }
0xac: {  	[dreg:$0x3] =	wrdreg s20  }
0xad: {  	[dreg:$0x4] =	wrdreg $0x9  }
0xae: {  	_ =	task.clear_ibuf [dreg:s18], $0x5FFFF;
	_ =	strace $0x90000055  }
0xaf: {  	s25 =	simm.s32 $0x9;
	_ =	strace $0x80000057  }
0xb0: {  	_ =	swait.ge [sflag:s25], $0x1  }
0xb1: {  	[sflag:s25] =	ssyncadd.s32 $0xFFFFFFFF  }
0xb2: {  	_ =	strace $0x90000057  }
0xb3: {  	_ =	strace $0x80000058;
	[dreg:$0x1] =	wrdreg $0xFFFFFFFF  }
0xb4: {  	[dreg:$0x0] =	wrdreg $0x2030  }
0xb5: {  	[dreg:$0x2] =	wrdreg s20  }
0xb6: {  	[dreg:$0x3] =	wrdreg $0xA  }
0xb7: {  	_ =	task.clear_ibuf [dreg:s18], $0x4FFFF;
	_ =	strace $0x90000058  }
0xb8: {  	s26 =	simm.s32 $0xA;
	_ =	strace $0x8000005A  }
0xb9: {  	_ =	swait.ge [sflag:s26], $0x1  }
0xba: {  	[sflag:s26] =	ssyncadd.s32 $0xFFFFFFFF  }
0xbb: {  	_ =	strace $0x9000005A  }
0xbc: {  	_ =	sfence  }
0xbd: {  	s28 =	sld [smem:$0x0];
	_ =	sdelay $0x1  }
0xbe: {  	s29 =	srdreg.scid  }
0xbf: {  	s30 =	sshll.u32 s29, $0xD;
	s31 =	sshrl.u32 s29, $0x2  }
0xc0: {  	s2 =	sand.u32 $0x1, s29;
	s3 =	sand.u32 $0x4000, s30;
	s1 =	sadd.s32 s31, s28  }
0xc1: {  	s2 =	sor.u32 s3, s2;
	s1 =	sshll.u32 s1, $0x11  }
0xc2: {  	s1 =	sor.u32 s1, s2  }
0xc3: {  	s1 =	sadd.s32 $0x8F2B, s1  }
0xc4: {  	[sflag:s1] =	ssyncadd.remote.s32 $0x1  }
0xc5: {  	_ =	sfence.sel $0xFFFF  }
0xc6: {  	[dreg:$0x0] =	wrdreg $0xFFFFFFFF;
	(pc) =	sbr.abs _section_cstart, $3  }
0xc7: {  	[dreg:$0x1] =	wrdreg $0xFFFFFFFF  }
0xc8: {  	_ =	task.clear_ibuf [dreg:s18], $0x2FFFF;
	_ =	strace $0x9FFFFFFF  }
0xc9: {  	(tm) =	ssettm $0x7FFFFFFF  }
tec
execute0_lowered:
.L_overlay_start_1:
0x0: {  	(tag) =	ssettag $0x1  }
0x1: {  	s3 =	rddreg [dreg:$0x0]  }
0x2: {  	s4 =	rddreg [dreg:$0x1]  }
0x3: {  	s0 =	rddreg [dreg:$0x2]  }
0x4: {  	s2 =	stileid.u32;
	[bflag:$0x3] =	sbarrier.arrive $0xFFFF;
	s1 =	simm.s32 $_size_execute1_lowered  }
0x5: {  	p0 =	sne.s32 s2, $0x0;
	s1 =	sshll.u32 s1, $0x1;
	s29 =	sshll.u32 s2, $0x3  }
0x6: {  	s5 =	simm.s32 @!p0 $0x1C3F;
	s6 =	simm.s32 @!p0 $0x4060;
	s7 =	ssub.s32 $0x80, s29  }
0x7: {  	[timem:s6], [sflag:s5] =	dma.local @!p0 [hbm:s3], s1  }
0x8: {  	s31 =	sand.u32 $0x78, s7  }
0x9: {  	s8 =	simm.s32 $0x1;
	p1 =	sne.s32 s31, $0x0  }
0xa: {  	s7 =	sshrl.u32 s7, $0x7;
	s8 =	simm.s32 @!p1 $0x0  }
0xb: {  	s7 =	sadd.s32 s8, s7  }
0xc: {  	s8 =	sadd.s32 $0x1, s7  }
0xd: {  	s14 =	simm.s32 $0x0;
	p3 =	sne.s32 s8, $0x0  }
.Ltmp0:
0xe: {  	s9 =	simm.s32 $0x1;
	s13 =	simm.s32 $0xFFFFFFFF;
	(pc) =	sbr.rel @!p3 .LBB2_1-.Ltmp0, $4  }
0xf: {  	p2 =	por $0x0, $0x0;
	s30 =	sadd.s32 s2, s4;
	s5 =	sadd.s32 $0xE00, s4  }
0x10: {  	s3 =	simm.s32 $0x1;
	s4 =	simm.s32 $0x2;
	_ =	strace $0x80000056  }
0x11: {  	s6 =	sadd.s32 $0x200, s30;
	[sflag:s3] =	ssyncpa.u1 $0x0;
	p1 =	sle.u32 s7, $0x0  }
0x12: {  	[sflag:s4] =	ssyncpa.u1 $0x0;
	s15 =	sxor.u32 @!p1 $0xFFFFFFFF, s14;
	s11 =	simm.s32 @!p1 $0x0  }
0x13: {  	p2 =	sle.u32 s7, $0xFFFFFFFF  }
0x14: {  	s10 =	sand.u32 @!p1 $0x8, s15;
	s12 =	simm.s32 @!p2 $0x1  }
0x15: {  	[tilespmem:s10], [sflag:$0x1] =	stream.linear.gather @!p1 [hbm4b:s6+s11], $0x8, $0x38;
	[tilespmem:$0x20] =	vst v63  }
0x16: {  	_ =	swait.ge @!p2 [sflag:s12], $0x8  }
0x17: {  	[sflag:s12] =	ssyncset.done @!p2 $0x0  }
0x18: {  	s10 =	sand.u32 @!p2 $0x8, s14;
	[sflag:s12] =	ssyncadd.s32 @!p2 $0xFFFFFFF8  }
0x19: {  	v0 =	vld.msk @!p2 [tilespmem:s10+$0x0], $0xff;
	_ =	sdelay $0x2  }
0x1a: {  	p4 =	sne.s32 s8, $0x1;
	p3 =	por $0x1, $0x1;
	s14 =	simm.s32 $0x2  }
.Ltmp1:
0x1b: {  	s13 =	simm.s32 @!p2 $0x0;
	s11 =	sor.u32 @!p2 $0x10, s10;
	(pc) =	sbr.rel @!p4 .LBB2_3-.Ltmp1, $4  }
0x1c: {  	p1 =	sle.u32 s7, $0x1;
	s12 =	sadd.s32 @!p2 s5, s2;
	s10 =	simm.s32 $0x8;
	[tilespmem:s11+$0x0] =	vst.msk @!p2 $0xff, v0  }
0x1d: {  	[hbm4b:s12+s13] =	stream.linear.scatter @!p2 [tilespmem:s11], [sflag:$0x2], $0x8, $0x38;
	[tilespmem:$0x20] =	vst v63  }
0x1e: {  	s15 =	sxor.u32 @!p1 $0xFFFFFFFF, s10;
	s13 =	simm.s32 $0x0;
	s12 =	simm.s32 @!p3 $0x2  }
0x1f: {  	s11 =	simm.s32 @!p1 $0x0;
	p2 =	por $0x1, $0x1;
	_ =	swait.ge @!p3 [sflag:s12], $0x8  }
.LBB2_4:
0x20: {  	s15 =	sand.u32 @!p1 $0x8, s15;
	p4 =	sge.u32 s13, s7  }
0x21: {  	[sflag:s12] =	ssyncset.done @!p3 $0x0;
	s13 =	smov.u32 s9;
	s9 =	smov.u32 s14  }
0x22: {  	s16 =	sadd.s32 $0x1, s14;
	s17 =	simm.s32 @!p4 $0x1;
	[sflag:s12] =	ssyncadd.s32 @!p3 $0xFFFFFFF8  }
0x23: {  	[tilespmem:s15], [sflag:$0x1] =	stream.linear.gather @!p1 [hbm4b:s6+s11], $0x8, $0x38;
	[tilespmem:$0x20] =	vst v63  }
0x24: {  	p5 =	sne.s32 s14, s8;
	_ =	swait.ge @!p4 [sflag:s17], $0x8  }
0x25: {  	s11 =	sand.u32 @!p4 $0x8, s10;
	[sflag:s17] =	ssyncset.done @!p4 $0x0  }
0x26: {  	[sflag:s17] =	ssyncadd.s32 @!p4 $0xFFFFFFF8  }
0x27: {  	v0 =	vld.msk @!p4 [tilespmem:s11+$0x0], $0xff;
	_ =	sdelay $0x2  }
0x28: {  	s14 =	sadd.s32 @!p4 s5, s2;
	s10 =	sadd.s32 $0x8, s10;
	s11 =	sor.u32 @!p4 $0x10, s11  }
.Ltmp2:
0x29: {  	p3 =	slt.u32 s13, $0x2;
	s15 =	simm.s32 @!p4 $0x0;
	(pc) =	sbr.rel @p5 .LBB2_4-.Ltmp2, $4  }
0x2a: {  	s13 =	sadd.s32 $0xFFFFFFFF, s9;
	p1 =	sge.u32 s9, s7;
	s12 =	simm.s32 @!p3 $0x2;
	[tilespmem:s11+$0x0] =	vst.msk @!p4 $0xff, v0  }
0x2b: {  	[hbm4b:s14+s15] =	stream.linear.scatter @!p4 [tilespmem:s11], [sflag:$0x2], $0x8, $0x38;
	[tilespmem:$0x20] =	vst v63  }
0x2c: {  	s15 =	sxor.u32 @!p1 $0xFFFFFFFF, s10  }
0x2d: {  	s11 =	simm.s32 @!p1 $0x0;
	s14 =	smov.u32 s16;
	_ =	swait.ge @!p3 [sflag:s12], $0x8  }
0x2e: {  	s14 =	smov.u32 s9  }
.LBB2_6:
0x2f: {  	p3 =	por p3, !p2  }
0x30: {  	p2 =	sge.u32 s13, s7;
	[sflag:s12] =	ssyncset.done @!p3 $0x0  }
0x31: {  	s7 =	sand.u32 @!p1 $0x8, s15;
	s8 =	simm.s32 @!p2 $0x1;
	[sflag:s12] =	ssyncadd.s32 @!p3 $0xFFFFFFF8  }
0x32: {  	[tilespmem:s7], [sflag:$0x1] =	stream.linear.gather @!p1 [hbm4b:s6+s11], $0x8, $0x38;
	[tilespmem:$0x20] =	vst v63  }
0x33: {  	_ =	swait.ge @!p2 [sflag:s8], $0x8  }
0x34: {  	[sflag:s8] =	ssyncset.done @!p2 $0x0  }
0x35: {  	s6 =	sand.u32 @!p2 $0x8, s10;
	[sflag:s8] =	ssyncadd.s32 @!p2 $0xFFFFFFF8  }
0x36: {  	v0 =	vld.msk @!p2 [tilespmem:s6+$0x0], $0xff;
	_ =	sdelay $0x3  }
0x37: {  	p1 =	slt.u32 s14, $0x2;
	s6 =	sor.u32 @!p2 $0x10, s6  }
0x38: {  	s2 =	sadd.s32 @!p2 s5, s2;
	s5 =	simm.s32 @!p2 $0x0;
	s7 =	simm.s32 @!p1 $0x2;
	[tilespmem:s6+$0x0] =	vst.msk @!p2 $0xff, v0  }
0x39: {  	[hbm4b:s2+s5] =	stream.linear.scatter @!p2 [tilespmem:s6], [sflag:$0x2], $0x8, $0x38;
	[tilespmem:$0x20] =	vst v63  }
0x3a: {  	_ =	swait.ge @!p1 [sflag:s7], $0x8  }
0x3b: {  	[sflag:s7] =	ssyncset.done @!p1 $0x0  }
0x3c: {  	[sflag:s7] =	ssyncadd.s32 @!p1 $0xFFFFFFF8  }
0x3d: {  	_ =	sfence.sel $0x180000  }
0x3e: {  	[bflag:$0x0] =	sbarrier.arrive $0xFFFF  }
0x3f: {  	[sflag:s3] =	ssyncpa.u1 $0x1  }
0x40: {  	[sflag:s4] =	ssyncpa.u1 $0x1  }
0x41: {  	_ =	strace $0x90000056  }
0x42: {  	s0 =	sadd.s32 @!p0 $0x100000, s0;
	[bflag:$0x2] =	sbarrier.arrive $0xFFFF  }
0x43: {  	[sflag:s0] =	ssyncadd.tile.s32 @!p0 $0x1;
	s0 =	simm.s32 @!p0 $0x3F  }
0x44: {  	_ =	swait.ge @!p0 [sflag:s0], s1  }
0x45: {  	s1 =	ssub.s32 @!p0 $0x0, s1;
	[sflag:s0] =	ssyncset.done @!p0 $0x0  }
0x46: {  	[sflag:s0] =	ssyncadd.s32 @!p0 s1  }
0x47: {  	[bflag:$0x3] =	sbarrier.arrive $0xFFFF  }
0x48: {  	_ =	shalt  }
.LBB2_1:
.Ltmp3:
0x49: {  	(pc) =	sbr.rel .LBB2_6-.Ltmp3, $2  }
0x4a: {  	_ =	sdelay $0x2  }
0x4b: {  	s10 =	simm.s32 $0x0  }
.LBB2_3:
.Ltmp4:
0x4c: {  	(pc) =	sbr.rel .LBB2_6-.Ltmp4, $2  }
0x4d: {  	_ =	sdelay $0x2  }
0x4e: {  	s14 =	simm.s32 $0x1  }
.Lfunc_end2:
execute1_lowered:
.L_overlay_start_2:
0x4f: {  	(tag) =	ssettag $0x2  }
0x50: {  	s0 =	rddreg [dreg:$0x0];
	_ =	strace $0x80000059;
	s1 =	simm.s32 $0x1  }
0x51: {  	v1 =	vimm.s32 $0xFFFFFFFF;
	[sflag:s1] =	ssyncpa.u1 $0x0  }
0x52: {  	[tilespmem:$0x10] =	vst v1  }
0x53: {  	v0 =	vimm.f32 $0.0e+00;
	s6 =	stileid.u32;
	s30 =	simm.s32 $0x2;
	[tilespmem:$0x20] =	vst v1  }
0x54: {  	s7 =	simm.s32 $0x7;
	s8 =	simm.s32 $0x8;
	s31 =	simm.s32 $0x9;
	[tilespmem:$0x30] =	vst v0  }
0x55: {  	s17 =	simm.s32 $0x100;
	s18 =	simm.s32 $0xFFFFFFFE;
	s19 =	simm.s32 $0xFFFFFFC0;
	[tilespmem:$0x40] =	vst v0  }
0x56: {  	s20 =	simm.s32 $0xFFFFFFFF;
	s21 =	simm.s32 $0x0;
	s22 =	simm.s32 $0xF;
	[tilespmem:$0x50] =	vst v0  }
0x57: {  	s24 =	simm.s32 $0x0;
	s25 =	simm.s32 $0x0;
	p0 =	seq.s32 s6, $0xF;
	[tilespmem:$0x60] =	vst v1  }
0x58: {  	s1 =	simm.s32 $0x1C0;
	s3 =	sshll.u32 s6, $0x9;
	s4 =	sadd.s32 $0x3F9000, s0;
	[tilespmem:$0x70] =	vst v1  }
0x59: {  	s11 =	sshll.u32 s6, $0x1;
	s13 =	sshllo.u32 s6, $0x1;
	[tilespmem:$0x80] =	vst v1;
	s1 =	simm.s32 @!p0 $0x200  }
0x5a: {  	v1 =	vimm.s32 $0x0;
	[tilespmem:$0xB0] =	vst v0;
	s12 =	sor.u32 $0x81, s11;
	s14 =	sor.u32 $0x80, s11;
	s2 =	sadd.s32 s3, s1  }
0x5b: {  	s26 =	smov.u32 s3;
	[tilespmem:$0x90] =	vst v1;
	s1 =	sadd.s32 $0xE00, s0;
	s5 =	smin.u32 s2, $0x1FC0  }
.Ltmp5:
0x5c: {  	[tilespmem:$0xA0] =	vst v1;
	[sflag:s30] =	ssyncpa.u1 $0x0;
	s2 =	ssub.s32 s5, s3;
	(pc) =	sbr.rel .LBB3_1-.Ltmp5, $4  }
0x5d: {  	s0 =	sadd.s32 $0x3F9400, s0;
	[sflag:s7] =	ssyncpa.u1 $0x0;
	p0 =	sgt.s32 s2, $0x0  }
0x5e: {  	[dreg:$0x2] =	wrdreg s0;
	[sflag:s8] =	ssyncpa.u1 $0x0;
	s2 =	simm.s32 @!p0 $0x0  }
0x5f: {  	vm0 =	vmmov $0xffff;
	v2 =	vlaneseq.u32;
	s0 =	simm.s32 $0x0;
	[sflag:s31] =	ssyncpa.u1 $0x0;
	s9 =	sshrl.u32 s2, $0x6  }
0x60: {  	vm1 =	vmxor vm1, vm1;
	vm2 =	vmmov $0x1;
	vm3 =	vcmask $0x3F3C;
	s10 =	sadd.s32 $0x2, s9;
	s15 =	sadd.s32 $0x3, s9;
	s16 =	sadd.s32 $0x1, s9  }
.LBB3_5:
0x61: {  	p0 =	slt.u32 s25, $0x3  }
0x62: {  	s0 =	simm.s32 @!p0 $0x2  }
0x63: {  	_ =	swait.ge @!p0 [sflag:s0], $0x40  }
0x64: {  	[sflag:s0] =	ssyncset.done @!p0 $0x0  }
0x65: {  	[sflag:s0] =	ssyncadd.s32 @!p0 $0xFFFFFFC0;
	s0 =	simm.s32 @!p0 $0x9  }
0x66: {  	_ =	swait.ge @!p0 [sflag:s0], $0x10  }
0x67: {  	s25 =	sadd.s32 $0x1, s25;
	[sflag:s0] =	ssyncset.done @!p0 $0x0  }
0x68: {  	[sflag:s0] =	ssyncadd.s32 @!p0 $0xFFFFFFF0;
	p0 =	sne.s32 s15, s25  }
.Ltmp6:
0x69: {  	_ = 	snop;
	(pc) =	sbr.rel @!p0 .LBB3_6-.Ltmp6, $4  }
0x6a: {  	s2 =	sadd.s32 $0x40, s26;
	s6 =	smov.u32 s3  }
0x6b: {  	s17 =	sadd.s32 $0x40, s17;
	s18 =	sadd.s32 $0x1, s18;
	p1 =	slt.s32 s2, s5  }
0x6c: {  	s19 =	sadd.s32 $0x40, s19;
	s20 =	sadd.s32 $0x1, s20;
	s6 =	smov.u32 @p1 s2  }
0x6d: {  	s24 =	sadd.s32 $0x10, s24;
	s0 =	smov.u32 s26;
	s26 =	smov.u32 s6  }
.LBB3_1:
0x6e: {  	s2 =	smulhi.u32 $0xAAAAAAAB, s25;
	_ =	sdelay $0x1  }
0x6f: {  	s2 =	sshrl.u32 s2, $0x1  }
0x70: {  	s2 =	smul.u32 $0xFFFFFD00, s2  }
0x71: {  	p0 =	sge.u32 s25, s9  }
0x72: {  	s31 =	sadd.s32 $0xFFFFFFFF, s25;
	s28 =	sshrl.u32 @!p0 s26, $0x3;
	s2 =	sshra.s32 @!p0 s2, $0x2  }
0x73: {  	s29 =	sand.u32 @!p0 $0x7, s26;
	s28 =	sadd.s32 @!p0 s4, s28;
	s2 =	sadd.s32 @!p0 s2, s17  }
0x74: {  	[tilespmem:s2], [sflag:$0x7] =	stream.linear.gather @!p0 [hbm4b:s28+s29], $0x40, $0x38;
	[tilespmem:$0x360] =	vst v63  }
0x75: {  	p0 =	sge.u32 s31, s9  }
.Ltmp7:
0x76: {  	_ = 	snop;
	(pc) =	sbr.rel @p0 .LBB3_3-.Ltmp7, $1  }
0x77: {  	_ =	sdelay $0x3  }
0x78: {  	s2 =	smulhi.u32 $0xAAAAAAAB, s20;
	_ =	sdelay $0x1  }
0x79: {  	s2 =	sshrl.u32 s2, $0x1  }
0x7a: {  	s2 =	smul.u32 $0xFFFFFD00, s2;
	_ =	sdelay $0x1  }
0x7b: {  	_ =	swait.ge [sflag:s7], $0x40;
	s2 =	sshra.s32 s2, $0x2  }
0x7c: {  	[sflag:s7] =	ssyncset.done $0x0;
	s2 =	sadd.s32 s2, s17  }
0x7d: {  	[sflag:s7] =	ssyncadd.s32 $0xFFFFFFC0;
	(ifvalue) =	ssetifvalue $0xFFFFFFFF;
	v3 =	vld.msk [tilespmem:s2+$0xFFFFFFC0 ss:$0x1], $0xffff;
	_ =	sdelay $0x2  }
0x7e: {  	p0 =	sne.s32 s25, $0x1  }
0x7f: {  	v4 =	vimm.s32 @!p0 $0x0  }
0x80: {  	v4 =	vperm.xlane @!p0 v3, v4  }
0x81: {  	vm4 =	vlt.u32 v3, $0x80  }
0x82: {  	s28 =	sand.u32 $0x10, s24;
	v3 =	vnsel vm4, $0xFFFFFFFE, v3;
	vm4 =	vlt.u32 @!p0 v4, $0x80  }
0x83: {  	[tilespmem:s28+$0x60] =	vst v3;
	v3 =	vnsel @!p0 vm4, $0xFFFFFFFE, v4  }
0x84: {  	[tilespmem:$0x80] =	vst @!p0 v3  }
0x85: {  	v3 =	vld.msk [tilespmem:s2+$0xFFFFFFF0 ss:$0x1], $0xffff;
	_ =	sdelay $0x4  }
0x86: {  	(xrf1) =	vunique.msk.u32 $0xffff, v3;
	_ =	sdelay $0xd  }
0x87: {  	v59, _, _ =	vpop (xrf1)  }
0x88: {  	vm4 =	vlt.u32 v3, $0x80;
	vm5 =	veq.s32 v59, v2  }
0x89: {  	vm5 =	vmand vm4, vm5  }
0x8a: {  	v60 =	vnsel vm5, $0xFFFFFFFF, v3;
	_ =	sdelay $0x2  }
0x8b: {  	s28 =	sand.u32 $0x40, s19  }
0x8c: {  	s29 =	sadd.s32 $0x1F0, s28;
	(ifvalue) =	ssetifvalue $0xFFFFFFFF  }
0x8d: {  	v4 =	vnsel vm4, $0xFFFFFFFE, v60;
	[tilespmem:s29], [sflag:$0x8] =	stream.indirect_vreg.gather [hbm4b:s1+s21], $0x1, v60, vm0, $0x4038;
	[tilespmem:$0x360] =	vst v63  }
0x8e: {  	[tilespmem:s2+$0xFFFFFFF0] =	vst v4  }
0x8f: {  	v4 =	vld.msk [tilespmem:s2+$0xFFFFFFE0 ss:$0x1], $0xffff;
	_ =	sdelay $0x4  }
0x90: {  	(xrf1) =	vunique.msk.u32 $0xffff, v4;
	_ =	sdelay $0xc  }
0x91: {  	v3 =	vperm.xlane v3, v1  }
0x92: {  	v5, _, _ =	vpop (xrf1)  }
0x93: {  	vm5 =	vne.s32 v4, v3;
	vm4 =	veq.s32 v5, v2  }
0x94: {  	vm6 =	vlt.u32 v4, $0x80;
	vm4 =	vmand vm5, vm4  }
0x95: {  	vm4 =	vmand vm6, vm4  }
0x96: {  	v3 =	vnsel vm4, $0xFFFFFFFF, v4;
	_ =	sdelay $0x3  }
0x97: {  	s30 =	sadd.s32 $0x1E0, s28;
	(ifvalue) =	ssetifvalue $0xFFFFFFFF  }
0x98: {  	[tilespmem:s30], [sflag:$0x8] =	stream.indirect_vreg.gather [hbm4b:s1+s21], $0x1, v3, vm0, $0x4038;
	v3 =	vnsel vm6, $0xFFFFFFFE, v3;
	[tilespmem:$0x360] =	vst v63  }
0x99: {  	[tilespmem:s2+$0xFFFFFFE0] =	vst v3  }
0x9a: {  	v3 =	vld.msk [tilespmem:s2+$0xFFFFFFD0 ss:$0x1], $0xffff;
	_ =	sdelay $0x4  }
0x9b: {  	(xrf1) =	vunique.msk.u32 $0xffff, v3;
	_ =	sdelay $0xc  }
0x9c: {  	v4 =	vperm.xlane v4, v1  }
0x9d: {  	v61, _, _ =	vpop (xrf1)  }
0x9e: {  	vm5 =	vne.s32 v3, v4;
	vm4 =	veq.s32 v61, v2  }
0x9f: {  	vm14 =	vlt.u32 v3, $0x80;
	vm4 =	vmand vm5, vm4  }
0xa0: {  	vm4 =	vmand vm14, vm4  }
0xa1: {  	v62 =	vnsel vm4, $0xFFFFFFFF, v3;
	_ =	sdelay $0x3  }
0xa2: {  	s31 =	sadd.s32 $0x1D0, s28;
	(ifvalue) =	ssetifvalue $0xFFFFFFFF  }
0xa3: {  	v4 =	vnsel vm14, $0xFFFFFFFE, v62;
	[tilespmem:s31], [sflag:$0x8] =	stream.indirect_vreg.gather [hbm4b:s1+s21], $0x1, v62, vm0, $0x4038;
	[tilespmem:$0x360] =	vst v63  }
0xa4: {  	s6 =	sadd.s32 $0xFFFFFFC0, s2;
	[tilespmem:s2+$0xFFFFFFD0] =	vst v4  }
0xa5: {  	v4 =	vld.msk [tilespmem:s6+$0x0 ss:$0x1], $0xffff;
	_ =	sdelay $0x4  }
0xa6: {  	(xrf1) =	vunique.msk.u32 $0xffff, v4;
	_ =	sdelay $0xc  }
0xa7: {  	v3 =	vperm.xlane v3, v1  }
0xa8: {  	v63, _, _ =	vpop (xrf1)  }
0xa9: {  	vm5 =	vne.s32 v4, v3;
	vm4 =	veq.s32 v63, v2  }
0xaa: {  	vm15 =	vlt.u32 v4, $0x80;
	vm4 =	vmand vm5, vm4  }
0xab: {  	vm4 =	vmand vm15, vm4  }
0xac: {  	v3 =	vnsel vm4, $0xFFFFFFFF, v4;
	_ =	sdelay $0x2  }
0xad: {  	s0 =	sshrl.u32 s0, $0x3  }
0xae: {  	s23 =	sadd.s32 $0x1C0, s28;
	(ifvalue) =	ssetifvalue $0xFFFFFFFF;
	s30 =	rddreg [dreg:$0x2]  }
0xaf: {  	[tilespmem:s23], [sflag:$0x8] =	stream.indirect_vreg.gather [hbm4b:s1+s21], $0x1, v3, vm0, $0x4038;
	v3 =	vnsel vm15, $0xFFFFFFFE, v3;
	[tilespmem:$0x360] =	vst v63  }
0xb0: {  	s31 =	sadd.s32 $0x240, s28;
	s0 =	sadd.s32 s30, s0;
	[tilespmem:s2+$0xFFFFFFC0] =	vst v3  }
0xb1: {  	[tilespmem:s31], [sflag:$0x8] =	stream.linear.gather [hbm:s0], $0x40, $0x38;
	[tilespmem:$0x360] =	vst v63  }
.LBB3_3:
0xb2: {  	p0 =	slt.u32 s25, $0x2  }
0xb3: {  	p1 =	sge.u32 @!p0 s25, s10  }
0xb4: {  	p0 =	por p0, p1  }
.Ltmp8:
0xb5: {  	_ = 	snop;
	(pc) =	sbr.rel @p0 .LBB3_5-.Ltmp8, $1  }
0xb6: {  	_ =	sdelay $0x3  }
0xb7: {  	s0 =	smulhi.u32 $0xAAAAAAAB, s18;
	_ =	sdelay $0x1  }
0xb8: {  	s0 =	sshrl.u32 s0, $0x1  }
0xb9: {  	s0 =	smul.u32 $0x300, s0;
	_ =	sdelay $0x1  }
0xba: {  	p0 =	sne.s32 s16, s25;
	s2 =	ssub.s32 $0xFFFFFE00, s0  }
0xbb: {  	_ =	swait.ge [sflag:s8], $0x80;
	s0 =	sshra.s32 @!p0 s2, $0x2  }
0xbc: {  	[sflag:s8] =	ssyncset.done $0x0;
	s0 =	sadd.s32 @!p0 s0, s17  }
0xbd: {  	s28 =	simm.s32 @!p0 $0x1;
	[sflag:s8] =	ssyncadd.s32 $0xFFFFFF80;
	s0 =	sadd.s32 @!p0 $0x3F, s0  }
0xbe: {  	[spmem:s12] =	stream.linear.scatter @!p0 [tilespmem:s0], [sflag:$0x1], $0x1, $0x38;
	[tilespmem:$0x360] =	vst v63  }
0xbf: {  	_ =	swait.ge @!p0 [sflag:s28], $0x1  }
0xc0: {  	[sflag:s28] =	ssyncset.done @!p0 $0x0  }
0xc1: {  	s29 =	sand.u32 $0x10, s24;
	[sflag:s28] =	ssyncadd.s32 @!p0 $0xFFFFFFFF  }
0xc2: {  	s23 =	sxor.u32 $0x10, s29;
	v3 =	vld [tilespmem:s29+$0x10]  }
0xc3: {  	v4 =	vld [tilespmem:s23+$0x60]  }
0xc4: {  	v5 =	vld [tilespmem:$0x80];
	_ =	sdelay $0x2  }
0xc5: {  	(v2sf) =	vpush v3, $0x0  }
0xc6: {  	(v2sf) =	vpush v4, $0x0  }
0xc7: {  	(v2sf) =	vpush v5, $0x0;
	_ =	sdelay $0xc  }
0xc8: {  	s6 =	spop (v2sf)  }
0xc9: {  	s30 =	spop (v2sf)  }
0xca: {  	s31 =	spop (v2sf)  }
0xcb: {  	p1 =	seq.s32 s6, s30;
	p2 =	seq.s32 s31, s6  }
0xcc: {  	p2 =	por p1, p2  }
0xcd: {  	v3 =	vpsel p2, $0xFFFFFFFF, v3  }
0xce: {  	s30 =	sxor.u32 $0xFFFFFFFF, s19;
	[tilespmem:s29+$0x10] =	vst.msk $0x1, v3  }
0xcf: {  	s0 =	sand.u32 $0x40, s30;
	v3 =	vld [tilespmem:$0x30]  }
0xd0: {  	v49 =	vld [tilespmem:s0+$0x240]  }
0xd1: {  	v6 =	vld [tilespmem:s29+$0x40];
	_ =	sdelay $0x3  }
0xd2: {  	vm4 =	vmmov vm1;
	v4 =	vadd.f32 v49, v3  }
0xd3: {  	vm5 =	vmmov vm2;
	vm4 =	vmmov @p1 vm2;
	s6 =	sshrl.u32 s0, $0x2;
	v3 =	vadd.f32 v6, v3  }
0xd4: {  	vm5 =	vmmov @p2 vm1;
	s30 =	sor.u32 $0x340, s6;
	[tilespmem:s0+$0x240] =	vst.msk vm4, v4  }
0xd5: {  	[tilespmem:s30+$0x0] =	vst.msk vm5, v3  }
0xd6: {  	v3 =	vld [tilespmem:s0+$0x1F0];
	_ =	sdelay $0x4  }
0xd7: {  	v3 =	vshift.insert v3, v0, s22  }
0xd8: {  	s6 =	sor.u32 $0x40, s23  }
0xd9: {  	s2 =	sshra.s32 s2, $0x2;
	[tilespmem:s6+$0x0] =	vst.msk $0x1, v3  }
0xda: {  	s2 =	sadd.s32 s2, s17;
	[tilespmem:s0+$0x1FF] =	vst.msk $0x1, v0  }
0xdb: {  	v3 =	vld [tilespmem:s2+$0x30];
	_ =	sdelay $0x4  }
0xdc: {  	v3 =	vshift.insert v3, v1, s22;
	_ =	sdelay $0x1  }
0xdd: {  	[tilespmem:s23+$0x10] =	vst.msk $0x1, v3  }
0xde: {  	v4 =	vld [tilespmem:s0+$0x240]  }
0xdf: {  	v50 =	vld [tilespmem:s2+$0x0];
	_ =	sdelay $0x3  }
0xe0: {  	v4 =	vadd.f32 $0.0e+00, v4  }
0xe1: {  	vm5 =	vne.s32 v50, $0xFFFFFFFF  }
0xe2: {  	(xrf2) =	vadd.seg.scan.f32 vm5, v4;
	_ =	sdelay $0x3  }
0xe3: {  	v51 =	vperm.xlane v3, v1  }
0xe4: {  	v7 =	vld [tilespmem:s0+$0x1C0]  }
0xe5: {  	vm4 =	veq.s32 v50, v5;
	vm6 =	veq.s32 v50, v51  }
0xe6: {  	vm7 =	vgt.u32 v50, $0xFFFFFFFD;
	vm6 =	vmor vm6, vm4  }
0xe7: {  	vm6 =	vmor vm6, vm7  }
0xe8: {  	v6 =	vsel vm6, $0xFFFFFFFF, v50  }
0xe9: {  	v7 =	vsel vm4, $0x0, v7;
	v8, _, _ =	vpop (xrf2)  }
0xea: {  	v7 =	vadd.f32 v8, v7  }
0xeb: {  	v9 =	vld [tilespmem:$0xA0]  }
0xec: {  	s23 =	sadd.s32 $0x2C0, s0;
	v10 =	vld [tilespmem:$0x90];
	[tilespmem:s0+$0x2C0] =	vst v7;
	(ifvalue) =	ssetifvalue $0xFFFFFFFF  }
0xed: {  	[hbm4b:s1+s21] =	stream.indirect_vreg.scatter [tilespmem:s23], [sflag:$0x2], $0x1, v6, vm0, $0x4038;
	[tilespmem:$0x360] =	vst v63  }
0xee: {  	v6 =	vld [tilespmem:s0+$0x250]  }
0xef: {  	vm5 =	vmand vm5, vm3;
	v52 =	vld [tilespmem:s2+$0x10]  }
0xf0: {  	v11 =	vsel vm5, $0x0, v8  }
0xf1: {  	v11 =	vshift.insert v11, v0, s22;
	_ =	sdelay $0x1  }
0xf2: {  	v6 =	vadd.f32 v6, v11  }
0xf3: {  	vm12 =	vne.s32 v52, $0xFFFFFFFF  }
0xf4: {  	(xrf2) =	vadd.seg.scan.f32 vm12, v6;
	_ =	sdelay $0x4  }
0xf5: {  	v53 =	vld [tilespmem:s0+$0x1D0]  }
0xf6: {  	vm5 =	veq.s32 v52, v5;
	vm13 =	veq.s32 v52, v51  }
0xf7: {  	vm8 =	vgt.u32 v52, $0xFFFFFFFD;
	vm7 =	vmor vm13, vm5  }
0xf8: {  	vm7 =	vmor vm7, vm8  }
0xf9: {  	v7 =	vsel vm7, $0xFFFFFFFF, v52  }
0xfa: {  	v6 =	vsel vm5, $0x0, v53;
	v54, _, _ =	vpop (xrf2)  }
0xfb: {  	v6 =	vadd.f32 v54, v6;
	_ =	sdelay $0x1  }
0xfc: {  	s23 =	sadd.s32 $0x2D0, s0;
	[tilespmem:s0+$0x2D0] =	vst v6;
	(ifvalue) =	ssetifvalue $0xFFFFFFFF  }
0xfd: {  	[hbm4b:s1+s21] =	stream.indirect_vreg.scatter [tilespmem:s23], [sflag:$0x2], $0x1, v7, vm0, $0x4038;
	[tilespmem:$0x360] =	vst v63  }
0xfe: {  	v55 =	vld [tilespmem:s0+$0x260]  }
0xff: {  	vm6 =	vmand vm12, vm3;
	v7 =	vld [tilespmem:s2+$0x20]  }
0x100: {  	v12 =	vsel vm6, $0x0, v54  }
0x101: {  	v12 =	vshift.insert v12, v0, s22;
	_ =	sdelay $0x1  }
0x102: {  	v6 =	vadd.f32 v55, v12  }
0x103: {  	vm14 =	vne.s32 v7, $0xFFFFFFFF  }
0x104: {  	(xrf2) =	vadd.seg.scan.f32 vm14, v6;
	_ =	sdelay $0x4  }
0x105: {  	v56 =	vld [tilespmem:s0+$0x1E0]  }
0x106: {  	vm6 =	veq.s32 v7, v5;
	vm15 =	veq.s32 v7, v51  }
0x107: {  	vm9 =	vgt.u32 v7, $0xFFFFFFFD;
	vm8 =	vmor vm15, vm6  }
0x108: {  	vm8 =	vmor vm8, vm9  }
0x109: {  	v7 =	vsel vm8, $0xFFFFFFFF, v7  }
0x10a: {  	v6 =	vsel vm6, $0x0, v56;
	v57, _, _ =	vpop (xrf2)  }
0x10b: {  	v6 =	vadd.f32 v57, v6;
	_ =	sdelay $0x1  }
0x10c: {  	s23 =	sadd.s32 $0x2E0, s0;
	[tilespmem:s0+$0x2E0] =	vst v6;
	(ifvalue) =	ssetifvalue $0xFFFFFFFF  }
0x10d: {  	[hbm4b:s1+s21] =	stream.indirect_vreg.scatter [tilespmem:s23], [sflag:$0x2], $0x1, v7, vm0, $0x4038;
	[tilespmem:$0x360] =	vst v63  }
0x10e: {  	v58 =	vld [tilespmem:s0+$0x270]  }
0x10f: {  	vm7 =	vmand vm14, vm3;
	v7 =	vld [tilespmem:s2+$0x30]  }
0x110: {  	v13 =	vsel vm7, $0x0, v57  }
0x111: {  	v13 =	vshift.insert v13, v0, s22;
	_ =	sdelay $0x1  }
0x112: {  	v6 =	vadd.f32 v58, v13  }
0x113: {  	vm11 =	vne.s32 v7, $0xFFFFFFFF  }
0x114: {  	(xrf2) =	vadd.seg.scan.f32 vm11, v6;
	_ =	sdelay $0x4  }
0x115: {  	v59 =	vld [tilespmem:s0+$0x1F0]  }
0x116: {  	vm12 =	veq.s32 v7, v5;
	vm13 =	veq.s32 v7, v51  }
0x117: {  	vm14 =	vgt.u32 v7, $0xFFFFFFFD;
	vm8 =	vmor vm13, vm12  }
0x118: {  	vm8 =	vmor vm8, vm14  }
0x119: {  	v60 =	vsel vm8, $0xFFFFFFFF, v7  }
0x11a: {  	v6 =	vsel vm12, $0x0, v59;
	v61, _, _ =	vpop (xrf2)  }
0x11b: {  	v6 =	vadd.f32 v61, v6;
	_ =	sdelay $0x1  }
0x11c: {  	s6 =	sadd.s32 $0x2F0, s0;
	[tilespmem:s0+$0x2F0] =	vst v6;
	(ifvalue) =	ssetifvalue $0xFFFFFFFF  }
0x11d: {  	[hbm4b:s1+s21] =	stream.indirect_vreg.scatter [tilespmem:s6], [sflag:$0x2], $0x1, v60, vm0, $0x4038;
	[tilespmem:$0x360] =	vst v63  }
0x11e: {  	v4 =	vld [tilespmem:s0+$0x2F0];
	_ =	sdelay $0x2  }
0x11f: {  	vm15 =	veq.s32 v9, $0x1  }
0x120: {  	v62 =	vsel vm4, v8, v10;
	vm4 =	vmor vm15, vm4  }
0x121: {  	vm4 =	vmor vm4, vm5;
	v6 =	vsel vm5, v54, v62;
	v4 =	vshift.insert v4, v0, s22  }
0x122: {  	vm4 =	vmor vm4, vm6;
	s23 =	simm.s32 $0x30;
	v6 =	vsel vm6, v57, v6  }
0x123: {  	vm4 =	vmor vm4, vm12;
	v5 =	vsel vm12, v61, v6;
	[tilespmem:s23+$0x0] =	vst.msk $0x1, v4  }
0x124: {  	v63 =	vsel vm4, $0x1, v1;
	[tilespmem:$0x90] =	vst v5  }
0x125: {  	s0 =	sadd.s32 @!p0 $0x2FF, s0;
	[tilespmem:$0xA0] =	vst v63  }
0x126: {  	[spmem:s13] =	stream.linear.scatter @!p0 [tilespmem:s0], [sflag:$0x1], $0x1, $0x38;
	[tilespmem:$0x360] =	vst v63  }
0x127: {  	v4 =	vmctz.xlane @!p0 vm4;
	_ =	swait.ge @!p0 [sflag:s28], $0x1  }
0x128: {  	(v2sf) =	vpush @!p0 v3, $0x0  }
0x129: {  	(v2sf) =	vpush @!p0 v4, $0x0;
	_ =	sdelay $0xd  }
0x12a: {  	s0 =	spop @!p0 (v2sf)  }
0x12b: {  	s2 =	spop @!p0 (v2sf)  }
0x12c: {  	p1 =	sne.s32 @!p0 s31, s0;
	p2 =	slt.s32 @!p0 s2, $0xF  }
0x12d: {  	[sflag:s28] =	ssyncset.done @!p0 $0x0;
	p1 =	por p1, p0;
	p2 =	por !p2, p0  }
0x12e: {  	[sflag:s28] =	ssyncadd.s32 @!p0 $0xFFFFFFFF;
	v3 =	vimm.s32 @!p1 $0xFFFFFFFF;
	s2 =	simm.s32 @p2 $0xF  }
0x12f: {  	[tilespmem:$0x80] =	vst @!p1 v3;
	s0 =	sadd.s32 @!p0 $0x90, s2  }
0x130: {  	[spmem:s11] =	stream.linear.scatter @!p0 [tilespmem:s0], [sflag:$0x1], $0x1, $0x38;
	[tilespmem:$0x360] =	vst v63  }
0x131: {  	_ =	swait.ge @!p0 [sflag:s28], $0x1  }
0x132: {  	[sflag:s28] =	ssyncset.done @!p0 $0x0  }
0x133: {  	s0 =	simm.s32 @!p0 $0x80;
	[sflag:s28] =	ssyncadd.s32 @!p0 $0xFFFFFFFF  }
0x134: {  	[spmem:s14] =	stream.linear.scatter @!p0 [tilespmem:s0], [sflag:$0x1], $0x1, $0x38;
	[tilespmem:$0x360] =	vst v63  }
0x135: {  	_ =	swait.ge @!p0 [sflag:s28], $0x1  }
0x136: {  	[sflag:s28] =	ssyncset.done @!p0 $0x0  }
0x137: {  	[sflag:s28] =	ssyncadd.s32 @!p0 $0xFFFFFFFF;
	(ifvalue) =	ssetifvalue $0xFFFFFFFF;
	v3 =	vld [tilespmem:s29+$0x10];
	_ =	sdelay $0x3  }
.Ltmp9:
0x138: {  	_ = 	snop;
	(pc) =	sbr.rel .LBB3_5-.Ltmp9, $3  }
0x139: {  	_ =	sdelay $0x1  }
0x13a: {  	(ifvalue) =	ssetifvalue $0xFFFFFFFF  }
0x13b: {  	[hbm4b:s1+s21] =	stream.indirect_vreg.scatter [tilespmem:s30], [sflag:$0x9], $0x1, v3, vm0, $0x4038;
	[tilespmem:$0x360] =	vst v63  }
.LBB3_6:
0x13c: {  	_ =	sfence.sel $0x180000  }
0x13d: {  	s0 =	simm.s32 $0x7;
	[bflag:$0x0] =	sbarrier.arrive $0xFFFF  }
0x13e: {  	s26 =	simm.s32 $0x8;
	[sflag:s0] =	ssyncpa.u1 $0x1  }
0x13f: {  	s28 =	simm.s32 $0x9;
	[sflag:s26] =	ssyncpa.u1 $0x1  }
0x140: {  	[sflag:s28] =	ssyncpa.u1 $0x1  }
0x141: {  	_ =	sfence.stream.spmem  }
0x142: {  	s29 =	simm.s32 $0x3;
	[bflag:$0x0] =	sbarrier.arrive $0xFFFF  }
0x143: {  	s30 =	simm.s32 $0x4;
	[sflag:s29] =	ssyncpa.u1 $0x1  }
0x144: {  	s31 =	simm.s32 $0x3C;
	s2 =	stileid.u32;
	[sflag:s30] =	ssyncpa.u1 $0x1  }
0x145: {  	p0 =	sne.s32 s2, $0x0;
	[sflag:s31] =	ssyncpa.u1 $0x1  }
0x146: {  	s0 =	simm.s32 @p0 $0x1;
	_ =	sfence @p0  }
0x147: {  	[sflag:s0] =	ssyncpa.u1 @p0 $0x1;
	s0 =	simm.s32 @p0 $0x2  }
0x148: {  	[sflag:s0] =	ssyncpa.u1 @p0 $0x1  }
0x149: {  	_ =	strace @p0 $0x90000059  }
0x14a: {  	[bflag:$0x2] =	sbarrier.arrive @p0 $0xFFFF  }
0x14b: {  	_ =	shalt @p0  }
.LBB3_7:
0x14c: {  	_ =	sfence.stream.spmem;
	s3 =	simm.s32 $0x5  }
0x14d: {  	s0 =	simm.s32 $0x80;
	s2 =	simm.s32 $0xC0;
	[sflag:s3] =	ssyncpa.u1 $0x0  }
0x14e: {  	[tilespmem:s2], [sflag:$0x5] =	stream.linear.gather [spmem:s0], $0x20, $0x38;
	[tilespmem:$0x360] =	vst v63  }
0x14f: {  	s0 =	simm.s32 $0x0;
	s2 =	simm.s32 $0xE0  }
0x150: {  	[tilespmem:s2], [sflag:$0x5] =	stream.linear.gather [spmem:s0], $0x20, $0x38;
	[tilespmem:$0x360] =	vst v63  }
.Ltmp10:
0x151: {  	_ = 	snop;
	(pc) =	sbr.rel .LBB3_8-.Ltmp10, $4  }
0x152: {  	_ =	swait.ge [sflag:s3], $0x40  }
0x153: {  	[sflag:s3] =	ssyncset.done $0x0  }
0x154: {  	s31 =	simm.s32 $0x6;
	[sflag:s3] =	ssyncadd.s32 $0xFFFFFFC0  }
0x155: {  	s3 =	simm.s32 $0x0;
	[sflag:s31] =	ssyncpa.u1 $0x0  }
.LBB3_13:
0x156: {  	p0 =	sgt.u32 s4, $0x7F  }
0x157: {  	s5 =	sshrl.u32 @!p0 s4, $0x3  }
0x158: {  	s4 =	sand.u32 @!p0 $0x7, s4;
	s6 =	simm.s32 @!p0 $0xB0;
	s5 =	sadd.s32 @!p0 s1, s5  }
0x159: {  	[tilespmem:s6], [sflag:$0x6] =	stream.linear.gather @!p0 [hbm4b:s5+s4], $0x1, $0x38;
	[tilespmem:$0x360] =	vst v63  }
0x15a: {  	s4 =	simm.s32 @!p0 $0x6  }
0x15b: {  	_ =	swait.ge @!p0 [sflag:s4], $0x1  }
0x15c: {  	[sflag:s4] =	ssyncset.done @!p0 $0x0  }
0x15d: {  	[sflag:s4] =	ssyncadd.s32 @!p0 $0xFFFFFFFF  }
0x15e: {  	v2 =	vmov @!p0 s3;
	v1 =	vld.msk @!p0 [tilespmem:$0xB0], $0x1;
	_ =	sdelay $0x3  }
0x15f: {  	s4 =	simm.s32 @!p0 $0xE0  }
0x160: {  	[tilespmem:v2+s4+$0x0], v1 =	vst.idx.ret.add.f32.msk @!p0 $0x1, v1  }
0x161: {  	[tilespmem:s0+$0xC0] =	vst.msk $0x1, v0  }
0x162: {  	v0 =	vld.msk [tilespmem:s3+$0xE0], $0x1;
	_ =	sdelay $0x4  }
0x163: {  	[tilespmem:s0+$0xE0] =	vst.msk $0x1, v0;
	s0 =	sadd.s32 $0x1, s0  }
.LBB3_15:
0x164: {  	s3 =	sadd.s32 $0x1, s3  }
0x165: {  	p0 =	sne.s32 s3, $0x20  }
.Ltmp11:
0x166: {  	_ = 	snop;
	(pc) =	sbr.rel @!p0 .LBB3_16-.Ltmp11, $1  }
0x167: {  	_ =	sdelay $0x3  }
.LBB3_8:
0x168: {  	v0 =	vld.msk [tilespmem:s3+$0xC0], $0x1;
	_ =	sdelay $0x4  }
0x169: {  	(v2sf) =	vpush v0, $0x0;
	_ =	sdelay $0xe  }
0x16a: {  	s4 =	spop (v2sf)  }
0x16b: {  	p0 =	seq.s32 s4, $0xFFFFFFFF  }
.Ltmp12:
0x16c: {  	_ = 	snop;
	(pc) =	sbr.rel @p0 .LBB3_15-.Ltmp12, $1  }
0x16d: {  	_ =	sdelay $0x3  }
0x16e: {  	p0 =	slt.s32 s0, $0x1  }
.Ltmp13:
0x16f: {  	_ = 	snop;
	(pc) =	sbr.rel @p0 .LBB3_13-.Ltmp13, $1  }
0x170: {  	_ =	sdelay $0x3  }
0x171: {  	s5 =	simm.s32 $0xC0;
	p0 =	por $0x0, $0x0  }
0x172: {  	v1 =	vld.msk @!p0 [tilespmem:s5+$0x0], $0x1;
	_ =	sdelay $0x4  }
0x173: {  	(v2sf) =	vpush @!p0 v1, $0x0;
	_ =	sdelay $0xd  }
0x174: {  	p2 =	sne.s32 s0, $0x1  }
.Ltmp14:
0x175: {  	s6 =	spop @!p0 (v2sf);
	(pc) =	sbr.rel @!p2 .LBB3_12-.Ltmp14, $4  }
0x176: {  	p1 =	seq.s32 @!p0 s4, s6  }
0x177: {  	s6 =	simm.s32 $0x0;
	p1 =	por !p1, p0  }
0x178: {  	s8 =	simm.s32 $0xFFFFFFFF;
	s6 =	simm.s32 @p1 $0xFFFFFFFF  }
0x179: {  	s7 =	simm.s32 $0x1;
	s6 =	smov.u32 @p0 s8  }
.LBB3_11:
0x17a: {  	s8 =	smov.u32 s6;
	p0 =	sne.s32 s6, $0xFFFFFFFF  }
0x17b: {  	s5 =	sadd.s32 $0x1, s5;
	s6 =	smov.u32 s7;
	s7 =	sadd.s32 $0x1, s7  }
0x17c: {  	p1 =	sne.s32 s0, s7;
	v1 =	vld.msk @!p0 [tilespmem:s5+$0x0], $0x1;
	_ =	sdelay $0x4  }
0x17d: {  	(v2sf) =	vpush @!p0 v1, $0x0;
	_ =	sdelay $0xe  }
.Ltmp15:
0x17e: {  	s9 =	spop @!p0 (v2sf);
	(pc) =	sbr.rel @p1 .LBB3_11-.Ltmp15, $4  }
0x17f: {  	p2 =	seq.s32 @!p0 s4, s9  }
0x180: {  	p2 =	por !p2, p0  }
0x181: {  	s6 =	simm.s32 @p2 $0xFFFFFFFF  }
0x182: {  	s6 =	smov.u32 @p0 s8  }
.LBB3_12:
0x183: {  	p0 =	sne.s32 s6, $0xFFFFFFFF  }
.Ltmp16:
0x184: {  	_ = 	snop;
	(pc) =	sbr.rel @!p0 .LBB3_13-.Ltmp16, $1  }
0x185: {  	_ =	sdelay $0x3  }
0x186: {  	v0 =	vld.msk [tilespmem:s3+$0xE0], $0x1;
	v1 =	vmov s6  }
.Ltmp17:
0x187: {  	_ = 	snop;
	(pc) =	sbr.rel .LBB3_15-.Ltmp17, $2  }
0x188: {  	_ =	sdelay $0x2  }
0x189: {  	[tilespmem:v1+s2+$0x0], v0 =	vst.idx.ret.add.f32.msk $0x1, v0  }
.LBB3_16:
0x18a: {  	p0 =	slt.s32 s0, $0x1  }
.Ltmp18:
0x18b: {  	_ = 	snop;
	(pc) =	sbr.rel @p0 .LBB3_20-.Ltmp18, $3  }
0x18c: {  	_ =	sdelay $0x1  }
0x18d: {  	s2 =	simm.s32 $0x6  }
0x18e: {  	[sflag:s2] =	ssyncpa.u1 $0x1;
	s2 =	simm.s32 $0x0  }
0x18f: {  	s3 =	simm.s32 $0xC0  }
0x190: {  	v0 =	vld.msk [tilespmem:s3+$0x0], $0x1;
	_ =	sdelay $0x4  }
0x191: {  	(v2sf) =	vpush v0, $0x0;
	_ =	sdelay $0xe  }
0x192: {  	s0 =	sadd.s32 $0xFFFFFFFF, s0;
	s4 =	spop (v2sf)  }
0x193: {  	p1 =	sne.s32 s0, $0x0;
	p0 =	sgt.u32 s4, $0x7F  }
.Ltmp19:
0x194: {  	s5 =	sshrl.u32 @!p0 s4, $0x3;
	(pc) =	sbr.rel @!p1 .LBB3_19-.Ltmp19, $4  }
0x195: {  	s3 =	simm.s32 $0xE0;
	s4 =	sand.u32 @!p0 $0x7, s4;
	s5 =	sadd.s32 @!p0 s1, s5  }
0x196: {  	[hbm4b:s5+s4] =	stream.linear.scatter @!p0 [tilespmem:s3], [sflag:$0x5], $0x1, $0x38;
	[tilespmem:$0x360] =	vst v63  }
0x197: {  	s5 =	simm.s32 $0x0  }
0x198: {  	s4 =	simm.s32 $0xC1;
	s5 =	simm.s32 @!p0 $0x4  }
.LBB3_18:
0x199: {  	v0 =	vld.msk [tilespmem:s4+$0x0], $0x1;
	s0 =	sadd.s32 $0xFFFFFFFF, s0;
	s2 =	sadd.s32 s2, s5  }
0x19a: {  	p0 =	sne.s32 s0, $0x0;
	_ =	sdelay $0x3  }
0x19b: {  	(v2sf) =	vpush v0, $0x0;
	_ =	sdelay $0xe  }
.Ltmp20:
0x19c: {  	s6 =	spop (v2sf);
	(pc) =	sbr.rel @p0 .LBB3_18-.Ltmp20, $4  }
0x19d: {  	s5 =	simm.s32 $0x0;
	p1 =	sgt.u32 s6, $0x7F  }
0x19e: {  	s3 =	sadd.s32 $0x1, s3;
	s5 =	simm.s32 @!p1 $0x4;
	s7 =	sshrl.u32 @!p1 s6, $0x3  }
0x19f: {  	s4 =	sadd.s32 $0x1, s4;
	s6 =	sand.u32 @!p1 $0x7, s6;
	s7 =	sadd.s32 @!p1 s1, s7  }
0x1a0: {  	[hbm4b:s7+s6] =	stream.linear.scatter @!p1 [tilespmem:s3], [sflag:$0x5], $0x1, $0x38;
	[tilespmem:$0x360] =	vst v63  }
.LBB3_19:
0x1a1: {  	s0 =	sadd.s32 s2, s5  }
0x1a2: {  	s2 =	sshrl.u32 s0, $0x2  }
.LBB3_20:
0x1a3: {  	s0 =	simm.s32 $0x5  }
0x1a4: {  	_ =	swait.ge [sflag:s0], s2  }
0x1a5: {  	s1 =	ssub.s32 $0x0, s2;
	[sflag:s0] =	ssyncset.done $0x0  }
0x1a6: {  	[sflag:s0] =	ssyncadd.s32 s1  }
0x1a7: {  	[sflag:s0] =	ssyncpa.u1 $0x1  }
0x1a8: {  	s29 =	simm.s32 $0x1;
	_ =	sfence  }
0x1a9: {  	s30 =	simm.s32 $0x2;
	[sflag:s29] =	ssyncpa.u1 $0x1  }
0x1aa: {  	[sflag:s30] =	ssyncpa.u1 $0x1  }
0x1ab: {  	_ =	strace $0x90000059  }
0x1ac: {  	[bflag:$0x2] =	sbarrier.arrive $0xFFFF  }
0x1ad: {  	s31 =	rddreg [dreg:$0x1]  }
0x1ae: {  	s0 =	sadd.s32 $0x100000, s31  }
0x1af: {  	[sflag:s0] =	ssyncadd.tile.s32 $0x1;
	_ =	shalt  }
.Lfunc_end3:
_tile_overlayer_lowered:
.L_overlay_start_3:
0x1b0: {  	(tag) =	ssettag $0x3  }
0x1b1: {  	s0 =	rddreg [dreg:$0x0];
	s2 =	stileid.u32  }
0x1b2: {  	s1 =	rddreg [dreg:$0x1];
	p0 =	sne.s32 s2, $0x0  }
0x1b3: {  	s3 =	rddreg [dreg:$0x2];
	[bflag:$0x3] =	sbarrier.arrive $0xFFFF;
	s2 =	simm.s32 @!p0 $0x1C01  }
0x1b4: {  	[timem:s3], [sflag:s2] =	dma.local @!p0 [hbm:s0], s1  }
0x1b5: {  	s0 =	simm.s32 @!p0 $0x1  }
0x1b6: {  	_ =	swait.ge @!p0 [sflag:s0], s1  }
0x1b7: {  	s1 =	ssub.s32 @!p0 $0x0, s1;
	[sflag:s0] =	ssyncset.done @!p0 $0x0  }
0x1b8: {  	[sflag:s0] =	ssyncadd.s32 @!p0 s1  }
0x1b9: {  	[bflag:$0x3] =	sbarrier.arrive $0xFFFF  }
0x1ba: {  	_ =	shalt  }

// kernel: scatter_offload_async_start.6
scs
__scs_entry_jumppad:
0x0: {  	(pc) =	sbr.rel $0x88, $3  }
0x1: {  	(tag) =	ssettag $0x0;
	lr =	simm.s32 $0x1  }
0x2: {  	[smem:$0x3F9B] =	sst lr;
	_ =	strace $0xD0000000  }
0x3: {  	_ = 	snop  }
0x4: {  	_ = 	snop  }
0x5: {  	_ = 	snop  }
0x6: {  	_ = 	snop  }
0x7: {  	_ = 	snop  }
__scs_overlays_trampoline_lowered:
0x8: {  	[smem:$0x3FAA] =	sst s0  }
0x9: {  	[smem:$0x3FAB] =	sst s1  }
0xa: {  	[smem:$0x3FAC] =	sst s2  }
0xb: {  	[smem:$0x3FAD] =	sst s3  }
0xc: {  	[smem:$0x3FAE] =	sst s4  }
0xd: {  	[smem:$0x3FAF] =	sst s5  }
0xe: {  	[smem:$0x3FB0] =	sst s6  }
0xf: {  	[smem:$0x3FB1] =	sst s7  }
0x10: {  	[smem:$0x3FB2] =	sst s8  }
0x11: {  	[smem:$0x3FB3] =	sst s9;
	s0 =	simm.s32 @!p0 $0x0  }
0x12: {  	s1 =	sld [smem:$0x3F99];
	s0 =	simm.s32 @p0 $0x1  }
0x13: {  	[smem:$0x3FB4] =	sst s0;
	s0 =	simm.s32 @!p1 $0x0  }
0x14: {  	s2 =	sld [smem:$0x3F98];
	s0 =	simm.s32 @p1 $0x1  }
0x15: {  	[smem:$0x3FB5] =	sst s0;
	s0 =	simm.s32 @!p2 $0x0  }
0x16: {  	s3 =	sld [smem:$0x3FDB];
	s0 =	simm.s32 @p2 $0x1  }
0x17: {  	s4 =	simm.s32 $0x1BF5;
	[smem:$0x3FB7] =	sst s0  }
0x18: {  	s0 =	sld [smem:$0x3F9A];
	_ =	swait.ge [sflag:s4], $0x0  }
0x19: {  	s7 =	sld [smem:$0x3F9B]  }
0x1a: {  	s8 =	sadd.s32 $0xFFFFE003, lr  }
0x1b: {  	s9 =	sadd.s32 $0xFFFFFEF7, lr;
	s5 =	simm.s32 $0xFFFFFFFF;
	p2 =	slt.u32 s8, $0xFFFFF086  }
0x1c: {  	p1 =	slt.u32 s9, $0xF7A;
	s5 =	simm.s32 @!p2 $0x0  }
0x1d: {  	s5 =	simm.s32 @p1 $0x1;
	p0 =	seq.s32 s7, s2  }
0x1e: {  	s7 =	smul.u32 @!p0 $0xF7A, s2;
	p2 =	seq.s32 @!p0 s5, $0x0  }
0x1f: {  	s9 =	smul.u32 $0xF7A, s1;
	s8 =	simm.s32 @!p0 $0x1BF5;
	p2 =	por !p2, p0  }
0x20: {  	[sflag:s8] =	ssyncset.s32 @!p0 $0xFFFFF086;
	s6 =	sadd.s32 @!p0 s3, s7;
	s7 =	simm.s32 @!p0 $0x108  }
0x21: {  	s3 =	sadd.s32 s3, s9;
	s6 =	sadd.s32 @!p0 $0x88, s6;
	s7 =	simm.s32 @p2 $0x1082  }
0x22: {  	[simem:s7], [sflag:s8] =	dma.local @!p0 [hbm:s6], $0xF7A  }
0x23: {  	s9 =	sor.u32 $0xD0000000, s2;
	s6 =	simm.s32 $0x108;
	_ =	swait.ge @!p0 [sflag:s8], $0x0  }
0x24: {  	s3 =	sadd.s32 $0x88, s3;
	s6 =	simm.s32 @!p1 $0x1082;
	[sflag:s4] =	ssyncset.s32 $0xFFFFF086  }
0x25: {  	[simem:s6], [sflag:s4] =	dma.local [hbm:s3], $0xF7A  }
0x26: {  	[smem:$0x3F9B] =	sst s1;
	(tag) =	ssettag s2;
	_ =	strace s9  }
0x27: {  	s1 =	sld [smem:$0x3FAB]  }
0x28: {  	s2 =	sld [smem:$0x3FAC]  }
0x29: {  	s4 =	sld [smem:$0x3FAE]  }
0x2a: {  	p0 =	seq.s32 s5, $0x0;
	s5 =	sld [smem:$0x3FAF]  }
0x2b: {  	s6 =	sld [smem:$0x3FB0]  }
0x2c: {  	s7 =	sld [smem:$0x3FB1]  }
0x2d: {  	s3 =	simm.s32 $0x108;
	s8 =	sld [smem:$0x3FB2]  }
0x2e: {  	s3 =	simm.s32 @!p0 $0x1082;
	s9 =	sld [smem:$0x3FB3]  }
0x2f: {  	lr =	sadd.s32 s0, s3;
	s0 =	sld [smem:$0x3FAA]  }
0x30: {  	s3 =	sld [smem:$0x3FAD]  }
0x31: {  	[smem:$0x3FB6] =	sst s10  }
0x32: {  	s10 =	sld [smem:$0x3FB4];
	_ =	sdelay $0x3  }
0x33: {  	p0 =	seq.s32 s10, $0x1;
	s10 =	sld [smem:$0x3FB6];
	_ =	sdelay $0x3  }
0x34: {  	[smem:$0x3FB6] =	sst s10  }
0x35: {  	s10 =	sld [smem:$0x3FB5];
	_ =	sdelay $0x3  }
0x36: {  	p1 =	seq.s32 s10, $0x1;
	s10 =	sld [smem:$0x3FB6];
	_ =	sdelay $0x3  }
0x37: {  	[smem:$0x3FB6] =	sst s10  }
0x38: {  	s10 =	sld [smem:$0x3FB7]  }
0x39: {  	_ = 	snop;
	(pc) =	sbr.ind lr, $3  }
0x3a: {  	_ = 	snop  }
0x3b: {  	_ = 	snop  }
0x3c: {  	p2 =	seq.s32 s10, $0x1;
	s10 =	sld [smem:$0x3FB6]  }
0x3d: {  	_ =	shalt  }
0x3e: {  	_ =	shalt  }
0x3f: {  	_ =	shalt  }
0x40: {  	_ =	shalt  }
0x41: {  	_ =	shalt  }
0x42: {  	_ =	shalt  }
0x43: {  	_ =	shalt  }
0x44: {  	_ =	shalt  }
0x45: {  	_ =	shalt  }
0x46: {  	_ =	shalt  }
0x47: {  	_ =	shalt  }
0x48: {  	_ =	shalt  }
0x49: {  	_ =	shalt  }
0x4a: {  	_ =	shalt  }
0x4b: {  	_ =	shalt  }
0x4c: {  	_ =	shalt  }
0x4d: {  	_ =	shalt  }
0x4e: {  	_ =	shalt  }
0x4f: {  	_ =	shalt  }
0x50: {  	_ =	shalt  }
0x51: {  	_ =	shalt  }
0x52: {  	_ =	shalt  }
0x53: {  	_ =	shalt  }
0x54: {  	_ =	shalt  }
0x55: {  	_ =	shalt  }
0x56: {  	_ =	shalt  }
0x57: {  	_ =	shalt  }
0x58: {  	_ =	shalt  }
0x59: {  	_ =	shalt  }
0x5a: {  	_ =	shalt  }
0x5b: {  	_ =	shalt  }
0x5c: {  	_ =	shalt  }
0x5d: {  	_ =	shalt  }
0x5e: {  	_ =	shalt  }
0x5f: {  	_ =	shalt  }
0x60: {  	_ =	shalt  }
0x61: {  	_ =	shalt  }
0x62: {  	_ =	shalt  }
0x63: {  	_ =	shalt  }
0x64: {  	_ =	shalt  }
0x65: {  	_ =	shalt  }
0x66: {  	_ =	shalt  }
0x67: {  	_ =	shalt  }
0x68: {  	_ =	shalt  }
0x69: {  	_ =	shalt  }
0x6a: {  	_ =	shalt  }
0x6b: {  	_ =	shalt  }
0x6c: {  	_ =	shalt  }
0x6d: {  	_ =	shalt  }
0x6e: {  	_ =	shalt  }
0x6f: {  	_ =	shalt  }
0x70: {  	_ =	shalt  }
0x71: {  	_ =	shalt  }
0x72: {  	_ =	shalt  }
0x73: {  	_ =	shalt  }
0x74: {  	_ =	shalt  }
0x75: {  	_ =	shalt  }
0x76: {  	_ =	shalt  }
0x77: {  	_ =	shalt  }
0x78: {  	_ =	shalt  }
0x79: {  	_ =	shalt  }
0x7a: {  	_ =	shalt  }
0x7b: {  	_ =	shalt  }
0x7c: {  	_ =	shalt  }
0x7d: {  	_ =	shalt  }
0x7e: {  	_ =	shalt  }
0x7f: {  	_ =	shalt  }
0x80: {  	_ =	shalt  }
0x81: {  	_ =	shalt  }
0x82: {  	_ =	shalt  }
0x83: {  	_ =	shalt  }
0x84: {  	_ =	shalt  }
0x85: {  	_ =	shalt  }
0x86: {  	_ =	shalt  }
0x87: {  	_ =	shalt  }
.Lfunc_end0:
.L_simem_size_0:
called_computation.6_lowered:
.L_overlay_start_0:
0x88: {  	s0 =	sld [smem:$0x3FD9]  }
0x89: {  	s1 =	sld [smem:$0x3FFE];
	_ =	sdelay $0x3  }
0x8a: {  	s0 =	sadd.s32 s1, s0  }
0x8b: {  	[smem:$0x3FC2] =	sst s0  }
0x8c: {  	_ = 	snop  }
0x8d: {  	s0 =	sld [smem:$0x3FD0];
	_ =	sdelay $0x2  }
0x8e: {  	s2 =	simm.s32 $0xD;
	s12 =	simm.s32 $0x10  }
0x8f: {  	[smem:s12], [sflag:s2] =	dma.local [hbm:s0], $0x1  }
0x90: {  	_ =	swait.eq [sflag:s2], $0x1  }
0x91: {  	[sflag:s2] =	ssyncset.done $0x0  }
0x92: {  	s13 =	sld [smem:$0x10];
	[sflag:s2] =	ssyncadd.s32 $0xFFFFFFFF  }
0x93: {  	s14 =	sld [smem:$0x11];
	(tm) =	ssettm $0x1  }
0x94: {  	s15 =	sld [smem:$0x3FFB];
	_ =	sdelay $0x3  }
0x95: {  	_ =	strace s15  }
0x96: {  	s0 =	sld [smem:$0x3FFC];
	_ =	sdelay $0x3  }
0x97: {  	_ =	strace s0  }
0x98: {  	s0 =	sld [smem:$0x3FFD];
	_ =	sdelay $0x3  }
0x99: {  	_ =	strace s0  }
0x9a: {  	_ =	strace $0x8FFFFFFF  }
0x9b: {  	s16 =	sld [smem:$0x3FDB];
	_ =	sdelay $0x1  }
0x9c: {  	s3 =	simm.s32 $_scs_section_size  }
0x9d: {  	s4 =	simm.s32 $_size__tile_overlayer_lowered;
	s5 =	simm.s32 $_tile_overlayer_lowered  }
0x9e: {  	s6 =	simm.s32 $0x1BFF;
	s17 =	sshll.u32 s5, $0x1;
	s3 =	sadd.s32 s3, s16  }
0x9f: {  	s18 =	simm.s32 $0x0;
	s4 =	sshll.u32 s4, $0x1;
	s5 =	sadd.s32 s17, s3  }
0xa0: {  	[timem:s18], [sflag:s6] =	dma.local [hbm:s5], s4  }
0xa1: {  	_ =	swait.ge [sflag:s6], s4  }
0xa2: {  	s4 =	ssub.s32 $0x0, s4;
	[sflag:s6] =	ssyncset.done $0x0  }
0xa3: {  	[sflag:s6] =	ssyncadd.s32 s4;
	_ =	sdelay $0x1  }
0xa4: {  	s19 =	simm.s32 $0x1B8B  }
0xa5: {  	_ =	swait.ge [sflag:s19], $0x1  }
0xa6: {  	[sflag:s19] =	ssyncset.done $0x0  }
0xa7: {  	s21 =	simm.s32 $0x1B8E;
	s20 =	sld [smem:$0x3FFE];
	[sflag:s19] =	ssyncadd.s32 $0xFFFFFFFF  }
0xa8: {  	s22 =	simm.s32 $execute0_lowered;
	[smem:$0x3FD2] =	sst s21  }
0xa9: {  	s5 =	sshll.u32 s22, $0x1;
	_ =	strace $0x8000004F;
	[dreg:$0x1] =	wrdreg $0xFFFFFFFF  }
0xaa: {  	s23 =	simm.s32 $_size_execute0_lowered;
	s5 =	sadd.s32 s3, s5;
	[dreg:$0x0] =	wrdreg $0x0  }
0xab: {  	s6 =	sshll.u32 s23, $0x1;
	[dreg:$0x2] =	wrdreg s5  }
0xac: {  	[dreg:$0x3] =	wrdreg s6  }
0xad: {  	[dreg:$0x4] =	wrdreg $0xC0  }
0xae: {  	s24 =	simm.s32 $execute1_lowered;
	_ =	task [dreg:s18], $0x5FFFF  }
0xaf: {  	s5 =	sshll.u32 s24, $0x1;
	[dreg:$0x1] =	wrdreg $0xFFFFFFFF  }
0xb0: {  	s3 =	sadd.s32 s3, s5;
	[dreg:$0x0] =	wrdreg $0x60  }
0xb1: {  	[dreg:$0x2] =	wrdreg s3  }
0xb2: {  	[dreg:$0x3] =	wrdreg s20  }
0xb3: {  	[dreg:$0x4] =	wrdreg $0xB  }
0xb4: {  	_ =	task.clear_ibuf [dreg:s18], $0x5FFFF;
	_ =	strace $0x9000004F  }
0xb5: {  	s25 =	simm.s32 $0xB;
	_ =	strace $0x80000051  }
0xb6: {  	_ =	swait.ge [sflag:s25], $0x1  }
0xb7: {  	[sflag:s25] =	ssyncadd.s32 $0xFFFFFFFF  }
0xb8: {  	_ =	strace $0x90000051  }
0xb9: {  	_ =	strace $0x80000052;
	[dreg:$0x1] =	wrdreg $0xFFFFFFFF  }
0xba: {  	[dreg:$0x0] =	wrdreg $0x2030  }
0xbb: {  	[dreg:$0x2] =	wrdreg s20  }
0xbc: {  	[dreg:$0x3] =	wrdreg s13  }
0xbd: {  	[dreg:$0x4] =	wrdreg s14  }
0xbe: {  	[dreg:$0x5] =	wrdreg $0xC  }
0xbf: {  	_ =	task.clear_ibuf [dreg:s18], $0x6FFFF;
	_ =	strace $0x90000052  }
0xc0: {  	s26 =	simm.s32 $0xC;
	_ =	strace $0x80000054  }
0xc1: {  	_ =	swait.ge [sflag:s26], $0x1  }
0xc2: {  	[sflag:s26] =	ssyncadd.s32 $0xFFFFFFFF  }
0xc3: {  	_ =	strace $0x90000054  }
0xc4: {  	_ =	sfence  }
0xc5: {  	s28 =	sld [smem:$0x0];
	_ =	sdelay $0x1  }
0xc6: {  	s29 =	srdreg.scid  }
0xc7: {  	s30 =	sshll.u32 s29, $0xD;
	s31 =	sshrl.u32 s29, $0x2  }
0xc8: {  	s2 =	sand.u32 $0x1, s29;
	s3 =	sand.u32 $0x4000, s30;
	s1 =	sadd.s32 s31, s28  }
0xc9: {  	s2 =	sor.u32 s3, s2;
	s1 =	sshll.u32 s1, $0x11  }
0xca: {  	s1 =	sor.u32 s1, s2  }
0xcb: {  	s1 =	sadd.s32 $0x8F2B, s1  }
0xcc: {  	[sflag:s1] =	ssyncadd.remote.s32 $0x1  }
0xcd: {  	_ =	sfence.sel $0xFFFF  }
0xce: {  	[dreg:$0x0] =	wrdreg $0xFFFFFFFF;
	(pc) =	sbr.abs _section_cstart, $3  }
0xcf: {  	[dreg:$0x1] =	wrdreg $0xFFFFFFFF  }
0xd0: {  	_ =	task.clear_ibuf [dreg:s18], $0x2FFFF;
	_ =	strace $0x9FFFFFFF  }
0xd1: {  	(tm) =	ssettm $0x7FFFFFFF  }
tec
execute0_lowered:
.L_overlay_start_1:
0x0: {  	(tag) =	ssettag $0x1  }
0x1: {  	s3 =	rddreg [dreg:$0x0]  }
0x2: {  	s4 =	rddreg [dreg:$0x1]  }
0x3: {  	s0 =	rddreg [dreg:$0x2]  }
0x4: {  	s2 =	stileid.u32;
	[bflag:$0x3] =	sbarrier.arrive $0xFFFF;
	s1 =	simm.s32 $_size_execute1_lowered  }
0x5: {  	p0 =	sne.s32 s2, $0x0;
	s1 =	sshll.u32 s1, $0x1;
	s29 =	sshll.u32 s2, $0x3  }
0x6: {  	s5 =	simm.s32 @!p0 $0x1C3F;
	s6 =	simm.s32 @!p0 $0x4060;
	s7 =	ssub.s32 $0x80, s29  }
0x7: {  	[timem:s6], [sflag:s5] =	dma.local @!p0 [hbm:s3], s1  }
0x8: {  	s31 =	sand.u32 $0x78, s7  }
0x9: {  	s8 =	simm.s32 $0x1;
	p1 =	sne.s32 s31, $0x0  }
0xa: {  	s7 =	sshrl.u32 s7, $0x7;
	s8 =	simm.s32 @!p1 $0x0  }
0xb: {  	s7 =	sadd.s32 s8, s7  }
0xc: {  	s8 =	sadd.s32 $0x1, s7  }
0xd: {  	s14 =	simm.s32 $0x0;
	p3 =	sne.s32 s8, $0x0  }
.Ltmp0:
0xe: {  	s9 =	simm.s32 $0x1;
	s13 =	simm.s32 $0xFFFFFFFF;
	(pc) =	sbr.rel @!p3 .LBB2_1-.Ltmp0, $4  }
0xf: {  	p2 =	por $0x0, $0x0;
	s30 =	sadd.s32 s2, s4;
	s5 =	sadd.s32 $0xC00, s4  }
0x10: {  	s3 =	simm.s32 $0x1;
	s4 =	simm.s32 $0x2;
	_ =	strace $0x80000050  }
0x11: {  	s6 =	sadd.s32 $0x200, s30;
	[sflag:s3] =	ssyncpa.u1 $0x0;
	p1 =	sle.u32 s7, $0x0  }
0x12: {  	[sflag:s4] =	ssyncpa.u1 $0x0;
	s15 =	sxor.u32 @!p1 $0xFFFFFFFF, s14;
	s11 =	simm.s32 @!p1 $0x0  }
0x13: {  	p2 =	sle.u32 s7, $0xFFFFFFFF  }
0x14: {  	s10 =	sand.u32 @!p1 $0x8, s15;
	s12 =	simm.s32 @!p2 $0x1  }
0x15: {  	[tilespmem:s10], [sflag:$0x1] =	stream.linear.gather @!p1 [hbm4b:s6+s11], $0x8, $0x38;
	[tilespmem:$0x20] =	vst v63  }
0x16: {  	_ =	swait.ge @!p2 [sflag:s12], $0x8  }
0x17: {  	[sflag:s12] =	ssyncset.done @!p2 $0x0  }
0x18: {  	s10 =	sand.u32 @!p2 $0x8, s14;
	[sflag:s12] =	ssyncadd.s32 @!p2 $0xFFFFFFF8  }
0x19: {  	v0 =	vld.msk @!p2 [tilespmem:s10+$0x0], $0xff;
	_ =	sdelay $0x2  }
0x1a: {  	p4 =	sne.s32 s8, $0x1;
	p3 =	por $0x1, $0x1;
	s14 =	simm.s32 $0x2  }
.Ltmp1:
0x1b: {  	s13 =	simm.s32 @!p2 $0x0;
	s11 =	sor.u32 @!p2 $0x10, s10;
	(pc) =	sbr.rel @!p4 .LBB2_3-.Ltmp1, $4  }
0x1c: {  	p1 =	sle.u32 s7, $0x1;
	s12 =	sadd.s32 @!p2 s5, s2;
	s10 =	simm.s32 $0x8;
	[tilespmem:s11+$0x0] =	vst.msk @!p2 $0xff, v0  }
0x1d: {  	[hbm4b:s12+s13] =	stream.linear.scatter @!p2 [tilespmem:s11], [sflag:$0x2], $0x8, $0x38;
	[tilespmem:$0x20] =	vst v63  }
0x1e: {  	s15 =	sxor.u32 @!p1 $0xFFFFFFFF, s10;
	s13 =	simm.s32 $0x0;
	s12 =	simm.s32 @!p3 $0x2  }
0x1f: {  	s11 =	simm.s32 @!p1 $0x0;
	p2 =	por $0x1, $0x1;
	_ =	swait.ge @!p3 [sflag:s12], $0x8  }
.LBB2_4:
0x20: {  	s15 =	sand.u32 @!p1 $0x8, s15;
	p4 =	sge.u32 s13, s7  }
0x21: {  	[sflag:s12] =	ssyncset.done @!p3 $0x0;
	s13 =	smov.u32 s9;
	s9 =	smov.u32 s14  }
0x22: {  	s16 =	sadd.s32 $0x1, s14;
	s17 =	simm.s32 @!p4 $0x1;
	[sflag:s12] =	ssyncadd.s32 @!p3 $0xFFFFFFF8  }
0x23: {  	[tilespmem:s15], [sflag:$0x1] =	stream.linear.gather @!p1 [hbm4b:s6+s11], $0x8, $0x38;
	[tilespmem:$0x20] =	vst v63  }
0x24: {  	p5 =	sne.s32 s14, s8;
	_ =	swait.ge @!p4 [sflag:s17], $0x8  }
0x25: {  	s11 =	sand.u32 @!p4 $0x8, s10;
	[sflag:s17] =	ssyncset.done @!p4 $0x0  }
0x26: {  	[sflag:s17] =	ssyncadd.s32 @!p4 $0xFFFFFFF8  }
0x27: {  	v0 =	vld.msk @!p4 [tilespmem:s11+$0x0], $0xff;
	_ =	sdelay $0x2  }
0x28: {  	s14 =	sadd.s32 @!p4 s5, s2;
	s10 =	sadd.s32 $0x8, s10;
	s11 =	sor.u32 @!p4 $0x10, s11  }
.Ltmp2:
0x29: {  	p3 =	slt.u32 s13, $0x2;
	s15 =	simm.s32 @!p4 $0x0;
	(pc) =	sbr.rel @p5 .LBB2_4-.Ltmp2, $4  }
0x2a: {  	s13 =	sadd.s32 $0xFFFFFFFF, s9;
	p1 =	sge.u32 s9, s7;
	s12 =	simm.s32 @!p3 $0x2;
	[tilespmem:s11+$0x0] =	vst.msk @!p4 $0xff, v0  }
0x2b: {  	[hbm4b:s14+s15] =	stream.linear.scatter @!p4 [tilespmem:s11], [sflag:$0x2], $0x8, $0x38;
	[tilespmem:$0x20] =	vst v63  }
0x2c: {  	s15 =	sxor.u32 @!p1 $0xFFFFFFFF, s10  }
0x2d: {  	s11 =	simm.s32 @!p1 $0x0;
	s14 =	smov.u32 s16;
	_ =	swait.ge @!p3 [sflag:s12], $0x8  }
0x2e: {  	s14 =	smov.u32 s9  }
.LBB2_6:
0x2f: {  	p3 =	por p3, !p2  }
0x30: {  	p2 =	sge.u32 s13, s7;
	[sflag:s12] =	ssyncset.done @!p3 $0x0  }
0x31: {  	s7 =	sand.u32 @!p1 $0x8, s15;
	s8 =	simm.s32 @!p2 $0x1;
	[sflag:s12] =	ssyncadd.s32 @!p3 $0xFFFFFFF8  }
0x32: {  	[tilespmem:s7], [sflag:$0x1] =	stream.linear.gather @!p1 [hbm4b:s6+s11], $0x8, $0x38;
	[tilespmem:$0x20] =	vst v63  }
0x33: {  	_ =	swait.ge @!p2 [sflag:s8], $0x8  }
0x34: {  	[sflag:s8] =	ssyncset.done @!p2 $0x0  }
0x35: {  	s6 =	sand.u32 @!p2 $0x8, s10;
	[sflag:s8] =	ssyncadd.s32 @!p2 $0xFFFFFFF8  }
0x36: {  	v0 =	vld.msk @!p2 [tilespmem:s6+$0x0], $0xff;
	_ =	sdelay $0x3  }
0x37: {  	p1 =	slt.u32 s14, $0x2;
	s6 =	sor.u32 @!p2 $0x10, s6  }
0x38: {  	s2 =	sadd.s32 @!p2 s5, s2;
	s5 =	simm.s32 @!p2 $0x0;
	s7 =	simm.s32 @!p1 $0x2;
	[tilespmem:s6+$0x0] =	vst.msk @!p2 $0xff, v0  }
0x39: {  	[hbm4b:s2+s5] =	stream.linear.scatter @!p2 [tilespmem:s6], [sflag:$0x2], $0x8, $0x38;
	[tilespmem:$0x20] =	vst v63  }
0x3a: {  	_ =	swait.ge @!p1 [sflag:s7], $0x8  }
0x3b: {  	[sflag:s7] =	ssyncset.done @!p1 $0x0  }
0x3c: {  	[sflag:s7] =	ssyncadd.s32 @!p1 $0xFFFFFFF8  }
0x3d: {  	_ =	sfence.sel $0x180000  }
0x3e: {  	[bflag:$0x0] =	sbarrier.arrive $0xFFFF  }
0x3f: {  	[sflag:s3] =	ssyncpa.u1 $0x1  }
0x40: {  	[sflag:s4] =	ssyncpa.u1 $0x1  }
0x41: {  	_ =	strace $0x90000050  }
0x42: {  	s0 =	sadd.s32 @!p0 $0x100000, s0;
	[bflag:$0x2] =	sbarrier.arrive $0xFFFF  }
0x43: {  	[sflag:s0] =	ssyncadd.tile.s32 @!p0 $0x1;
	s0 =	simm.s32 @!p0 $0x3F  }
0x44: {  	_ =	swait.ge @!p0 [sflag:s0], s1  }
0x45: {  	s1 =	ssub.s32 @!p0 $0x0, s1;
	[sflag:s0] =	ssyncset.done @!p0 $0x0  }
0x46: {  	[sflag:s0] =	ssyncadd.s32 @!p0 s1  }
0x47: {  	[bflag:$0x3] =	sbarrier.arrive $0xFFFF  }
0x48: {  	_ =	shalt  }
.LBB2_1:
.Ltmp3:
0x49: {  	(pc) =	sbr.rel .LBB2_6-.Ltmp3, $2  }
0x4a: {  	_ =	sdelay $0x2  }
0x4b: {  	s10 =	simm.s32 $0x0  }
.LBB2_3:
.Ltmp4:
0x4c: {  	(pc) =	sbr.rel .LBB2_6-.Ltmp4, $2  }
0x4d: {  	_ =	sdelay $0x2  }
0x4e: {  	s14 =	simm.s32 $0x1  }
.Lfunc_end2:
execute1_lowered:
.L_overlay_start_2:
0x4f: {  	(tag) =	ssettag $0x2  }
0x50: {  	s0 =	rddreg [dreg:$0x0]  }
0x51: {  	s3 =	rddreg [dreg:$0x1];
	_ =	strace $0x80000053;
	s1 =	simm.s32 $0x1  }
0x52: {  	v1 =	vimm.s32 $0xFFFFFFFF;
	[sflag:s1] =	ssyncpa.u1 $0x0  }
0x53: {  	[tilespmem:$0x10] =	vst v1  }
0x54: {  	v0 =	vimm.f32 $0.0e+00;
	[tilespmem:$0x20] =	vst v1  }
0x55: {  	s4 =	stileid.u32;
	s30 =	simm.s32 $0x2;
	[tilespmem:$0x30] =	vst v0  }
0x56: {  	s7 =	simm.s32 $0x7;
	s8 =	simm.s32 $0x8;
	s31 =	simm.s32 $0x9;
	[tilespmem:$0x40] =	vst v0  }
0x57: {  	s17 =	simm.s32 $0x100;
	s18 =	simm.s32 $0xFFFFFFFE;
	s19 =	simm.s32 $0xFFFFFFC0;
	[tilespmem:$0x50] =	vst v0  }
0x58: {  	s20 =	simm.s32 $0xFFFFFFFF;
	s21 =	simm.s32 $0x0;
	s22 =	simm.s32 $0xF;
	[tilespmem:$0x60] =	vst v1  }
0x59: {  	s24 =	simm.s32 $0x0;
	p0 =	seq.s32 s4, $0xF;
	s1 =	simm.s32 $0x1C0;
	[tilespmem:$0x70] =	vst v1  }
0x5a: {  	s25 =	simm.s32 $0x0;
	s5 =	sshll.u32 s4, $0x9;
	[tilespmem:$0x80] =	vst v1;
	s1 =	simm.s32 @!p0 $0x200  }
0x5b: {  	s11 =	sshll.u32 s4, $0x1;
	s13 =	sshllo.u32 s4, $0x1;
	v1 =	vimm.s32 $0x0;
	[tilespmem:$0xB0] =	vst v0;
	s1 =	sadd.s32 s5, s1  }
0x5c: {  	s12 =	sor.u32 $0x81, s11;
	s14 =	sor.u32 $0x80, s11;
	[tilespmem:$0x90] =	vst v1;
	s6 =	smin.u32 s1, $0x1FC0  }
.Ltmp5:
0x5d: {  	[tilespmem:$0xA0] =	vst v1;
	[sflag:s30] =	ssyncpa.u1 $0x0;
	s2 =	ssub.s32 s6, s5;
	(pc) =	sbr.rel .LBB3_1-.Ltmp5, $4  }
0x5e: {  	s26 =	smov.u32 s5;
	[sflag:s7] =	ssyncpa.u1 $0x0;
	p0 =	sgt.s32 s2, $0x0  }
0x5f: {  	s1 =	sadd.s32 $0xC00, s0;
	[sflag:s8] =	ssyncpa.u1 $0x0;
	s2 =	simm.s32 @!p0 $0x0  }
0x60: {  	vm0 =	vmmov $0xffff;
	v2 =	vlaneseq.u32;
	s0 =	simm.s32 $0x0;
	[sflag:s31] =	ssyncpa.u1 $0x0;
	s9 =	sshrl.u32 s2, $0x6  }
0x61: {  	vm1 =	vmxor vm1, vm1;
	vm2 =	vmmov $0x1;
	vm3 =	vcmask $0x3F3C;
	s10 =	sadd.s32 $0x2, s9;
	s15 =	sadd.s32 $0x3, s9;
	s16 =	sadd.s32 $0x1, s9  }
.LBB3_5:
0x62: {  	p0 =	slt.u32 s25, $0x3  }
0x63: {  	s0 =	simm.s32 @!p0 $0x2  }
0x64: {  	_ =	swait.ge @!p0 [sflag:s0], $0x40  }
0x65: {  	[sflag:s0] =	ssyncset.done @!p0 $0x0  }
0x66: {  	[sflag:s0] =	ssyncadd.s32 @!p0 $0xFFFFFFC0;
	s0 =	simm.s32 @!p0 $0x9  }
0x67: {  	_ =	swait.ge @!p0 [sflag:s0], $0x10  }
0x68: {  	s25 =	sadd.s32 $0x1, s25;
	[sflag:s0] =	ssyncset.done @!p0 $0x0  }
0x69: {  	[sflag:s0] =	ssyncadd.s32 @!p0 $0xFFFFFFF0;
	p0 =	sne.s32 s15, s25  }
.Ltmp6:
0x6a: {  	_ = 	snop;
	(pc) =	sbr.rel @!p0 .LBB3_6-.Ltmp6, $4  }
0x6b: {  	s2 =	sadd.s32 $0x40, s26;
	s4 =	smov.u32 s5  }
0x6c: {  	s17 =	sadd.s32 $0x40, s17;
	s18 =	sadd.s32 $0x1, s18;
	p1 =	slt.s32 s2, s6  }
0x6d: {  	s19 =	sadd.s32 $0x40, s19;
	s20 =	sadd.s32 $0x1, s20;
	s4 =	smov.u32 @p1 s2  }
0x6e: {  	s24 =	sadd.s32 $0x10, s24;
	s0 =	smov.u32 s26;
	s26 =	smov.u32 s4  }
.LBB3_1:
0x6f: {  	s2 =	smulhi.u32 $0xAAAAAAAB, s25;
	_ =	sdelay $0x1  }
0x70: {  	s2 =	sshrl.u32 s2, $0x1  }
0x71: {  	s2 =	smul.u32 $0xFFFFFD00, s2  }
0x72: {  	p0 =	sge.u32 s25, s9  }
0x73: {  	s31 =	sadd.s32 $0xFFFFFFFF, s25;
	s28 =	sshrl.u32 @!p0 s26, $0x3;
	s2 =	sshra.s32 @!p0 s2, $0x2  }
0x74: {  	s29 =	sand.u32 @!p0 $0x7, s26;
	s28 =	sadd.s32 @!p0 s3, s28;
	s2 =	sadd.s32 @!p0 s2, s17  }
0x75: {  	[tilespmem:s2], [sflag:$0x7] =	stream.linear.gather @!p0 [hbm4b:s28+s29], $0x40, $0x38;
	[tilespmem:$0x360] =	vst v63  }
0x76: {  	p0 =	sge.u32 s31, s9  }
.Ltmp7:
0x77: {  	_ = 	snop;
	(pc) =	sbr.rel @p0 .LBB3_3-.Ltmp7, $1  }
0x78: {  	_ =	sdelay $0x3  }
0x79: {  	s2 =	smulhi.u32 $0xAAAAAAAB, s20;
	_ =	sdelay $0x1  }
0x7a: {  	s2 =	sshrl.u32 s2, $0x1  }
0x7b: {  	s2 =	smul.u32 $0xFFFFFD00, s2;
	_ =	sdelay $0x1  }
0x7c: {  	_ =	swait.ge [sflag:s7], $0x40;
	s2 =	sshra.s32 s2, $0x2  }
0x7d: {  	[sflag:s7] =	ssyncset.done $0x0;
	s2 =	sadd.s32 s2, s17  }
0x7e: {  	[sflag:s7] =	ssyncadd.s32 $0xFFFFFFC0;
	(ifvalue) =	ssetifvalue $0xFFFFFFFF;
	v3 =	vld.msk [tilespmem:s2+$0xFFFFFFC0 ss:$0x1], $0xffff;
	_ =	sdelay $0x2  }
0x7f: {  	p0 =	sne.s32 s25, $0x1  }
0x80: {  	v4 =	vimm.s32 @!p0 $0x0  }
0x81: {  	v4 =	vperm.xlane @!p0 v3, v4  }
0x82: {  	vm4 =	vlt.u32 v3, $0x80  }
0x83: {  	s28 =	sand.u32 $0x10, s24;
	v3 =	vnsel vm4, $0xFFFFFFFE, v3;
	vm4 =	vlt.u32 @!p0 v4, $0x80  }
0x84: {  	[tilespmem:s28+$0x60] =	vst v3;
	v3 =	vnsel @!p0 vm4, $0xFFFFFFFE, v4  }
0x85: {  	[tilespmem:$0x80] =	vst @!p0 v3  }
0x86: {  	v3 =	vld.msk [tilespmem:s2+$0xFFFFFFF0 ss:$0x1], $0xffff;
	_ =	sdelay $0x4  }
0x87: {  	(xrf1) =	vunique.msk.u32 $0xffff, v3;
	_ =	sdelay $0xd  }
0x88: {  	v59, _, _ =	vpop (xrf1)  }
0x89: {  	vm4 =	vlt.u32 v3, $0x80;
	vm5 =	veq.s32 v59, v2  }
0x8a: {  	vm5 =	vmand vm4, vm5  }
0x8b: {  	v60 =	vnsel vm5, $0xFFFFFFFF, v3;
	_ =	sdelay $0x2  }
0x8c: {  	s28 =	sand.u32 $0x40, s19  }
0x8d: {  	s29 =	sadd.s32 $0x1F0, s28;
	(ifvalue) =	ssetifvalue $0xFFFFFFFF  }
0x8e: {  	v4 =	vnsel vm4, $0xFFFFFFFE, v60;
	[tilespmem:s29], [sflag:$0x8] =	stream.indirect_vreg.gather [hbm4b:s1+s21], $0x1, v60, vm0, $0x4038;
	[tilespmem:$0x360] =	vst v63  }
0x8f: {  	[tilespmem:s2+$0xFFFFFFF0] =	vst v4  }
0x90: {  	v4 =	vld.msk [tilespmem:s2+$0xFFFFFFE0 ss:$0x1], $0xffff;
	_ =	sdelay $0x4  }
0x91: {  	(xrf1) =	vunique.msk.u32 $0xffff, v4;
	_ =	sdelay $0xc  }
0x92: {  	v3 =	vperm.xlane v3, v1  }
0x93: {  	v5, _, _ =	vpop (xrf1)  }
0x94: {  	vm5 =	vne.s32 v4, v3;
	vm4 =	veq.s32 v5, v2  }
0x95: {  	vm6 =	vlt.u32 v4, $0x80;
	vm4 =	vmand vm5, vm4  }
0x96: {  	vm4 =	vmand vm6, vm4  }
0x97: {  	v3 =	vnsel vm4, $0xFFFFFFFF, v4;
	_ =	sdelay $0x3  }
0x98: {  	s30 =	sadd.s32 $0x1E0, s28;
	(ifvalue) =	ssetifvalue $0xFFFFFFFF  }
0x99: {  	[tilespmem:s30], [sflag:$0x8] =	stream.indirect_vreg.gather [hbm4b:s1+s21], $0x1, v3, vm0, $0x4038;
	v3 =	vnsel vm6, $0xFFFFFFFE, v3;
	[tilespmem:$0x360] =	vst v63  }
0x9a: {  	[tilespmem:s2+$0xFFFFFFE0] =	vst v3  }
0x9b: {  	v3 =	vld.msk [tilespmem:s2+$0xFFFFFFD0 ss:$0x1], $0xffff;
	_ =	sdelay $0x4  }
0x9c: {  	(xrf1) =	vunique.msk.u32 $0xffff, v3;
	_ =	sdelay $0xc  }
0x9d: {  	v4 =	vperm.xlane v4, v1  }
0x9e: {  	v61, _, _ =	vpop (xrf1)  }
0x9f: {  	vm5 =	vne.s32 v3, v4;
	vm4 =	veq.s32 v61, v2  }
0xa0: {  	vm14 =	vlt.u32 v3, $0x80;
	vm4 =	vmand vm5, vm4  }
0xa1: {  	vm4 =	vmand vm14, vm4  }
0xa2: {  	v62 =	vnsel vm4, $0xFFFFFFFF, v3;
	_ =	sdelay $0x3  }
0xa3: {  	s31 =	sadd.s32 $0x1D0, s28;
	(ifvalue) =	ssetifvalue $0xFFFFFFFF  }
0xa4: {  	v4 =	vnsel vm14, $0xFFFFFFFE, v62;
	[tilespmem:s31], [sflag:$0x8] =	stream.indirect_vreg.gather [hbm4b:s1+s21], $0x1, v62, vm0, $0x4038;
	[tilespmem:$0x360] =	vst v63  }
0xa5: {  	s4 =	sadd.s32 $0xFFFFFFC0, s2;
	[tilespmem:s2+$0xFFFFFFD0] =	vst v4  }
0xa6: {  	v4 =	vld.msk [tilespmem:s4+$0x0 ss:$0x1], $0xffff;
	_ =	sdelay $0x4  }
0xa7: {  	(xrf1) =	vunique.msk.u32 $0xffff, v4;
	_ =	sdelay $0xc  }
0xa8: {  	v3 =	vperm.xlane v3, v1  }
0xa9: {  	v63, _, _ =	vpop (xrf1)  }
0xaa: {  	vm5 =	vne.s32 v4, v3;
	vm4 =	veq.s32 v63, v2  }
0xab: {  	vm15 =	vlt.u32 v4, $0x80;
	vm4 =	vmand vm5, vm4  }
0xac: {  	vm4 =	vmand vm15, vm4  }
0xad: {  	v3 =	vnsel vm4, $0xFFFFFFFF, v4;
	_ =	sdelay $0x2  }
0xae: {  	s0 =	sshrl.u32 s0, $0x3  }
0xaf: {  	s23 =	sadd.s32 $0x1C0, s28;
	(ifvalue) =	ssetifvalue $0xFFFFFFFF;
	s30 =	rddreg [dreg:$0x2]  }
0xb0: {  	[tilespmem:s23], [sflag:$0x8] =	stream.indirect_vreg.gather [hbm4b:s1+s21], $0x1, v3, vm0, $0x4038;
	v3 =	vnsel vm15, $0xFFFFFFFE, v3;
	[tilespmem:$0x360] =	vst v63  }
0xb1: {  	s31 =	sadd.s32 $0x240, s28;
	s0 =	sadd.s32 s30, s0;
	[tilespmem:s2+$0xFFFFFFC0] =	vst v3  }
0xb2: {  	[tilespmem:s31], [sflag:$0x8] =	stream.linear.gather [hbm:s0], $0x40, $0x38;
	[tilespmem:$0x360] =	vst v63  }
.LBB3_3:
0xb3: {  	p0 =	slt.u32 s25, $0x2  }
0xb4: {  	p1 =	sge.u32 @!p0 s25, s10  }
0xb5: {  	p0 =	por p0, p1  }
.Ltmp8:
0xb6: {  	_ = 	snop;
	(pc) =	sbr.rel @p0 .LBB3_5-.Ltmp8, $1  }
0xb7: {  	_ =	sdelay $0x3  }
0xb8: {  	s0 =	smulhi.u32 $0xAAAAAAAB, s18;
	_ =	sdelay $0x1  }
0xb9: {  	s0 =	sshrl.u32 s0, $0x1  }
0xba: {  	s0 =	smul.u32 $0x300, s0;
	_ =	sdelay $0x1  }
0xbb: {  	p0 =	sne.s32 s16, s25;
	s2 =	ssub.s32 $0xFFFFFE00, s0  }
0xbc: {  	_ =	swait.ge [sflag:s8], $0x80;
	s0 =	sshra.s32 @!p0 s2, $0x2  }
0xbd: {  	[sflag:s8] =	ssyncset.done $0x0;
	s0 =	sadd.s32 @!p0 s0, s17  }
0xbe: {  	s28 =	simm.s32 @!p0 $0x1;
	[sflag:s8] =	ssyncadd.s32 $0xFFFFFF80;
	s0 =	sadd.s32 @!p0 $0x3F, s0  }
0xbf: {  	[spmem:s12] =	stream.linear.scatter @!p0 [tilespmem:s0], [sflag:$0x1], $0x1, $0x38;
	[tilespmem:$0x360] =	vst v63  }
0xc0: {  	_ =	swait.ge @!p0 [sflag:s28], $0x1  }
0xc1: {  	[sflag:s28] =	ssyncset.done @!p0 $0x0  }
0xc2: {  	s29 =	sand.u32 $0x10, s24;
	[sflag:s28] =	ssyncadd.s32 @!p0 $0xFFFFFFFF  }
0xc3: {  	s4 =	sxor.u32 $0x10, s29;
	v3 =	vld [tilespmem:s29+$0x10]  }
0xc4: {  	v4 =	vld [tilespmem:s4+$0x60]  }
0xc5: {  	v5 =	vld [tilespmem:$0x80];
	_ =	sdelay $0x2  }
0xc6: {  	(v2sf) =	vpush v3, $0x0  }
0xc7: {  	(v2sf) =	vpush v4, $0x0  }
0xc8: {  	(v2sf) =	vpush v5, $0x0;
	_ =	sdelay $0xc  }
0xc9: {  	s23 =	spop (v2sf)  }
0xca: {  	s30 =	spop (v2sf)  }
0xcb: {  	s31 =	spop (v2sf)  }
0xcc: {  	p1 =	seq.s32 s23, s30;
	p2 =	seq.s32 s31, s23  }
0xcd: {  	p2 =	por p1, p2  }
0xce: {  	v3 =	vpsel p2, $0xFFFFFFFF, v3  }
0xcf: {  	s30 =	sxor.u32 $0xFFFFFFFF, s19;
	[tilespmem:s29+$0x10] =	vst.msk $0x1, v3  }
0xd0: {  	s0 =	sand.u32 $0x40, s30;
	v3 =	vld [tilespmem:$0x30]  }
0xd1: {  	v49 =	vld [tilespmem:s0+$0x240]  }
0xd2: {  	v6 =	vld [tilespmem:s29+$0x40];
	_ =	sdelay $0x3  }
0xd3: {  	vm4 =	vmmov vm1;
	v4 =	vadd.f32 v49, v3  }
0xd4: {  	vm5 =	vmmov vm2;
	vm4 =	vmmov @p1 vm2;
	s23 =	sshrl.u32 s0, $0x2;
	v3 =	vadd.f32 v6, v3  }
0xd5: {  	vm5 =	vmmov @p2 vm1;
	s30 =	sor.u32 $0x340, s23;
	[tilespmem:s0+$0x240] =	vst.msk vm4, v4  }
0xd6: {  	[tilespmem:s30+$0x0] =	vst.msk vm5, v3  }
0xd7: {  	v3 =	vld [tilespmem:s0+$0x1F0];
	_ =	sdelay $0x4  }
0xd8: {  	v3 =	vshift.insert v3, v0, s22  }
0xd9: {  	s23 =	sor.u32 $0x40, s4  }
0xda: {  	s2 =	sshra.s32 s2, $0x2;
	[tilespmem:s23+$0x0] =	vst.msk $0x1, v3  }
0xdb: {  	s2 =	sadd.s32 s2, s17;
	[tilespmem:s0+$0x1FF] =	vst.msk $0x1, v0  }
0xdc: {  	v3 =	vld [tilespmem:s2+$0x30];
	_ =	sdelay $0x4  }
0xdd: {  	v3 =	vshift.insert v3, v1, s22;
	_ =	sdelay $0x1  }
0xde: {  	[tilespmem:s4+$0x10] =	vst.msk $0x1, v3  }
0xdf: {  	v4 =	vld [tilespmem:s0+$0x240]  }
0xe0: {  	v50 =	vld [tilespmem:s2+$0x0];
	_ =	sdelay $0x3  }
0xe1: {  	v4 =	vadd.f32 $0.0e+00, v4  }
0xe2: {  	vm5 =	vne.s32 v50, $0xFFFFFFFF  }
0xe3: {  	(xrf2) =	vadd.seg.scan.f32 vm5, v4;
	_ =	sdelay $0x3  }
0xe4: {  	v51 =	vperm.xlane v3, v1  }
0xe5: {  	v7 =	vld [tilespmem:s0+$0x1C0]  }
0xe6: {  	vm4 =	veq.s32 v50, v5;
	vm6 =	veq.s32 v50, v51  }
0xe7: {  	vm7 =	vgt.u32 v50, $0xFFFFFFFD;
	vm6 =	vmor vm6, vm4  }
0xe8: {  	vm6 =	vmor vm6, vm7  }
0xe9: {  	v6 =	vsel vm6, $0xFFFFFFFF, v50  }
0xea: {  	v7 =	vsel vm4, $0x0, v7;
	v8, _, _ =	vpop (xrf2)  }
0xeb: {  	v7 =	vadd.f32 v8, v7  }
0xec: {  	v9 =	vld [tilespmem:$0xA0]  }
0xed: {  	s23 =	sadd.s32 $0x2C0, s0;
	v10 =	vld [tilespmem:$0x90];
	[tilespmem:s0+$0x2C0] =	vst v7;
	(ifvalue) =	ssetifvalue $0xFFFFFFFF  }
0xee: {  	[hbm4b:s1+s21] =	stream.indirect_vreg.scatter [tilespmem:s23], [sflag:$0x2], $0x1, v6, vm0, $0x4038;
	[tilespmem:$0x360] =	vst v63  }
0xef: {  	v6 =	vld [tilespmem:s0+$0x250]  }
0xf0: {  	vm5 =	vmand vm5, vm3;
	v52 =	vld [tilespmem:s2+$0x10]  }
0xf1: {  	v11 =	vsel vm5, $0x0, v8  }
0xf2: {  	v11 =	vshift.insert v11, v0, s22;
	_ =	sdelay $0x1  }
0xf3: {  	v6 =	vadd.f32 v6, v11  }
0xf4: {  	vm12 =	vne.s32 v52, $0xFFFFFFFF  }
0xf5: {  	(xrf2) =	vadd.seg.scan.f32 vm12, v6;
	_ =	sdelay $0x4  }
0xf6: {  	v53 =	vld [tilespmem:s0+$0x1D0]  }
0xf7: {  	vm5 =	veq.s32 v52, v5;
	vm13 =	veq.s32 v52, v51  }
0xf8: {  	vm8 =	vgt.u32 v52, $0xFFFFFFFD;
	vm7 =	vmor vm13, vm5  }
0xf9: {  	vm7 =	vmor vm7, vm8  }
0xfa: {  	v7 =	vsel vm7, $0xFFFFFFFF, v52  }
0xfb: {  	v6 =	vsel vm5, $0x0, v53;
	v54, _, _ =	vpop (xrf2)  }
0xfc: {  	v6 =	vadd.f32 v54, v6;
	_ =	sdelay $0x1  }
0xfd: {  	s23 =	sadd.s32 $0x2D0, s0;
	[tilespmem:s0+$0x2D0] =	vst v6;
	(ifvalue) =	ssetifvalue $0xFFFFFFFF  }
0xfe: {  	[hbm4b:s1+s21] =	stream.indirect_vreg.scatter [tilespmem:s23], [sflag:$0x2], $0x1, v7, vm0, $0x4038;
	[tilespmem:$0x360] =	vst v63  }
0xff: {  	v55 =	vld [tilespmem:s0+$0x260]  }
0x100: {  	vm6 =	vmand vm12, vm3;
	v7 =	vld [tilespmem:s2+$0x20]  }
0x101: {  	v12 =	vsel vm6, $0x0, v54  }
0x102: {  	v12 =	vshift.insert v12, v0, s22;
	_ =	sdelay $0x1  }
0x103: {  	v6 =	vadd.f32 v55, v12  }
0x104: {  	vm14 =	vne.s32 v7, $0xFFFFFFFF  }
0x105: {  	(xrf2) =	vadd.seg.scan.f32 vm14, v6;
	_ =	sdelay $0x4  }
0x106: {  	v56 =	vld [tilespmem:s0+$0x1E0]  }
0x107: {  	vm6 =	veq.s32 v7, v5;
	vm15 =	veq.s32 v7, v51  }
0x108: {  	vm9 =	vgt.u32 v7, $0xFFFFFFFD;
	vm8 =	vmor vm15, vm6  }
0x109: {  	vm8 =	vmor vm8, vm9  }
0x10a: {  	v7 =	vsel vm8, $0xFFFFFFFF, v7  }
0x10b: {  	v6 =	vsel vm6, $0x0, v56;
	v57, _, _ =	vpop (xrf2)  }
0x10c: {  	v6 =	vadd.f32 v57, v6;
	_ =	sdelay $0x1  }
0x10d: {  	s23 =	sadd.s32 $0x2E0, s0;
	[tilespmem:s0+$0x2E0] =	vst v6;
	(ifvalue) =	ssetifvalue $0xFFFFFFFF  }
0x10e: {  	[hbm4b:s1+s21] =	stream.indirect_vreg.scatter [tilespmem:s23], [sflag:$0x2], $0x1, v7, vm0, $0x4038;
	[tilespmem:$0x360] =	vst v63  }
0x10f: {  	v58 =	vld [tilespmem:s0+$0x270]  }
0x110: {  	vm7 =	vmand vm14, vm3;
	v7 =	vld [tilespmem:s2+$0x30]  }
0x111: {  	v13 =	vsel vm7, $0x0, v57  }
0x112: {  	v13 =	vshift.insert v13, v0, s22;
	_ =	sdelay $0x1  }
0x113: {  	v6 =	vadd.f32 v58, v13  }
0x114: {  	vm11 =	vne.s32 v7, $0xFFFFFFFF  }
0x115: {  	(xrf2) =	vadd.seg.scan.f32 vm11, v6;
	_ =	sdelay $0x4  }
0x116: {  	v59 =	vld [tilespmem:s0+$0x1F0]  }
0x117: {  	vm12 =	veq.s32 v7, v5;
	vm13 =	veq.s32 v7, v51  }
0x118: {  	vm14 =	vgt.u32 v7, $0xFFFFFFFD;
	vm8 =	vmor vm13, vm12  }
0x119: {  	vm8 =	vmor vm8, vm14  }
0x11a: {  	v60 =	vsel vm8, $0xFFFFFFFF, v7  }
0x11b: {  	v6 =	vsel vm12, $0x0, v59;
	v61, _, _ =	vpop (xrf2)  }
0x11c: {  	v6 =	vadd.f32 v61, v6;
	_ =	sdelay $0x1  }
0x11d: {  	s4 =	sadd.s32 $0x2F0, s0;
	[tilespmem:s0+$0x2F0] =	vst v6;
	(ifvalue) =	ssetifvalue $0xFFFFFFFF  }
0x11e: {  	[hbm4b:s1+s21] =	stream.indirect_vreg.scatter [tilespmem:s4], [sflag:$0x2], $0x1, v60, vm0, $0x4038;
	[tilespmem:$0x360] =	vst v63  }
0x11f: {  	v4 =	vld [tilespmem:s0+$0x2F0];
	_ =	sdelay $0x2  }
0x120: {  	vm15 =	veq.s32 v9, $0x1  }
0x121: {  	v62 =	vsel vm4, v8, v10;
	vm4 =	vmor vm15, vm4  }
0x122: {  	vm4 =	vmor vm4, vm5;
	v6 =	vsel vm5, v54, v62;
	v4 =	vshift.insert v4, v0, s22  }
0x123: {  	vm4 =	vmor vm4, vm6;
	s23 =	simm.s32 $0x30;
	v6 =	vsel vm6, v57, v6  }
0x124: {  	vm4 =	vmor vm4, vm12;
	v5 =	vsel vm12, v61, v6;
	[tilespmem:s23+$0x0] =	vst.msk $0x1, v4  }
0x125: {  	v63 =	vsel vm4, $0x1, v1;
	[tilespmem:$0x90] =	vst v5  }
0x126: {  	s0 =	sadd.s32 @!p0 $0x2FF, s0;
	[tilespmem:$0xA0] =	vst v63  }
0x127: {  	[spmem:s13] =	stream.linear.scatter @!p0 [tilespmem:s0], [sflag:$0x1], $0x1, $0x38;
	[tilespmem:$0x360] =	vst v63  }
0x128: {  	v4 =	vmctz.xlane @!p0 vm4;
	_ =	swait.ge @!p0 [sflag:s28], $0x1  }
0x129: {  	(v2sf) =	vpush @!p0 v3, $0x0  }
0x12a: {  	(v2sf) =	vpush @!p0 v4, $0x0;
	_ =	sdelay $0xd  }
0x12b: {  	s0 =	spop @!p0 (v2sf)  }
0x12c: {  	s2 =	spop @!p0 (v2sf)  }
0x12d: {  	p1 =	sne.s32 @!p0 s31, s0;
	p2 =	slt.s32 @!p0 s2, $0xF  }
0x12e: {  	[sflag:s28] =	ssyncset.done @!p0 $0x0;
	p1 =	por p1, p0;
	p2 =	por !p2, p0  }
0x12f: {  	[sflag:s28] =	ssyncadd.s32 @!p0 $0xFFFFFFFF;
	v3 =	vimm.s32 @!p1 $0xFFFFFFFF;
	s2 =	simm.s32 @p2 $0xF  }
0x130: {  	[tilespmem:$0x80] =	vst @!p1 v3;
	s0 =	sadd.s32 @!p0 $0x90, s2  }
0x131: {  	[spmem:s11] =	stream.linear.scatter @!p0 [tilespmem:s0], [sflag:$0x1], $0x1, $0x38;
	[tilespmem:$0x360] =	vst v63  }
0x132: {  	_ =	swait.ge @!p0 [sflag:s28], $0x1  }
0x133: {  	[sflag:s28] =	ssyncset.done @!p0 $0x0  }
0x134: {  	s0 =	simm.s32 @!p0 $0x80;
	[sflag:s28] =	ssyncadd.s32 @!p0 $0xFFFFFFFF  }
0x135: {  	[spmem:s14] =	stream.linear.scatter @!p0 [tilespmem:s0], [sflag:$0x1], $0x1, $0x38;
	[tilespmem:$0x360] =	vst v63  }
0x136: {  	_ =	swait.ge @!p0 [sflag:s28], $0x1  }
0x137: {  	[sflag:s28] =	ssyncset.done @!p0 $0x0  }
0x138: {  	[sflag:s28] =	ssyncadd.s32 @!p0 $0xFFFFFFFF;
	(ifvalue) =	ssetifvalue $0xFFFFFFFF;
	v3 =	vld [tilespmem:s29+$0x10];
	_ =	sdelay $0x3  }
.Ltmp9:
0x139: {  	_ = 	snop;
	(pc) =	sbr.rel .LBB3_5-.Ltmp9, $3  }
0x13a: {  	_ =	sdelay $0x1  }
0x13b: {  	(ifvalue) =	ssetifvalue $0xFFFFFFFF  }
0x13c: {  	[hbm4b:s1+s21] =	stream.indirect_vreg.scatter [tilespmem:s30], [sflag:$0x9], $0x1, v3, vm0, $0x4038;
	[tilespmem:$0x360] =	vst v63  }
.LBB3_6:
0x13d: {  	_ =	sfence.sel $0x180000  }
0x13e: {  	s0 =	simm.s32 $0x7;
	[bflag:$0x0] =	sbarrier.arrive $0xFFFF  }
0x13f: {  	s26 =	simm.s32 $0x8;
	[sflag:s0] =	ssyncpa.u1 $0x1  }
0x140: {  	s28 =	simm.s32 $0x9;
	[sflag:s26] =	ssyncpa.u1 $0x1  }
0x141: {  	[sflag:s28] =	ssyncpa.u1 $0x1  }
0x142: {  	_ =	sfence.stream.spmem  }
0x143: {  	s29 =	simm.s32 $0x3;
	[bflag:$0x0] =	sbarrier.arrive $0xFFFF  }
0x144: {  	s30 =	simm.s32 $0x4;
	[sflag:s29] =	ssyncpa.u1 $0x1  }
0x145: {  	s31 =	simm.s32 $0x3C;
	s2 =	stileid.u32;
	[sflag:s30] =	ssyncpa.u1 $0x1  }
0x146: {  	p0 =	sne.s32 s2, $0x0;
	[sflag:s31] =	ssyncpa.u1 $0x1  }
0x147: {  	s0 =	simm.s32 @p0 $0x1;
	_ =	sfence @p0  }
0x148: {  	[sflag:s0] =	ssyncpa.u1 @p0 $0x1;
	s0 =	simm.s32 @p0 $0x2  }
0x149: {  	[sflag:s0] =	ssyncpa.u1 @p0 $0x1  }
0x14a: {  	_ =	strace @p0 $0x90000053  }
0x14b: {  	[bflag:$0x2] =	sbarrier.arrive @p0 $0xFFFF  }
0x14c: {  	_ =	shalt @p0  }
.LBB3_7:
0x14d: {  	_ =	sfence.stream.spmem;
	s3 =	simm.s32 $0x5  }
0x14e: {  	s0 =	simm.s32 $0x80;
	s2 =	simm.s32 $0xC0;
	[sflag:s3] =	ssyncpa.u1 $0x0  }
0x14f: {  	[tilespmem:s2], [sflag:$0x5] =	stream.linear.gather [spmem:s0], $0x20, $0x38;
	[tilespmem:$0x360] =	vst v63  }
0x150: {  	s0 =	simm.s32 $0x0;
	s2 =	simm.s32 $0xE0  }
0x151: {  	[tilespmem:s2], [sflag:$0x5] =	stream.linear.gather [spmem:s0], $0x20, $0x38;
	[tilespmem:$0x360] =	vst v63  }
.Ltmp10:
0x152: {  	_ = 	snop;
	(pc) =	sbr.rel .LBB3_8-.Ltmp10, $4  }
0x153: {  	_ =	swait.ge [sflag:s3], $0x40  }
0x154: {  	[sflag:s3] =	ssyncset.done $0x0  }
0x155: {  	s31 =	simm.s32 $0x6;
	[sflag:s3] =	ssyncadd.s32 $0xFFFFFFC0  }
0x156: {  	s3 =	simm.s32 $0x0;
	[sflag:s31] =	ssyncpa.u1 $0x0  }
.LBB3_13:
0x157: {  	p0 =	sgt.u32 s4, $0x7F  }
0x158: {  	s5 =	sshrl.u32 @!p0 s4, $0x3  }
0x159: {  	s4 =	sand.u32 @!p0 $0x7, s4;
	s6 =	simm.s32 @!p0 $0xB0;
	s5 =	sadd.s32 @!p0 s1, s5  }
0x15a: {  	[tilespmem:s6], [sflag:$0x6] =	stream.linear.gather @!p0 [hbm4b:s5+s4], $0x1, $0x38;
	[tilespmem:$0x360] =	vst v63  }
0x15b: {  	s4 =	simm.s32 @!p0 $0x6  }
0x15c: {  	_ =	swait.ge @!p0 [sflag:s4], $0x1  }
0x15d: {  	[sflag:s4] =	ssyncset.done @!p0 $0x0  }
0x15e: {  	[sflag:s4] =	ssyncadd.s32 @!p0 $0xFFFFFFFF  }
0x15f: {  	v2 =	vmov @!p0 s3;
	v1 =	vld.msk @!p0 [tilespmem:$0xB0], $0x1;
	_ =	sdelay $0x3  }
0x160: {  	s4 =	simm.s32 @!p0 $0xE0  }
0x161: {  	[tilespmem:v2+s4+$0x0], v1 =	vst.idx.ret.add.f32.msk @!p0 $0x1, v1  }
0x162: {  	[tilespmem:s0+$0xC0] =	vst.msk $0x1, v0  }
0x163: {  	v0 =	vld.msk [tilespmem:s3+$0xE0], $0x1;
	_ =	sdelay $0x4  }
0x164: {  	[tilespmem:s0+$0xE0] =	vst.msk $0x1, v0;
	s0 =	sadd.s32 $0x1, s0  }
.LBB3_15:
0x165: {  	s3 =	sadd.s32 $0x1, s3  }
0x166: {  	p0 =	sne.s32 s3, $0x20  }
.Ltmp11:
0x167: {  	_ = 	snop;
	(pc) =	sbr.rel @!p0 .LBB3_16-.Ltmp11, $1  }
0x168: {  	_ =	sdelay $0x3  }
.LBB3_8:
0x169: {  	v0 =	vld.msk [tilespmem:s3+$0xC0], $0x1;
	_ =	sdelay $0x4  }
0x16a: {  	(v2sf) =	vpush v0, $0x0;
	_ =	sdelay $0xe  }
0x16b: {  	s4 =	spop (v2sf)  }
0x16c: {  	p0 =	seq.s32 s4, $0xFFFFFFFF  }
.Ltmp12:
0x16d: {  	_ = 	snop;
	(pc) =	sbr.rel @p0 .LBB3_15-.Ltmp12, $1  }
0x16e: {  	_ =	sdelay $0x3  }
0x16f: {  	p0 =	slt.s32 s0, $0x1  }
.Ltmp13:
0x170: {  	_ = 	snop;
	(pc) =	sbr.rel @p0 .LBB3_13-.Ltmp13, $1  }
0x171: {  	_ =	sdelay $0x3  }
0x172: {  	s5 =	simm.s32 $0xC0;
	p0 =	por $0x0, $0x0  }
0x173: {  	v1 =	vld.msk @!p0 [tilespmem:s5+$0x0], $0x1;
	_ =	sdelay $0x4  }
0x174: {  	(v2sf) =	vpush @!p0 v1, $0x0;
	_ =	sdelay $0xd  }
0x175: {  	p2 =	sne.s32 s0, $0x1  }
.Ltmp14:
0x176: {  	s6 =	spop @!p0 (v2sf);
	(pc) =	sbr.rel @!p2 .LBB3_12-.Ltmp14, $4  }
0x177: {  	p1 =	seq.s32 @!p0 s4, s6  }
0x178: {  	s6 =	simm.s32 $0x0;
	p1 =	por !p1, p0  }
0x179: {  	s8 =	simm.s32 $0xFFFFFFFF;
	s6 =	simm.s32 @p1 $0xFFFFFFFF  }
0x17a: {  	s7 =	simm.s32 $0x1;
	s6 =	smov.u32 @p0 s8  }
.LBB3_11:
0x17b: {  	s8 =	smov.u32 s6;
	p0 =	sne.s32 s6, $0xFFFFFFFF  }
0x17c: {  	s5 =	sadd.s32 $0x1, s5;
	s6 =	smov.u32 s7;
	s7 =	sadd.s32 $0x1, s7  }
0x17d: {  	p1 =	sne.s32 s0, s7;
	v1 =	vld.msk @!p0 [tilespmem:s5+$0x0], $0x1;
	_ =	sdelay $0x4  }
0x17e: {  	(v2sf) =	vpush @!p0 v1, $0x0;
	_ =	sdelay $0xe  }
.Ltmp15:
0x17f: {  	s9 =	spop @!p0 (v2sf);
	(pc) =	sbr.rel @p1 .LBB3_11-.Ltmp15, $4  }
0x180: {  	p2 =	seq.s32 @!p0 s4, s9  }
0x181: {  	p2 =	por !p2, p0  }
0x182: {  	s6 =	simm.s32 @p2 $0xFFFFFFFF  }
0x183: {  	s6 =	smov.u32 @p0 s8  }
.LBB3_12:
0x184: {  	p0 =	sne.s32 s6, $0xFFFFFFFF  }
.Ltmp16:
0x185: {  	_ = 	snop;
	(pc) =	sbr.rel @!p0 .LBB3_13-.Ltmp16, $1  }
0x186: {  	_ =	sdelay $0x3  }
0x187: {  	v0 =	vld.msk [tilespmem:s3+$0xE0], $0x1;
	v1 =	vmov s6  }
.Ltmp17:
0x188: {  	_ = 	snop;
	(pc) =	sbr.rel .LBB3_15-.Ltmp17, $2  }
0x189: {  	_ =	sdelay $0x2  }
0x18a: {  	[tilespmem:v1+s2+$0x0], v0 =	vst.idx.ret.add.f32.msk $0x1, v0  }
.LBB3_16:
0x18b: {  	p0 =	slt.s32 s0, $0x1  }
.Ltmp18:
0x18c: {  	_ = 	snop;
	(pc) =	sbr.rel @p0 .LBB3_20-.Ltmp18, $3  }
0x18d: {  	_ =	sdelay $0x1  }
0x18e: {  	s2 =	simm.s32 $0x6  }
0x18f: {  	[sflag:s2] =	ssyncpa.u1 $0x1;
	s2 =	simm.s32 $0x0  }
0x190: {  	s3 =	simm.s32 $0xC0  }
0x191: {  	v0 =	vld.msk [tilespmem:s3+$0x0], $0x1;
	_ =	sdelay $0x4  }
0x192: {  	(v2sf) =	vpush v0, $0x0;
	_ =	sdelay $0xe  }
0x193: {  	s0 =	sadd.s32 $0xFFFFFFFF, s0;
	s4 =	spop (v2sf)  }
0x194: {  	p1 =	sne.s32 s0, $0x0;
	p0 =	sgt.u32 s4, $0x7F  }
.Ltmp19:
0x195: {  	s5 =	sshrl.u32 @!p0 s4, $0x3;
	(pc) =	sbr.rel @!p1 .LBB3_19-.Ltmp19, $4  }
0x196: {  	s3 =	simm.s32 $0xE0;
	s4 =	sand.u32 @!p0 $0x7, s4;
	s5 =	sadd.s32 @!p0 s1, s5  }
0x197: {  	[hbm4b:s5+s4] =	stream.linear.scatter @!p0 [tilespmem:s3], [sflag:$0x5], $0x1, $0x38;
	[tilespmem:$0x360] =	vst v63  }
0x198: {  	s5 =	simm.s32 $0x0  }
0x199: {  	s4 =	simm.s32 $0xC1;
	s5 =	simm.s32 @!p0 $0x4  }
.LBB3_18:
0x19a: {  	v0 =	vld.msk [tilespmem:s4+$0x0], $0x1;
	s0 =	sadd.s32 $0xFFFFFFFF, s0;
	s2 =	sadd.s32 s2, s5  }
0x19b: {  	p0 =	sne.s32 s0, $0x0;
	_ =	sdelay $0x3  }
0x19c: {  	(v2sf) =	vpush v0, $0x0;
	_ =	sdelay $0xe  }
.Ltmp20:
0x19d: {  	s6 =	spop (v2sf);
	(pc) =	sbr.rel @p0 .LBB3_18-.Ltmp20, $4  }
0x19e: {  	s5 =	simm.s32 $0x0;
	p1 =	sgt.u32 s6, $0x7F  }
0x19f: {  	s3 =	sadd.s32 $0x1, s3;
	s5 =	simm.s32 @!p1 $0x4;
	s7 =	sshrl.u32 @!p1 s6, $0x3  }
0x1a0: {  	s4 =	sadd.s32 $0x1, s4;
	s6 =	sand.u32 @!p1 $0x7, s6;
	s7 =	sadd.s32 @!p1 s1, s7  }
0x1a1: {  	[hbm4b:s7+s6] =	stream.linear.scatter @!p1 [tilespmem:s3], [sflag:$0x5], $0x1, $0x38;
	[tilespmem:$0x360] =	vst v63  }
.LBB3_19:
0x1a2: {  	s0 =	sadd.s32 s2, s5  }
0x1a3: {  	s2 =	sshrl.u32 s0, $0x2  }
.LBB3_20:
0x1a4: {  	s0 =	simm.s32 $0x5  }
0x1a5: {  	_ =	swait.ge [sflag:s0], s2  }
0x1a6: {  	s1 =	ssub.s32 $0x0, s2;
	[sflag:s0] =	ssyncset.done $0x0  }
0x1a7: {  	[sflag:s0] =	ssyncadd.s32 s1  }
0x1a8: {  	[sflag:s0] =	ssyncpa.u1 $0x1  }
0x1a9: {  	s29 =	simm.s32 $0x1;
	_ =	sfence  }
0x1aa: {  	s30 =	simm.s32 $0x2;
	[sflag:s29] =	ssyncpa.u1 $0x1  }
0x1ab: {  	[sflag:s30] =	ssyncpa.u1 $0x1  }
0x1ac: {  	_ =	strace $0x90000053  }
0x1ad: {  	[bflag:$0x2] =	sbarrier.arrive $0xFFFF  }
0x1ae: {  	s31 =	rddreg [dreg:$0x3]  }
0x1af: {  	s0 =	sadd.s32 $0x100000, s31  }
0x1b0: {  	[sflag:s0] =	ssyncadd.tile.s32 $0x1;
	_ =	shalt  }
.Lfunc_end3:
_tile_overlayer_lowered:
.L_overlay_start_3:
0x1b1: {  	(tag) =	ssettag $0x3  }
0x1b2: {  	s0 =	rddreg [dreg:$0x0];
	s2 =	stileid.u32  }
0x1b3: {  	s1 =	rddreg [dreg:$0x1];
	p0 =	sne.s32 s2, $0x0  }
0x1b4: {  	s3 =	rddreg [dreg:$0x2];
	[bflag:$0x3] =	sbarrier.arrive $0xFFFF;
	s2 =	simm.s32 @!p0 $0x1C01  }
0x1b5: {  	[timem:s3], [sflag:s2] =	dma.local @!p0 [hbm:s0], s1  }
0x1b6: {  	s0 =	simm.s32 @!p0 $0x1  }
0x1b7: {  	_ =	swait.ge @!p0 [sflag:s0], s1  }
0x1b8: {  	s1 =	ssub.s32 @!p0 $0x0, s1;
	[sflag:s0] =	ssyncset.done @!p0 $0x0  }
0x1b9: {  	[sflag:s0] =	ssyncadd.s32 @!p0 s1  }
0x1ba: {  	[bflag:$0x3] =	sbarrier.arrive $0xFFFF  }
0x1bb: {  	_ =	shalt  }

</sc_bundles>
